<compile_context>
chip_gen: v7x
topology: tpu7x:2x2x1
jax: 0.10.2.dev20260603
libtpu: 0.0.44.dev20260713+nightly
codegen_flags: <defaults>
</compile_context>

<pallas_src>
import functools

import jax
import jax.numpy as jnp
import numpy as np
from jax import lax
from jax.experimental import pallas as pl
from jax.experimental.pallas import tpu as pltpu
from jax.experimental.pallas import tpu_sc as plsc

N = 10000
E = 160000
LATENT = 256
T = 1000
HALF = 128

NC = 2
NS = 16

EB = 80
CKB = 25
NCK = 5
NCH_E = N // EB
KMAX_E = (NCH_E + NS - 1) // NS

DB = 40
DCKB = 25
DNCK = 5
NCH_D = N // DB
KMAX_D = (NCH_D + NS - 1) // NS

_mesh = plsc.VectorSubcoreMesh(core_axis_name="c", subcore_axis_name="s")


@functools.partial(
    pl.kernel,
    out_type=jax.ShapeDtypeStruct((NC, N, 16), jnp.float32),
    mesh=_mesh,
    scratch_types=[
        pltpu.VMEM_SHARED((N, 16), jnp.float32),
        pltpu.VMEM((DCKB, DB), jnp.int32),
        pltpu.VMEM((DB, 16), jnp.float32),
        pltpu.VMEM((DB, 16), jnp.float32),
        pltpu.SemaphoreType.DMA,
    ],
)
def _deg_kernel(dst_hbm, seed_hbm, ones_hbm, out_hbm, hist, ids, ones, tmp,
                dsem):
    c = lax.axis_index("c")
    s = lax.axis_index("s")
    wid = c * NS + s

    pltpu.sync_copy(ones_hbm, ones)

    def init_chunk(k, carry):
        idx = s + NS * k

        @pl.when(idx < NCH_D)
        def _():
            r0 = idx * DB
            pltpu.sync_copy(seed_hbm.at[c].at[pl.ds(r0, DB)], tmp)
            pltpu.sync_copy(tmp, hist.at[pl.ds(r0, DB)])

        return carry

    lax.fori_loop(0, KMAX_D, init_chunk, 0)
    plsc.subcore_barrier()

    def id_chunk(j, carry):
        pltpu.sync_copy(dst_hbm.at[wid].at[j], ids)

        def fire(i, c2):
            pltpu.async_copy(ones, hist.at[ids.at[i]], dsem, add=True)
            return c2

        lax.fori_loop(0, DCKB, fire, 0)

        def drain(i, c2):
            pltpu.make_async_copy(ones, hist.at[ids.at[0]], dsem).wait()
            return c2

        lax.fori_loop(0, DCKB, drain, 0)
        return carry

    lax.fori_loop(0, DNCK, id_chunk, 0)
    plsc.subcore_barrier()

    def write_chunk(k, carry):
        idx = s + NS * k

        @pl.when(idx < NCH_D)
        def _():
            r0 = idx * DB
            pltpu.sync_copy(hist.at[pl.ds(r0, DB)], tmp)
            pltpu.sync_copy(tmp, out_hbm.at[c].at[pl.ds(r0, DB)])

        return carry

    lax.fori_loop(0, KMAX_D, write_chunk, 0)


@functools.partial(
    pl.kernel,
    out_type=jax.ShapeDtypeStruct((NC, N, HALF), jnp.float32),
    mesh=_mesh,
    scratch_types=[
        pltpu.VMEM_SHARED((N, HALF), jnp.float32),
        pltpu.VMEM((CKB, EB), jnp.int32),
        pltpu.VMEM((CKB, EB), jnp.int32),
        pltpu.VMEM((EB, HALF), jnp.float32),
        pltpu.VMEM((EB, HALF), jnp.float32),
        pltpu.VMEM((EB, HALF), jnp.float32),
        pltpu.VMEM((EB, HALF), jnp.float32),
        pltpu.SemaphoreType.DMA,
        pltpu.SemaphoreType.DMA,
        pltpu.SemaphoreType.DMA,
        pltpu.SemaphoreType.DMA,
        pltpu.SemaphoreType.DMA,
        pltpu.SemaphoreType.DMA,
        pltpu.SemaphoreType.DMA,
        pltpu.SemaphoreType.DMA,
    ],
)
def _edge_kernel(src_hbm, dst_hbm, h_hbm, out_hbm, acc, sids, dids, rows,
                 rows1, rows2, rows3, gsem, gsem1, gsem2, gsem3, ssem, ssem1,
                 ssem2, ssem3):
    c = lax.axis_index("c")
    s = lax.axis_index("s")
    bufs = (rows, rows1, rows2, rows3)
    ssems = (ssem, ssem1, ssem2, ssem3)
    gsems = (gsem, gsem1, gsem2, gsem3)

    def init_chunk(k, carry):
        idx = s + NS * k

        @pl.when(idx < NCH_E)
        def _():
            r0 = idx * EB
            pltpu.sync_copy(h_hbm.at[c].at[pl.ds(r0, EB)], rows)
            pltpu.sync_copy(rows, acc.at[pl.ds(r0, EB)])

        return carry

    lax.fori_loop(0, KMAX_E, init_chunk, 0)
    plsc.subcore_barrier()

    def wait_s(b):
        pltpu.make_async_copy(bufs[b], acc.at[dids.at[0]], ssems[b]).wait()

    def id_chunk(j, carry):
        pltpu.sync_copy(src_hbm.at[s].at[j], sids)
        pltpu.sync_copy(dst_hbm.at[s].at[j], dids)

        def quad(k, c2):
            gds = []
            for b in range(4):
                @pl.when(k > 0)
                def _(b=b):
                    wait_s(b)

                gds.append(pltpu.async_copy(
                    h_hbm.at[c].at[sids.at[4 * k + b]], bufs[b], gsems[b]))
            for b in range(4):
                gds[b].wait()
                pltpu.async_copy(bufs[b], acc.at[dids.at[4 * k + b]],
                                 ssems[b], add=True)
            return c2

        lax.fori_loop(0, CKB // 4, quad, 0)

        wait_s(0)
        g = pltpu.async_copy(h_hbm.at[c].at[sids.at[CKB - 1]], rows, gsem)
        g.wait()
        pltpu.async_copy(rows, acc.at[dids.at[CKB - 1]], ssem, add=True)
        wait_s(0)
        wait_s(1)
        wait_s(2)
        wait_s(3)
        return carry

    lax.fori_loop(0, NCK, id_chunk, 0)
    plsc.subcore_barrier()

    def write_chunk(k, carry):
        idx = s + NS * k

        @pl.when(idx < NCH_E)
        def _():
            r0 = idx * EB
            pltpu.sync_copy(acc.at[pl.ds(r0, EB)], rows)
            pltpu.sync_copy(rows, out_hbm.at[c].at[pl.ds(r0, EB)])

        return carry

    lax.fori_loop(0, KMAX_E, write_chunk, 0)


R = 1000
GRID = N // R


_KS0 = 0
_KS1 = 43
_KS2 = _KS0 ^ _KS1 ^ 0x1BD11BDA
_ROT = ((13, 15, 26, 6), (17, 29, 16, 24))
_KSCHED = ((_KS1, _KS2), (_KS2, _KS0), (_KS0, _KS1), (_KS1, _KS2),
           (_KS2, _KS0))
_U_LO = float(np.nextafter(np.float32(-1.0), np.float32(0.0)))


def _threefry_noise_block(i):
    u32 = jnp.uint32
    pflat = (lax.broadcasted_iota(jnp.int32, (R, LATENT), 0) * LATENT
             + lax.broadcasted_iota(jnp.int32, (R, LATENT), 1)
             + i * (R * LATENT)).astype(u32)
    x0 = jnp.full((R, LATENT), _KS0, u32)
    x1 = pflat + u32(_KS1)
    for g in range(5):
        for d in _ROT[g % 2]:
            x0 = x0 + x1
            x1 = (x1 << u32(d)) | (x1 >> u32(32 - d))
            x1 = x0 ^ x1
        x0 = x0 + u32(_KSCHED[g][0])
        x1 = x1 + u32(_KSCHED[g][1] + g + 1)
    bits = x0 ^ x1
    f = lax.bitcast_convert_type((bits >> u32(9)) | u32(0x3F800000),
                                 jnp.float32) - 1.0
    lo = jnp.float32(_U_LO)
    u = jnp.maximum(lo, f * (jnp.float32(1.0) - lo) + lo)
    return jnp.float32(1.4142135623730951) * lax.erf_inv(u)


def _k0_body(nz_out):
    nz_out[...] = _threefry_noise_block(pl.program_id(0))


def _tc_k0():
    return pl.pallas_call(
        _k0_body,
        grid=(GRID,),
        in_specs=[],
        out_specs=pl.BlockSpec((R, LATENT), lambda i: (i, 0)),
        out_shape=jax.ShapeDtypeStruct((N, LATENT), jnp.float32),
    )()


def _k1_body(scal, z, nz, hist, wt1, bt1, wt2, bt2, wenc, h_out, dinv_out,
             temb_out):
    sa = scal[0, 0]
    sb = scal[0, 1]
    tf = scal[0, 2]

    deg = hist[0, :, :1] + hist[1, :, :1]
    dinv = lax.rsqrt(deg)
    zt = sa * z[...] + sb * nz[...]
    g = jnp.dot(zt, wenc[...], preferred_element_type=jnp.float32)
    h = dinv * g
    h_out[0] = h[:, :HALF]
    h_out[1] = h[:, HALF:]
    dinv_out[...] = jnp.broadcast_to(dinv, (R, 16))

    v = tf * wt1[...] + bt1[...]
    ge = 0.5 * v * (1.0 + lax.erf(v * 0.7071067811865476))
    temb_out[...] = (
        jnp.dot(ge, wt2[...], preferred_element_type=jnp.float32) + bt2[...])


def _tc_k1(scal, z, nz, hist, wt1, bt1, wt2, bt2, wenc):
    return pl.pallas_call(
        _k1_body,
        grid=(GRID,),
        in_specs=[
            pl.BlockSpec(memory_space=pltpu.SMEM),
            pl.BlockSpec((R, LATENT), lambda i: (i, 0)),
            pl.BlockSpec((R, LATENT), lambda i: (i, 0)),
            pl.BlockSpec((NC, R, 16), lambda i: (0, i, 0)),
            pl.BlockSpec((1, LATENT), lambda i: (0, 0)),
            pl.BlockSpec((1, LATENT), lambda i: (0, 0)),
            pl.BlockSpec((LATENT, LATENT), lambda i: (0, 0)),
            pl.BlockSpec((1, LATENT), lambda i: (0, 0)),
            pl.BlockSpec((LATENT, LATENT), lambda i: (0, 0)),
        ],
        out_specs=[
            pl.BlockSpec((NC, R, HALF), lambda i: (0, i, 0)),
            pl.BlockSpec((R, 16), lambda i: (i, 0)),
            pl.BlockSpec((1, LATENT), lambda i: (0, 0)),
        ],
        out_shape=[
            jax.ShapeDtypeStruct((NC, N, HALF), jnp.float32),
            jax.ShapeDtypeStruct((N, 16), jnp.float32),
            jax.ShapeDtypeStruct((1, LATENT), jnp.float32),
        ],
    )(scal, z, nz, hist, wt1, bt1, wt2, bt2, wenc)


def _k2_body(acc, dinv16, temb, benc, wdec, h_out):
    dinv = dinv16[:, :1]
    o1 = dinv * jnp.concatenate([acc[0], acc[1]], axis=1) + benc[...] + temb[...]
    h1 = jnp.where(o1 > 0.0, o1, jnp.exp(jnp.minimum(o1, 0.0)) - 1.0)
    g = jnp.dot(h1, wdec[...], preferred_element_type=jnp.float32)
    h = dinv * g
    h_out[0] = h[:, :HALF]
    h_out[1] = h[:, HALF:]


def _tc_k2(acc, dinv16, temb, benc, wdec):
    return pl.pallas_call(
        _k2_body,
        grid=(GRID,),
        in_specs=[
            pl.BlockSpec((NC, R, HALF), lambda i: (0, i, 0)),
            pl.BlockSpec((R, 16), lambda i: (i, 0)),
            pl.BlockSpec((1, LATENT), lambda i: (0, 0)),
            pl.BlockSpec((1, LATENT), lambda i: (0, 0)),
            pl.BlockSpec((LATENT, LATENT), lambda i: (0, 0)),
        ],
        out_specs=pl.BlockSpec((NC, R, HALF), lambda i: (0, i, 0)),
        out_shape=jax.ShapeDtypeStruct((NC, N, HALF), jnp.float32),
    )(acc, dinv16, temb, benc, wdec)


def _k3_body(acc, dinv16, bdec, nz, out):
    i = pl.program_id(0)

    @pl.when(i == 0)
    def _():
        out[...] = jnp.zeros((1, HALF), jnp.float32)

    dinv = dinv16[:, :1]
    pred = dinv * jnp.concatenate([acc[0], acc[1]], axis=1) + bdec[...]
    d = pred - nz[...]
    out[...] += jnp.full((1, HALF), jnp.sum(d * d) * (1.0 / (N * LATENT)))


def _tc_k3(acc, dinv16, bdec, nz):
    return pl.pallas_call(
        _k3_body,
        grid=(GRID,),
        in_specs=[
            pl.BlockSpec((NC, R, HALF), lambda i: (0, i, 0)),
            pl.BlockSpec((R, 16), lambda i: (i, 0)),
            pl.BlockSpec((1, LATENT), lambda i: (0, 0)),
            pl.BlockSpec((R, LATENT), lambda i: (i, 0)),
        ],
        out_specs=pl.BlockSpec((1, HALF), lambda i: (0, 0)),
        out_shape=jax.ShapeDtypeStruct((1, HALF), jnp.float32),
    )(acc, dinv16, bdec, nz)


@jax.jit
def kernel(z, edge_index, Wt1, bt1, Wt2, bt2, Wenc, benc, Wdec, bdec):
    beta = jnp.linspace(1e-4, 0.02, T).astype(jnp.float32)
    alpha_bar = jnp.cumprod(1.0 - beta)
    t = jax.random.randint(jax.random.key(42), (1,), 0, T)
    a_bar_t = alpha_bar[t]
    sa = jnp.sqrt(a_bar_t)[0]
    sb = jnp.sqrt(1.0 - a_bar_t)[0]
    tf = t.astype(jnp.float32)[0]
    scal = jnp.stack([sa, sb, tf]).reshape(1, 3)

    src = edge_index[0].reshape(NS, NCK, CKB, EB)
    dst = edge_index[1].reshape(NS, NCK, CKB, EB)
    dst_deg = edge_index[1].reshape(NC * NS, DNCK, DCKB, DB)

    seed = jnp.concatenate(
        [jnp.ones((1, N, 16), jnp.float32), jnp.zeros((1, N, 16), jnp.float32)])
    ones_rows = jnp.ones((DB, 16), jnp.float32)

    bt1r = bt1.reshape(1, LATENT)
    bt2r = bt2.reshape(1, LATENT)
    bencr = benc.reshape(1, LATENT)
    bdecr = bdec.reshape(1, LATENT)

    hist = _deg_kernel(dst_deg, seed, ones_rows)
    noise = _tc_k0()
    h1p, dinv16, temb = _tc_k1(scal, z, noise, hist, Wt1, bt1r, Wt2, bt2r,
                               Wenc)
    acc1 = _edge_kernel(src, dst, h1p)
    h2p = _tc_k2(acc1, dinv16, temb, bencr, Wdec)
    acc2 = _edge_kernel(src, dst, h2p)
    loss = _tc_k3(acc2, dinv16, bdecr, noise)
    return loss[0, 0]

# --- scband reference (transcript-rebuilt; emitter-appended) ---
"""Pipeline reference for scband-diffusion-process-52759378264426 (READ-ONLY COPY).

The authoritative reference and input builder live on the scoring server;
editing this copy changes nothing except your own understanding.
"""

import jax, jax.numpy as jnp
import numpy as np

N = 10000
E = 160000
LATENT = 256
T = 1000


def setup_inputs(seed: int = 0):
    key = jax.random.key(seed)
    ks = jax.random.split(key, 12)
    z = jax.random.normal(ks[0], (N, LATENT), dtype=jnp.float32)
    edge_index = jax.random.randint(ks[1], (2, E), 0, N)
    s = 0.05
    Wt1 = jax.random.normal(ks[2], (1, LATENT), dtype=jnp.float32) * s
    bt1 = jnp.zeros((LATENT,), dtype=jnp.float32)
    Wt2 = jax.random.normal(ks[3], (LATENT, LATENT), dtype=jnp.float32) * s
    bt2 = jnp.zeros((LATENT,), dtype=jnp.float32)
    Wenc = jax.random.normal(ks[4], (LATENT, LATENT), dtype=jnp.float32) * s
    benc = jnp.zeros((LATENT,), dtype=jnp.float32)
    Wdec = jax.random.normal(ks[5], (LATENT, LATENT), dtype=jnp.float32) * s
    bdec = jnp.zeros((LATENT,), dtype=jnp.float32)
    return {"z": z, "edge_index": edge_index, "Wt1": Wt1, "bt1": bt1, "Wt2": Wt2, "bt2": bt2, "Wenc": Wenc, "benc": benc, "Wdec": Wdec, "bdec": bdec}


def gcn_conv(x, edge_index, W, b):
    # PyG GCNConv: add self-loops, symmetric normalization, linear, scatter-add, bias
    n = x.shape[0]
    src = edge_index[0]
    dst = edge_index[1]
    loop = jnp.arange(n, dtype=src.dtype)
    src = jnp.concatenate([src, loop])
    dst = jnp.concatenate([dst, loop])
    deg = jnp.zeros((n,), dtype=x.dtype).at[dst].add(1.0)
    dinv = jnp.where(deg > 0, deg ** -0.5, 0.0)
    norm = dinv[src] * dinv[dst]
    h = x @ W
    out = jnp.zeros_like(h).at[dst].add(h[src] * norm[:, None])
    return out + b


def reference(z, edge_index, Wt1, bt1, Wt2, bt2, Wenc, benc, Wdec, bdec):
    beta = jnp.linspace(1e-4, 0.02, T).astype(jnp.float32)
    alpha_bar = jnp.cumprod(1.0 - beta)
    # internal randomness of the torch module, made deterministic with fixed keys
    t = jax.random.randint(jax.random.key(42), (1,), 0, T)
    a_bar_t = alpha_bar[t]  # (1,)
    noise = jax.random.normal(jax.random.key(43), z.shape, dtype=z.dtype)
    z_t = jnp.sqrt(a_bar_t) * z + jnp.sqrt(1.0 - a_bar_t) * noise
    # Denoise_Net
    tf = t.astype(jnp.float32).reshape(-1, 1)
    t_emb = jax.nn.gelu(tf @ Wt1 + bt1, approximate=False) @ Wt2 + bt2  # [1, LATENT]
    h1 = jax.nn.elu(gcn_conv(z_t, edge_index, Wenc, benc) + t_emb)
    noise_pred = gcn_conv(h1, edge_index, Wdec, bdec)
    loss_diff = jnp.mean((noise_pred - noise) ** 2)
    return loss_diff

if __name__ == "__main__":
    import jax
    _d = setup_inputs()
    print(jax.jit(kernel)(*tuple(_d.values())))

</pallas_src>

<mosaic_0001>
#map = affine_map<(d0, d1) -> (0, 0, 0, 0)>
#map1 = affine_map<(d0, d1) -> (0, 0, 0)>
#map2 = affine_map<(d0, d1) -> (0, 0)>
module attributes {stable_mosaic.version = 14 : i64} {
  func.func @_deg_kernel(%arg0: i32, %arg1: i32, %arg2: memref<32x5x25x40xi32, #tpu.memory_space<hbm>>, %arg3: memref<2x10000x16xf32, #tpu.memory_space<hbm>>, %arg4: memref<40x16xf32, #tpu.memory_space<hbm>>, %arg5: memref<2x10000x16xf32, #tpu.memory_space<hbm>>, %arg6: memref<10000x16xf32, #tpu.memory_space<vmem_shared>>, %arg7: memref<25x40xi32, #tpu.memory_space<vmem>>, %arg8: memref<40x16xf32, #tpu.memory_space<vmem>>, %arg9: memref<40x16xf32, #tpu.memory_space<vmem>>, %arg10: memref<!tpu.dma_semaphore, #tpu.memory_space<semaphore_mem>>) attributes {dimension_semantics = [#tpu.dimension_semantics<core_parallel>, #tpu.dimension_semantics<subcore_parallel>], iteration_bounds = array<i64: 2, 16>, scalar_prefetch = 0 : i64, scratch_operands = 5 : i64, tpu.core_type = #tpu.core_type<sc_vector_subcore>, window_params = [{transform_indices = #map}, {transform_indices = #map1}, {transform_indices = #map2}, {transform_indices = #map1}]} {
    %mul3A = arith.constant 16 : i32
    %mul3A_0 = arith.muli %arg0, %mul3A : i32
    %add3A = arith.addi %mul3A_0, %arg1 : i32
    "tpu.region"() ({
      %run_scoped3A = tpu.sem_alloc : memref<!tpu.dma_semaphore, #tpu.memory_space<semaphore_mem>>
      tpu.enqueue_dma source(%arg4 : memref<40x16xf32, #tpu.memory_space<hbm>>) target(%arg8 : memref<40x16xf32, #tpu.memory_space<vmem>>) target_semaphore(%run_scoped3A : memref<!tpu.dma_semaphore, #tpu.memory_space<semaphore_mem>>)
      tpu.wait_dma2 semaphore(%run_scoped3A : memref<!tpu.dma_semaphore, #tpu.memory_space<semaphore_mem>>) src(%arg4 : memref<40x16xf32, #tpu.memory_space<hbm>>) dst(%arg8 : memref<40x16xf32, #tpu.memory_space<vmem>>)
      tpu.yield
    }) : () -> ()
    %scan3A = arith.constant 0 : i32
    %scan3A_1 = arith.constant 0 : i32
    %scan3A_2 = arith.constant 16 : i32
    %scan3A_3 = arith.addi %scan3A_1, %scan3A_2 : i32
    %scan3A_4 = arith.constant 1 : i32
    scf.for %scan3A_19 = %scan3A_1 to %scan3A_3 step %scan3A_4  : i32 {
      %mul3A_20 = arith.constant 16 : i32
      %mul3A_21 = arith.muli %mul3A_20, %scan3A_19 : i32
      %add3A_22 = arith.addi %arg1, %mul3A_21 : i32
      %lt3A = arith.constant 250 : i32
      %lt3A_23 = arith.cmpi slt, %add3A_22, %lt3A : i32
      %convert_element_type3A = arith.extui %lt3A_23 : i1 to i32
      %cond3A = arith.constant 0 : i32
      %cond3A_24 = arith.cmpi ne, %convert_element_type3A, %cond3A : i32
      scf.if %cond3A_24 {
        %mul3A_25 = arith.constant 40 : i32
        %mul3A_26 = arith.muli %add3A_22, %mul3A_25 : i32
        "tpu.region"() ({
          %run_scoped3A = tpu.sem_alloc : memref<!tpu.dma_semaphore, #tpu.memory_space<semaphore_mem>>
          %dma_start3A = arith.constant 0 : i32
          %dma_start3A_27 = arith.constant 0 : i32
          %dma_start3A_28 = tpu.memref_slice %arg3[%arg0, %dma_start3A, %dma_start3A_27] : memref<2x10000x16xf32, #tpu.memory_space<hbm>> -> memref<1x10000x16xf32, #tpu.memory_space<hbm>>
          %dma_start3A_29 = tpu.memref_squeeze %dma_start3A_28 : memref<1x10000x16xf32, #tpu.memory_space<hbm>> -> memref<10000x16xf32, #tpu.memory_space<hbm>>
          %dma_start3A_30 = arith.constant 0 : i32
          %dma_start3A_31 = tpu.memref_slice %dma_start3A_29[%mul3A_26, %dma_start3A_30] : memref<10000x16xf32, #tpu.memory_space<hbm>> -> memref<40x16xf32, #tpu.memory_space<hbm>>
          %dma_start3A_32 = arith.constant 0 : i32
          %dma_start3A_33 = arith.constant 0 : i32
          %dma_start3A_34 = tpu.memref_slice %arg3[%arg0, %dma_start3A_32, %dma_start3A_33] : memref<2x10000x16xf32, #tpu.memory_space<hbm>> -> memref<1x10000x16xf32, #tpu.memory_space<hbm>>
          %dma_start3A_35 = tpu.memref_squeeze %dma_start3A_34 : memref<1x10000x16xf32, #tpu.memory_space<hbm>> -> memref<10000x16xf32, #tpu.memory_space<hbm>>
          %dma_start3A_36 = arith.constant 0 : i32
          %dma_start3A_37 = tpu.memref_slice %dma_start3A_35[%mul3A_26, %dma_start3A_36] : memref<10000x16xf32, #tpu.memory_space<hbm>> -> memref<40x16xf32, #tpu.memory_space<hbm>>
          tpu.enqueue_dma source(%dma_start3A_37 : memref<40x16xf32, #tpu.memory_space<hbm>>) target(%arg9 : memref<40x16xf32, #tpu.memory_space<vmem>>) target_semaphore(%run_scoped3A : memref<!tpu.dma_semaphore, #tpu.memory_space<semaphore_mem>>)
          %dma_wait3A = arith.constant 0 : i32
          %dma_wait3A_38 = arith.constant 0 : i32
          %dma_wait3A_39 = tpu.memref_slice %arg3[%arg0, %dma_wait3A, %dma_wait3A_38] : memref<2x10000x16xf32, #tpu.memory_space<hbm>> -> memref<1x10000x16xf32, #tpu.memory_space<hbm>>
          %dma_wait3A_40 = tpu.memref_squeeze %dma_wait3A_39 : memref<1x10000x16xf32, #tpu.memory_space<hbm>> -> memref<10000x16xf32, #tpu.memory_space<hbm>>
          %dma_wait3A_41 = arith.constant 0 : i32
          %dma_wait3A_42 = tpu.memref_slice %dma_wait3A_40[%mul3A_26, %dma_wait3A_41] : memref<10000x16xf32, #tpu.memory_space<hbm>> -> memref<40x16xf32, #tpu.memory_space<hbm>>
          %dma_wait3A_43 = arith.constant 0 : i32
          %dma_wait3A_44 = arith.constant 0 : i32
          %dma_wait3A_45 = tpu.memref_slice %arg3[%arg0, %dma_wait3A_43, %dma_wait3A_44] : memref<2x10000x16xf32, #tpu.memory_space<hbm>> -> memref<1x10000x16xf32, #tpu.memory_space<hbm>>
          %dma_wait3A_46 = tpu.memref_squeeze %dma_wait3A_45 : memref<1x10000x16xf32, #tpu.memory_space<hbm>> -> memref<10000x16xf32, #tpu.memory_space<hbm>>
          %dma_wait3A_47 = arith.constant 0 : i32
          %dma_wait3A_48 = tpu.memref_slice %dma_wait3A_46[%mul3A_26, %dma_wait3A_47] : memref<10000x16xf32, #tpu.memory_space<hbm>> -> memref<40x16xf32, #tpu.memory_space<hbm>>
          tpu.wait_dma2 semaphore(%run_scoped3A : memref<!tpu.dma_semaphore, #tpu.memory_space<semaphore_mem>>) src(%dma_wait3A_48 : memref<40x16xf32, #tpu.memory_space<hbm>>) dst(%arg9 : memref<40x16xf32, #tpu.memory_space<vmem>>)
          tpu.yield
        }) : () -> ()
        "tpu.region"() ({
          %run_scoped3A = tpu.sem_alloc : memref<!tpu.dma_semaphore, #tpu.memory_space<semaphore_mem>>
          %dma_start3A = arith.constant 0 : i32
          %dma_start3A_27 = tpu.memref_slice %arg6[%mul3A_26, %dma_start3A] : memref<10000x16xf32, #tpu.memory_space<vmem_shared>> -> memref<40x16xf32, #tpu.memory_space<vmem_shared>>
          %dma_start3A_28 = arith.constant 0 : i32
          %dma_start3A_29 = tpu.memref_slice %arg6[%mul3A_26, %dma_start3A_28] : memref<10000x16xf32, #tpu.memory_space<vmem_shared>> -> memref<40x16xf32, #tpu.memory_space<vmem_shared>>
          tpu.enqueue_dma source(%arg9 : memref<40x16xf32, #tpu.memory_space<vmem>>) target(%dma_start3A_29 : memref<40x16xf32, #tpu.memory_space<vmem_shared>>) target_semaphore(%run_scoped3A : memref<!tpu.dma_semaphore, #tpu.memory_space<semaphore_mem>>)
          %dma_wait3A = arith.constant 0 : i32
          %dma_wait3A_30 = tpu.memref_slice %arg6[%mul3A_26, %dma_wait3A] : memref<10000x16xf32, #tpu.memory_space<vmem_shared>> -> memref<40x16xf32, #tpu.memory_space<vmem_shared>>
          %dma_wait3A_31 = arith.constant 0 : i32
          %dma_wait3A_32 = tpu.memref_slice %arg6[%mul3A_26, %dma_wait3A_31] : memref<10000x16xf32, #tpu.memory_space<vmem_shared>> -> memref<40x16xf32, #tpu.memory_space<vmem_shared>>
          tpu.wait_dma2 semaphore(%run_scoped3A : memref<!tpu.dma_semaphore, #tpu.memory_space<semaphore_mem>>) src(%arg9 : memref<40x16xf32, #tpu.memory_space<vmem>>) dst(%dma_wait3A_32 : memref<40x16xf32, #tpu.memory_space<vmem_shared>>)
          tpu.yield
        }) : () -> ()
      } else {
      }
    }
    %scan3A_5 = arith.constant 16 : i32
    %barrier3A = arith.constant 0 : index
    tpu.barrier barrier_id(%barrier3A)
    %scan3A_6 = arith.constant 0 : i32
    %scan3A_7 = arith.constant 0 : i32
    %scan3A_8 = arith.constant 5 : i32
    %scan3A_9 = arith.addi %scan3A_7, %scan3A_8 : i32
    %scan3A_10 = arith.constant 1 : i32
    scf.for %scan3A_19 = %scan3A_7 to %scan3A_9 step %scan3A_10  : i32 {
      "tpu.region"() ({
        %run_scoped3A = tpu.sem_alloc : memref<!tpu.dma_semaphore, #tpu.memory_space<semaphore_mem>>
        %dma_start3A = arith.constant 0 : i32
        %dma_start3A_32 = arith.constant 0 : i32
        %dma_start3A_33 = arith.constant 0 : i32
        %dma_start3A_34 = tpu.memref_slice %arg2[%add3A, %dma_start3A, %dma_start3A_32, %dma_start3A_33] : memref<32x5x25x40xi32, #tpu.memory_space<hbm>> -> memref<1x5x25x40xi32, #tpu.memory_space<hbm>>
        %dma_start3A_35 = tpu.memref_squeeze %dma_start3A_34 : memref<1x5x25x40xi32, #tpu.memory_space<hbm>> -> memref<5x25x40xi32, #tpu.memory_space<hbm>>
        %dma_start3A_36 = arith.constant 0 : i32
        %dma_start3A_37 = arith.constant 0 : i32
        %dma_start3A_38 = tpu.memref_slice %dma_start3A_35[%scan3A_19, %dma_start3A_36, %dma_start3A_37] : memref<5x25x40xi32, #tpu.memory_space<hbm>> -> memref<1x25x40xi32, #tpu.memory_space<hbm>>
        %dma_start3A_39 = tpu.memref_squeeze %dma_start3A_38 : memref<1x25x40xi32, #tpu.memory_space<hbm>> -> memref<25x40xi32, #tpu.memory_space<hbm>>
        %dma_start3A_40 = arith.constant 0 : i32
        %dma_start3A_41 = arith.constant 0 : i32
        %dma_start3A_42 = arith.constant 0 : i32
        %dma_start3A_43 = tpu.memref_slice %arg2[%add3A, %dma_start3A_40, %dma_start3A_41, %dma_start3A_42] : memref<32x5x25x40xi32, #tpu.memory_space<hbm>> -> memref<1x5x25x40xi32, #tpu.memory_space<hbm>>
        %dma_start3A_44 = tpu.memref_squeeze %dma_start3A_43 : memref<1x5x25x40xi32, #tpu.memory_space<hbm>> -> memref<5x25x40xi32, #tpu.memory_space<hbm>>
        %dma_start3A_45 = arith.constant 0 : i32
        %dma_start3A_46 = arith.constant 0 : i32
        %dma_start3A_47 = tpu.memref_slice %dma_start3A_44[%scan3A_19, %dma_start3A_45, %dma_start3A_46] : memref<5x25x40xi32, #tpu.memory_space<hbm>> -> memref<1x25x40xi32, #tpu.memory_space<hbm>>
        %dma_start3A_48 = tpu.memref_squeeze %dma_start3A_47 : memref<1x25x40xi32, #tpu.memory_space<hbm>> -> memref<25x40xi32, #tpu.memory_space<hbm>>
        tpu.enqueue_dma source(%dma_start3A_48 : memref<25x40xi32, #tpu.memory_space<hbm>>) target(%arg7 : memref<25x40xi32, #tpu.memory_space<vmem>>) target_semaphore(%run_scoped3A : memref<!tpu.dma_semaphore, #tpu.memory_space<semaphore_mem>>)
        %dma_wait3A = arith.constant 0 : i32
        %dma_wait3A_49 = arith.constant 0 : i32
        %dma_wait3A_50 = arith.constant 0 : i32
        %dma_wait3A_51 = tpu.memref_slice %arg2[%add3A, %dma_wait3A, %dma_wait3A_49, %dma_wait3A_50] : memref<32x5x25x40xi32, #tpu.memory_space<hbm>> -> memref<1x5x25x40xi32, #tpu.memory_space<hbm>>
        %dma_wait3A_52 = tpu.memref_squeeze %dma_wait3A_51 : memref<1x5x25x40xi32, #tpu.memory_space<hbm>> -> memref<5x25x40xi32, #tpu.memory_space<hbm>>
        %dma_wait3A_53 = arith.constant 0 : i32
        %dma_wait3A_54 = arith.constant 0 : i32
        %dma_wait3A_55 = tpu.memref_slice %dma_wait3A_52[%scan3A_19, %dma_wait3A_53, %dma_wait3A_54] : memref<5x25x40xi32, #tpu.memory_space<hbm>> -> memref<1x25x40xi32, #tpu.memory_space<hbm>>
        %dma_wait3A_56 = tpu.memref_squeeze %dma_wait3A_55 : memref<1x25x40xi32, #tpu.memory_space<hbm>> -> memref<25x40xi32, #tpu.memory_space<hbm>>
        %dma_wait3A_57 = arith.constant 0 : i32
        %dma_wait3A_58 = arith.constant 0 : i32
        %dma_wait3A_59 = arith.constant 0 : i32
        %dma_wait3A_60 = tpu.memref_slice %arg2[%add3A, %dma_wait3A_57, %dma_wait3A_58, %dma_wait3A_59] : memref<32x5x25x40xi32, #tpu.memory_space<hbm>> -> memref<1x5x25x40xi32, #tpu.memory_space<hbm>>
        %dma_wait3A_61 = tpu.memref_squeeze %dma_wait3A_60 : memref<1x5x25x40xi32, #tpu.memory_space<hbm>> -> memref<5x25x40xi32, #tpu.memory_space<hbm>>
        %dma_wait3A_62 = arith.constant 0 : i32
        %dma_wait3A_63 = arith.constant 0 : i32
        %dma_wait3A_64 = tpu.memref_slice %dma_wait3A_61[%scan3A_19, %dma_wait3A_62, %dma_wait3A_63] : memref<5x25x40xi32, #tpu.memory_space<hbm>> -> memref<1x25x40xi32, #tpu.memory_space<hbm>>
        %dma_wait3A_65 = tpu.memref_squeeze %dma_wait3A_64 : memref<1x25x40xi32, #tpu.memory_space<hbm>> -> memref<25x40xi32, #tpu.memory_space<hbm>>
        tpu.wait_dma2 semaphore(%run_scoped3A : memref<!tpu.dma_semaphore, #tpu.memory_space<semaphore_mem>>) src(%dma_wait3A_65 : memref<25x40xi32, #tpu.memory_space<hbm>>) dst(%arg7 : memref<25x40xi32, #tpu.memory_space<vmem>>)
        tpu.yield
      }) : () -> ()
      %scan3A_20 = arith.constant 0 : i32
      %scan3A_21 = arith.constant 0 : i32
      %scan3A_22 = arith.constant 25 : i32
      %scan3A_23 = arith.addi %scan3A_21, %scan3A_22 : i32
      %scan3A_24 = arith.constant 1 : i32
      scf.for %scan3A_32 = %scan3A_21 to %scan3A_23 step %scan3A_24  : i32 {
        %dma_start3A = arith.constant 0 : i32
        %dma_start3A_33 = tpu.memref_slice %arg7[%scan3A_32, %dma_start3A] : memref<25x40xi32, #tpu.memory_space<vmem>> -> memref<1x40xi32, #tpu.memory_space<vmem>>
        %dma_start3A_34 = tpu.memref_squeeze %dma_start3A_33 : memref<1x40xi32, #tpu.memory_space<vmem>> -> memref<40xi32, #tpu.memory_space<vmem>>
        %dma_start3A_35 = arith.constant 0 : i32
        %dma_start3A_36 = arith.constant 0 : i32
        %dma_start3A_37 = tpu.memref_slice %arg6[%dma_start3A_35, %dma_start3A_36] : memref<10000x16xf32, #tpu.memory_space<vmem_shared>> -> memref<10000x16xf32, #tpu.memory_space<vmem_shared>>
        tpu.enqueue_indirect_dma source(%arg8 : memref<40x16xf32, #tpu.memory_space<vmem>>) target(%dma_start3A_37 : memref<10000x16xf32, #tpu.memory_space<vmem_shared>>) offsets(%dma_start3A_34 : memref<40xi32, #tpu.memory_space<vmem>>) semaphore(%arg10 : memref<!tpu.dma_semaphore, #tpu.memory_space<semaphore_mem>>) {add = true}
      }
      %scan3A_25 = arith.constant 25 : i32
      %scan3A_26 = arith.constant 0 : i32
      %scan3A_27 = arith.constant 0 : i32
      %scan3A_28 = arith.constant 25 : i32
      %scan3A_29 = arith.addi %scan3A_27, %scan3A_28 : i32
      %scan3A_30 = arith.constant 1 : i32
      scf.for %scan3A_32 = %scan3A_27 to %scan3A_29 step %scan3A_30  : i32 {
        %dma_wait3A = arith.constant 0 : i32
        %dma_wait3A_33 = arith.constant 0 : i32
        %dma_wait3A_34 = tpu.memref_slice %arg7[%dma_wait3A, %dma_wait3A_33] : memref<25x40xi32, #tpu.memory_space<vmem>> -> memref<1x40xi32, #tpu.memory_space<vmem>>
        %dma_wait3A_35 = tpu.memref_squeeze %dma_wait3A_34 : memref<1x40xi32, #tpu.memory_space<vmem>> -> memref<40xi32, #tpu.memory_space<vmem>>
        %dma_wait3A_36 = arith.constant 0 : i32
        %dma_wait3A_37 = arith.constant 0 : i32
        %dma_wait3A_38 = tpu.memref_slice %arg6[%dma_wait3A_36, %dma_wait3A_37] : memref<10000x16xf32, #tpu.memory_space<vmem_shared>> -> memref<10000x16xf32, #tpu.memory_space<vmem_shared>>
        tpu.wait_indirect_dma semaphore(%arg10 : memref<!tpu.dma_semaphore, #tpu.memory_space<semaphore_mem>>) src(%arg8 : memref<40x16xf32, #tpu.memory_space<vmem>>) dst(%dma_wait3A_38 : memref<10000x16xf32, #tpu.memory_space<vmem_shared>>)
      }
      %scan3A_31 = arith.constant 25 : i32
    }
    %scan3A_11 = arith.constant 5 : i32
    %barrier3A_12 = arith.constant 0 : index
    tpu.barrier barrier_id(%barrier3A_12)
    %scan3A_13 = arith.constant 0 : i32
    %scan3A_14 = arith.constant 0 : i32
    %scan3A_15 = arith.constant 16 : i32
    %scan3A_16 = arith.addi %scan3A_14, %scan3A_15 : i32
    %scan3A_17 = arith.constant 1 : i32
    scf.for %scan3A_19 = %scan3A_14 to %scan3A_16 step %scan3A_17  : i32 {
      %mul3A_20 = arith.constant 16 : i32
      %mul3A_21 = arith.muli %mul3A_20, %scan3A_19 : i32
      %add3A_22 = arith.addi %arg1, %mul3A_21 : i32
      %lt3A = arith.constant 250 : i32
      %lt3A_23 = arith.cmpi slt, %add3A_22, %lt3A : i32
      %convert_element_type3A = arith.extui %lt3A_23 : i1 to i32
      %cond3A = arith.constant 0 : i32
      %cond3A_24 = arith.cmpi ne, %convert_element_type3A, %cond3A : i32
      scf.if %cond3A_24 {
        %mul3A_25 = arith.constant 40 : i32
        %mul3A_26 = arith.muli %add3A_22, %mul3A_25 : i32
        "tpu.region"() ({
          %run_scoped3A = tpu.sem_alloc : memref<!tpu.dma_semaphore, #tpu.memory_space<semaphore_mem>>
          %dma_start3A = arith.constant 0 : i32
          %dma_start3A_27 = tpu.memref_slice %arg6[%mul3A_26, %dma_start3A] : memref<10000x16xf32, #tpu.memory_space<vmem_shared>> -> memref<40x16xf32, #tpu.memory_space<vmem_shared>>
          %dma_start3A_28 = arith.constant 0 : i32
          %dma_start3A_29 = tpu.memref_slice %arg6[%mul3A_26, %dma_start3A_28] : memref<10000x16xf32, #tpu.memory_space<vmem_shared>> -> memref<40x16xf32, #tpu.memory_space<vmem_shared>>
          tpu.enqueue_dma source(%dma_start3A_29 : memref<40x16xf32, #tpu.memory_space<vmem_shared>>) target(%arg9 : memref<40x16xf32, #tpu.memory_space<vmem>>) target_semaphore(%run_scoped3A : memref<!tpu.dma_semaphore, #tpu.memory_space<semaphore_mem>>)
          %dma_wait3A = arith.constant 0 : i32
          %dma_wait3A_30 = tpu.memref_slice %arg6[%mul3A_26, %dma_wait3A] : memref<10000x16xf32, #tpu.memory_space<vmem_shared>> -> memref<40x16xf32, #tpu.memory_space<vmem_shared>>
          %dma_wait3A_31 = arith.constant 0 : i32
          %dma_wait3A_32 = tpu.memref_slice %arg6[%mul3A_26, %dma_wait3A_31] : memref<10000x16xf32, #tpu.memory_space<vmem_shared>> -> memref<40x16xf32, #tpu.memory_space<vmem_shared>>
          tpu.wait_dma2 semaphore(%run_scoped3A : memref<!tpu.dma_semaphore, #tpu.memory_space<semaphore_mem>>) src(%dma_wait3A_32 : memref<40x16xf32, #tpu.memory_space<vmem_shared>>) dst(%arg9 : memref<40x16xf32, #tpu.memory_space<vmem>>)
          tpu.yield
        }) : () -> ()
        "tpu.region"() ({
          %run_scoped3A = tpu.sem_alloc : memref<!tpu.dma_semaphore, #tpu.memory_space<semaphore_mem>>
          %dma_start3A = arith.constant 0 : i32
          %dma_start3A_27 = arith.constant 0 : i32
          %dma_start3A_28 = tpu.memref_slice %arg5[%arg0, %dma_start3A, %dma_start3A_27] : memref<2x10000x16xf32, #tpu.memory_space<hbm>> -> memref<1x10000x16xf32, #tpu.memory_space<hbm>>
          %dma_start3A_29 = tpu.memref_squeeze %dma_start3A_28 : memref<1x10000x16xf32, #tpu.memory_space<hbm>> -> memref<10000x16xf32, #tpu.memory_space<hbm>>
          %dma_start3A_30 = arith.constant 0 : i32
          %dma_start3A_31 = tpu.memref_slice %dma_start3A_29[%mul3A_26, %dma_start3A_30] : memref<10000x16xf32, #tpu.memory_space<hbm>> -> memref<40x16xf32, #tpu.memory_space<hbm>>
          %dma_start3A_32 = arith.constant 0 : i32
          %dma_start3A_33 = arith.constant 0 : i32
          %dma_start3A_34 = tpu.memref_slice %arg5[%arg0, %dma_start3A_32, %dma_start3A_33] : memref<2x10000x16xf32, #tpu.memory_space<hbm>> -> memref<1x10000x16xf32, #tpu.memory_space<hbm>>
          %dma_start3A_35 = tpu.memref_squeeze %dma_start3A_34 : memref<1x10000x16xf32, #tpu.memory_space<hbm>> -> memref<10000x16xf32, #tpu.memory_space<hbm>>
          %dma_start3A_36 = arith.constant 0 : i32
          %dma_start3A_37 = tpu.memref_slice %dma_start3A_35[%mul3A_26, %dma_start3A_36] : memref<10000x16xf32, #tpu.memory_space<hbm>> -> memref<40x16xf32, #tpu.memory_space<hbm>>
          tpu.enqueue_dma source(%arg9 : memref<40x16xf32, #tpu.memory_space<vmem>>) target(%dma_start3A_37 : memref<40x16xf32, #tpu.memory_space<hbm>>) target_semaphore(%run_scoped3A : memref<!tpu.dma_semaphore, #tpu.memory_space<semaphore_mem>>)
          %dma_wait3A = arith.constant 0 : i32
          %dma_wait3A_38 = arith.constant 0 : i32
          %dma_wait3A_39 = tpu.memref_slice %arg5[%arg0, %dma_wait3A, %dma_wait3A_38] : memref<2x10000x16xf32, #tpu.memory_space<hbm>> -> memref<1x10000x16xf32, #tpu.memory_space<hbm>>
          %dma_wait3A_40 = tpu.memref_squeeze %dma_wait3A_39 : memref<1x10000x16xf32, #tpu.memory_space<hbm>> -> memref<10000x16xf32, #tpu.memory_space<hbm>>
          %dma_wait3A_41 = arith.constant 0 : i32
          %dma_wait3A_42 = tpu.memref_slice %dma_wait3A_40[%mul3A_26, %dma_wait3A_41] : memref<10000x16xf32, #tpu.memory_space<hbm>> -> memref<40x16xf32, #tpu.memory_space<hbm>>
          %dma_wait3A_43 = arith.constant 0 : i32
          %dma_wait3A_44 = arith.constant 0 : i32
          %dma_wait3A_45 = tpu.memref_slice %arg5[%arg0, %dma_wait3A_43, %dma_wait3A_44] : memref<2x10000x16xf32, #tpu.memory_space<hbm>> -> memref<1x10000x16xf32, #tpu.memory_space<hbm>>
          %dma_wait3A_46 = tpu.memref_squeeze %dma_wait3A_45 : memref<1x10000x16xf32, #tpu.memory_space<hbm>> -> memref<10000x16xf32, #tpu.memory_space<hbm>>
          %dma_wait3A_47 = arith.constant 0 : i32
          %dma_wait3A_48 = tpu.memref_slice %dma_wait3A_46[%mul3A_26, %dma_wait3A_47] : memref<10000x16xf32, #tpu.memory_space<hbm>> -> memref<40x16xf32, #tpu.memory_space<hbm>>
          tpu.wait_dma2 semaphore(%run_scoped3A : memref<!tpu.dma_semaphore, #tpu.memory_space<semaphore_mem>>) src(%arg9 : memref<40x16xf32, #tpu.memory_space<vmem>>) dst(%dma_wait3A_48 : memref<40x16xf32, #tpu.memory_space<hbm>>)
          tpu.yield
        }) : () -> ()
      } else {
      }
    }
    %scan3A_18 = arith.constant 16 : i32
    return
  }
}

#map = affine_map<(d0, d1) -> (0, 0, 0, 0)>
#map1 = affine_map<(d0, d1) -> (0, 0, 0)>
module attributes {stable_mosaic.version = 14 : i64} {
  func.func @_edge_kernel(%arg0: i32, %arg1: i32, %arg2: memref<16x5x25x80xi32, #tpu.memory_space<hbm>>, %arg3: memref<16x5x25x80xi32, #tpu.memory_space<hbm>>, %arg4: memref<2x10000x128xf32, #tpu.memory_space<hbm>>, %arg5: memref<2x10000x128xf32, #tpu.memory_space<hbm>>, %arg6: memref<10000x128xf32, #tpu.memory_space<vmem_shared>>, %arg7: memref<25x80xi32, #tpu.memory_space<vmem>>, %arg8: memref<25x80xi32, #tpu.memory_space<vmem>>, %arg9: memref<80x128xf32, #tpu.memory_space<vmem>>, %arg10: memref<80x128xf32, #tpu.memory_space<vmem>>, %arg11: memref<80x128xf32, #tpu.memory_space<vmem>>, %arg12: memref<80x128xf32, #tpu.memory_space<vmem>>, %arg13: memref<!tpu.dma_semaphore, #tpu.memory_space<semaphore_mem>>, %arg14: memref<!tpu.dma_semaphore, #tpu.memory_space<semaphore_mem>>, %arg15: memref<!tpu.dma_semaphore, #tpu.memory_space<semaphore_mem>>, %arg16: memref<!tpu.dma_semaphore, #tpu.memory_space<semaphore_mem>>, %arg17: memref<!tpu.dma_semaphore, #tpu.memory_space<semaphore_mem>>, %arg18: memref<!tpu.dma_semaphore, #tpu.memory_space<semaphore_mem>>, %arg19: memref<!tpu.dma_semaphore, #tpu.memory_space<semaphore_mem>>, %arg20: memref<!tpu.dma_semaphore, #tpu.memory_space<semaphore_mem>>) attributes {dimension_semantics = [#tpu.dimension_semantics<core_parallel>, #tpu.dimension_semantics<subcore_parallel>], iteration_bounds = array<i64: 2, 16>, scalar_prefetch = 0 : i64, scratch_operands = 15 : i64, tpu.core_type = #tpu.core_type<sc_vector_subcore>, window_params = [{transform_indices = #map}, {transform_indices = #map}, {transform_indices = #map1}, {transform_indices = #map1}]} {
    %scan3A = arith.constant 0 : i32
    %scan3A_0 = arith.constant 0 : i32
    %scan3A_1 = arith.constant 8 : i32
    %scan3A_2 = arith.addi %scan3A_0, %scan3A_1 : i32
    %scan3A_3 = arith.constant 1 : i32
    scf.for %scan3A_18 = %scan3A_0 to %scan3A_2 step %scan3A_3  : i32 {
      %mul3A = arith.constant 16 : i32
      %mul3A_19 = arith.muli %mul3A, %scan3A_18 : i32
      %add3A = arith.addi %arg1, %mul3A_19 : i32
      %lt3A = arith.constant 125 : i32
      %lt3A_20 = arith.cmpi slt, %add3A, %lt3A : i32
      %convert_element_type3A = arith.extui %lt3A_20 : i1 to i32
      %cond3A = arith.constant 0 : i32
      %cond3A_21 = arith.cmpi ne, %convert_element_type3A, %cond3A : i32
      scf.if %cond3A_21 {
        %mul3A_22 = arith.constant 80 : i32
        %mul3A_23 = arith.muli %add3A, %mul3A_22 : i32
        "tpu.region"() ({
          %run_scoped3A = tpu.sem_alloc : memref<!tpu.dma_semaphore, #tpu.memory_space<semaphore_mem>>
          %dma_start3A = arith.constant 0 : i32
          %dma_start3A_24 = arith.constant 0 : i32
          %dma_start3A_25 = tpu.memref_slice %arg4[%arg0, %dma_start3A, %dma_start3A_24] : memref<2x10000x128xf32, #tpu.memory_space<hbm>> -> memref<1x10000x128xf32, #tpu.memory_space<hbm>>
          %dma_start3A_26 = tpu.memref_squeeze %dma_start3A_25 : memref<1x10000x128xf32, #tpu.memory_space<hbm>> -> memref<10000x128xf32, #tpu.memory_space<hbm>>
          %dma_start3A_27 = arith.constant 0 : i32
          %dma_start3A_28 = tpu.memref_slice %dma_start3A_26[%mul3A_23, %dma_start3A_27] : memref<10000x128xf32, #tpu.memory_space<hbm>> -> memref<80x128xf32, #tpu.memory_space<hbm>>
          %dma_start3A_29 = arith.constant 0 : i32
          %dma_start3A_30 = arith.constant 0 : i32
          %dma_start3A_31 = tpu.memref_slice %arg4[%arg0, %dma_start3A_29, %dma_start3A_30] : memref<2x10000x128xf32, #tpu.memory_space<hbm>> -> memref<1x10000x128xf32, #tpu.memory_space<hbm>>
          %dma_start3A_32 = tpu.memref_squeeze %dma_start3A_31 : memref<1x10000x128xf32, #tpu.memory_space<hbm>> -> memref<10000x128xf32, #tpu.memory_space<hbm>>
          %dma_start3A_33 = arith.constant 0 : i32
          %dma_start3A_34 = tpu.memref_slice %dma_start3A_32[%mul3A_23, %dma_start3A_33] : memref<10000x128xf32, #tpu.memory_space<hbm>> -> memref<80x128xf32, #tpu.memory_space<hbm>>
          tpu.enqueue_dma source(%dma_start3A_34 : memref<80x128xf32, #tpu.memory_space<hbm>>) target(%arg9 : memref<80x128xf32, #tpu.memory_space<vmem>>) target_semaphore(%run_scoped3A : memref<!tpu.dma_semaphore, #tpu.memory_space<semaphore_mem>>)
          %dma_wait3A = arith.constant 0 : i32
          %dma_wait3A_35 = arith.constant 0 : i32
          %dma_wait3A_36 = tpu.memref_slice %arg4[%arg0, %dma_wait3A, %dma_wait3A_35] : memref<2x10000x128xf32, #tpu.memory_space<hbm>> -> memref<1x10000x128xf32, #tpu.memory_space<hbm>>
          %dma_wait3A_37 = tpu.memref_squeeze %dma_wait3A_36 : memref<1x10000x128xf32, #tpu.memory_space<hbm>> -> memref<10000x128xf32, #tpu.memory_space<hbm>>
          %dma_wait3A_38 = arith.constant 0 : i32
          %dma_wait3A_39 = tpu.memref_slice %dma_wait3A_37[%mul3A_23, %dma_wait3A_38] : memref<10000x128xf32, #tpu.memory_space<hbm>> -> memref<80x128xf32, #tpu.memory_space<hbm>>
          %dma_wait3A_40 = arith.constant 0 : i32
          %dma_wait3A_41 = arith.constant 0 : i32
          %dma_wait3A_42 = tpu.memref_slice %arg4[%arg0, %dma_wait3A_40, %dma_wait3A_41] : memref<2x10000x128xf32, #tpu.memory_space<hbm>> -> memref<1x10000x128xf32, #tpu.memory_space<hbm>>
          %dma_wait3A_43 = tpu.memref_squeeze %dma_wait3A_42 : memref<1x10000x128xf32, #tpu.memory_space<hbm>> -> memref<10000x128xf32, #tpu.memory_space<hbm>>
          %dma_wait3A_44 = arith.constant 0 : i32
          %dma_wait3A_45 = tpu.memref_slice %dma_wait3A_43[%mul3A_23, %dma_wait3A_44] : memref<10000x128xf32, #tpu.memory_space<hbm>> -> memref<80x128xf32, #tpu.memory_space<hbm>>
          tpu.wait_dma2 semaphore(%run_scoped3A : memref<!tpu.dma_semaphore, #tpu.memory_space<semaphore_mem>>) src(%dma_wait3A_45 : memref<80x128xf32, #tpu.memory_space<hbm>>) dst(%arg9 : memref<80x128xf32, #tpu.memory_space<vmem>>)
          tpu.yield
        }) : () -> ()
        "tpu.region"() ({
          %run_scoped3A = tpu.sem_alloc : memref<!tpu.dma_semaphore, #tpu.memory_space<semaphore_mem>>
          %dma_start3A = arith.constant 0 : i32
          %dma_start3A_24 = tpu.memref_slice %arg6[%mul3A_23, %dma_start3A] : memref<10000x128xf32, #tpu.memory_space<vmem_shared>> -> memref<80x128xf32, #tpu.memory_space<vmem_shared>>
          %dma_start3A_25 = arith.constant 0 : i32
          %dma_start3A_26 = tpu.memref_slice %arg6[%mul3A_23, %dma_start3A_25] : memref<10000x128xf32, #tpu.memory_space<vmem_shared>> -> memref<80x128xf32, #tpu.memory_space<vmem_shared>>
          tpu.enqueue_dma source(%arg9 : memref<80x128xf32, #tpu.memory_space<vmem>>) target(%dma_start3A_26 : memref<80x128xf32, #tpu.memory_space<vmem_shared>>) target_semaphore(%run_scoped3A : memref<!tpu.dma_semaphore, #tpu.memory_space<semaphore_mem>>)
          %dma_wait3A = arith.constant 0 : i32
          %dma_wait3A_27 = tpu.memref_slice %arg6[%mul3A_23, %dma_wait3A] : memref<10000x128xf32, #tpu.memory_space<vmem_shared>> -> memref<80x128xf32, #tpu.memory_space<vmem_shared>>
          %dma_wait3A_28 = arith.constant 0 : i32
          %dma_wait3A_29 = tpu.memref_slice %arg6[%mul3A_23, %dma_wait3A_28] : memref<10000x128xf32, #tpu.memory_space<vmem_shared>> -> memref<80x128xf32, #tpu.memory_space<vmem_shared>>
          tpu.wait_dma2 semaphore(%run_scoped3A : memref<!tpu.dma_semaphore, #tpu.memory_space<semaphore_mem>>) src(%arg9 : memref<80x128xf32, #tpu.memory_space<vmem>>) dst(%dma_wait3A_29 : memref<80x128xf32, #tpu.memory_space<vmem_shared>>)
          tpu.yield
        }) : () -> ()
      } else {
      }
    }
    %scan3A_4 = arith.constant 8 : i32
    %barrier3A = arith.constant 0 : index
    tpu.barrier barrier_id(%barrier3A)
    %scan3A_5 = arith.constant 0 : i32
    %scan3A_6 = arith.constant 0 : i32
    %scan3A_7 = arith.constant 5 : i32
    %scan3A_8 = arith.addi %scan3A_6, %scan3A_7 : i32
    %scan3A_9 = arith.constant 1 : i32
    scf.for %scan3A_18 = %scan3A_6 to %scan3A_8 step %scan3A_9  : i32 {
      "tpu.region"() ({
        %run_scoped3A = tpu.sem_alloc : memref<!tpu.dma_semaphore, #tpu.memory_space<semaphore_mem>>
        %dma_start3A_87 = arith.constant 0 : i32
        %dma_start3A_88 = arith.constant 0 : i32
        %dma_start3A_89 = arith.constant 0 : i32
        %dma_start3A_90 = tpu.memref_slice %arg2[%arg1, %dma_start3A_87, %dma_start3A_88, %dma_start3A_89] : memref<16x5x25x80xi32, #tpu.memory_space<hbm>> -> memref<1x5x25x80xi32, #tpu.memory_space<hbm>>
        %dma_start3A_91 = tpu.memref_squeeze %dma_start3A_90 : memref<1x5x25x80xi32, #tpu.memory_space<hbm>> -> memref<5x25x80xi32, #tpu.memory_space<hbm>>
        %dma_start3A_92 = arith.constant 0 : i32
        %dma_start3A_93 = arith.constant 0 : i32
        %dma_start3A_94 = tpu.memref_slice %dma_start3A_91[%scan3A_18, %dma_start3A_92, %dma_start3A_93] : memref<5x25x80xi32, #tpu.memory_space<hbm>> -> memref<1x25x80xi32, #tpu.memory_space<hbm>>
        %dma_start3A_95 = tpu.memref_squeeze %dma_start3A_94 : memref<1x25x80xi32, #tpu.memory_space<hbm>> -> memref<25x80xi32, #tpu.memory_space<hbm>>
        %dma_start3A_96 = arith.constant 0 : i32
        %dma_start3A_97 = arith.constant 0 : i32
        %dma_start3A_98 = arith.constant 0 : i32
        %dma_start3A_99 = tpu.memref_slice %arg2[%arg1, %dma_start3A_96, %dma_start3A_97, %dma_start3A_98] : memref<16x5x25x80xi32, #tpu.memory_space<hbm>> -> memref<1x5x25x80xi32, #tpu.memory_space<hbm>>
        %dma_start3A_100 = tpu.memref_squeeze %dma_start3A_99 : memref<1x5x25x80xi32, #tpu.memory_space<hbm>> -> memref<5x25x80xi32, #tpu.memory_space<hbm>>
        %dma_start3A_101 = arith.constant 0 : i32
        %dma_start3A_102 = arith.constant 0 : i32
        %dma_start3A_103 = tpu.memref_slice %dma_start3A_100[%scan3A_18, %dma_start3A_101, %dma_start3A_102] : memref<5x25x80xi32, #tpu.memory_space<hbm>> -> memref<1x25x80xi32, #tpu.memory_space<hbm>>
        %dma_start3A_104 = tpu.memref_squeeze %dma_start3A_103 : memref<1x25x80xi32, #tpu.memory_space<hbm>> -> memref<25x80xi32, #tpu.memory_space<hbm>>
        tpu.enqueue_dma source(%dma_start3A_104 : memref<25x80xi32, #tpu.memory_space<hbm>>) target(%arg7 : memref<25x80xi32, #tpu.memory_space<vmem>>) target_semaphore(%run_scoped3A : memref<!tpu.dma_semaphore, #tpu.memory_space<semaphore_mem>>)
        %dma_wait3A_105 = arith.constant 0 : i32
        %dma_wait3A_106 = arith.constant 0 : i32
        %dma_wait3A_107 = arith.constant 0 : i32
        %dma_wait3A_108 = tpu.memref_slice %arg2[%arg1, %dma_wait3A_105, %dma_wait3A_106, %dma_wait3A_107] : memref<16x5x25x80xi32, #tpu.memory_space<hbm>> -> memref<1x5x25x80xi32, #tpu.memory_space<hbm>>
        %dma_wait3A_109 = tpu.memref_squeeze %dma_wait3A_108 : memref<1x5x25x80xi32, #tpu.memory_space<hbm>> -> memref<5x25x80xi32, #tpu.memory_space<hbm>>
        %dma_wait3A_110 = arith.constant 0 : i32
        %dma_wait3A_111 = arith.constant 0 : i32
        %dma_wait3A_112 = tpu.memref_slice %dma_wait3A_109[%scan3A_18, %dma_wait3A_110, %dma_wait3A_111] : memref<5x25x80xi32, #tpu.memory_space<hbm>> -> memref<1x25x80xi32, #tpu.memory_space<hbm>>
        %dma_wait3A_113 = tpu.memref_squeeze %dma_wait3A_112 : memref<1x25x80xi32, #tpu.memory_space<hbm>> -> memref<25x80xi32, #tpu.memory_space<hbm>>
        %dma_wait3A_114 = arith.constant 0 : i32
        %dma_wait3A_115 = arith.constant 0 : i32
        %dma_wait3A_116 = arith.constant 0 : i32
        %dma_wait3A_117 = tpu.memref_slice %arg2[%arg1, %dma_wait3A_114, %dma_wait3A_115, %dma_wait3A_116] : memref<16x5x25x80xi32, #tpu.memory_space<hbm>> -> memref<1x5x25x80xi32, #tpu.memory_space<hbm>>
        %dma_wait3A_118 = tpu.memref_squeeze %dma_wait3A_117 : memref<1x5x25x80xi32, #tpu.memory_space<hbm>> -> memref<5x25x80xi32, #tpu.memory_space<hbm>>
        %dma_wait3A_119 = arith.constant 0 : i32
        %dma_wait3A_120 = arith.constant 0 : i32
        %dma_wait3A_121 = tpu.memref_slice %dma_wait3A_118[%scan3A_18, %dma_wait3A_119, %dma_wait3A_120] : memref<5x25x80xi32, #tpu.memory_space<hbm>> -> memref<1x25x80xi32, #tpu.memory_space<hbm>>
        %dma_wait3A_122 = tpu.memref_squeeze %dma_wait3A_121 : memref<1x25x80xi32, #tpu.memory_space<hbm>> -> memref<25x80xi32, #tpu.memory_space<hbm>>
        tpu.wait_dma2 semaphore(%run_scoped3A : memref<!tpu.dma_semaphore, #tpu.memory_space<semaphore_mem>>) src(%dma_wait3A_122 : memref<25x80xi32, #tpu.memory_space<hbm>>) dst(%arg7 : memref<25x80xi32, #tpu.memory_space<vmem>>)
        tpu.yield
      }) : () -> ()
      "tpu.region"() ({
        %run_scoped3A = tpu.sem_alloc : memref<!tpu.dma_semaphore, #tpu.memory_space<semaphore_mem>>
        %dma_start3A_87 = arith.constant 0 : i32
        %dma_start3A_88 = arith.constant 0 : i32
        %dma_start3A_89 = arith.constant 0 : i32
        %dma_start3A_90 = tpu.memref_slice %arg3[%arg1, %dma_start3A_87, %dma_start3A_88, %dma_start3A_89] : memref<16x5x25x80xi32, #tpu.memory_space<hbm>> -> memref<1x5x25x80xi32, #tpu.memory_space<hbm>>
        %dma_start3A_91 = tpu.memref_squeeze %dma_start3A_90 : memref<1x5x25x80xi32, #tpu.memory_space<hbm>> -> memref<5x25x80xi32, #tpu.memory_space<hbm>>
        %dma_start3A_92 = arith.constant 0 : i32
        %dma_start3A_93 = arith.constant 0 : i32
        %dma_start3A_94 = tpu.memref_slice %dma_start3A_91[%scan3A_18, %dma_start3A_92, %dma_start3A_93] : memref<5x25x80xi32, #tpu.memory_space<hbm>> -> memref<1x25x80xi32, #tpu.memory_space<hbm>>
        %dma_start3A_95 = tpu.memref_squeeze %dma_start3A_94 : memref<1x25x80xi32, #tpu.memory_space<hbm>> -> memref<25x80xi32, #tpu.memory_space<hbm>>
        %dma_start3A_96 = arith.constant 0 : i32
        %dma_start3A_97 = arith.constant 0 : i32
        %dma_start3A_98 = arith.constant 0 : i32
        %dma_start3A_99 = tpu.memref_slice %arg3[%arg1, %dma_start3A_96, %dma_start3A_97, %dma_start3A_98] : memref<16x5x25x80xi32, #tpu.memory_space<hbm>> -> memref<1x5x25x80xi32, #tpu.memory_space<hbm>>
        %dma_start3A_100 = tpu.memref_squeeze %dma_start3A_99 : memref<1x5x25x80xi32, #tpu.memory_space<hbm>> -> memref<5x25x80xi32, #tpu.memory_space<hbm>>
        %dma_start3A_101 = arith.constant 0 : i32
        %dma_start3A_102 = arith.constant 0 : i32
        %dma_start3A_103 = tpu.memref_slice %dma_start3A_100[%scan3A_18, %dma_start3A_101, %dma_start3A_102] : memref<5x25x80xi32, #tpu.memory_space<hbm>> -> memref<1x25x80xi32, #tpu.memory_space<hbm>>
        %dma_start3A_104 = tpu.memref_squeeze %dma_start3A_103 : memref<1x25x80xi32, #tpu.memory_space<hbm>> -> memref<25x80xi32, #tpu.memory_space<hbm>>
        tpu.enqueue_dma source(%dma_start3A_104 : memref<25x80xi32, #tpu.memory_space<hbm>>) target(%arg8 : memref<25x80xi32, #tpu.memory_space<vmem>>) target_semaphore(%run_scoped3A : memref<!tpu.dma_semaphore, #tpu.memory_space<semaphore_mem>>)
        %dma_wait3A_105 = arith.constant 0 : i32
        %dma_wait3A_106 = arith.constant 0 : i32
        %dma_wait3A_107 = arith.constant 0 : i32
        %dma_wait3A_108 = tpu.memref_slice %arg3[%arg1, %dma_wait3A_105, %dma_wait3A_106, %dma_wait3A_107] : memref<16x5x25x80xi32, #tpu.memory_space<hbm>> -> memref<1x5x25x80xi32, #tpu.memory_space<hbm>>
        %dma_wait3A_109 = tpu.memref_squeeze %dma_wait3A_108 : memref<1x5x25x80xi32, #tpu.memory_space<hbm>> -> memref<5x25x80xi32, #tpu.memory_space<hbm>>
        %dma_wait3A_110 = arith.constant 0 : i32
        %dma_wait3A_111 = arith.constant 0 : i32
        %dma_wait3A_112 = tpu.memref_slice %dma_wait3A_109[%scan3A_18, %dma_wait3A_110, %dma_wait3A_111] : memref<5x25x80xi32, #tpu.memory_space<hbm>> -> memref<1x25x80xi32, #tpu.memory_space<hbm>>
        %dma_wait3A_113 = tpu.memref_squeeze %dma_wait3A_112 : memref<1x25x80xi32, #tpu.memory_space<hbm>> -> memref<25x80xi32, #tpu.memory_space<hbm>>
        %dma_wait3A_114 = arith.constant 0 : i32
        %dma_wait3A_115 = arith.constant 0 : i32
        %dma_wait3A_116 = arith.constant 0 : i32
        %dma_wait3A_117 = tpu.memref_slice %arg3[%arg1, %dma_wait3A_114, %dma_wait3A_115, %dma_wait3A_116] : memref<16x5x25x80xi32, #tpu.memory_space<hbm>> -> memref<1x5x25x80xi32, #tpu.memory_space<hbm>>
        %dma_wait3A_118 = tpu.memref_squeeze %dma_wait3A_117 : memref<1x5x25x80xi32, #tpu.memory_space<hbm>> -> memref<5x25x80xi32, #tpu.memory_space<hbm>>
        %dma_wait3A_119 = arith.constant 0 : i32
        %dma_wait3A_120 = arith.constant 0 : i32
        %dma_wait3A_121 = tpu.memref_slice %dma_wait3A_118[%scan3A_18, %dma_wait3A_119, %dma_wait3A_120] : memref<5x25x80xi32, #tpu.memory_space<hbm>> -> memref<1x25x80xi32, #tpu.memory_space<hbm>>
        %dma_wait3A_122 = tpu.memref_squeeze %dma_wait3A_121 : memref<1x25x80xi32, #tpu.memory_space<hbm>> -> memref<25x80xi32, #tpu.memory_space<hbm>>
        tpu.wait_dma2 semaphore(%run_scoped3A : memref<!tpu.dma_semaphore, #tpu.memory_space<semaphore_mem>>) src(%dma_wait3A_122 : memref<25x80xi32, #tpu.memory_space<hbm>>) dst(%arg8 : memref<25x80xi32, #tpu.memory_space<vmem>>)
        tpu.yield
      }) : () -> ()
      %scan3A_19 = arith.constant 0 : i32
      %scan3A_20 = arith.constant 0 : i32
      %scan3A_21 = arith.constant 6 : i32
      %scan3A_22 = arith.addi %scan3A_20, %scan3A_21 : i32
      %scan3A_23 = arith.constant 1 : i32
      scf.for %scan3A_87 = %scan3A_20 to %scan3A_22 step %scan3A_23  : i32 {
        %gt3A = arith.constant 0 : i32
        %gt3A_88 = arith.cmpi sgt, %scan3A_87, %gt3A : i32
        %convert_element_type3A = arith.extui %gt3A_88 : i1 to i32
        %cond3A = arith.constant 0 : i32
        %cond3A_89 = arith.cmpi ne, %convert_element_type3A, %cond3A : i32
        scf.if %cond3A_89 {
          %dma_wait3A_239 = arith.constant 0 : i32
          %dma_wait3A_240 = arith.constant 0 : i32
          %dma_wait3A_241 = tpu.memref_slice %arg8[%dma_wait3A_239, %dma_wait3A_240] : memref<25x80xi32, #tpu.memory_space<vmem>> -> memref<1x80xi32, #tpu.memory_space<vmem>>
          %dma_wait3A_242 = tpu.memref_squeeze %dma_wait3A_241 : memref<1x80xi32, #tpu.memory_space<vmem>> -> memref<80xi32, #tpu.memory_space<vmem>>
          %dma_wait3A_243 = arith.constant 0 : i32
          %dma_wait3A_244 = arith.constant 0 : i32
          %dma_wait3A_245 = tpu.memref_slice %arg6[%dma_wait3A_243, %dma_wait3A_244] : memref<10000x128xf32, #tpu.memory_space<vmem_shared>> -> memref<10000x128xf32, #tpu.memory_space<vmem_shared>>
          tpu.wait_indirect_dma semaphore(%arg17 : memref<!tpu.dma_semaphore, #tpu.memory_space<semaphore_mem>>) src(%arg9 : memref<80x128xf32, #tpu.memory_space<vmem>>) dst(%dma_wait3A_245 : memref<10000x128xf32, #tpu.memory_space<vmem_shared>>)
        } else {
        }
        %mul3A = arith.constant 4 : i32
        %mul3A_90 = arith.muli %mul3A, %scan3A_87 : i32
        %add3A = arith.constant 0 : i32
        %add3A_91 = arith.addi %mul3A_90, %add3A : i32
        %dma_start3A_92 = arith.constant 0 : i32
        %dma_start3A_93 = tpu.memref_slice %arg7[%add3A_91, %dma_start3A_92] : memref<25x80xi32, #tpu.memory_space<vmem>> -> memref<1x80xi32, #tpu.memory_space<vmem>>
        %dma_start3A_94 = tpu.memref_squeeze %dma_start3A_93 : memref<1x80xi32, #tpu.memory_space<vmem>> -> memref<80xi32, #tpu.memory_space<vmem>>
        %dma_start3A_95 = arith.constant 0 : i32
        %dma_start3A_96 = arith.constant 0 : i32
        %dma_start3A_97 = tpu.memref_slice %arg4[%arg0, %dma_start3A_95, %dma_start3A_96] : memref<2x10000x128xf32, #tpu.memory_space<hbm>> -> memref<1x10000x128xf32, #tpu.memory_space<hbm>>
        %dma_start3A_98 = tpu.memref_squeeze %dma_start3A_97 : memref<1x10000x128xf32, #tpu.memory_space<hbm>> -> memref<10000x128xf32, #tpu.memory_space<hbm>>
        %dma_start3A_99 = arith.constant 0 : i32
        %dma_start3A_100 = arith.constant 0 : i32
        %dma_start3A_101 = tpu.memref_slice %dma_start3A_98[%dma_start3A_99, %dma_start3A_100] : memref<10000x128xf32, #tpu.memory_space<hbm>> -> memref<10000x128xf32, #tpu.memory_space<hbm>>
        tpu.enqueue_indirect_dma source(%dma_start3A_101 : memref<10000x128xf32, #tpu.memory_space<hbm>>) target(%arg9 : memref<80x128xf32, #tpu.memory_space<vmem>>) offsets(%dma_start3A_94 : memref<80xi32, #tpu.memory_space<vmem>>) semaphore(%arg13 : memref<!tpu.dma_semaphore, #tpu.memory_space<semaphore_mem>>)
        %gt3A_102 = arith.constant 0 : i32
        %gt3A_103 = arith.cmpi sgt, %scan3A_87, %gt3A_102 : i32
        %convert_element_type3A_104 = arith.extui %gt3A_103 : i1 to i32
        %cond3A_105 = arith.constant 0 : i32
        %cond3A_106 = arith.cmpi ne, %convert_element_type3A_104, %cond3A_105 : i32
        scf.if %cond3A_106 {
          %dma_wait3A_239 = arith.constant 0 : i32
          %dma_wait3A_240 = arith.constant 0 : i32
          %dma_wait3A_241 = tpu.memref_slice %arg8[%dma_wait3A_239, %dma_wait3A_240] : memref<25x80xi32, #tpu.memory_space<vmem>> -> memref<1x80xi32, #tpu.memory_space<vmem>>
          %dma_wait3A_242 = tpu.memref_squeeze %dma_wait3A_241 : memref<1x80xi32, #tpu.memory_space<vmem>> -> memref<80xi32, #tpu.memory_space<vmem>>
          %dma_wait3A_243 = arith.constant 0 : i32
          %dma_wait3A_244 = arith.constant 0 : i32
          %dma_wait3A_245 = tpu.memref_slice %arg6[%dma_wait3A_243, %dma_wait3A_244] : memref<10000x128xf32, #tpu.memory_space<vmem_shared>> -> memref<10000x128xf32, #tpu.memory_space<vmem_shared>>
          tpu.wait_indirect_dma semaphore(%arg18 : memref<!tpu.dma_semaphore, #tpu.memory_space<semaphore_mem>>) src(%arg10 : memref<80x128xf32, #tpu.memory_space<vmem>>) dst(%dma_wait3A_245 : memref<10000x128xf32, #tpu.memory_space<vmem_shared>>)
        } else {
        }
        %mul3A_107 = arith.constant 4 : i32
        %mul3A_108 = arith.muli %mul3A_107, %scan3A_87 : i32
        %add3A_109 = arith.constant 1 : i32
        %add3A_110 = arith.addi %mul3A_108, %add3A_109 : i32
        %dma_start3A_111 = arith.constant 0 : i32
        %dma_start3A_112 = tpu.memref_slice %arg7[%add3A_110, %dma_start3A_111] : memref<25x80xi32, #tpu.memory_space<vmem>> -> memref<1x80xi32, #tpu.memory_space<vmem>>
        %dma_start3A_113 = tpu.memref_squeeze %dma_start3A_112 : memref<1x80xi32, #tpu.memory_space<vmem>> -> memref<80xi32, #tpu.memory_space<vmem>>
        %dma_start3A_114 = arith.constant 0 : i32
        %dma_start3A_115 = arith.constant 0 : i32
        %dma_start3A_116 = tpu.memref_slice %arg4[%arg0, %dma_start3A_114, %dma_start3A_115] : memref<2x10000x128xf32, #tpu.memory_space<hbm>> -> memref<1x10000x128xf32, #tpu.memory_space<hbm>>
        %dma_start3A_117 = tpu.memref_squeeze %dma_start3A_116 : memref<1x10000x128xf32, #tpu.memory_space<hbm>> -> memref<10000x128xf32, #tpu.memory_space<hbm>>
        %dma_start3A_118 = arith.constant 0 : i32
        %dma_start3A_119 = arith.constant 0 : i32
        %dma_start3A_120 = tpu.memref_slice %dma_start3A_117[%dma_start3A_118, %dma_start3A_119] : memref<10000x128xf32, #tpu.memory_space<hbm>> -> memref<10000x128xf32, #tpu.memory_space<hbm>>
        tpu.enqueue_indirect_dma source(%dma_start3A_120 : memref<10000x128xf32, #tpu.memory_space<hbm>>) target(%arg10 : memref<80x128xf32, #tpu.memory_space<vmem>>) offsets(%dma_start3A_113 : memref<80xi32, #tpu.memory_space<vmem>>) semaphore(%arg14 : memref<!tpu.dma_semaphore, #tpu.memory_space<semaphore_mem>>)
        %gt3A_121 = arith.constant 0 : i32
        %gt3A_122 = arith.cmpi sgt, %scan3A_87, %gt3A_121 : i32
        %convert_element_type3A_123 = arith.extui %gt3A_122 : i1 to i32
        %cond3A_124 = arith.constant 0 : i32
        %cond3A_125 = arith.cmpi ne, %convert_element_type3A_123, %cond3A_124 : i32
        scf.if %cond3A_125 {
          %dma_wait3A_239 = arith.constant 0 : i32
          %dma_wait3A_240 = arith.constant 0 : i32
          %dma_wait3A_241 = tpu.memref_slice %arg8[%dma_wait3A_239, %dma_wait3A_240] : memref<25x80xi32, #tpu.memory_space<vmem>> -> memref<1x80xi32, #tpu.memory_space<vmem>>
          %dma_wait3A_242 = tpu.memref_squeeze %dma_wait3A_241 : memref<1x80xi32, #tpu.memory_space<vmem>> -> memref<80xi32, #tpu.memory_space<vmem>>
          %dma_wait3A_243 = arith.constant 0 : i32
          %dma_wait3A_244 = arith.constant 0 : i32
          %dma_wait3A_245 = tpu.memref_slice %arg6[%dma_wait3A_243, %dma_wait3A_244] : memref<10000x128xf32, #tpu.memory_space<vmem_shared>> -> memref<10000x128xf32, #tpu.memory_space<vmem_shared>>
          tpu.wait_indirect_dma semaphore(%arg19 : memref<!tpu.dma_semaphore, #tpu.memory_space<semaphore_mem>>) src(%arg11 : memref<80x128xf32, #tpu.memory_space<vmem>>) dst(%dma_wait3A_245 : memref<10000x128xf32, #tpu.memory_space<vmem_shared>>)
        } else {
        }
        %mul3A_126 = arith.constant 4 : i32
        %mul3A_127 = arith.muli %mul3A_126, %scan3A_87 : i32
        %add3A_128 = arith.constant 2 : i32
        %add3A_129 = arith.addi %mul3A_127, %add3A_128 : i32
        %dma_start3A_130 = arith.constant 0 : i32
        %dma_start3A_131 = tpu.memref_slice %arg7[%add3A_129, %dma_start3A_130] : memref<25x80xi32, #tpu.memory_space<vmem>> -> memref<1x80xi32, #tpu.memory_space<vmem>>
        %dma_start3A_132 = tpu.memref_squeeze %dma_start3A_131 : memref<1x80xi32, #tpu.memory_space<vmem>> -> memref<80xi32, #tpu.memory_space<vmem>>
        %dma_start3A_133 = arith.constant 0 : i32
        %dma_start3A_134 = arith.constant 0 : i32
        %dma_start3A_135 = tpu.memref_slice %arg4[%arg0, %dma_start3A_133, %dma_start3A_134] : memref<2x10000x128xf32, #tpu.memory_space<hbm>> -> memref<1x10000x128xf32, #tpu.memory_space<hbm>>
        %dma_start3A_136 = tpu.memref_squeeze %dma_start3A_135 : memref<1x10000x128xf32, #tpu.memory_space<hbm>> -> memref<10000x128xf32, #tpu.memory_space<hbm>>
        %dma_start3A_137 = arith.constant 0 : i32
        %dma_start3A_138 = arith.constant 0 : i32
        %dma_start3A_139 = tpu.memref_slice %dma_start3A_136[%dma_start3A_137, %dma_start3A_138] : memref<10000x128xf32, #tpu.memory_space<hbm>> -> memref<10000x128xf32, #tpu.memory_space<hbm>>
        tpu.enqueue_indirect_dma source(%dma_start3A_139 : memref<10000x128xf32, #tpu.memory_space<hbm>>) target(%arg11 : memref<80x128xf32, #tpu.memory_space<vmem>>) offsets(%dma_start3A_132 : memref<80xi32, #tpu.memory_space<vmem>>) semaphore(%arg15 : memref<!tpu.dma_semaphore, #tpu.memory_space<semaphore_mem>>)
        %gt3A_140 = arith.constant 0 : i32
        %gt3A_141 = arith.cmpi sgt, %scan3A_87, %gt3A_140 : i32
        %convert_element_type3A_142 = arith.extui %gt3A_141 : i1 to i32
        %cond3A_143 = arith.constant 0 : i32
        %cond3A_144 = arith.cmpi ne, %convert_element_type3A_142, %cond3A_143 : i32
        scf.if %cond3A_144 {
          %dma_wait3A_239 = arith.constant 0 : i32
          %dma_wait3A_240 = arith.constant 0 : i32
          %dma_wait3A_241 = tpu.memref_slice %arg8[%dma_wait3A_239, %dma_wait3A_240] : memref<25x80xi32, #tpu.memory_space<vmem>> -> memref<1x80xi32, #tpu.memory_space<vmem>>
          %dma_wait3A_242 = tpu.memref_squeeze %dma_wait3A_241 : memref<1x80xi32, #tpu.memory_space<vmem>> -> memref<80xi32, #tpu.memory_space<vmem>>
          %dma_wait3A_243 = arith.constant 0 : i32
          %dma_wait3A_244 = arith.constant 0 : i32
          %dma_wait3A_245 = tpu.memref_slice %arg6[%dma_wait3A_243, %dma_wait3A_244] : memref<10000x128xf32, #tpu.memory_space<vmem_shared>> -> memref<10000x128xf32, #tpu.memory_space<vmem_shared>>
          tpu.wait_indirect_dma semaphore(%arg20 : memref<!tpu.dma_semaphore, #tpu.memory_space<semaphore_mem>>) src(%arg12 : memref<80x128xf32, #tpu.memory_space<vmem>>) dst(%dma_wait3A_245 : memref<10000x128xf32, #tpu.memory_space<vmem_shared>>)
        } else {
        }
        %mul3A_145 = arith.constant 4 : i32
        %mul3A_146 = arith.muli %mul3A_145, %scan3A_87 : i32
        %add3A_147 = arith.constant 3 : i32
        %add3A_148 = arith.addi %mul3A_146, %add3A_147 : i32
        %dma_start3A_149 = arith.constant 0 : i32
        %dma_start3A_150 = tpu.memref_slice %arg7[%add3A_148, %dma_start3A_149] : memref<25x80xi32, #tpu.memory_space<vmem>> -> memref<1x80xi32, #tpu.memory_space<vmem>>
        %dma_start3A_151 = tpu.memref_squeeze %dma_start3A_150 : memref<1x80xi32, #tpu.memory_space<vmem>> -> memref<80xi32, #tpu.memory_space<vmem>>
        %dma_start3A_152 = arith.constant 0 : i32
        %dma_start3A_153 = arith.constant 0 : i32
        %dma_start3A_154 = tpu.memref_slice %arg4[%arg0, %dma_start3A_152, %dma_start3A_153] : memref<2x10000x128xf32, #tpu.memory_space<hbm>> -> memref<1x10000x128xf32, #tpu.memory_space<hbm>>
        %dma_start3A_155 = tpu.memref_squeeze %dma_start3A_154 : memref<1x10000x128xf32, #tpu.memory_space<hbm>> -> memref<10000x128xf32, #tpu.memory_space<hbm>>
        %dma_start3A_156 = arith.constant 0 : i32
        %dma_start3A_157 = arith.constant 0 : i32
        %dma_start3A_158 = tpu.memref_slice %dma_start3A_155[%dma_start3A_156, %dma_start3A_157] : memref<10000x128xf32, #tpu.memory_space<hbm>> -> memref<10000x128xf32, #tpu.memory_space<hbm>>
        tpu.enqueue_indirect_dma source(%dma_start3A_158 : memref<10000x128xf32, #tpu.memory_space<hbm>>) target(%arg12 : memref<80x128xf32, #tpu.memory_space<vmem>>) offsets(%dma_start3A_151 : memref<80xi32, #tpu.memory_space<vmem>>) semaphore(%arg16 : memref<!tpu.dma_semaphore, #tpu.memory_space<semaphore_mem>>)
        %dma_wait3A_159 = arith.constant 0 : i32
        %dma_wait3A_160 = tpu.memref_slice %arg7[%add3A_91, %dma_wait3A_159] : memref<25x80xi32, #tpu.memory_space<vmem>> -> memref<1x80xi32, #tpu.memory_space<vmem>>
        %dma_wait3A_161 = tpu.memref_squeeze %dma_wait3A_160 : memref<1x80xi32, #tpu.memory_space<vmem>> -> memref<80xi32, #tpu.memory_space<vmem>>
        %dma_wait3A_162 = arith.constant 0 : i32
        %dma_wait3A_163 = arith.constant 0 : i32
        %dma_wait3A_164 = tpu.memref_slice %arg4[%arg0, %dma_wait3A_162, %dma_wait3A_163] : memref<2x10000x128xf32, #tpu.memory_space<hbm>> -> memref<1x10000x128xf32, #tpu.memory_space<hbm>>
        %dma_wait3A_165 = tpu.memref_squeeze %dma_wait3A_164 : memref<1x10000x128xf32, #tpu.memory_space<hbm>> -> memref<10000x128xf32, #tpu.memory_space<hbm>>
        %dma_wait3A_166 = arith.constant 0 : i32
        %dma_wait3A_167 = arith.constant 0 : i32
        %dma_wait3A_168 = tpu.memref_slice %dma_wait3A_165[%dma_wait3A_166, %dma_wait3A_167] : memref<10000x128xf32, #tpu.memory_space<hbm>> -> memref<10000x128xf32, #tpu.memory_space<hbm>>
        tpu.wait_indirect_dma semaphore(%arg13 : memref<!tpu.dma_semaphore, #tpu.memory_space<semaphore_mem>>) src(%dma_wait3A_168 : memref<10000x128xf32, #tpu.memory_space<hbm>>) dst(%arg9 : memref<80x128xf32, #tpu.memory_space<vmem>>)
        %mul3A_169 = arith.constant 4 : i32
        %mul3A_170 = arith.muli %mul3A_169, %scan3A_87 : i32
        %add3A_171 = arith.constant 0 : i32
        %add3A_172 = arith.addi %mul3A_170, %add3A_171 : i32
        %dma_start3A_173 = arith.constant 0 : i32
        %dma_start3A_174 = tpu.memref_slice %arg8[%add3A_172, %dma_start3A_173] : memref<25x80xi32, #tpu.memory_space<vmem>> -> memref<1x80xi32, #tpu.memory_space<vmem>>
        %dma_start3A_175 = tpu.memref_squeeze %dma_start3A_174 : memref<1x80xi32, #tpu.memory_space<vmem>> -> memref<80xi32, #tpu.memory_space<vmem>>
        %dma_start3A_176 = arith.constant 0 : i32
        %dma_start3A_177 = arith.constant 0 : i32
        %dma_start3A_178 = tpu.memref_slice %arg6[%dma_start3A_176, %dma_start3A_177] : memref<10000x128xf32, #tpu.memory_space<vmem_shared>> -> memref<10000x128xf32, #tpu.memory_space<vmem_shared>>
        tpu.enqueue_indirect_dma source(%arg9 : memref<80x128xf32, #tpu.memory_space<vmem>>) target(%dma_start3A_178 : memref<10000x128xf32, #tpu.memory_space<vmem_shared>>) offsets(%dma_start3A_175 : memref<80xi32, #tpu.memory_space<vmem>>) semaphore(%arg17 : memref<!tpu.dma_semaphore, #tpu.memory_space<semaphore_mem>>) {add = true}
        %dma_wait3A_179 = arith.constant 0 : i32
        %dma_wait3A_180 = tpu.memref_slice %arg7[%add3A_110, %dma_wait3A_179] : memref<25x80xi32, #tpu.memory_space<vmem>> -> memref<1x80xi32, #tpu.memory_space<vmem>>
        %dma_wait3A_181 = tpu.memref_squeeze %dma_wait3A_180 : memref<1x80xi32, #tpu.memory_space<vmem>> -> memref<80xi32, #tpu.memory_space<vmem>>
        %dma_wait3A_182 = arith.constant 0 : i32
        %dma_wait3A_183 = arith.constant 0 : i32
        %dma_wait3A_184 = tpu.memref_slice %arg4[%arg0, %dma_wait3A_182, %dma_wait3A_183] : memref<2x10000x128xf32, #tpu.memory_space<hbm>> -> memref<1x10000x128xf32, #tpu.memory_space<hbm>>
        %dma_wait3A_185 = tpu.memref_squeeze %dma_wait3A_184 : memref<1x10000x128xf32, #tpu.memory_space<hbm>> -> memref<10000x128xf32, #tpu.memory_space<hbm>>
        %dma_wait3A_186 = arith.constant 0 : i32
        %dma_wait3A_187 = arith.constant 0 : i32
        %dma_wait3A_188 = tpu.memref_slice %dma_wait3A_185[%dma_wait3A_186, %dma_wait3A_187] : memref<10000x128xf32, #tpu.memory_space<hbm>> -> memref<10000x128xf32, #tpu.memory_space<hbm>>
        tpu.wait_indirect_dma semaphore(%arg14 : memref<!tpu.dma_semaphore, #tpu.memory_space<semaphore_mem>>) src(%dma_wait3A_188 : memref<10000x128xf32, #tpu.memory_space<hbm>>) dst(%arg10 : memref<80x128xf32, #tpu.memory_space<vmem>>)
        %mul3A_189 = arith.constant 4 : i32
        %mul3A_190 = arith.muli %mul3A_189, %scan3A_87 : i32
        %add3A_191 = arith.constant 1 : i32
        %add3A_192 = arith.addi %mul3A_190, %add3A_191 : i32
        %dma_start3A_193 = arith.constant 0 : i32
        %dma_start3A_194 = tpu.memref_slice %arg8[%add3A_192, %dma_start3A_193] : memref<25x80xi32, #tpu.memory_space<vmem>> -> memref<1x80xi32, #tpu.memory_space<vmem>>
        %dma_start3A_195 = tpu.memref_squeeze %dma_start3A_194 : memref<1x80xi32, #tpu.memory_space<vmem>> -> memref<80xi32, #tpu.memory_space<vmem>>
        %dma_start3A_196 = arith.constant 0 : i32
        %dma_start3A_197 = arith.constant 0 : i32
        %dma_start3A_198 = tpu.memref_slice %arg6[%dma_start3A_196, %dma_start3A_197] : memref<10000x128xf32, #tpu.memory_space<vmem_shared>> -> memref<10000x128xf32, #tpu.memory_space<vmem_shared>>
        tpu.enqueue_indirect_dma source(%arg10 : memref<80x128xf32, #tpu.memory_space<vmem>>) target(%dma_start3A_198 : memref<10000x128xf32, #tpu.memory_space<vmem_shared>>) offsets(%dma_start3A_195 : memref<80xi32, #tpu.memory_space<vmem>>) semaphore(%arg18 : memref<!tpu.dma_semaphore, #tpu.memory_space<semaphore_mem>>) {add = true}
        %dma_wait3A_199 = arith.constant 0 : i32
        %dma_wait3A_200 = tpu.memref_slice %arg7[%add3A_129, %dma_wait3A_199] : memref<25x80xi32, #tpu.memory_space<vmem>> -> memref<1x80xi32, #tpu.memory_space<vmem>>
        %dma_wait3A_201 = tpu.memref_squeeze %dma_wait3A_200 : memref<1x80xi32, #tpu.memory_space<vmem>> -> memref<80xi32, #tpu.memory_space<vmem>>
        %dma_wait3A_202 = arith.constant 0 : i32
        %dma_wait3A_203 = arith.constant 0 : i32
        %dma_wait3A_204 = tpu.memref_slice %arg4[%arg0, %dma_wait3A_202, %dma_wait3A_203] : memref<2x10000x128xf32, #tpu.memory_space<hbm>> -> memref<1x10000x128xf32, #tpu.memory_space<hbm>>
        %dma_wait3A_205 = tpu.memref_squeeze %dma_wait3A_204 : memref<1x10000x128xf32, #tpu.memory_space<hbm>> -> memref<10000x128xf32, #tpu.memory_space<hbm>>
        %dma_wait3A_206 = arith.constant 0 : i32
        %dma_wait3A_207 = arith.constant 0 : i32
        %dma_wait3A_208 = tpu.memref_slice %dma_wait3A_205[%dma_wait3A_206, %dma_wait3A_207] : memref<10000x128xf32, #tpu.memory_space<hbm>> -> memref<10000x128xf32, #tpu.memory_space<hbm>>
        tpu.wait_indirect_dma semaphore(%arg15 : memref<!tpu.dma_semaphore, #tpu.memory_space<semaphore_mem>>) src(%dma_wait3A_208 : memref<10000x128xf32, #tpu.memory_space<hbm>>) dst(%arg11 : memref<80x128xf32, #tpu.memory_space<vmem>>)
        %mul3A_209 = arith.constant 4 : i32
        %mul3A_210 = arith.muli %mul3A_209, %scan3A_87 : i32
        %add3A_211 = arith.constant 2 : i32
        %add3A_212 = arith.addi %mul3A_210, %add3A_211 : i32
        %dma_start3A_213 = arith.constant 0 : i32
        %dma_start3A_214 = tpu.memref_slice %arg8[%add3A_212, %dma_start3A_213] : memref<25x80xi32, #tpu.memory_space<vmem>> -> memref<1x80xi32, #tpu.memory_space<vmem>>
        %dma_start3A_215 = tpu.memref_squeeze %dma_start3A_214 : memref<1x80xi32, #tpu.memory_space<vmem>> -> memref<80xi32, #tpu.memory_space<vmem>>
        %dma_start3A_216 = arith.constant 0 : i32
        %dma_start3A_217 = arith.constant 0 : i32
        %dma_start3A_218 = tpu.memref_slice %arg6[%dma_start3A_216, %dma_start3A_217] : memref<10000x128xf32, #tpu.memory_space<vmem_shared>> -> memref<10000x128xf32, #tpu.memory_space<vmem_shared>>
        tpu.enqueue_indirect_dma source(%arg11 : memref<80x128xf32, #tpu.memory_space<vmem>>) target(%dma_start3A_218 : memref<10000x128xf32, #tpu.memory_space<vmem_shared>>) offsets(%dma_start3A_215 : memref<80xi32, #tpu.memory_space<vmem>>) semaphore(%arg19 : memref<!tpu.dma_semaphore, #tpu.memory_space<semaphore_mem>>) {add = true}
        %dma_wait3A_219 = arith.constant 0 : i32
        %dma_wait3A_220 = tpu.memref_slice %arg7[%add3A_148, %dma_wait3A_219] : memref<25x80xi32, #tpu.memory_space<vmem>> -> memref<1x80xi32, #tpu.memory_space<vmem>>
        %dma_wait3A_221 = tpu.memref_squeeze %dma_wait3A_220 : memref<1x80xi32, #tpu.memory_space<vmem>> -> memref<80xi32, #tpu.memory_space<vmem>>
        %dma_wait3A_222 = arith.constant 0 : i32
        %dma_wait3A_223 = arith.constant 0 : i32
        %dma_wait3A_224 = tpu.memref_slice %arg4[%arg0, %dma_wait3A_222, %dma_wait3A_223] : memref<2x10000x128xf32, #tpu.memory_space<hbm>> -> memref<1x10000x128xf32, #tpu.memory_space<hbm>>
        %dma_wait3A_225 = tpu.memref_squeeze %dma_wait3A_224 : memref<1x10000x128xf32, #tpu.memory_space<hbm>> -> memref<10000x128xf32, #tpu.memory_space<hbm>>
        %dma_wait3A_226 = arith.constant 0 : i32
        %dma_wait3A_227 = arith.constant 0 : i32
        %dma_wait3A_228 = tpu.memref_slice %dma_wait3A_225[%dma_wait3A_226, %dma_wait3A_227] : memref<10000x128xf32, #tpu.memory_space<hbm>> -> memref<10000x128xf32, #tpu.memory_space<hbm>>
        tpu.wait_indirect_dma semaphore(%arg16 : memref<!tpu.dma_semaphore, #tpu.memory_space<semaphore_mem>>) src(%dma_wait3A_228 : memref<10000x128xf32, #tpu.memory_space<hbm>>) dst(%arg12 : memref<80x128xf32, #tpu.memory_space<vmem>>)
        %mul3A_229 = arith.constant 4 : i32
        %mul3A_230 = arith.muli %mul3A_229, %scan3A_87 : i32
        %add3A_231 = arith.constant 3 : i32
        %add3A_232 = arith.addi %mul3A_230, %add3A_231 : i32
        %dma_start3A_233 = arith.constant 0 : i32
        %dma_start3A_234 = tpu.memref_slice %arg8[%add3A_232, %dma_start3A_233] : memref<25x80xi32, #tpu.memory_space<vmem>> -> memref<1x80xi32, #tpu.memory_space<vmem>>
        %dma_start3A_235 = tpu.memref_squeeze %dma_start3A_234 : memref<1x80xi32, #tpu.memory_space<vmem>> -> memref<80xi32, #tpu.memory_space<vmem>>
        %dma_start3A_236 = arith.constant 0 : i32
        %dma_start3A_237 = arith.constant 0 : i32
        %dma_start3A_238 = tpu.memref_slice %arg6[%dma_start3A_236, %dma_start3A_237] : memref<10000x128xf32, #tpu.memory_space<vmem_shared>> -> memref<10000x128xf32, #tpu.memory_space<vmem_shared>>
        tpu.enqueue_indirect_dma source(%arg12 : memref<80x128xf32, #tpu.memory_space<vmem>>) target(%dma_start3A_238 : memref<10000x128xf32, #tpu.memory_space<vmem_shared>>) offsets(%dma_start3A_235 : memref<80xi32, #tpu.memory_space<vmem>>) semaphore(%arg20 : memref<!tpu.dma_semaphore, #tpu.memory_space<semaphore_mem>>) {add = true}
      }
      %scan3A_24 = arith.constant 6 : i32
      %dma_wait3A = arith.constant 0 : i32
      %dma_wait3A_25 = arith.constant 0 : i32
      %dma_wait3A_26 = tpu.memref_slice %arg8[%dma_wait3A, %dma_wait3A_25] : memref<25x80xi32, #tpu.memory_space<vmem>> -> memref<1x80xi32, #tpu.memory_space<vmem>>
      %dma_wait3A_27 = tpu.memref_squeeze %dma_wait3A_26 : memref<1x80xi32, #tpu.memory_space<vmem>> -> memref<80xi32, #tpu.memory_space<vmem>>
      %dma_wait3A_28 = arith.constant 0 : i32
      %dma_wait3A_29 = arith.constant 0 : i32
      %dma_wait3A_30 = tpu.memref_slice %arg6[%dma_wait3A_28, %dma_wait3A_29] : memref<10000x128xf32, #tpu.memory_space<vmem_shared>> -> memref<10000x128xf32, #tpu.memory_space<vmem_shared>>
      tpu.wait_indirect_dma semaphore(%arg17 : memref<!tpu.dma_semaphore, #tpu.memory_space<semaphore_mem>>) src(%arg9 : memref<80x128xf32, #tpu.memory_space<vmem>>) dst(%dma_wait3A_30 : memref<10000x128xf32, #tpu.memory_space<vmem_shared>>)
      %dma_start3A = arith.constant 24 : i32
      %dma_start3A_31 = arith.constant 0 : i32
      %dma_start3A_32 = tpu.memref_slice %arg7[%dma_start3A, %dma_start3A_31] : memref<25x80xi32, #tpu.memory_space<vmem>> -> memref<1x80xi32, #tpu.memory_space<vmem>>
      %dma_start3A_33 = tpu.memref_squeeze %dma_start3A_32 : memref<1x80xi32, #tpu.memory_space<vmem>> -> memref<80xi32, #tpu.memory_space<vmem>>
      %dma_start3A_34 = arith.constant 0 : i32
      %dma_start3A_35 = arith.constant 0 : i32
      %dma_start3A_36 = tpu.memref_slice %arg4[%arg0, %dma_start3A_34, %dma_start3A_35] : memref<2x10000x128xf32, #tpu.memory_space<hbm>> -> memref<1x10000x128xf32, #tpu.memory_space<hbm>>
      %dma_start3A_37 = tpu.memref_squeeze %dma_start3A_36 : memref<1x10000x128xf32, #tpu.memory_space<hbm>> -> memref<10000x128xf32, #tpu.memory_space<hbm>>
      %dma_start3A_38 = arith.constant 0 : i32
      %dma_start3A_39 = arith.constant 0 : i32
      %dma_start3A_40 = tpu.memref_slice %dma_start3A_37[%dma_start3A_38, %dma_start3A_39] : memref<10000x128xf32, #tpu.memory_space<hbm>> -> memref<10000x128xf32, #tpu.memory_space<hbm>>
      tpu.enqueue_indirect_dma source(%dma_start3A_40 : memref<10000x128xf32, #tpu.memory_space<hbm>>) target(%arg9 : memref<80x128xf32, #tpu.memory_space<vmem>>) offsets(%dma_start3A_33 : memref<80xi32, #tpu.memory_space<vmem>>) semaphore(%arg13 : memref<!tpu.dma_semaphore, #tpu.memory_space<semaphore_mem>>)
      %dma_wait3A_41 = arith.constant 24 : i32
      %dma_wait3A_42 = arith.constant 0 : i32
      %dma_wait3A_43 = tpu.memref_slice %arg7[%dma_wait3A_41, %dma_wait3A_42] : memref<25x80xi32, #tpu.memory_space<vmem>> -> memref<1x80xi32, #tpu.memory_space<vmem>>
      %dma_wait3A_44 = tpu.memref_squeeze %dma_wait3A_43 : memref<1x80xi32, #tpu.memory_space<vmem>> -> memref<80xi32, #tpu.memory_space<vmem>>
      %dma_wait3A_45 = arith.constant 0 : i32
      %dma_wait3A_46 = arith.constant 0 : i32
      %dma_wait3A_47 = tpu.memref_slice %arg4[%arg0, %dma_wait3A_45, %dma_wait3A_46] : memref<2x10000x128xf32, #tpu.memory_space<hbm>> -> memref<1x10000x128xf32, #tpu.memory_space<hbm>>
      %dma_wait3A_48 = tpu.memref_squeeze %dma_wait3A_47 : memref<1x10000x128xf32, #tpu.memory_space<hbm>> -> memref<10000x128xf32, #tpu.memory_space<hbm>>
      %dma_wait3A_49 = arith.constant 0 : i32
      %dma_wait3A_50 = arith.constant 0 : i32
      %dma_wait3A_51 = tpu.memref_slice %dma_wait3A_48[%dma_wait3A_49, %dma_wait3A_50] : memref<10000x128xf32, #tpu.memory_space<hbm>> -> memref<10000x128xf32, #tpu.memory_space<hbm>>
      tpu.wait_indirect_dma semaphore(%arg13 : memref<!tpu.dma_semaphore, #tpu.memory_space<semaphore_mem>>) src(%dma_wait3A_51 : memref<10000x128xf32, #tpu.memory_space<hbm>>) dst(%arg9 : memref<80x128xf32, #tpu.memory_space<vmem>>)
      %dma_start3A_52 = arith.constant 24 : i32
      %dma_start3A_53 = arith.constant 0 : i32
      %dma_start3A_54 = tpu.memref_slice %arg8[%dma_start3A_52, %dma_start3A_53] : memref<25x80xi32, #tpu.memory_space<vmem>> -> memref<1x80xi32, #tpu.memory_space<vmem>>
      %dma_start3A_55 = tpu.memref_squeeze %dma_start3A_54 : memref<1x80xi32, #tpu.memory_space<vmem>> -> memref<80xi32, #tpu.memory_space<vmem>>
      %dma_start3A_56 = arith.constant 0 : i32
      %dma_start3A_57 = arith.constant 0 : i32
      %dma_start3A_58 = tpu.memref_slice %arg6[%dma_start3A_56, %dma_start3A_57] : memref<10000x128xf32, #tpu.memory_space<vmem_shared>> -> memref<10000x128xf32, #tpu.memory_space<vmem_shared>>
      tpu.enqueue_indirect_dma source(%arg9 : memref<80x128xf32, #tpu.memory_space<vmem>>) target(%dma_start3A_58 : memref<10000x128xf32, #tpu.memory_space<vmem_shared>>) offsets(%dma_start3A_55 : memref<80xi32, #tpu.memory_space<vmem>>) semaphore(%arg17 : memref<!tpu.dma_semaphore, #tpu.memory_space<semaphore_mem>>) {add = true}
      %dma_wait3A_59 = arith.constant 0 : i32
      %dma_wait3A_60 = arith.constant 0 : i32
      %dma_wait3A_61 = tpu.memref_slice %arg8[%dma_wait3A_59, %dma_wait3A_60] : memref<25x80xi32, #tpu.memory_space<vmem>> -> memref<1x80xi32, #tpu.memory_space<vmem>>
      %dma_wait3A_62 = tpu.memref_squeeze %dma_wait3A_61 : memref<1x80xi32, #tpu.memory_space<vmem>> -> memref<80xi32, #tpu.memory_space<vmem>>
      %dma_wait3A_63 = arith.constant 0 : i32
      %dma_wait3A_64 = arith.constant 0 : i32
      %dma_wait3A_65 = tpu.memref_slice %arg6[%dma_wait3A_63, %dma_wait3A_64] : memref<10000x128xf32, #tpu.memory_space<vmem_shared>> -> memref<10000x128xf32, #tpu.memory_space<vmem_shared>>
      tpu.wait_indirect_dma semaphore(%arg17 : memref<!tpu.dma_semaphore, #tpu.memory_space<semaphore_mem>>) src(%arg9 : memref<80x128xf32, #tpu.memory_space<vmem>>) dst(%dma_wait3A_65 : memref<10000x128xf32, #tpu.memory_space<vmem_shared>>)
      %dma_wait3A_66 = arith.constant 0 : i32
      %dma_wait3A_67 = arith.constant 0 : i32
      %dma_wait3A_68 = tpu.memref_slice %arg8[%dma_wait3A_66, %dma_wait3A_67] : memref<25x80xi32, #tpu.memory_space<vmem>> -> memref<1x80xi32, #tpu.memory_space<vmem>>
      %dma_wait3A_69 = tpu.memref_squeeze %dma_wait3A_68 : memref<1x80xi32, #tpu.memory_space<vmem>> -> memref<80xi32, #tpu.memory_space<vmem>>
      %dma_wait3A_70 = arith.constant 0 : i32
      %dma_wait3A_71 = arith.constant 0 : i32
      %dma_wait3A_72 = tpu.memref_slice %arg6[%dma_wait3A_70, %dma_wait3A_71] : memref<10000x128xf32, #tpu.memory_space<vmem_shared>> -> memref<10000x128xf32, #tpu.memory_space<vmem_shared>>
      tpu.wait_indirect_dma semaphore(%arg18 : memref<!tpu.dma_semaphore, #tpu.memory_space<semaphore_mem>>) src(%arg10 : memref<80x128xf32, #tpu.memory_space<vmem>>) dst(%dma_wait3A_72 : memref<10000x128xf32, #tpu.memory_space<vmem_shared>>)
      %dma_wait3A_73 = arith.constant 0 : i32
      %dma_wait3A_74 = arith.constant 0 : i32
      %dma_wait3A_75 = tpu.memref_slice %arg8[%dma_wait3A_73, %dma_wait3A_74] : memref<25x80xi32, #tpu.memory_space<vmem>> -> memref<1x80xi32, #tpu.memory_space<vmem>>
      %dma_wait3A_76 = tpu.memref_squeeze %dma_wait3A_75 : memref<1x80xi32, #tpu.memory_space<vmem>> -> memref<80xi32, #tpu.memory_space<vmem>>
      %dma_wait3A_77 = arith.constant 0 : i32
      %dma_wait3A_78 = arith.constant 0 : i32
      %dma_wait3A_79 = tpu.memref_slice %arg6[%dma_wait3A_77, %dma_wait3A_78] : memref<10000x128xf32, #tpu.memory_space<vmem_shared>> -> memref<10000x128xf32, #tpu.memory_space<vmem_shared>>
      tpu.wait_indirect_dma semaphore(%arg19 : memref<!tpu.dma_semaphore, #tpu.memory_space<semaphore_mem>>) src(%arg11 : memref<80x128xf32, #tpu.memory_space<vmem>>) dst(%dma_wait3A_79 : memref<10000x128xf32, #tpu.memory_space<vmem_shared>>)
      %dma_wait3A_80 = arith.constant 0 : i32
      %dma_wait3A_81 = arith.constant 0 : i32
      %dma_wait3A_82 = tpu.memref_slice %arg8[%dma_wait3A_80, %dma_wait3A_81] : memref<25x80xi32, #tpu.memory_space<vmem>> -> memref<1x80xi32, #tpu.memory_space<vmem>>
      %dma_wait3A_83 = tpu.memref_squeeze %dma_wait3A_82 : memref<1x80xi32, #tpu.memory_space<vmem>> -> memref<80xi32, #tpu.memory_space<vmem>>
      %dma_wait3A_84 = arith.constant 0 : i32
      %dma_wait3A_85 = arith.constant 0 : i32
      %dma_wait3A_86 = tpu.memref_slice %arg6[%dma_wait3A_84, %dma_wait3A_85] : memref<10000x128xf32, #tpu.memory_space<vmem_shared>> -> memref<10000x128xf32, #tpu.memory_space<vmem_shared>>
      tpu.wait_indirect_dma semaphore(%arg20 : memref<!tpu.dma_semaphore, #tpu.memory_space<semaphore_mem>>) src(%arg12 : memref<80x128xf32, #tpu.memory_space<vmem>>) dst(%dma_wait3A_86 : memref<10000x128xf32, #tpu.memory_space<vmem_shared>>)
    }
    %scan3A_10 = arith.constant 5 : i32
    %barrier3A_11 = arith.constant 0 : index
    tpu.barrier barrier_id(%barrier3A_11)
    %scan3A_12 = arith.constant 0 : i32
    %scan3A_13 = arith.constant 0 : i32
    %scan3A_14 = arith.constant 8 : i32
    %scan3A_15 = arith.addi %scan3A_13, %scan3A_14 : i32
    %scan3A_16 = arith.constant 1 : i32
    scf.for %scan3A_18 = %scan3A_13 to %scan3A_15 step %scan3A_16  : i32 {
      %mul3A = arith.constant 16 : i32
      %mul3A_19 = arith.muli %mul3A, %scan3A_18 : i32
      %add3A = arith.addi %arg1, %mul3A_19 : i32
      %lt3A = arith.constant 125 : i32
      %lt3A_20 = arith.cmpi slt, %add3A, %lt3A : i32
      %convert_element_type3A = arith.extui %lt3A_20 : i1 to i32
      %cond3A = arith.constant 0 : i32
      %cond3A_21 = arith.cmpi ne, %convert_element_type3A, %cond3A : i32
      scf.if %cond3A_21 {
        %mul3A_22 = arith.constant 80 : i32
        %mul3A_23 = arith.muli %add3A, %mul3A_22 : i32
        "tpu.region"() ({
          %run_scoped3A = tpu.sem_alloc : memref<!tpu.dma_semaphore, #tpu.memory_space<semaphore_mem>>
          %dma_start3A = arith.constant 0 : i32
          %dma_start3A_24 = tpu.memref_slice %arg6[%mul3A_23, %dma_start3A] : memref<10000x128xf32, #tpu.memory_space<vmem_shared>> -> memref<80x128xf32, #tpu.memory_space<vmem_shared>>
          %dma_start3A_25 = arith.constant 0 : i32
          %dma_start3A_26 = tpu.memref_slice %arg6[%mul3A_23, %dma_start3A_25] : memref<10000x128xf32, #tpu.memory_space<vmem_shared>> -> memref<80x128xf32, #tpu.memory_space<vmem_shared>>
          tpu.enqueue_dma source(%dma_start3A_26 : memref<80x128xf32, #tpu.memory_space<vmem_shared>>) target(%arg9 : memref<80x128xf32, #tpu.memory_space<vmem>>) target_semaphore(%run_scoped3A : memref<!tpu.dma_semaphore, #tpu.memory_space<semaphore_mem>>)
          %dma_wait3A = arith.constant 0 : i32
          %dma_wait3A_27 = tpu.memref_slice %arg6[%mul3A_23, %dma_wait3A] : memref<10000x128xf32, #tpu.memory_space<vmem_shared>> -> memref<80x128xf32, #tpu.memory_space<vmem_shared>>
          %dma_wait3A_28 = arith.constant 0 : i32
          %dma_wait3A_29 = tpu.memref_slice %arg6[%mul3A_23, %dma_wait3A_28] : memref<10000x128xf32, #tpu.memory_space<vmem_shared>> -> memref<80x128xf32, #tpu.memory_space<vmem_shared>>
          tpu.wait_dma2 semaphore(%run_scoped3A : memref<!tpu.dma_semaphore, #tpu.memory_space<semaphore_mem>>) src(%dma_wait3A_29 : memref<80x128xf32, #tpu.memory_space<vmem_shared>>) dst(%arg9 : memref<80x128xf32, #tpu.memory_space<vmem>>)
          tpu.yield
        }) : () -> ()
        "tpu.region"() ({
          %run_scoped3A = tpu.sem_alloc : memref<!tpu.dma_semaphore, #tpu.memory_space<semaphore_mem>>
          %dma_start3A = arith.constant 0 : i32
          %dma_start3A_24 = arith.constant 0 : i32
          %dma_start3A_25 = tpu.memref_slice %arg5[%arg0, %dma_start3A, %dma_start3A_24] : memref<2x10000x128xf32, #tpu.memory_space<hbm>> -> memref<1x10000x128xf32, #tpu.memory_space<hbm>>
          %dma_start3A_26 = tpu.memref_squeeze %dma_start3A_25 : memref<1x10000x128xf32, #tpu.memory_space<hbm>> -> memref<10000x128xf32, #tpu.memory_space<hbm>>
          %dma_start3A_27 = arith.constant 0 : i32
          %dma_start3A_28 = tpu.memref_slice %dma_start3A_26[%mul3A_23, %dma_start3A_27] : memref<10000x128xf32, #tpu.memory_space<hbm>> -> memref<80x128xf32, #tpu.memory_space<hbm>>
          %dma_start3A_29 = arith.constant 0 : i32
          %dma_start3A_30 = arith.constant 0 : i32
          %dma_start3A_31 = tpu.memref_slice %arg5[%arg0, %dma_start3A_29, %dma_start3A_30] : memref<2x10000x128xf32, #tpu.memory_space<hbm>> -> memref<1x10000x128xf32, #tpu.memory_space<hbm>>
          %dma_start3A_32 = tpu.memref_squeeze %dma_start3A_31 : memref<1x10000x128xf32, #tpu.memory_space<hbm>> -> memref<10000x128xf32, #tpu.memory_space<hbm>>
          %dma_start3A_33 = arith.constant 0 : i32
          %dma_start3A_34 = tpu.memref_slice %dma_start3A_32[%mul3A_23, %dma_start3A_33] : memref<10000x128xf32, #tpu.memory_space<hbm>> -> memref<80x128xf32, #tpu.memory_space<hbm>>
          tpu.enqueue_dma source(%arg9 : memref<80x128xf32, #tpu.memory_space<vmem>>) target(%dma_start3A_34 : memref<80x128xf32, #tpu.memory_space<hbm>>) target_semaphore(%run_scoped3A : memref<!tpu.dma_semaphore, #tpu.memory_space<semaphore_mem>>)
          %dma_wait3A = arith.constant 0 : i32
          %dma_wait3A_35 = arith.constant 0 : i32
          %dma_wait3A_36 = tpu.memref_slice %arg5[%arg0, %dma_wait3A, %dma_wait3A_35] : memref<2x10000x128xf32, #tpu.memory_space<hbm>> -> memref<1x10000x128xf32, #tpu.memory_space<hbm>>
          %dma_wait3A_37 = tpu.memref_squeeze %dma_wait3A_36 : memref<1x10000x128xf32, #tpu.memory_space<hbm>> -> memref<10000x128xf32, #tpu.memory_space<hbm>>
          %dma_wait3A_38 = arith.constant 0 : i32
          %dma_wait3A_39 = tpu.memref_slice %dma_wait3A_37[%mul3A_23, %dma_wait3A_38] : memref<10000x128xf32, #tpu.memory_space<hbm>> -> memref<80x128xf32, #tpu.memory_space<hbm>>
          %dma_wait3A_40 = arith.constant 0 : i32
          %dma_wait3A_41 = arith.constant 0 : i32
          %dma_wait3A_42 = tpu.memref_slice %arg5[%arg0, %dma_wait3A_40, %dma_wait3A_41] : memref<2x10000x128xf32, #tpu.memory_space<hbm>> -> memref<1x10000x128xf32, #tpu.memory_space<hbm>>
          %dma_wait3A_43 = tpu.memref_squeeze %dma_wait3A_42 : memref<1x10000x128xf32, #tpu.memory_space<hbm>> -> memref<10000x128xf32, #tpu.memory_space<hbm>>
          %dma_wait3A_44 = arith.constant 0 : i32
          %dma_wait3A_45 = tpu.memref_slice %dma_wait3A_43[%mul3A_23, %dma_wait3A_44] : memref<10000x128xf32, #tpu.memory_space<hbm>> -> memref<80x128xf32, #tpu.memory_space<hbm>>
          tpu.wait_dma2 semaphore(%run_scoped3A : memref<!tpu.dma_semaphore, #tpu.memory_space<semaphore_mem>>) src(%arg9 : memref<80x128xf32, #tpu.memory_space<vmem>>) dst(%dma_wait3A_45 : memref<80x128xf32, #tpu.memory_space<hbm>>)
          tpu.yield
        }) : () -> ()
      } else {
      }
    }
    %scan3A_17 = arith.constant 8 : i32
    return
  }
}

#map = affine_map<(d0, d1) -> (0, 0, 0, 0)>
#map1 = affine_map<(d0, d1) -> (0, 0, 0)>
module attributes {stable_mosaic.version = 14 : i64} {
  func.func @_edge_kernel(%arg0: i32, %arg1: i32, %arg2: memref<16x5x25x80xi32, #tpu.memory_space<hbm>>, %arg3: memref<16x5x25x80xi32, #tpu.memory_space<hbm>>, %arg4: memref<2x10000x128xf32, #tpu.memory_space<hbm>>, %arg5: memref<2x10000x128xf32, #tpu.memory_space<hbm>>, %arg6: memref<10000x128xf32, #tpu.memory_space<vmem_shared>>, %arg7: memref<25x80xi32, #tpu.memory_space<vmem>>, %arg8: memref<25x80xi32, #tpu.memory_space<vmem>>, %arg9: memref<80x128xf32, #tpu.memory_space<vmem>>, %arg10: memref<80x128xf32, #tpu.memory_space<vmem>>, %arg11: memref<80x128xf32, #tpu.memory_space<vmem>>, %arg12: memref<80x128xf32, #tpu.memory_space<vmem>>, %arg13: memref<!tpu.dma_semaphore, #tpu.memory_space<semaphore_mem>>, %arg14: memref<!tpu.dma_semaphore, #tpu.memory_space<semaphore_mem>>, %arg15: memref<!tpu.dma_semaphore, #tpu.memory_space<semaphore_mem>>, %arg16: memref<!tpu.dma_semaphore, #tpu.memory_space<semaphore_mem>>, %arg17: memref<!tpu.dma_semaphore, #tpu.memory_space<semaphore_mem>>, %arg18: memref<!tpu.dma_semaphore, #tpu.memory_space<semaphore_mem>>, %arg19: memref<!tpu.dma_semaphore, #tpu.memory_space<semaphore_mem>>, %arg20: memref<!tpu.dma_semaphore, #tpu.memory_space<semaphore_mem>>) attributes {dimension_semantics = [#tpu.dimension_semantics<core_parallel>, #tpu.dimension_semantics<subcore_parallel>], iteration_bounds = array<i64: 2, 16>, scalar_prefetch = 0 : i64, scratch_operands = 15 : i64, tpu.core_type = #tpu.core_type<sc_vector_subcore>, window_params = [{transform_indices = #map}, {transform_indices = #map}, {transform_indices = #map1}, {transform_indices = #map1}]} {
    %scan3A = arith.constant 0 : i32
    %scan3A_0 = arith.constant 0 : i32
    %scan3A_1 = arith.constant 8 : i32
    %scan3A_2 = arith.addi %scan3A_0, %scan3A_1 : i32
    %scan3A_3 = arith.constant 1 : i32
    scf.for %scan3A_18 = %scan3A_0 to %scan3A_2 step %scan3A_3  : i32 {
      %mul3A = arith.constant 16 : i32
      %mul3A_19 = arith.muli %mul3A, %scan3A_18 : i32
      %add3A = arith.addi %arg1, %mul3A_19 : i32
      %lt3A = arith.constant 125 : i32
      %lt3A_20 = arith.cmpi slt, %add3A, %lt3A : i32
      %convert_element_type3A = arith.extui %lt3A_20 : i1 to i32
      %cond3A = arith.constant 0 : i32
      %cond3A_21 = arith.cmpi ne, %convert_element_type3A, %cond3A : i32
      scf.if %cond3A_21 {
        %mul3A_22 = arith.constant 80 : i32
        %mul3A_23 = arith.muli %add3A, %mul3A_22 : i32
        "tpu.region"() ({
          %run_scoped3A = tpu.sem_alloc : memref<!tpu.dma_semaphore, #tpu.memory_space<semaphore_mem>>
          %dma_start3A = arith.constant 0 : i32
          %dma_start3A_24 = arith.constant 0 : i32
          %dma_start3A_25 = tpu.memref_slice %arg4[%arg0, %dma_start3A, %dma_start3A_24] : memref<2x10000x128xf32, #tpu.memory_space<hbm>> -> memref<1x10000x128xf32, #tpu.memory_space<hbm>>
          %dma_start3A_26 = tpu.memref_squeeze %dma_start3A_25 : memref<1x10000x128xf32, #tpu.memory_space<hbm>> -> memref<10000x128xf32, #tpu.memory_space<hbm>>
          %dma_start3A_27 = arith.constant 0 : i32
          %dma_start3A_28 = tpu.memref_slice %dma_start3A_26[%mul3A_23, %dma_start3A_27] : memref<10000x128xf32, #tpu.memory_space<hbm>> -> memref<80x128xf32, #tpu.memory_space<hbm>>
          %dma_start3A_29 = arith.constant 0 : i32
          %dma_start3A_30 = arith.constant 0 : i32
          %dma_start3A_31 = tpu.memref_slice %arg4[%arg0, %dma_start3A_29, %dma_start3A_30] : memref<2x10000x128xf32, #tpu.memory_space<hbm>> -> memref<1x10000x128xf32, #tpu.memory_space<hbm>>
          %dma_start3A_32 = tpu.memref_squeeze %dma_start3A_31 : memref<1x10000x128xf32, #tpu.memory_space<hbm>> -> memref<10000x128xf32, #tpu.memory_space<hbm>>
          %dma_start3A_33 = arith.constant 0 : i32
          %dma_start3A_34 = tpu.memref_slice %dma_start3A_32[%mul3A_23, %dma_start3A_33] : memref<10000x128xf32, #tpu.memory_space<hbm>> -> memref<80x128xf32, #tpu.memory_space<hbm>>
          tpu.enqueue_dma source(%dma_start3A_34 : memref<80x128xf32, #tpu.memory_space<hbm>>) target(%arg9 : memref<80x128xf32, #tpu.memory_space<vmem>>) target_semaphore(%run_scoped3A : memref<!tpu.dma_semaphore, #tpu.memory_space<semaphore_mem>>)
          %dma_wait3A = arith.constant 0 : i32
          %dma_wait3A_35 = arith.constant 0 : i32
          %dma_wait3A_36 = tpu.memref_slice %arg4[%arg0, %dma_wait3A, %dma_wait3A_35] : memref<2x10000x128xf32, #tpu.memory_space<hbm>> -> memref<1x10000x128xf32, #tpu.memory_space<hbm>>
          %dma_wait3A_37 = tpu.memref_squeeze %dma_wait3A_36 : memref<1x10000x128xf32, #tpu.memory_space<hbm>> -> memref<10000x128xf32, #tpu.memory_space<hbm>>
          %dma_wait3A_38 = arith.constant 0 : i32
          %dma_wait3A_39 = tpu.memref_slice %dma_wait3A_37[%mul3A_23, %dma_wait3A_38] : memref<10000x128xf32, #tpu.memory_space<hbm>> -> memref<80x128xf32, #tpu.memory_space<hbm>>
          %dma_wait3A_40 = arith.constant 0 : i32
          %dma_wait3A_41 = arith.constant 0 : i32
          %dma_wait3A_42 = tpu.memref_slice %arg4[%arg0, %dma_wait3A_40, %dma_wait3A_41] : memref<2x10000x128xf32, #tpu.memory_space<hbm>> -> memref<1x10000x128xf32, #tpu.memory_space<hbm>>
          %dma_wait3A_43 = tpu.memref_squeeze %dma_wait3A_42 : memref<1x10000x128xf32, #tpu.memory_space<hbm>> -> memref<10000x128xf32, #tpu.memory_space<hbm>>
          %dma_wait3A_44 = arith.constant 0 : i32
          %dma_wait3A_45 = tpu.memref_slice %dma_wait3A_43[%mul3A_23, %dma_wait3A_44] : memref<10000x128xf32, #tpu.memory_space<hbm>> -> memref<80x128xf32, #tpu.memory_space<hbm>>
          tpu.wait_dma2 semaphore(%run_scoped3A : memref<!tpu.dma_semaphore, #tpu.memory_space<semaphore_mem>>) src(%dma_wait3A_45 : memref<80x128xf32, #tpu.memory_space<hbm>>) dst(%arg9 : memref<80x128xf32, #tpu.memory_space<vmem>>)
          tpu.yield
        }) : () -> ()
        "tpu.region"() ({
          %run_scoped3A = tpu.sem_alloc : memref<!tpu.dma_semaphore, #tpu.memory_space<semaphore_mem>>
          %dma_start3A = arith.constant 0 : i32
          %dma_start3A_24 = tpu.memref_slice %arg6[%mul3A_23, %dma_start3A] : memref<10000x128xf32, #tpu.memory_space<vmem_shared>> -> memref<80x128xf32, #tpu.memory_space<vmem_shared>>
          %dma_start3A_25 = arith.constant 0 : i32
          %dma_start3A_26 = tpu.memref_slice %arg6[%mul3A_23, %dma_start3A_25] : memref<10000x128xf32, #tpu.memory_space<vmem_shared>> -> memref<80x128xf32, #tpu.memory_space<vmem_shared>>
          tpu.enqueue_dma source(%arg9 : memref<80x128xf32, #tpu.memory_space<vmem>>) target(%dma_start3A_26 : memref<80x128xf32, #tpu.memory_space<vmem_shared>>) target_semaphore(%run_scoped3A : memref<!tpu.dma_semaphore, #tpu.memory_space<semaphore_mem>>)
          %dma_wait3A = arith.constant 0 : i32
          %dma_wait3A_27 = tpu.memref_slice %arg6[%mul3A_23, %dma_wait3A] : memref<10000x128xf32, #tpu.memory_space<vmem_shared>> -> memref<80x128xf32, #tpu.memory_space<vmem_shared>>
          %dma_wait3A_28 = arith.constant 0 : i32
          %dma_wait3A_29 = tpu.memref_slice %arg6[%mul3A_23, %dma_wait3A_28] : memref<10000x128xf32, #tpu.memory_space<vmem_shared>> -> memref<80x128xf32, #tpu.memory_space<vmem_shared>>
          tpu.wait_dma2 semaphore(%run_scoped3A : memref<!tpu.dma_semaphore, #tpu.memory_space<semaphore_mem>>) src(%arg9 : memref<80x128xf32, #tpu.memory_space<vmem>>) dst(%dma_wait3A_29 : memref<80x128xf32, #tpu.memory_space<vmem_shared>>)
          tpu.yield
        }) : () -> ()
      } else {
      }
    }
    %scan3A_4 = arith.constant 8 : i32
    %barrier3A = arith.constant 0 : index
    tpu.barrier barrier_id(%barrier3A)
    %scan3A_5 = arith.constant 0 : i32
    %scan3A_6 = arith.constant 0 : i32
    %scan3A_7 = arith.constant 5 : i32
    %scan3A_8 = arith.addi %scan3A_6, %scan3A_7 : i32
    %scan3A_9 = arith.constant 1 : i32
    scf.for %scan3A_18 = %scan3A_6 to %scan3A_8 step %scan3A_9  : i32 {
      "tpu.region"() ({
        %run_scoped3A = tpu.sem_alloc : memref<!tpu.dma_semaphore, #tpu.memory_space<semaphore_mem>>
        %dma_start3A_87 = arith.constant 0 : i32
        %dma_start3A_88 = arith.constant 0 : i32
        %dma_start3A_89 = arith.constant 0 : i32
        %dma_start3A_90 = tpu.memref_slice %arg2[%arg1, %dma_start3A_87, %dma_start3A_88, %dma_start3A_89] : memref<16x5x25x80xi32, #tpu.memory_space<hbm>> -> memref<1x5x25x80xi32, #tpu.memory_space<hbm>>
        %dma_start3A_91 = tpu.memref_squeeze %dma_start3A_90 : memref<1x5x25x80xi32, #tpu.memory_space<hbm>> -> memref<5x25x80xi32, #tpu.memory_space<hbm>>
        %dma_start3A_92 = arith.constant 0 : i32
        %dma_start3A_93 = arith.constant 0 : i32
        %dma_start3A_94 = tpu.memref_slice %dma_start3A_91[%scan3A_18, %dma_start3A_92, %dma_start3A_93] : memref<5x25x80xi32, #tpu.memory_space<hbm>> -> memref<1x25x80xi32, #tpu.memory_space<hbm>>
        %dma_start3A_95 = tpu.memref_squeeze %dma_start3A_94 : memref<1x25x80xi32, #tpu.memory_space<hbm>> -> memref<25x80xi32, #tpu.memory_space<hbm>>
        %dma_start3A_96 = arith.constant 0 : i32
        %dma_start3A_97 = arith.constant 0 : i32
        %dma_start3A_98 = arith.constant 0 : i32
        %dma_start3A_99 = tpu.memref_slice %arg2[%arg1, %dma_start3A_96, %dma_start3A_97, %dma_start3A_98] : memref<16x5x25x80xi32, #tpu.memory_space<hbm>> -> memref<1x5x25x80xi32, #tpu.memory_space<hbm>>
        %dma_start3A_100 = tpu.memref_squeeze %dma_start3A_99 : memref<1x5x25x80xi32, #tpu.memory_space<hbm>> -> memref<5x25x80xi32, #tpu.memory_space<hbm>>
        %dma_start3A_101 = arith.constant 0 : i32
        %dma_start3A_102 = arith.constant 0 : i32
        %dma_start3A_103 = tpu.memref_slice %dma_start3A_100[%scan3A_18, %dma_start3A_101, %dma_start3A_102] : memref<5x25x80xi32, #tpu.memory_space<hbm>> -> memref<1x25x80xi32, #tpu.memory_space<hbm>>
        %dma_start3A_104 = tpu.memref_squeeze %dma_start3A_103 : memref<1x25x80xi32, #tpu.memory_space<hbm>> -> memref<25x80xi32, #tpu.memory_space<hbm>>
        tpu.enqueue_dma source(%dma_start3A_104 : memref<25x80xi32, #tpu.memory_space<hbm>>) target(%arg7 : memref<25x80xi32, #tpu.memory_space<vmem>>) target_semaphore(%run_scoped3A : memref<!tpu.dma_semaphore, #tpu.memory_space<semaphore_mem>>)
        %dma_wait3A_105 = arith.constant 0 : i32
        %dma_wait3A_106 = arith.constant 0 : i32
        %dma_wait3A_107 = arith.constant 0 : i32
        %dma_wait3A_108 = tpu.memref_slice %arg2[%arg1, %dma_wait3A_105, %dma_wait3A_106, %dma_wait3A_107] : memref<16x5x25x80xi32, #tpu.memory_space<hbm>> -> memref<1x5x25x80xi32, #tpu.memory_space<hbm>>
        %dma_wait3A_109 = tpu.memref_squeeze %dma_wait3A_108 : memref<1x5x25x80xi32, #tpu.memory_space<hbm>> -> memref<5x25x80xi32, #tpu.memory_space<hbm>>
        %dma_wait3A_110 = arith.constant 0 : i32
        %dma_wait3A_111 = arith.constant 0 : i32
        %dma_wait3A_112 = tpu.memref_slice %dma_wait3A_109[%scan3A_18, %dma_wait3A_110, %dma_wait3A_111] : memref<5x25x80xi32, #tpu.memory_space<hbm>> -> memref<1x25x80xi32, #tpu.memory_space<hbm>>
        %dma_wait3A_113 = tpu.memref_squeeze %dma_wait3A_112 : memref<1x25x80xi32, #tpu.memory_space<hbm>> -> memref<25x80xi32, #tpu.memory_space<hbm>>
        %dma_wait3A_114 = arith.constant 0 : i32
        %dma_wait3A_115 = arith.constant 0 : i32
        %dma_wait3A_116 = arith.constant 0 : i32
        %dma_wait3A_117 = tpu.memref_slice %arg2[%arg1, %dma_wait3A_114, %dma_wait3A_115, %dma_wait3A_116] : memref<16x5x25x80xi32, #tpu.memory_space<hbm>> -> memref<1x5x25x80xi32, #tpu.memory_space<hbm>>
        %dma_wait3A_118 = tpu.memref_squeeze %dma_wait3A_117 : memref<1x5x25x80xi32, #tpu.memory_space<hbm>> -> memref<5x25x80xi32, #tpu.memory_space<hbm>>
        %dma_wait3A_119 = arith.constant 0 : i32
        %dma_wait3A_120 = arith.constant 0 : i32
        %dma_wait3A_121 = tpu.memref_slice %dma_wait3A_118[%scan3A_18, %dma_wait3A_119, %dma_wait3A_120] : memref<5x25x80xi32, #tpu.memory_space<hbm>> -> memref<1x25x80xi32, #tpu.memory_space<hbm>>
        %dma_wait3A_122 = tpu.memref_squeeze %dma_wait3A_121 : memref<1x25x80xi32, #tpu.memory_space<hbm>> -> memref<25x80xi32, #tpu.memory_space<hbm>>
        tpu.wait_dma2 semaphore(%run_scoped3A : memref<!tpu.dma_semaphore, #tpu.memory_space<semaphore_mem>>) src(%dma_wait3A_122 : memref<25x80xi32, #tpu.memory_space<hbm>>) dst(%arg7 : memref<25x80xi32, #tpu.memory_space<vmem>>)
        tpu.yield
      }) : () -> ()
      "tpu.region"() ({
        %run_scoped3A = tpu.sem_alloc : memref<!tpu.dma_semaphore, #tpu.memory_space<semaphore_mem>>
        %dma_start3A_87 = arith.constant 0 : i32
        %dma_start3A_88 = arith.constant 0 : i32
        %dma_start3A_89 = arith.constant 0 : i32
        %dma_start3A_90 = tpu.memref_slice %arg3[%arg1, %dma_start3A_87, %dma_start3A_88, %dma_start3A_89] : memref<16x5x25x80xi32, #tpu.memory_space<hbm>> -> memref<1x5x25x80xi32, #tpu.memory_space<hbm>>
        %dma_start3A_91 = tpu.memref_squeeze %dma_start3A_90 : memref<1x5x25x80xi32, #tpu.memory_space<hbm>> -> memref<5x25x80xi32, #tpu.memory_space<hbm>>
        %dma_start3A_92 = arith.constant 0 : i32
        %dma_start3A_93 = arith.constant 0 : i32
        %dma_start3A_94 = tpu.memref_slice %dma_start3A_91[%scan3A_18, %dma_start3A_92, %dma_start3A_93] : memref<5x25x80xi32, #tpu.memory_space<hbm>> -> memref<1x25x80xi32, #tpu.memory_space<hbm>>
        %dma_start3A_95 = tpu.memref_squeeze %dma_start3A_94 : memref<1x25x80xi32, #tpu.memory_space<hbm>> -> memref<25x80xi32, #tpu.memory_space<hbm>>
        %dma_start3A_96 = arith.constant 0 : i32
        %dma_start3A_97 = arith.constant 0 : i32
        %dma_start3A_98 = arith.constant 0 : i32
        %dma_start3A_99 = tpu.memref_slice %arg3[%arg1, %dma_start3A_96, %dma_start3A_97, %dma_start3A_98] : memref<16x5x25x80xi32, #tpu.memory_space<hbm>> -> memref<1x5x25x80xi32, #tpu.memory_space<hbm>>
        %dma_start3A_100 = tpu.memref_squeeze %dma_start3A_99 : memref<1x5x25x80xi32, #tpu.memory_space<hbm>> -> memref<5x25x80xi32, #tpu.memory_space<hbm>>
        %dma_start3A_101 = arith.constant 0 : i32
        %dma_start3A_102 = arith.constant 0 : i32
        %dma_start3A_103 = tpu.memref_slice %dma_start3A_100[%scan3A_18, %dma_start3A_101, %dma_start3A_102] : memref<5x25x80xi32, #tpu.memory_space<hbm>> -> memref<1x25x80xi32, #tpu.memory_space<hbm>>
        %dma_start3A_104 = tpu.memref_squeeze %dma_start3A_103 : memref<1x25x80xi32, #tpu.memory_space<hbm>> -> memref<25x80xi32, #tpu.memory_space<hbm>>
        tpu.enqueue_dma source(%dma_start3A_104 : memref<25x80xi32, #tpu.memory_space<hbm>>) target(%arg8 : memref<25x80xi32, #tpu.memory_space<vmem>>) target_semaphore(%run_scoped3A : memref<!tpu.dma_semaphore, #tpu.memory_space<semaphore_mem>>)
        %dma_wait3A_105 = arith.constant 0 : i32
        %dma_wait3A_106 = arith.constant 0 : i32
        %dma_wait3A_107 = arith.constant 0 : i32
        %dma_wait3A_108 = tpu.memref_slice %arg3[%arg1, %dma_wait3A_105, %dma_wait3A_106, %dma_wait3A_107] : memref<16x5x25x80xi32, #tpu.memory_space<hbm>> -> memref<1x5x25x80xi32, #tpu.memory_space<hbm>>
        %dma_wait3A_109 = tpu.memref_squeeze %dma_wait3A_108 : memref<1x5x25x80xi32, #tpu.memory_space<hbm>> -> memref<5x25x80xi32, #tpu.memory_space<hbm>>
        %dma_wait3A_110 = arith.constant 0 : i32
        %dma_wait3A_111 = arith.constant 0 : i32
        %dma_wait3A_112 = tpu.memref_slice %dma_wait3A_109[%scan3A_18, %dma_wait3A_110, %dma_wait3A_111] : memref<5x25x80xi32, #tpu.memory_space<hbm>> -> memref<1x25x80xi32, #tpu.memory_space<hbm>>
        %dma_wait3A_113 = tpu.memref_squeeze %dma_wait3A_112 : memref<1x25x80xi32, #tpu.memory_space<hbm>> -> memref<25x80xi32, #tpu.memory_space<hbm>>
        %dma_wait3A_114 = arith.constant 0 : i32
        %dma_wait3A_115 = arith.constant 0 : i32
        %dma_wait3A_116 = arith.constant 0 : i32
        %dma_wait3A_117 = tpu.memref_slice %arg3[%arg1, %dma_wait3A_114, %dma_wait3A_115, %dma_wait3A_116] : memref<16x5x25x80xi32, #tpu.memory_space<hbm>> -> memref<1x5x25x80xi32, #tpu.memory_space<hbm>>
        %dma_wait3A_118 = tpu.memref_squeeze %dma_wait3A_117 : memref<1x5x25x80xi32, #tpu.memory_space<hbm>> -> memref<5x25x80xi32, #tpu.memory_space<hbm>>
        %dma_wait3A_119 = arith.constant 0 : i32
        %dma_wait3A_120 = arith.constant 0 : i32
        %dma_wait3A_121 = tpu.memref_slice %dma_wait3A_118[%scan3A_18, %dma_wait3A_119, %dma_wait3A_120] : memref<5x25x80xi32, #tpu.memory_space<hbm>> -> memref<1x25x80xi32, #tpu.memory_space<hbm>>
        %dma_wait3A_122 = tpu.memref_squeeze %dma_wait3A_121 : memref<1x25x80xi32, #tpu.memory_space<hbm>> -> memref<25x80xi32, #tpu.memory_space<hbm>>
        tpu.wait_dma2 semaphore(%run_scoped3A : memref<!tpu.dma_semaphore, #tpu.memory_space<semaphore_mem>>) src(%dma_wait3A_122 : memref<25x80xi32, #tpu.memory_space<hbm>>) dst(%arg8 : memref<25x80xi32, #tpu.memory_space<vmem>>)
        tpu.yield
      }) : () -> ()
      %scan3A_19 = arith.constant 0 : i32
      %scan3A_20 = arith.constant 0 : i32
      %scan3A_21 = arith.constant 6 : i32
      %scan3A_22 = arith.addi %scan3A_20, %scan3A_21 : i32
      %scan3A_23 = arith.constant 1 : i32
      scf.for %scan3A_87 = %scan3A_20 to %scan3A_22 step %scan3A_23  : i32 {
        %gt3A = arith.constant 0 : i32
        %gt3A_88 = arith.cmpi sgt, %scan3A_87, %gt3A : i32
        %convert_element_type3A = arith.extui %gt3A_88 : i1 to i32
        %cond3A = arith.constant 0 : i32
        %cond3A_89 = arith.cmpi ne, %convert_element_type3A, %cond3A : i32
        scf.if %cond3A_89 {
          %dma_wait3A_239 = arith.constant 0 : i32
          %dma_wait3A_240 = arith.constant 0 : i32
          %dma_wait3A_241 = tpu.memref_slice %arg8[%dma_wait3A_239, %dma_wait3A_240] : memref<25x80xi32, #tpu.memory_space<vmem>> -> memref<1x80xi32, #tpu.memory_space<vmem>>
          %dma_wait3A_242 = tpu.memref_squeeze %dma_wait3A_241 : memref<1x80xi32, #tpu.memory_space<vmem>> -> memref<80xi32, #tpu.memory_space<vmem>>
          %dma_wait3A_243 = arith.constant 0 : i32
          %dma_wait3A_244 = arith.constant 0 : i32
          %dma_wait3A_245 = tpu.memref_slice %arg6[%dma_wait3A_243, %dma_wait3A_244] : memref<10000x128xf32, #tpu.memory_space<vmem_shared>> -> memref<10000x128xf32, #tpu.memory_space<vmem_shared>>
          tpu.wait_indirect_dma semaphore(%arg17 : memref<!tpu.dma_semaphore, #tpu.memory_space<semaphore_mem>>) src(%arg9 : memref<80x128xf32, #tpu.memory_space<vmem>>) dst(%dma_wait3A_245 : memref<10000x128xf32, #tpu.memory_space<vmem_shared>>)
        } else {
        }
        %mul3A = arith.constant 4 : i32
        %mul3A_90 = arith.muli %mul3A, %scan3A_87 : i32
        %add3A = arith.constant 0 : i32
        %add3A_91 = arith.addi %mul3A_90, %add3A : i32
        %dma_start3A_92 = arith.constant 0 : i32
        %dma_start3A_93 = tpu.memref_slice %arg7[%add3A_91, %dma_start3A_92] : memref<25x80xi32, #tpu.memory_space<vmem>> -> memref<1x80xi32, #tpu.memory_space<vmem>>
        %dma_start3A_94 = tpu.memref_squeeze %dma_start3A_93 : memref<1x80xi32, #tpu.memory_space<vmem>> -> memref<80xi32, #tpu.memory_space<vmem>>
        %dma_start3A_95 = arith.constant 0 : i32
        %dma_start3A_96 = arith.constant 0 : i32
        %dma_start3A_97 = tpu.memref_slice %arg4[%arg0, %dma_start3A_95, %dma_start3A_96] : memref<2x10000x128xf32, #tpu.memory_space<hbm>> -> memref<1x10000x128xf32, #tpu.memory_space<hbm>>
        %dma_start3A_98 = tpu.memref_squeeze %dma_start3A_97 : memref<1x10000x128xf32, #tpu.memory_space<hbm>> -> memref<10000x128xf32, #tpu.memory_space<hbm>>
        %dma_start3A_99 = arith.constant 0 : i32
        %dma_start3A_100 = arith.constant 0 : i32
        %dma_start3A_101 = tpu.memref_slice %dma_start3A_98[%dma_start3A_99, %dma_start3A_100] : memref<10000x128xf32, #tpu.memory_space<hbm>> -> memref<10000x128xf32, #tpu.memory_space<hbm>>
        tpu.enqueue_indirect_dma source(%dma_start3A_101 : memref<10000x128xf32, #tpu.memory_space<hbm>>) target(%arg9 : memref<80x128xf32, #tpu.memory_space<vmem>>) offsets(%dma_start3A_94 : memref<80xi32, #tpu.memory_space<vmem>>) semaphore(%arg13 : memref<!tpu.dma_semaphore, #tpu.memory_space<semaphore_mem>>)
        %gt3A_102 = arith.constant 0 : i32
        %gt3A_103 = arith.cmpi sgt, %scan3A_87, %gt3A_102 : i32
        %convert_element_type3A_104 = arith.extui %gt3A_103 : i1 to i32
        %cond3A_105 = arith.constant 0 : i32
        %cond3A_106 = arith.cmpi ne, %convert_element_type3A_104, %cond3A_105 : i32
        scf.if %cond3A_106 {
          %dma_wait3A_239 = arith.constant 0 : i32
          %dma_wait3A_240 = arith.constant 0 : i32
          %dma_wait3A_241 = tpu.memref_slice %arg8[%dma_wait3A_239, %dma_wait3A_240] : memref<25x80xi32, #tpu.memory_space<vmem>> -> memref<1x80xi32, #tpu.memory_space<vmem>>
          %dma_wait3A_242 = tpu.memref_squeeze %dma_wait3A_241 : memref<1x80xi32, #tpu.memory_space<vmem>> -> memref<80xi32, #tpu.memory_space<vmem>>
          %dma_wait3A_243 = arith.constant 0 : i32
          %dma_wait3A_244 = arith.constant 0 : i32
          %dma_wait3A_245 = tpu.memref_slice %arg6[%dma_wait3A_243, %dma_wait3A_244] : memref<10000x128xf32, #tpu.memory_space<vmem_shared>> -> memref<10000x128xf32, #tpu.memory_space<vmem_shared>>
          tpu.wait_indirect_dma semaphore(%arg18 : memref<!tpu.dma_semaphore, #tpu.memory_space<semaphore_mem>>) src(%arg10 : memref<80x128xf32, #tpu.memory_space<vmem>>) dst(%dma_wait3A_245 : memref<10000x128xf32, #tpu.memory_space<vmem_shared>>)
        } else {
        }
        %mul3A_107 = arith.constant 4 : i32
        %mul3A_108 = arith.muli %mul3A_107, %scan3A_87 : i32
        %add3A_109 = arith.constant 1 : i32
        %add3A_110 = arith.addi %mul3A_108, %add3A_109 : i32
        %dma_start3A_111 = arith.constant 0 : i32
        %dma_start3A_112 = tpu.memref_slice %arg7[%add3A_110, %dma_start3A_111] : memref<25x80xi32, #tpu.memory_space<vmem>> -> memref<1x80xi32, #tpu.memory_space<vmem>>
        %dma_start3A_113 = tpu.memref_squeeze %dma_start3A_112 : memref<1x80xi32, #tpu.memory_space<vmem>> -> memref<80xi32, #tpu.memory_space<vmem>>
        %dma_start3A_114 = arith.constant 0 : i32
        %dma_start3A_115 = arith.constant 0 : i32
        %dma_start3A_116 = tpu.memref_slice %arg4[%arg0, %dma_start3A_114, %dma_start3A_115] : memref<2x10000x128xf32, #tpu.memory_space<hbm>> -> memref<1x10000x128xf32, #tpu.memory_space<hbm>>
        %dma_start3A_117 = tpu.memref_squeeze %dma_start3A_116 : memref<1x10000x128xf32, #tpu.memory_space<hbm>> -> memref<10000x128xf32, #tpu.memory_space<hbm>>
        %dma_start3A_118 = arith.constant 0 : i32
        %dma_start3A_119 = arith.constant 0 : i32
        %dma_start3A_120 = tpu.memref_slice %dma_start3A_117[%dma_start3A_118, %dma_start3A_119] : memref<10000x128xf32, #tpu.memory_space<hbm>> -> memref<10000x128xf32, #tpu.memory_space<hbm>>
        tpu.enqueue_indirect_dma source(%dma_start3A_120 : memref<10000x128xf32, #tpu.memory_space<hbm>>) target(%arg10 : memref<80x128xf32, #tpu.memory_space<vmem>>) offsets(%dma_start3A_113 : memref<80xi32, #tpu.memory_space<vmem>>) semaphore(%arg14 : memref<!tpu.dma_semaphore, #tpu.memory_space<semaphore_mem>>)
        %gt3A_121 = arith.constant 0 : i32
        %gt3A_122 = arith.cmpi sgt, %scan3A_87, %gt3A_121 : i32
        %convert_element_type3A_123 = arith.extui %gt3A_122 : i1 to i32
        %cond3A_124 = arith.constant 0 : i32
        %cond3A_125 = arith.cmpi ne, %convert_element_type3A_123, %cond3A_124 : i32
        scf.if %cond3A_125 {
          %dma_wait3A_239 = arith.constant 0 : i32
          %dma_wait3A_240 = arith.constant 0 : i32
          %dma_wait3A_241 = tpu.memref_slice %arg8[%dma_wait3A_239, %dma_wait3A_240] : memref<25x80xi32, #tpu.memory_space<vmem>> -> memref<1x80xi32, #tpu.memory_space<vmem>>
          %dma_wait3A_242 = tpu.memref_squeeze %dma_wait3A_241 : memref<1x80xi32, #tpu.memory_space<vmem>> -> memref<80xi32, #tpu.memory_space<vmem>>
          %dma_wait3A_243 = arith.constant 0 : i32
          %dma_wait3A_244 = arith.constant 0 : i32
          %dma_wait3A_245 = tpu.memref_slice %arg6[%dma_wait3A_243, %dma_wait3A_244] : memref<10000x128xf32, #tpu.memory_space<vmem_shared>> -> memref<10000x128xf32, #tpu.memory_space<vmem_shared>>
          tpu.wait_indirect_dma semaphore(%arg19 : memref<!tpu.dma_semaphore, #tpu.memory_space<semaphore_mem>>) src(%arg11 : memref<80x128xf32, #tpu.memory_space<vmem>>) dst(%dma_wait3A_245 : memref<10000x128xf32, #tpu.memory_space<vmem_shared>>)
        } else {
        }
        %mul3A_126 = arith.constant 4 : i32
        %mul3A_127 = arith.muli %mul3A_126, %scan3A_87 : i32
        %add3A_128 = arith.constant 2 : i32
        %add3A_129 = arith.addi %mul3A_127, %add3A_128 : i32
        %dma_start3A_130 = arith.constant 0 : i32
        %dma_start3A_131 = tpu.memref_slice %arg7[%add3A_129, %dma_start3A_130] : memref<25x80xi32, #tpu.memory_space<vmem>> -> memref<1x80xi32, #tpu.memory_space<vmem>>
        %dma_start3A_132 = tpu.memref_squeeze %dma_start3A_131 : memref<1x80xi32, #tpu.memory_space<vmem>> -> memref<80xi32, #tpu.memory_space<vmem>>
        %dma_start3A_133 = arith.constant 0 : i32
        %dma_start3A_134 = arith.constant 0 : i32
        %dma_start3A_135 = tpu.memref_slice %arg4[%arg0, %dma_start3A_133, %dma_start3A_134] : memref<2x10000x128xf32, #tpu.memory_space<hbm>> -> memref<1x10000x128xf32, #tpu.memory_space<hbm>>
        %dma_start3A_136 = tpu.memref_squeeze %dma_start3A_135 : memref<1x10000x128xf32, #tpu.memory_space<hbm>> -> memref<10000x128xf32, #tpu.memory_space<hbm>>
        %dma_start3A_137 = arith.constant 0 : i32
        %dma_start3A_138 = arith.constant 0 : i32
        %dma_start3A_139 = tpu.memref_slice %dma_start3A_136[%dma_start3A_137, %dma_start3A_138] : memref<10000x128xf32, #tpu.memory_space<hbm>> -> memref<10000x128xf32, #tpu.memory_space<hbm>>
        tpu.enqueue_indirect_dma source(%dma_start3A_139 : memref<10000x128xf32, #tpu.memory_space<hbm>>) target(%arg11 : memref<80x128xf32, #tpu.memory_space<vmem>>) offsets(%dma_start3A_132 : memref<80xi32, #tpu.memory_space<vmem>>) semaphore(%arg15 : memref<!tpu.dma_semaphore, #tpu.memory_space<semaphore_mem>>)
        %gt3A_140 = arith.constant 0 : i32
        %gt3A_141 = arith.cmpi sgt, %scan3A_87, %gt3A_140 : i32
        %convert_element_type3A_142 = arith.extui %gt3A_141 : i1 to i32
        %cond3A_143 = arith.constant 0 : i32
        %cond3A_144 = arith.cmpi ne, %convert_element_type3A_142, %cond3A_143 : i32
        scf.if %cond3A_144 {
          %dma_wait3A_239 = arith.constant 0 : i32
          %dma_wait3A_240 = arith.constant 0 : i32
          %dma_wait3A_241 = tpu.memref_slice %arg8[%dma_wait3A_239, %dma_wait3A_240] : memref<25x80xi32, #tpu.memory_space<vmem>> -> memref<1x80xi32, #tpu.memory_space<vmem>>
          %dma_wait3A_242 = tpu.memref_squeeze %dma_wait3A_241 : memref<1x80xi32, #tpu.memory_space<vmem>> -> memref<80xi32, #tpu.memory_space<vmem>>
          %dma_wait3A_243 = arith.constant 0 : i32
          %dma_wait3A_244 = arith.constant 0 : i32
          %dma_wait3A_245 = tpu.memref_slice %arg6[%dma_wait3A_243, %dma_wait3A_244] : memref<10000x128xf32, #tpu.memory_space<vmem_shared>> -> memref<10000x128xf32, #tpu.memory_space<vmem_shared>>
          tpu.wait_indirect_dma semaphore(%arg20 : memref<!tpu.dma_semaphore, #tpu.memory_space<semaphore_mem>>) src(%arg12 : memref<80x128xf32, #tpu.memory_space<vmem>>) dst(%dma_wait3A_245 : memref<10000x128xf32, #tpu.memory_space<vmem_shared>>)
        } else {
        }
        %mul3A_145 = arith.constant 4 : i32
        %mul3A_146 = arith.muli %mul3A_145, %scan3A_87 : i32
        %add3A_147 = arith.constant 3 : i32
        %add3A_148 = arith.addi %mul3A_146, %add3A_147 : i32
        %dma_start3A_149 = arith.constant 0 : i32
        %dma_start3A_150 = tpu.memref_slice %arg7[%add3A_148, %dma_start3A_149] : memref<25x80xi32, #tpu.memory_space<vmem>> -> memref<1x80xi32, #tpu.memory_space<vmem>>
        %dma_start3A_151 = tpu.memref_squeeze %dma_start3A_150 : memref<1x80xi32, #tpu.memory_space<vmem>> -> memref<80xi32, #tpu.memory_space<vmem>>
        %dma_start3A_152 = arith.constant 0 : i32
        %dma_start3A_153 = arith.constant 0 : i32
        %dma_start3A_154 = tpu.memref_slice %arg4[%arg0, %dma_start3A_152, %dma_start3A_153] : memref<2x10000x128xf32, #tpu.memory_space<hbm>> -> memref<1x10000x128xf32, #tpu.memory_space<hbm>>
        %dma_start3A_155 = tpu.memref_squeeze %dma_start3A_154 : memref<1x10000x128xf32, #tpu.memory_space<hbm>> -> memref<10000x128xf32, #tpu.memory_space<hbm>>
        %dma_start3A_156 = arith.constant 0 : i32
        %dma_start3A_157 = arith.constant 0 : i32
        %dma_start3A_158 = tpu.memref_slice %dma_start3A_155[%dma_start3A_156, %dma_start3A_157] : memref<10000x128xf32, #tpu.memory_space<hbm>> -> memref<10000x128xf32, #tpu.memory_space<hbm>>
        tpu.enqueue_indirect_dma source(%dma_start3A_158 : memref<10000x128xf32, #tpu.memory_space<hbm>>) target(%arg12 : memref<80x128xf32, #tpu.memory_space<vmem>>) offsets(%dma_start3A_151 : memref<80xi32, #tpu.memory_space<vmem>>) semaphore(%arg16 : memref<!tpu.dma_semaphore, #tpu.memory_space<semaphore_mem>>)
        %dma_wait3A_159 = arith.constant 0 : i32
        %dma_wait3A_160 = tpu.memref_slice %arg7[%add3A_91, %dma_wait3A_159] : memref<25x80xi32, #tpu.memory_space<vmem>> -> memref<1x80xi32, #tpu.memory_space<vmem>>
        %dma_wait3A_161 = tpu.memref_squeeze %dma_wait3A_160 : memref<1x80xi32, #tpu.memory_space<vmem>> -> memref<80xi32, #tpu.memory_space<vmem>>
        %dma_wait3A_162 = arith.constant 0 : i32
        %dma_wait3A_163 = arith.constant 0 : i32
        %dma_wait3A_164 = tpu.memref_slice %arg4[%arg0, %dma_wait3A_162, %dma_wait3A_163] : memref<2x10000x128xf32, #tpu.memory_space<hbm>> -> memref<1x10000x128xf32, #tpu.memory_space<hbm>>
        %dma_wait3A_165 = tpu.memref_squeeze %dma_wait3A_164 : memref<1x10000x128xf32, #tpu.memory_space<hbm>> -> memref<10000x128xf32, #tpu.memory_space<hbm>>
        %dma_wait3A_166 = arith.constant 0 : i32
        %dma_wait3A_167 = arith.constant 0 : i32
        %dma_wait3A_168 = tpu.memref_slice %dma_wait3A_165[%dma_wait3A_166, %dma_wait3A_167] : memref<10000x128xf32, #tpu.memory_space<hbm>> -> memref<10000x128xf32, #tpu.memory_space<hbm>>
        tpu.wait_indirect_dma semaphore(%arg13 : memref<!tpu.dma_semaphore, #tpu.memory_space<semaphore_mem>>) src(%dma_wait3A_168 : memref<10000x128xf32, #tpu.memory_space<hbm>>) dst(%arg9 : memref<80x128xf32, #tpu.memory_space<vmem>>)
        %mul3A_169 = arith.constant 4 : i32
        %mul3A_170 = arith.muli %mul3A_169, %scan3A_87 : i32
        %add3A_171 = arith.constant 0 : i32
        %add3A_172 = arith.addi %mul3A_170, %add3A_171 : i32
        %dma_start3A_173 = arith.constant 0 : i32
        %dma_start3A_174 = tpu.memref_slice %arg8[%add3A_172, %dma_start3A_173] : memref<25x80xi32, #tpu.memory_space<vmem>> -> memref<1x80xi32, #tpu.memory_space<vmem>>
        %dma_start3A_175 = tpu.memref_squeeze %dma_start3A_174 : memref<1x80xi32, #tpu.memory_space<vmem>> -> memref<80xi32, #tpu.memory_space<vmem>>
        %dma_start3A_176 = arith.constant 0 : i32
        %dma_start3A_177 = arith.constant 0 : i32
        %dma_start3A_178 = tpu.memref_slice %arg6[%dma_start3A_176, %dma_start3A_177] : memref<10000x128xf32, #tpu.memory_space<vmem_shared>> -> memref<10000x128xf32, #tpu.memory_space<vmem_shared>>
        tpu.enqueue_indirect_dma source(%arg9 : memref<80x128xf32, #tpu.memory_space<vmem>>) target(%dma_start3A_178 : memref<10000x128xf32, #tpu.memory_space<vmem_shared>>) offsets(%dma_start3A_175 : memref<80xi32, #tpu.memory_space<vmem>>) semaphore(%arg17 : memref<!tpu.dma_semaphore, #tpu.memory_space<semaphore_mem>>) {add = true}
        %dma_wait3A_179 = arith.constant 0 : i32
        %dma_wait3A_180 = tpu.memref_slice %arg7[%add3A_110, %dma_wait3A_179] : memref<25x80xi32, #tpu.memory_space<vmem>> -> memref<1x80xi32, #tpu.memory_space<vmem>>
        %dma_wait3A_181 = tpu.memref_squeeze %dma_wait3A_180 : memref<1x80xi32, #tpu.memory_space<vmem>> -> memref<80xi32, #tpu.memory_space<vmem>>
        %dma_wait3A_182 = arith.constant 0 : i32
        %dma_wait3A_183 = arith.constant 0 : i32
        %dma_wait3A_184 = tpu.memref_slice %arg4[%arg0, %dma_wait3A_182, %dma_wait3A_183] : memref<2x10000x128xf32, #tpu.memory_space<hbm>> -> memref<1x10000x128xf32, #tpu.memory_space<hbm>>
        %dma_wait3A_185 = tpu.memref_squeeze %dma_wait3A_184 : memref<1x10000x128xf32, #tpu.memory_space<hbm>> -> memref<10000x128xf32, #tpu.memory_space<hbm>>
        %dma_wait3A_186 = arith.constant 0 : i32
        %dma_wait3A_187 = arith.constant 0 : i32
        %dma_wait3A_188 = tpu.memref_slice %dma_wait3A_185[%dma_wait3A_186, %dma_wait3A_187] : memref<10000x128xf32, #tpu.memory_space<hbm>> -> memref<10000x128xf32, #tpu.memory_space<hbm>>
        tpu.wait_indirect_dma semaphore(%arg14 : memref<!tpu.dma_semaphore, #tpu.memory_space<semaphore_mem>>) src(%dma_wait3A_188 : memref<10000x128xf32, #tpu.memory_space<hbm>>) dst(%arg10 : memref<80x128xf32, #tpu.memory_space<vmem>>)
        %mul3A_189 = arith.constant 4 : i32
        %mul3A_190 = arith.muli %mul3A_189, %scan3A_87 : i32
        %add3A_191 = arith.constant 1 : i32
        %add3A_192 = arith.addi %mul3A_190, %add3A_191 : i32
        %dma_start3A_193 = arith.constant 0 : i32
        %dma_start3A_194 = tpu.memref_slice %arg8[%add3A_192, %dma_start3A_193] : memref<25x80xi32, #tpu.memory_space<vmem>> -> memref<1x80xi32, #tpu.memory_space<vmem>>
        %dma_start3A_195 = tpu.memref_squeeze %dma_start3A_194 : memref<1x80xi32, #tpu.memory_space<vmem>> -> memref<80xi32, #tpu.memory_space<vmem>>
        %dma_start3A_196 = arith.constant 0 : i32
        %dma_start3A_197 = arith.constant 0 : i32
        %dma_start3A_198 = tpu.memref_slice %arg6[%dma_start3A_196, %dma_start3A_197] : memref<10000x128xf32, #tpu.memory_space<vmem_shared>> -> memref<10000x128xf32, #tpu.memory_space<vmem_shared>>
        tpu.enqueue_indirect_dma source(%arg10 : memref<80x128xf32, #tpu.memory_space<vmem>>) target(%dma_start3A_198 : memref<10000x128xf32, #tpu.memory_space<vmem_shared>>) offsets(%dma_start3A_195 : memref<80xi32, #tpu.memory_space<vmem>>) semaphore(%arg18 : memref<!tpu.dma_semaphore, #tpu.memory_space<semaphore_mem>>) {add = true}
        %dma_wait3A_199 = arith.constant 0 : i32
        %dma_wait3A_200 = tpu.memref_slice %arg7[%add3A_129, %dma_wait3A_199] : memref<25x80xi32, #tpu.memory_space<vmem>> -> memref<1x80xi32, #tpu.memory_space<vmem>>
        %dma_wait3A_201 = tpu.memref_squeeze %dma_wait3A_200 : memref<1x80xi32, #tpu.memory_space<vmem>> -> memref<80xi32, #tpu.memory_space<vmem>>
        %dma_wait3A_202 = arith.constant 0 : i32
        %dma_wait3A_203 = arith.constant 0 : i32
        %dma_wait3A_204 = tpu.memref_slice %arg4[%arg0, %dma_wait3A_202, %dma_wait3A_203] : memref<2x10000x128xf32, #tpu.memory_space<hbm>> -> memref<1x10000x128xf32, #tpu.memory_space<hbm>>
        %dma_wait3A_205 = tpu.memref_squeeze %dma_wait3A_204 : memref<1x10000x128xf32, #tpu.memory_space<hbm>> -> memref<10000x128xf32, #tpu.memory_space<hbm>>
        %dma_wait3A_206 = arith.constant 0 : i32
        %dma_wait3A_207 = arith.constant 0 : i32
        %dma_wait3A_208 = tpu.memref_slice %dma_wait3A_205[%dma_wait3A_206, %dma_wait3A_207] : memref<10000x128xf32, #tpu.memory_space<hbm>> -> memref<10000x128xf32, #tpu.memory_space<hbm>>
        tpu.wait_indirect_dma semaphore(%arg15 : memref<!tpu.dma_semaphore, #tpu.memory_space<semaphore_mem>>) src(%dma_wait3A_208 : memref<10000x128xf32, #tpu.memory_space<hbm>>) dst(%arg11 : memref<80x128xf32, #tpu.memory_space<vmem>>)
        %mul3A_209 = arith.constant 4 : i32
        %mul3A_210 = arith.muli %mul3A_209, %scan3A_87 : i32
        %add3A_211 = arith.constant 2 : i32
        %add3A_212 = arith.addi %mul3A_210, %add3A_211 : i32
        %dma_start3A_213 = arith.constant 0 : i32
        %dma_start3A_214 = tpu.memref_slice %arg8[%add3A_212, %dma_start3A_213] : memref<25x80xi32, #tpu.memory_space<vmem>> -> memref<1x80xi32, #tpu.memory_space<vmem>>
        %dma_start3A_215 = tpu.memref_squeeze %dma_start3A_214 : memref<1x80xi32, #tpu.memory_space<vmem>> -> memref<80xi32, #tpu.memory_space<vmem>>
        %dma_start3A_216 = arith.constant 0 : i32
        %dma_start3A_217 = arith.constant 0 : i32
        %dma_start3A_218 = tpu.memref_slice %arg6[%dma_start3A_216, %dma_start3A_217] : memref<10000x128xf32, #tpu.memory_space<vmem_shared>> -> memref<10000x128xf32, #tpu.memory_space<vmem_shared>>
        tpu.enqueue_indirect_dma source(%arg11 : memref<80x128xf32, #tpu.memory_space<vmem>>) target(%dma_start3A_218 : memref<10000x128xf32, #tpu.memory_space<vmem_shared>>) offsets(%dma_start3A_215 : memref<80xi32, #tpu.memory_space<vmem>>) semaphore(%arg19 : memref<!tpu.dma_semaphore, #tpu.memory_space<semaphore_mem>>) {add = true}
        %dma_wait3A_219 = arith.constant 0 : i32
        %dma_wait3A_220 = tpu.memref_slice %arg7[%add3A_148, %dma_wait3A_219] : memref<25x80xi32, #tpu.memory_space<vmem>> -> memref<1x80xi32, #tpu.memory_space<vmem>>
        %dma_wait3A_221 = tpu.memref_squeeze %dma_wait3A_220 : memref<1x80xi32, #tpu.memory_space<vmem>> -> memref<80xi32, #tpu.memory_space<vmem>>
        %dma_wait3A_222 = arith.constant 0 : i32
        %dma_wait3A_223 = arith.constant 0 : i32
        %dma_wait3A_224 = tpu.memref_slice %arg4[%arg0, %dma_wait3A_222, %dma_wait3A_223] : memref<2x10000x128xf32, #tpu.memory_space<hbm>> -> memref<1x10000x128xf32, #tpu.memory_space<hbm>>
        %dma_wait3A_225 = tpu.memref_squeeze %dma_wait3A_224 : memref<1x10000x128xf32, #tpu.memory_space<hbm>> -> memref<10000x128xf32, #tpu.memory_space<hbm>>
        %dma_wait3A_226 = arith.constant 0 : i32
        %dma_wait3A_227 = arith.constant 0 : i32
        %dma_wait3A_228 = tpu.memref_slice %dma_wait3A_225[%dma_wait3A_226, %dma_wait3A_227] : memref<10000x128xf32, #tpu.memory_space<hbm>> -> memref<10000x128xf32, #tpu.memory_space<hbm>>
        tpu.wait_indirect_dma semaphore(%arg16 : memref<!tpu.dma_semaphore, #tpu.memory_space<semaphore_mem>>) src(%dma_wait3A_228 : memref<10000x128xf32, #tpu.memory_space<hbm>>) dst(%arg12 : memref<80x128xf32, #tpu.memory_space<vmem>>)
        %mul3A_229 = arith.constant 4 : i32
        %mul3A_230 = arith.muli %mul3A_229, %scan3A_87 : i32
        %add3A_231 = arith.constant 3 : i32
        %add3A_232 = arith.addi %mul3A_230, %add3A_231 : i32
        %dma_start3A_233 = arith.constant 0 : i32
        %dma_start3A_234 = tpu.memref_slice %arg8[%add3A_232, %dma_start3A_233] : memref<25x80xi32, #tpu.memory_space<vmem>> -> memref<1x80xi32, #tpu.memory_space<vmem>>
        %dma_start3A_235 = tpu.memref_squeeze %dma_start3A_234 : memref<1x80xi32, #tpu.memory_space<vmem>> -> memref<80xi32, #tpu.memory_space<vmem>>
        %dma_start3A_236 = arith.constant 0 : i32
        %dma_start3A_237 = arith.constant 0 : i32
        %dma_start3A_238 = tpu.memref_slice %arg6[%dma_start3A_236, %dma_start3A_237] : memref<10000x128xf32, #tpu.memory_space<vmem_shared>> -> memref<10000x128xf32, #tpu.memory_space<vmem_shared>>
        tpu.enqueue_indirect_dma source(%arg12 : memref<80x128xf32, #tpu.memory_space<vmem>>) target(%dma_start3A_238 : memref<10000x128xf32, #tpu.memory_space<vmem_shared>>) offsets(%dma_start3A_235 : memref<80xi32, #tpu.memory_space<vmem>>) semaphore(%arg20 : memref<!tpu.dma_semaphore, #tpu.memory_space<semaphore_mem>>) {add = true}
      }
      %scan3A_24 = arith.constant 6 : i32
      %dma_wait3A = arith.constant 0 : i32
      %dma_wait3A_25 = arith.constant 0 : i32
      %dma_wait3A_26 = tpu.memref_slice %arg8[%dma_wait3A, %dma_wait3A_25] : memref<25x80xi32, #tpu.memory_space<vmem>> -> memref<1x80xi32, #tpu.memory_space<vmem>>
      %dma_wait3A_27 = tpu.memref_squeeze %dma_wait3A_26 : memref<1x80xi32, #tpu.memory_space<vmem>> -> memref<80xi32, #tpu.memory_space<vmem>>
      %dma_wait3A_28 = arith.constant 0 : i32
      %dma_wait3A_29 = arith.constant 0 : i32
      %dma_wait3A_30 = tpu.memref_slice %arg6[%dma_wait3A_28, %dma_wait3A_29] : memref<10000x128xf32, #tpu.memory_space<vmem_shared>> -> memref<10000x128xf32, #tpu.memory_space<vmem_shared>>
      tpu.wait_indirect_dma semaphore(%arg17 : memref<!tpu.dma_semaphore, #tpu.memory_space<semaphore_mem>>) src(%arg9 : memref<80x128xf32, #tpu.memory_space<vmem>>) dst(%dma_wait3A_30 : memref<10000x128xf32, #tpu.memory_space<vmem_shared>>)
      %dma_start3A = arith.constant 24 : i32
      %dma_start3A_31 = arith.constant 0 : i32
      %dma_start3A_32 = tpu.memref_slice %arg7[%dma_start3A, %dma_start3A_31] : memref<25x80xi32, #tpu.memory_space<vmem>> -> memref<1x80xi32, #tpu.memory_space<vmem>>
      %dma_start3A_33 = tpu.memref_squeeze %dma_start3A_32 : memref<1x80xi32, #tpu.memory_space<vmem>> -> memref<80xi32, #tpu.memory_space<vmem>>
      %dma_start3A_34 = arith.constant 0 : i32
      %dma_start3A_35 = arith.constant 0 : i32
      %dma_start3A_36 = tpu.memref_slice %arg4[%arg0, %dma_start3A_34, %dma_start3A_35] : memref<2x10000x128xf32, #tpu.memory_space<hbm>> -> memref<1x10000x128xf32, #tpu.memory_space<hbm>>
      %dma_start3A_37 = tpu.memref_squeeze %dma_start3A_36 : memref<1x10000x128xf32, #tpu.memory_space<hbm>> -> memref<10000x128xf32, #tpu.memory_space<hbm>>
      %dma_start3A_38 = arith.constant 0 : i32
      %dma_start3A_39 = arith.constant 0 : i32
      %dma_start3A_40 = tpu.memref_slice %dma_start3A_37[%dma_start3A_38, %dma_start3A_39] : memref<10000x128xf32, #tpu.memory_space<hbm>> -> memref<10000x128xf32, #tpu.memory_space<hbm>>
      tpu.enqueue_indirect_dma source(%dma_start3A_40 : memref<10000x128xf32, #tpu.memory_space<hbm>>) target(%arg9 : memref<80x128xf32, #tpu.memory_space<vmem>>) offsets(%dma_start3A_33 : memref<80xi32, #tpu.memory_space<vmem>>) semaphore(%arg13 : memref<!tpu.dma_semaphore, #tpu.memory_space<semaphore_mem>>)
      %dma_wait3A_41 = arith.constant 24 : i32
      %dma_wait3A_42 = arith.constant 0 : i32
      %dma_wait3A_43 = tpu.memref_slice %arg7[%dma_wait3A_41, %dma_wait3A_42] : memref<25x80xi32, #tpu.memory_space<vmem>> -> memref<1x80xi32, #tpu.memory_space<vmem>>
      %dma_wait3A_44 = tpu.memref_squeeze %dma_wait3A_43 : memref<1x80xi32, #tpu.memory_space<vmem>> -> memref<80xi32, #tpu.memory_space<vmem>>
      %dma_wait3A_45 = arith.constant 0 : i32
      %dma_wait3A_46 = arith.constant 0 : i32
      %dma_wait3A_47 = tpu.memref_slice %arg4[%arg0, %dma_wait3A_45, %dma_wait3A_46] : memref<2x10000x128xf32, #tpu.memory_space<hbm>> -> memref<1x10000x128xf32, #tpu.memory_space<hbm>>
      %dma_wait3A_48 = tpu.memref_squeeze %dma_wait3A_47 : memref<1x10000x128xf32, #tpu.memory_space<hbm>> -> memref<10000x128xf32, #tpu.memory_space<hbm>>
      %dma_wait3A_49 = arith.constant 0 : i32
      %dma_wait3A_50 = arith.constant 0 : i32
      %dma_wait3A_51 = tpu.memref_slice %dma_wait3A_48[%dma_wait3A_49, %dma_wait3A_50] : memref<10000x128xf32, #tpu.memory_space<hbm>> -> memref<10000x128xf32, #tpu.memory_space<hbm>>
      tpu.wait_indirect_dma semaphore(%arg13 : memref<!tpu.dma_semaphore, #tpu.memory_space<semaphore_mem>>) src(%dma_wait3A_51 : memref<10000x128xf32, #tpu.memory_space<hbm>>) dst(%arg9 : memref<80x128xf32, #tpu.memory_space<vmem>>)
      %dma_start3A_52 = arith.constant 24 : i32
      %dma_start3A_53 = arith.constant 0 : i32
      %dma_start3A_54 = tpu.memref_slice %arg8[%dma_start3A_52, %dma_start3A_53] : memref<25x80xi32, #tpu.memory_space<vmem>> -> memref<1x80xi32, #tpu.memory_space<vmem>>
      %dma_start3A_55 = tpu.memref_squeeze %dma_start3A_54 : memref<1x80xi32, #tpu.memory_space<vmem>> -> memref<80xi32, #tpu.memory_space<vmem>>
      %dma_start3A_56 = arith.constant 0 : i32
      %dma_start3A_57 = arith.constant 0 : i32
      %dma_start3A_58 = tpu.memref_slice %arg6[%dma_start3A_56, %dma_start3A_57] : memref<10000x128xf32, #tpu.memory_space<vmem_shared>> -> memref<10000x128xf32, #tpu.memory_space<vmem_shared>>
      tpu.enqueue_indirect_dma source(%arg9 : memref<80x128xf32, #tpu.memory_space<vmem>>) target(%dma_start3A_58 : memref<10000x128xf32, #tpu.memory_space<vmem_shared>>) offsets(%dma_start3A_55 : memref<80xi32, #tpu.memory_space<vmem>>) semaphore(%arg17 : memref<!tpu.dma_semaphore, #tpu.memory_space<semaphore_mem>>) {add = true}
      %dma_wait3A_59 = arith.constant 0 : i32
      %dma_wait3A_60 = arith.constant 0 : i32
      %dma_wait3A_61 = tpu.memref_slice %arg8[%dma_wait3A_59, %dma_wait3A_60] : memref<25x80xi32, #tpu.memory_space<vmem>> -> memref<1x80xi32, #tpu.memory_space<vmem>>
      %dma_wait3A_62 = tpu.memref_squeeze %dma_wait3A_61 : memref<1x80xi32, #tpu.memory_space<vmem>> -> memref<80xi32, #tpu.memory_space<vmem>>
      %dma_wait3A_63 = arith.constant 0 : i32
      %dma_wait3A_64 = arith.constant 0 : i32
      %dma_wait3A_65 = tpu.memref_slice %arg6[%dma_wait3A_63, %dma_wait3A_64] : memref<10000x128xf32, #tpu.memory_space<vmem_shared>> -> memref<10000x128xf32, #tpu.memory_space<vmem_shared>>
      tpu.wait_indirect_dma semaphore(%arg17 : memref<!tpu.dma_semaphore, #tpu.memory_space<semaphore_mem>>) src(%arg9 : memref<80x128xf32, #tpu.memory_space<vmem>>) dst(%dma_wait3A_65 : memref<10000x128xf32, #tpu.memory_space<vmem_shared>>)
      %dma_wait3A_66 = arith.constant 0 : i32
      %dma_wait3A_67 = arith.constant 0 : i32
      %dma_wait3A_68 = tpu.memref_slice %arg8[%dma_wait3A_66, %dma_wait3A_67] : memref<25x80xi32, #tpu.memory_space<vmem>> -> memref<1x80xi32, #tpu.memory_space<vmem>>
      %dma_wait3A_69 = tpu.memref_squeeze %dma_wait3A_68 : memref<1x80xi32, #tpu.memory_space<vmem>> -> memref<80xi32, #tpu.memory_space<vmem>>
      %dma_wait3A_70 = arith.constant 0 : i32
      %dma_wait3A_71 = arith.constant 0 : i32
      %dma_wait3A_72 = tpu.memref_slice %arg6[%dma_wait3A_70, %dma_wait3A_71] : memref<10000x128xf32, #tpu.memory_space<vmem_shared>> -> memref<10000x128xf32, #tpu.memory_space<vmem_shared>>
      tpu.wait_indirect_dma semaphore(%arg18 : memref<!tpu.dma_semaphore, #tpu.memory_space<semaphore_mem>>) src(%arg10 : memref<80x128xf32, #tpu.memory_space<vmem>>) dst(%dma_wait3A_72 : memref<10000x128xf32, #tpu.memory_space<vmem_shared>>)
      %dma_wait3A_73 = arith.constant 0 : i32
      %dma_wait3A_74 = arith.constant 0 : i32
      %dma_wait3A_75 = tpu.memref_slice %arg8[%dma_wait3A_73, %dma_wait3A_74] : memref<25x80xi32, #tpu.memory_space<vmem>> -> memref<1x80xi32, #tpu.memory_space<vmem>>
      %dma_wait3A_76 = tpu.memref_squeeze %dma_wait3A_75 : memref<1x80xi32, #tpu.memory_space<vmem>> -> memref<80xi32, #tpu.memory_space<vmem>>
      %dma_wait3A_77 = arith.constant 0 : i32
      %dma_wait3A_78 = arith.constant 0 : i32
      %dma_wait3A_79 = tpu.memref_slice %arg6[%dma_wait3A_77, %dma_wait3A_78] : memref<10000x128xf32, #tpu.memory_space<vmem_shared>> -> memref<10000x128xf32, #tpu.memory_space<vmem_shared>>
      tpu.wait_indirect_dma semaphore(%arg19 : memref<!tpu.dma_semaphore, #tpu.memory_space<semaphore_mem>>) src(%arg11 : memref<80x128xf32, #tpu.memory_space<vmem>>) dst(%dma_wait3A_79 : memref<10000x128xf32, #tpu.memory_space<vmem_shared>>)
      %dma_wait3A_80 = arith.constant 0 : i32
      %dma_wait3A_81 = arith.constant 0 : i32
      %dma_wait3A_82 = tpu.memref_slice %arg8[%dma_wait3A_80, %dma_wait3A_81] : memref<25x80xi32, #tpu.memory_space<vmem>> -> memref<1x80xi32, #tpu.memory_space<vmem>>
      %dma_wait3A_83 = tpu.memref_squeeze %dma_wait3A_82 : memref<1x80xi32, #tpu.memory_space<vmem>> -> memref<80xi32, #tpu.memory_space<vmem>>
      %dma_wait3A_84 = arith.constant 0 : i32
      %dma_wait3A_85 = arith.constant 0 : i32
      %dma_wait3A_86 = tpu.memref_slice %arg6[%dma_wait3A_84, %dma_wait3A_85] : memref<10000x128xf32, #tpu.memory_space<vmem_shared>> -> memref<10000x128xf32, #tpu.memory_space<vmem_shared>>
      tpu.wait_indirect_dma semaphore(%arg20 : memref<!tpu.dma_semaphore, #tpu.memory_space<semaphore_mem>>) src(%arg12 : memref<80x128xf32, #tpu.memory_space<vmem>>) dst(%dma_wait3A_86 : memref<10000x128xf32, #tpu.memory_space<vmem_shared>>)
    }
    %scan3A_10 = arith.constant 5 : i32
    %barrier3A_11 = arith.constant 0 : index
    tpu.barrier barrier_id(%barrier3A_11)
    %scan3A_12 = arith.constant 0 : i32
    %scan3A_13 = arith.constant 0 : i32
    %scan3A_14 = arith.constant 8 : i32
    %scan3A_15 = arith.addi %scan3A_13, %scan3A_14 : i32
    %scan3A_16 = arith.constant 1 : i32
    scf.for %scan3A_18 = %scan3A_13 to %scan3A_15 step %scan3A_16  : i32 {
      %mul3A = arith.constant 16 : i32
      %mul3A_19 = arith.muli %mul3A, %scan3A_18 : i32
      %add3A = arith.addi %arg1, %mul3A_19 : i32
      %lt3A = arith.constant 125 : i32
      %lt3A_20 = arith.cmpi slt, %add3A, %lt3A : i32
      %convert_element_type3A = arith.extui %lt3A_20 : i1 to i32
      %cond3A = arith.constant 0 : i32
      %cond3A_21 = arith.cmpi ne, %convert_element_type3A, %cond3A : i32
      scf.if %cond3A_21 {
        %mul3A_22 = arith.constant 80 : i32
        %mul3A_23 = arith.muli %add3A, %mul3A_22 : i32
        "tpu.region"() ({
          %run_scoped3A = tpu.sem_alloc : memref<!tpu.dma_semaphore, #tpu.memory_space<semaphore_mem>>
          %dma_start3A = arith.constant 0 : i32
          %dma_start3A_24 = tpu.memref_slice %arg6[%mul3A_23, %dma_start3A] : memref<10000x128xf32, #tpu.memory_space<vmem_shared>> -> memref<80x128xf32, #tpu.memory_space<vmem_shared>>
          %dma_start3A_25 = arith.constant 0 : i32
          %dma_start3A_26 = tpu.memref_slice %arg6[%mul3A_23, %dma_start3A_25] : memref<10000x128xf32, #tpu.memory_space<vmem_shared>> -> memref<80x128xf32, #tpu.memory_space<vmem_shared>>
          tpu.enqueue_dma source(%dma_start3A_26 : memref<80x128xf32, #tpu.memory_space<vmem_shared>>) target(%arg9 : memref<80x128xf32, #tpu.memory_space<vmem>>) target_semaphore(%run_scoped3A : memref<!tpu.dma_semaphore, #tpu.memory_space<semaphore_mem>>)
          %dma_wait3A = arith.constant 0 : i32
          %dma_wait3A_27 = tpu.memref_slice %arg6[%mul3A_23, %dma_wait3A] : memref<10000x128xf32, #tpu.memory_space<vmem_shared>> -> memref<80x128xf32, #tpu.memory_space<vmem_shared>>
          %dma_wait3A_28 = arith.constant 0 : i32
          %dma_wait3A_29 = tpu.memref_slice %arg6[%mul3A_23, %dma_wait3A_28] : memref<10000x128xf32, #tpu.memory_space<vmem_shared>> -> memref<80x128xf32, #tpu.memory_space<vmem_shared>>
          tpu.wait_dma2 semaphore(%run_scoped3A : memref<!tpu.dma_semaphore, #tpu.memory_space<semaphore_mem>>) src(%dma_wait3A_29 : memref<80x128xf32, #tpu.memory_space<vmem_shared>>) dst(%arg9 : memref<80x128xf32, #tpu.memory_space<vmem>>)
          tpu.yield
        }) : () -> ()
        "tpu.region"() ({
          %run_scoped3A = tpu.sem_alloc : memref<!tpu.dma_semaphore, #tpu.memory_space<semaphore_mem>>
          %dma_start3A = arith.constant 0 : i32
          %dma_start3A_24 = arith.constant 0 : i32
          %dma_start3A_25 = tpu.memref_slice %arg5[%arg0, %dma_start3A, %dma_start3A_24] : memref<2x10000x128xf32, #tpu.memory_space<hbm>> -> memref<1x10000x128xf32, #tpu.memory_space<hbm>>
          %dma_start3A_26 = tpu.memref_squeeze %dma_start3A_25 : memref<1x10000x128xf32, #tpu.memory_space<hbm>> -> memref<10000x128xf32, #tpu.memory_space<hbm>>
          %dma_start3A_27 = arith.constant 0 : i32
          %dma_start3A_28 = tpu.memref_slice %dma_start3A_26[%mul3A_23, %dma_start3A_27] : memref<10000x128xf32, #tpu.memory_space<hbm>> -> memref<80x128xf32, #tpu.memory_space<hbm>>
          %dma_start3A_29 = arith.constant 0 : i32
          %dma_start3A_30 = arith.constant 0 : i32
          %dma_start3A_31 = tpu.memref_slice %arg5[%arg0, %dma_start3A_29, %dma_start3A_30] : memref<2x10000x128xf32, #tpu.memory_space<hbm>> -> memref<1x10000x128xf32, #tpu.memory_space<hbm>>
          %dma_start3A_32 = tpu.memref_squeeze %dma_start3A_31 : memref<1x10000x128xf32, #tpu.memory_space<hbm>> -> memref<10000x128xf32, #tpu.memory_space<hbm>>
          %dma_start3A_33 = arith.constant 0 : i32
          %dma_start3A_34 = tpu.memref_slice %dma_start3A_32[%mul3A_23, %dma_start3A_33] : memref<10000x128xf32, #tpu.memory_space<hbm>> -> memref<80x128xf32, #tpu.memory_space<hbm>>
          tpu.enqueue_dma source(%arg9 : memref<80x128xf32, #tpu.memory_space<vmem>>) target(%dma_start3A_34 : memref<80x128xf32, #tpu.memory_space<hbm>>) target_semaphore(%run_scoped3A : memref<!tpu.dma_semaphore, #tpu.memory_space<semaphore_mem>>)
          %dma_wait3A = arith.constant 0 : i32
          %dma_wait3A_35 = arith.constant 0 : i32
          %dma_wait3A_36 = tpu.memref_slice %arg5[%arg0, %dma_wait3A, %dma_wait3A_35] : memref<2x10000x128xf32, #tpu.memory_space<hbm>> -> memref<1x10000x128xf32, #tpu.memory_space<hbm>>
          %dma_wait3A_37 = tpu.memref_squeeze %dma_wait3A_36 : memref<1x10000x128xf32, #tpu.memory_space<hbm>> -> memref<10000x128xf32, #tpu.memory_space<hbm>>
          %dma_wait3A_38 = arith.constant 0 : i32
          %dma_wait3A_39 = tpu.memref_slice %dma_wait3A_37[%mul3A_23, %dma_wait3A_38] : memref<10000x128xf32, #tpu.memory_space<hbm>> -> memref<80x128xf32, #tpu.memory_space<hbm>>
          %dma_wait3A_40 = arith.constant 0 : i32
          %dma_wait3A_41 = arith.constant 0 : i32
          %dma_wait3A_42 = tpu.memref_slice %arg5[%arg0, %dma_wait3A_40, %dma_wait3A_41] : memref<2x10000x128xf32, #tpu.memory_space<hbm>> -> memref<1x10000x128xf32, #tpu.memory_space<hbm>>
          %dma_wait3A_43 = tpu.memref_squeeze %dma_wait3A_42 : memref<1x10000x128xf32, #tpu.memory_space<hbm>> -> memref<10000x128xf32, #tpu.memory_space<hbm>>
          %dma_wait3A_44 = arith.constant 0 : i32
          %dma_wait3A_45 = tpu.memref_slice %dma_wait3A_43[%mul3A_23, %dma_wait3A_44] : memref<10000x128xf32, #tpu.memory_space<hbm>> -> memref<80x128xf32, #tpu.memory_space<hbm>>
          tpu.wait_dma2 semaphore(%run_scoped3A : memref<!tpu.dma_semaphore, #tpu.memory_space<semaphore_mem>>) src(%arg9 : memref<80x128xf32, #tpu.memory_space<vmem>>) dst(%dma_wait3A_45 : memref<80x128xf32, #tpu.memory_space<hbm>>)
          tpu.yield
        }) : () -> ()
      } else {
      }
    }
    %scan3A_17 = arith.constant 8 : i32
    return
  }
}

module attributes {stable_mosaic.version = 14 : i64} {
  func.func @_k0_body(%arg0: i32, %arg1: memref<1000x256xf32, #tpu.memory_space<vmem>>) attributes {dimension_semantics = [#tpu.dimension_semantics<arbitrary>], iteration_bounds = array<i64: 10>, scalar_prefetch = 0 : i64, scratch_operands = 0 : i64, tpu.core_type = #tpu.core_type<tc>, window_params = [{transform_indices = @transform_0, window_bounds = array<i64: 1000, 256>}]} {
    %iota3A = tpu.iota {dimensions = array<i32: 0>} : vector<1000x256xi32>
    %mul3A = arith.constant 256 : i32
    %mul3A_0 = vector.broadcast %mul3A : i32 to vector<1000x256xi32>
    %mul3A_1 = arith.muli %iota3A, %mul3A_0 : vector<1000x256xi32>
    %iota3A_2 = tpu.iota {dimensions = array<i32: 1>} : vector<1000x256xi32>
    %add3A = arith.addi %mul3A_1, %iota3A_2 : vector<1000x256xi32>
    %mul3A_3 = arith.constant 256000 : i32
    %mul3A_4 = arith.muli %arg0, %mul3A_3 : i32
    %add3A_5 = vector.broadcast %mul3A_4 : i32 to vector<1000x256xi32>
    %add3A_6 = arith.addi %add3A, %add3A_5 : vector<1000x256xi32>
    %broadcast_in_dim3A = arith.constant 0 : i32
    %broadcast_in_dim3A_7 = vector.broadcast %broadcast_in_dim3A : i32 to vector<1000x256xi32>
    %add3A_8 = arith.constant 43 : i32
    %add3A_9 = vector.broadcast %add3A_8 : i32 to vector<1000x256xi32>
    %add3A_10 = arith.addi %add3A_6, %add3A_9 : vector<1000x256xi32>
    %add3A_11 = arith.addi %broadcast_in_dim3A_7, %add3A_10 : vector<1000x256xi32>
    %shift_left3A = arith.constant 13 : i32
    %shift_left3A_12 = vector.broadcast %shift_left3A : i32 to vector<1000x256xi32>
    %shift_left3A_13 = arith.shli %add3A_10, %shift_left3A_12 : vector<1000x256xi32>
    %shift_right_logical3A = arith.constant 19 : i32
    %shift_right_logical3A_14 = vector.broadcast %shift_right_logical3A : i32 to vector<1000x256xi32>
    %shift_right_logical3A_15 = arith.shrui %add3A_10, %shift_right_logical3A_14 : vector<1000x256xi32>
    %or3A = arith.ori %shift_left3A_13, %shift_right_logical3A_15 : vector<1000x256xi32>
    %xor3A = arith.xori %add3A_11, %or3A : vector<1000x256xi32>
    %add3A_16 = arith.addi %add3A_11, %xor3A : vector<1000x256xi32>
    %shift_left3A_17 = arith.constant 15 : i32
    %shift_left3A_18 = vector.broadcast %shift_left3A_17 : i32 to vector<1000x256xi32>
    %shift_left3A_19 = arith.shli %xor3A, %shift_left3A_18 : vector<1000x256xi32>
    %shift_right_logical3A_20 = arith.constant 17 : i32
    %shift_right_logical3A_21 = vector.broadcast %shift_right_logical3A_20 : i32 to vector<1000x256xi32>
    %shift_right_logical3A_22 = arith.shrui %xor3A, %shift_right_logical3A_21 : vector<1000x256xi32>
    %or3A_23 = arith.ori %shift_left3A_19, %shift_right_logical3A_22 : vector<1000x256xi32>
    %xor3A_24 = arith.xori %add3A_16, %or3A_23 : vector<1000x256xi32>
    %add3A_25 = arith.addi %add3A_16, %xor3A_24 : vector<1000x256xi32>
    %shift_left3A_26 = arith.constant 26 : i32
    %shift_left3A_27 = vector.broadcast %shift_left3A_26 : i32 to vector<1000x256xi32>
    %shift_left3A_28 = arith.shli %xor3A_24, %shift_left3A_27 : vector<1000x256xi32>
    %shift_right_logical3A_29 = arith.constant 6 : i32
    %shift_right_logical3A_30 = vector.broadcast %shift_right_logical3A_29 : i32 to vector<1000x256xi32>
    %shift_right_logical3A_31 = arith.shrui %xor3A_24, %shift_right_logical3A_30 : vector<1000x256xi32>
    %or3A_32 = arith.ori %shift_left3A_28, %shift_right_logical3A_31 : vector<1000x256xi32>
    %xor3A_33 = arith.xori %add3A_25, %or3A_32 : vector<1000x256xi32>
    %add3A_34 = arith.addi %add3A_25, %xor3A_33 : vector<1000x256xi32>
    %shift_left3A_35 = arith.constant 6 : i32
    %shift_left3A_36 = vector.broadcast %shift_left3A_35 : i32 to vector<1000x256xi32>
    %shift_left3A_37 = arith.shli %xor3A_33, %shift_left3A_36 : vector<1000x256xi32>
    %shift_right_logical3A_38 = arith.constant 26 : i32
    %shift_right_logical3A_39 = vector.broadcast %shift_right_logical3A_38 : i32 to vector<1000x256xi32>
    %shift_right_logical3A_40 = arith.shrui %xor3A_33, %shift_right_logical3A_39 : vector<1000x256xi32>
    %or3A_41 = arith.ori %shift_left3A_37, %shift_right_logical3A_40 : vector<1000x256xi32>
    %xor3A_42 = arith.xori %add3A_34, %or3A_41 : vector<1000x256xi32>
    %add3A_43 = arith.constant 43 : i32
    %add3A_44 = vector.broadcast %add3A_43 : i32 to vector<1000x256xi32>
    %add3A_45 = arith.addi %add3A_34, %add3A_44 : vector<1000x256xi32>
    %add3A_46 = arith.constant 466689010 : i32
    %add3A_47 = vector.broadcast %add3A_46 : i32 to vector<1000x256xi32>
    %add3A_48 = arith.addi %xor3A_42, %add3A_47 : vector<1000x256xi32>
    %add3A_49 = arith.addi %add3A_45, %add3A_48 : vector<1000x256xi32>
    %shift_left3A_50 = arith.constant 17 : i32
    %shift_left3A_51 = vector.broadcast %shift_left3A_50 : i32 to vector<1000x256xi32>
    %shift_left3A_52 = arith.shli %add3A_48, %shift_left3A_51 : vector<1000x256xi32>
    %shift_right_logical3A_53 = arith.constant 15 : i32
    %shift_right_logical3A_54 = vector.broadcast %shift_right_logical3A_53 : i32 to vector<1000x256xi32>
    %shift_right_logical3A_55 = arith.shrui %add3A_48, %shift_right_logical3A_54 : vector<1000x256xi32>
    %or3A_56 = arith.ori %shift_left3A_52, %shift_right_logical3A_55 : vector<1000x256xi32>
    %xor3A_57 = arith.xori %add3A_49, %or3A_56 : vector<1000x256xi32>
    %add3A_58 = arith.addi %add3A_49, %xor3A_57 : vector<1000x256xi32>
    %shift_left3A_59 = arith.constant 29 : i32
    %shift_left3A_60 = vector.broadcast %shift_left3A_59 : i32 to vector<1000x256xi32>
    %shift_left3A_61 = arith.shli %xor3A_57, %shift_left3A_60 : vector<1000x256xi32>
    %shift_right_logical3A_62 = arith.constant 3 : i32
    %shift_right_logical3A_63 = vector.broadcast %shift_right_logical3A_62 : i32 to vector<1000x256xi32>
    %shift_right_logical3A_64 = arith.shrui %xor3A_57, %shift_right_logical3A_63 : vector<1000x256xi32>
    %or3A_65 = arith.ori %shift_left3A_61, %shift_right_logical3A_64 : vector<1000x256xi32>
    %xor3A_66 = arith.xori %add3A_58, %or3A_65 : vector<1000x256xi32>
    %add3A_67 = arith.addi %add3A_58, %xor3A_66 : vector<1000x256xi32>
    %shift_left3A_68 = arith.constant 16 : i32
    %shift_left3A_69 = vector.broadcast %shift_left3A_68 : i32 to vector<1000x256xi32>
    %shift_left3A_70 = arith.shli %xor3A_66, %shift_left3A_69 : vector<1000x256xi32>
    %shift_right_logical3A_71 = arith.constant 16 : i32
    %shift_right_logical3A_72 = vector.broadcast %shift_right_logical3A_71 : i32 to vector<1000x256xi32>
    %shift_right_logical3A_73 = arith.shrui %xor3A_66, %shift_right_logical3A_72 : vector<1000x256xi32>
    %or3A_74 = arith.ori %shift_left3A_70, %shift_right_logical3A_73 : vector<1000x256xi32>
    %xor3A_75 = arith.xori %add3A_67, %or3A_74 : vector<1000x256xi32>
    %add3A_76 = arith.addi %add3A_67, %xor3A_75 : vector<1000x256xi32>
    %shift_left3A_77 = arith.constant 24 : i32
    %shift_left3A_78 = vector.broadcast %shift_left3A_77 : i32 to vector<1000x256xi32>
    %shift_left3A_79 = arith.shli %xor3A_75, %shift_left3A_78 : vector<1000x256xi32>
    %shift_right_logical3A_80 = arith.constant 8 : i32
    %shift_right_logical3A_81 = vector.broadcast %shift_right_logical3A_80 : i32 to vector<1000x256xi32>
    %shift_right_logical3A_82 = arith.shrui %xor3A_75, %shift_right_logical3A_81 : vector<1000x256xi32>
    %or3A_83 = arith.ori %shift_left3A_79, %shift_right_logical3A_82 : vector<1000x256xi32>
    %xor3A_84 = arith.xori %add3A_76, %or3A_83 : vector<1000x256xi32>
    %add3A_85 = arith.constant 466689009 : i32
    %add3A_86 = vector.broadcast %add3A_85 : i32 to vector<1000x256xi32>
    %add3A_87 = arith.addi %add3A_76, %add3A_86 : vector<1000x256xi32>
    %add3A_88 = arith.constant 2 : i32
    %add3A_89 = vector.broadcast %add3A_88 : i32 to vector<1000x256xi32>
    %add3A_90 = arith.addi %xor3A_84, %add3A_89 : vector<1000x256xi32>
    %add3A_91 = arith.addi %add3A_87, %add3A_90 : vector<1000x256xi32>
    %shift_left3A_92 = arith.constant 13 : i32
    %shift_left3A_93 = vector.broadcast %shift_left3A_92 : i32 to vector<1000x256xi32>
    %shift_left3A_94 = arith.shli %add3A_90, %shift_left3A_93 : vector<1000x256xi32>
    %shift_right_logical3A_95 = arith.constant 19 : i32
    %shift_right_logical3A_96 = vector.broadcast %shift_right_logical3A_95 : i32 to vector<1000x256xi32>
    %shift_right_logical3A_97 = arith.shrui %add3A_90, %shift_right_logical3A_96 : vector<1000x256xi32>
    %or3A_98 = arith.ori %shift_left3A_94, %shift_right_logical3A_97 : vector<1000x256xi32>
    %xor3A_99 = arith.xori %add3A_91, %or3A_98 : vector<1000x256xi32>
    %add3A_100 = arith.addi %add3A_91, %xor3A_99 : vector<1000x256xi32>
    %shift_left3A_101 = arith.constant 15 : i32
    %shift_left3A_102 = vector.broadcast %shift_left3A_101 : i32 to vector<1000x256xi32>
    %shift_left3A_103 = arith.shli %xor3A_99, %shift_left3A_102 : vector<1000x256xi32>
    %shift_right_logical3A_104 = arith.constant 17 : i32
    %shift_right_logical3A_105 = vector.broadcast %shift_right_logical3A_104 : i32 to vector<1000x256xi32>
    %shift_right_logical3A_106 = arith.shrui %xor3A_99, %shift_right_logical3A_105 : vector<1000x256xi32>
    %or3A_107 = arith.ori %shift_left3A_103, %shift_right_logical3A_106 : vector<1000x256xi32>
    %xor3A_108 = arith.xori %add3A_100, %or3A_107 : vector<1000x256xi32>
    %add3A_109 = arith.addi %add3A_100, %xor3A_108 : vector<1000x256xi32>
    %shift_left3A_110 = arith.constant 26 : i32
    %shift_left3A_111 = vector.broadcast %shift_left3A_110 : i32 to vector<1000x256xi32>
    %shift_left3A_112 = arith.shli %xor3A_108, %shift_left3A_111 : vector<1000x256xi32>
    %shift_right_logical3A_113 = arith.constant 6 : i32
    %shift_right_logical3A_114 = vector.broadcast %shift_right_logical3A_113 : i32 to vector<1000x256xi32>
    %shift_right_logical3A_115 = arith.shrui %xor3A_108, %shift_right_logical3A_114 : vector<1000x256xi32>
    %or3A_116 = arith.ori %shift_left3A_112, %shift_right_logical3A_115 : vector<1000x256xi32>
    %xor3A_117 = arith.xori %add3A_109, %or3A_116 : vector<1000x256xi32>
    %add3A_118 = arith.addi %add3A_109, %xor3A_117 : vector<1000x256xi32>
    %shift_left3A_119 = arith.constant 6 : i32
    %shift_left3A_120 = vector.broadcast %shift_left3A_119 : i32 to vector<1000x256xi32>
    %shift_left3A_121 = arith.shli %xor3A_117, %shift_left3A_120 : vector<1000x256xi32>
    %shift_right_logical3A_122 = arith.constant 26 : i32
    %shift_right_logical3A_123 = vector.broadcast %shift_right_logical3A_122 : i32 to vector<1000x256xi32>
    %shift_right_logical3A_124 = arith.shrui %xor3A_117, %shift_right_logical3A_123 : vector<1000x256xi32>
    %or3A_125 = arith.ori %shift_left3A_121, %shift_right_logical3A_124 : vector<1000x256xi32>
    %xor3A_126 = arith.xori %add3A_118, %or3A_125 : vector<1000x256xi32>
    %add3A_127 = arith.constant 0 : i32
    %add3A_128 = vector.broadcast %add3A_127 : i32 to vector<1000x256xi32>
    %add3A_129 = arith.addi %add3A_118, %add3A_128 : vector<1000x256xi32>
    %add3A_130 = arith.constant 46 : i32
    %add3A_131 = vector.broadcast %add3A_130 : i32 to vector<1000x256xi32>
    %add3A_132 = arith.addi %xor3A_126, %add3A_131 : vector<1000x256xi32>
    %add3A_133 = arith.addi %add3A_129, %add3A_132 : vector<1000x256xi32>
    %shift_left3A_134 = arith.constant 17 : i32
    %shift_left3A_135 = vector.broadcast %shift_left3A_134 : i32 to vector<1000x256xi32>
    %shift_left3A_136 = arith.shli %add3A_132, %shift_left3A_135 : vector<1000x256xi32>
    %shift_right_logical3A_137 = arith.constant 15 : i32
    %shift_right_logical3A_138 = vector.broadcast %shift_right_logical3A_137 : i32 to vector<1000x256xi32>
    %shift_right_logical3A_139 = arith.shrui %add3A_132, %shift_right_logical3A_138 : vector<1000x256xi32>
    %or3A_140 = arith.ori %shift_left3A_136, %shift_right_logical3A_139 : vector<1000x256xi32>
    %xor3A_141 = arith.xori %add3A_133, %or3A_140 : vector<1000x256xi32>
    %add3A_142 = arith.addi %add3A_133, %xor3A_141 : vector<1000x256xi32>
    %shift_left3A_143 = arith.constant 29 : i32
    %shift_left3A_144 = vector.broadcast %shift_left3A_143 : i32 to vector<1000x256xi32>
    %shift_left3A_145 = arith.shli %xor3A_141, %shift_left3A_144 : vector<1000x256xi32>
    %shift_right_logical3A_146 = arith.constant 3 : i32
    %shift_right_logical3A_147 = vector.broadcast %shift_right_logical3A_146 : i32 to vector<1000x256xi32>
    %shift_right_logical3A_148 = arith.shrui %xor3A_141, %shift_right_logical3A_147 : vector<1000x256xi32>
    %or3A_149 = arith.ori %shift_left3A_145, %shift_right_logical3A_148 : vector<1000x256xi32>
    %xor3A_150 = arith.xori %add3A_142, %or3A_149 : vector<1000x256xi32>
    %add3A_151 = arith.addi %add3A_142, %xor3A_150 : vector<1000x256xi32>
    %shift_left3A_152 = arith.constant 16 : i32
    %shift_left3A_153 = vector.broadcast %shift_left3A_152 : i32 to vector<1000x256xi32>
    %shift_left3A_154 = arith.shli %xor3A_150, %shift_left3A_153 : vector<1000x256xi32>
    %shift_right_logical3A_155 = arith.constant 16 : i32
    %shift_right_logical3A_156 = vector.broadcast %shift_right_logical3A_155 : i32 to vector<1000x256xi32>
    %shift_right_logical3A_157 = arith.shrui %xor3A_150, %shift_right_logical3A_156 : vector<1000x256xi32>
    %or3A_158 = arith.ori %shift_left3A_154, %shift_right_logical3A_157 : vector<1000x256xi32>
    %xor3A_159 = arith.xori %add3A_151, %or3A_158 : vector<1000x256xi32>
    %add3A_160 = arith.addi %add3A_151, %xor3A_159 : vector<1000x256xi32>
    %shift_left3A_161 = arith.constant 24 : i32
    %shift_left3A_162 = vector.broadcast %shift_left3A_161 : i32 to vector<1000x256xi32>
    %shift_left3A_163 = arith.shli %xor3A_159, %shift_left3A_162 : vector<1000x256xi32>
    %shift_right_logical3A_164 = arith.constant 8 : i32
    %shift_right_logical3A_165 = vector.broadcast %shift_right_logical3A_164 : i32 to vector<1000x256xi32>
    %shift_right_logical3A_166 = arith.shrui %xor3A_159, %shift_right_logical3A_165 : vector<1000x256xi32>
    %or3A_167 = arith.ori %shift_left3A_163, %shift_right_logical3A_166 : vector<1000x256xi32>
    %xor3A_168 = arith.xori %add3A_160, %or3A_167 : vector<1000x256xi32>
    %add3A_169 = arith.constant 43 : i32
    %add3A_170 = vector.broadcast %add3A_169 : i32 to vector<1000x256xi32>
    %add3A_171 = arith.addi %add3A_160, %add3A_170 : vector<1000x256xi32>
    %add3A_172 = arith.constant 466689013 : i32
    %add3A_173 = vector.broadcast %add3A_172 : i32 to vector<1000x256xi32>
    %add3A_174 = arith.addi %xor3A_168, %add3A_173 : vector<1000x256xi32>
    %add3A_175 = arith.addi %add3A_171, %add3A_174 : vector<1000x256xi32>
    %shift_left3A_176 = arith.constant 13 : i32
    %shift_left3A_177 = vector.broadcast %shift_left3A_176 : i32 to vector<1000x256xi32>
    %shift_left3A_178 = arith.shli %add3A_174, %shift_left3A_177 : vector<1000x256xi32>
    %shift_right_logical3A_179 = arith.constant 19 : i32
    %shift_right_logical3A_180 = vector.broadcast %shift_right_logical3A_179 : i32 to vector<1000x256xi32>
    %shift_right_logical3A_181 = arith.shrui %add3A_174, %shift_right_logical3A_180 : vector<1000x256xi32>
    %or3A_182 = arith.ori %shift_left3A_178, %shift_right_logical3A_181 : vector<1000x256xi32>
    %xor3A_183 = arith.xori %add3A_175, %or3A_182 : vector<1000x256xi32>
    %add3A_184 = arith.addi %add3A_175, %xor3A_183 : vector<1000x256xi32>
    %shift_left3A_185 = arith.constant 15 : i32
    %shift_left3A_186 = vector.broadcast %shift_left3A_185 : i32 to vector<1000x256xi32>
    %shift_left3A_187 = arith.shli %xor3A_183, %shift_left3A_186 : vector<1000x256xi32>
    %shift_right_logical3A_188 = arith.constant 17 : i32
    %shift_right_logical3A_189 = vector.broadcast %shift_right_logical3A_188 : i32 to vector<1000x256xi32>
    %shift_right_logical3A_190 = arith.shrui %xor3A_183, %shift_right_logical3A_189 : vector<1000x256xi32>
    %or3A_191 = arith.ori %shift_left3A_187, %shift_right_logical3A_190 : vector<1000x256xi32>
    %xor3A_192 = arith.xori %add3A_184, %or3A_191 : vector<1000x256xi32>
    %add3A_193 = arith.addi %add3A_184, %xor3A_192 : vector<1000x256xi32>
    %shift_left3A_194 = arith.constant 26 : i32
    %shift_left3A_195 = vector.broadcast %shift_left3A_194 : i32 to vector<1000x256xi32>
    %shift_left3A_196 = arith.shli %xor3A_192, %shift_left3A_195 : vector<1000x256xi32>
    %shift_right_logical3A_197 = arith.constant 6 : i32
    %shift_right_logical3A_198 = vector.broadcast %shift_right_logical3A_197 : i32 to vector<1000x256xi32>
    %shift_right_logical3A_199 = arith.shrui %xor3A_192, %shift_right_logical3A_198 : vector<1000x256xi32>
    %or3A_200 = arith.ori %shift_left3A_196, %shift_right_logical3A_199 : vector<1000x256xi32>
    %xor3A_201 = arith.xori %add3A_193, %or3A_200 : vector<1000x256xi32>
    %add3A_202 = arith.addi %add3A_193, %xor3A_201 : vector<1000x256xi32>
    %shift_left3A_203 = arith.constant 6 : i32
    %shift_left3A_204 = vector.broadcast %shift_left3A_203 : i32 to vector<1000x256xi32>
    %shift_left3A_205 = arith.shli %xor3A_201, %shift_left3A_204 : vector<1000x256xi32>
    %shift_right_logical3A_206 = arith.constant 26 : i32
    %shift_right_logical3A_207 = vector.broadcast %shift_right_logical3A_206 : i32 to vector<1000x256xi32>
    %shift_right_logical3A_208 = arith.shrui %xor3A_201, %shift_right_logical3A_207 : vector<1000x256xi32>
    %or3A_209 = arith.ori %shift_left3A_205, %shift_right_logical3A_208 : vector<1000x256xi32>
    %xor3A_210 = arith.xori %add3A_202, %or3A_209 : vector<1000x256xi32>
    %add3A_211 = arith.constant 466689009 : i32
    %add3A_212 = vector.broadcast %add3A_211 : i32 to vector<1000x256xi32>
    %add3A_213 = arith.addi %add3A_202, %add3A_212 : vector<1000x256xi32>
    %add3A_214 = arith.constant 5 : i32
    %add3A_215 = vector.broadcast %add3A_214 : i32 to vector<1000x256xi32>
    %add3A_216 = arith.addi %xor3A_210, %add3A_215 : vector<1000x256xi32>
    %xor3A_217 = arith.xori %add3A_213, %add3A_216 : vector<1000x256xi32>
    %shift_right_logical3A_218 = arith.constant 9 : i32
    %shift_right_logical3A_219 = vector.broadcast %shift_right_logical3A_218 : i32 to vector<1000x256xi32>
    %shift_right_logical3A_220 = arith.shrui %xor3A_217, %shift_right_logical3A_219 : vector<1000x256xi32>
    %or3A_221 = arith.constant 1065353216 : i32
    %or3A_222 = vector.broadcast %or3A_221 : i32 to vector<1000x256xi32>
    %or3A_223 = arith.ori %shift_right_logical3A_220, %or3A_222 : vector<1000x256xi32>
    %bitcast_convert_type3A = tpu.bitcast %or3A_223 : vector<1000x256xi32> -> vector<1000x256xf32>
    %sub3A = arith.constant 1.000000e+00 : f32
    %sub3A_224 = vector.broadcast %sub3A : f32 to vector<1000x256xf32>
    %sub3A_225 = arith.subf %bitcast_convert_type3A, %sub3A_224 : vector<1000x256xf32>
    %sub3A_226 = arith.constant 1.000000e+00 : f32
    %sub3A_227 = arith.constant -0.99999994 : f32
    %sub3A_228 = arith.subf %sub3A_226, %sub3A_227 : f32
    %mul3A_229 = vector.broadcast %sub3A_228 : f32 to vector<1000x256xf32>
    %mul3A_230 = arith.mulf %sub3A_225, %mul3A_229 : vector<1000x256xf32>
    %add3A_231 = arith.constant -0.99999994 : f32
    %add3A_232 = vector.broadcast %add3A_231 : f32 to vector<1000x256xf32>
    %add3A_233 = arith.addf %mul3A_230, %add3A_232 : vector<1000x256xf32>
    %max3A = arith.constant -0.99999994 : f32
    %max3A_234 = vector.broadcast %max3A : f32 to vector<1000x256xf32>
    %max3A_235 = arith.maximumf %max3A_234, %add3A_233 : vector<1000x256xf32>
    %erf_inv3A = arith.constant 0.000000e+00 : f32
    %erf_inv3A_236 = vector.broadcast %erf_inv3A : f32 to vector<1000x256xf32>
    %erf_inv3A_237 = arith.subf %erf_inv3A_236, %max3A_235 : vector<1000x256xf32>
    %erf_inv3A_238 = arith.mulf %max3A_235, %erf_inv3A_237 : vector<1000x256xf32>
    %erf_inv3A_239 = math.log1p %erf_inv3A_238 : vector<1000x256xf32>
    %erf_inv3A_240 = arith.constant 0.000000e+00 : f32
    %erf_inv3A_241 = vector.broadcast %erf_inv3A_240 : f32 to vector<1000x256xf32>
    %erf_inv3A_242 = arith.subf %erf_inv3A_241, %erf_inv3A_239 : vector<1000x256xf32>
    %erf_inv3A_243 = arith.constant 5.000000e+00 : f32
    %erf_inv3A_244 = vector.broadcast %erf_inv3A_243 : f32 to vector<1000x256xf32>
    %erf_inv3A_245 = arith.cmpf olt, %erf_inv3A_242, %erf_inv3A_244 : vector<1000x256xf32>
    %erf_inv3A_246 = arith.constant 2.500000e+00 : f32
    %erf_inv3A_247 = vector.broadcast %erf_inv3A_246 : f32 to vector<1000x256xf32>
    %erf_inv3A_248 = arith.subf %erf_inv3A_242, %erf_inv3A_247 : vector<1000x256xf32>
    %erf_inv3A_249 = math.sqrt %erf_inv3A_242 : vector<1000x256xf32>
    %erf_inv3A_250 = arith.constant 3.000000e+00 : f32
    %erf_inv3A_251 = vector.broadcast %erf_inv3A_250 : f32 to vector<1000x256xf32>
    %erf_inv3A_252 = arith.subf %erf_inv3A_249, %erf_inv3A_251 : vector<1000x256xf32>
    %erf_inv3A_253 = arith.select %erf_inv3A_245, %erf_inv3A_248, %erf_inv3A_252 : vector<1000x256xi1>, vector<1000x256xf32>
    %erf_inv3A_254 = arith.constant 2.81022636E-8 : f32
    %erf_inv3A_255 = arith.constant -2.00214257E-4 : f32
    %erf_inv3A_256 = vector.broadcast %erf_inv3A_254 : f32 to vector<1000x256xf32>
    %erf_inv3A_257 = vector.broadcast %erf_inv3A_255 : f32 to vector<1000x256xf32>
    %erf_inv3A_258 = arith.select %erf_inv3A_245, %erf_inv3A_256, %erf_inv3A_257 : vector<1000x256xi1>, vector<1000x256xf32>
    %erf_inv3A_259 = arith.constant 3.43273939E-7 : f32
    %erf_inv3A_260 = arith.constant 1.00950558E-4 : f32
    %erf_inv3A_261 = vector.broadcast %erf_inv3A_259 : f32 to vector<1000x256xf32>
    %erf_inv3A_262 = vector.broadcast %erf_inv3A_260 : f32 to vector<1000x256xf32>
    %erf_inv3A_263 = arith.select %erf_inv3A_245, %erf_inv3A_261, %erf_inv3A_262 : vector<1000x256xi1>, vector<1000x256xf32>
    %erf_inv3A_264 = arith.mulf %erf_inv3A_258, %erf_inv3A_253 : vector<1000x256xf32>
    %erf_inv3A_265 = arith.addf %erf_inv3A_263, %erf_inv3A_264 : vector<1000x256xf32>
    %erf_inv3A_266 = arith.constant -3.5233877E-6 : f32
    %erf_inv3A_267 = arith.constant 0.00134934322 : f32
    %erf_inv3A_268 = vector.broadcast %erf_inv3A_266 : f32 to vector<1000x256xf32>
    %erf_inv3A_269 = vector.broadcast %erf_inv3A_267 : f32 to vector<1000x256xf32>
    %erf_inv3A_270 = arith.select %erf_inv3A_245, %erf_inv3A_268, %erf_inv3A_269 : vector<1000x256xi1>, vector<1000x256xf32>
    %erf_inv3A_271 = arith.mulf %erf_inv3A_265, %erf_inv3A_253 : vector<1000x256xf32>
    %erf_inv3A_272 = arith.addf %erf_inv3A_270, %erf_inv3A_271 : vector<1000x256xf32>
    %erf_inv3A_273 = arith.constant -4.39150654E-6 : f32
    %erf_inv3A_274 = arith.constant -0.00367342844 : f32
    %erf_inv3A_275 = vector.broadcast %erf_inv3A_273 : f32 to vector<1000x256xf32>
    %erf_inv3A_276 = vector.broadcast %erf_inv3A_274 : f32 to vector<1000x256xf32>
    %erf_inv3A_277 = arith.select %erf_inv3A_245, %erf_inv3A_275, %erf_inv3A_276 : vector<1000x256xi1>, vector<1000x256xf32>
    %erf_inv3A_278 = arith.mulf %erf_inv3A_272, %erf_inv3A_253 : vector<1000x256xf32>
    %erf_inv3A_279 = arith.addf %erf_inv3A_277, %erf_inv3A_278 : vector<1000x256xf32>
    %erf_inv3A_280 = arith.constant 2.1858087E-4 : f32
    %erf_inv3A_281 = arith.constant 0.00573950773 : f32
    %erf_inv3A_282 = vector.broadcast %erf_inv3A_280 : f32 to vector<1000x256xf32>
    %erf_inv3A_283 = vector.broadcast %erf_inv3A_281 : f32 to vector<1000x256xf32>
    %erf_inv3A_284 = arith.select %erf_inv3A_245, %erf_inv3A_282, %erf_inv3A_283 : vector<1000x256xi1>, vector<1000x256xf32>
    %erf_inv3A_285 = arith.mulf %erf_inv3A_279, %erf_inv3A_253 : vector<1000x256xf32>
    %erf_inv3A_286 = arith.addf %erf_inv3A_284, %erf_inv3A_285 : vector<1000x256xf32>
    %erf_inv3A_287 = arith.constant -0.00125372503 : f32
    %erf_inv3A_288 = arith.constant -0.0076224613 : f32
    %erf_inv3A_289 = vector.broadcast %erf_inv3A_287 : f32 to vector<1000x256xf32>
    %erf_inv3A_290 = vector.broadcast %erf_inv3A_288 : f32 to vector<1000x256xf32>
    %erf_inv3A_291 = arith.select %erf_inv3A_245, %erf_inv3A_289, %erf_inv3A_290 : vector<1000x256xi1>, vector<1000x256xf32>
    %erf_inv3A_292 = arith.mulf %erf_inv3A_286, %erf_inv3A_253 : vector<1000x256xf32>
    %erf_inv3A_293 = arith.addf %erf_inv3A_291, %erf_inv3A_292 : vector<1000x256xf32>
    %erf_inv3A_294 = arith.constant -0.00417768164 : f32
    %erf_inv3A_295 = arith.constant 0.00943887047 : f32
    %erf_inv3A_296 = vector.broadcast %erf_inv3A_294 : f32 to vector<1000x256xf32>
    %erf_inv3A_297 = vector.broadcast %erf_inv3A_295 : f32 to vector<1000x256xf32>
    %erf_inv3A_298 = arith.select %erf_inv3A_245, %erf_inv3A_296, %erf_inv3A_297 : vector<1000x256xi1>, vector<1000x256xf32>
    %erf_inv3A_299 = arith.mulf %erf_inv3A_293, %erf_inv3A_253 : vector<1000x256xf32>
    %erf_inv3A_300 = arith.addf %erf_inv3A_298, %erf_inv3A_299 : vector<1000x256xf32>
    %erf_inv3A_301 = arith.constant 0.246640727 : f32
    %erf_inv3A_302 = arith.constant 1.00167406 : f32
    %erf_inv3A_303 = vector.broadcast %erf_inv3A_301 : f32 to vector<1000x256xf32>
    %erf_inv3A_304 = vector.broadcast %erf_inv3A_302 : f32 to vector<1000x256xf32>
    %erf_inv3A_305 = arith.select %erf_inv3A_245, %erf_inv3A_303, %erf_inv3A_304 : vector<1000x256xi1>, vector<1000x256xf32>
    %erf_inv3A_306 = arith.mulf %erf_inv3A_300, %erf_inv3A_253 : vector<1000x256xf32>
    %erf_inv3A_307 = arith.addf %erf_inv3A_305, %erf_inv3A_306 : vector<1000x256xf32>
    %erf_inv3A_308 = arith.constant 1.50140941 : f32
    %erf_inv3A_309 = arith.constant 2.83297682 : f32
    %erf_inv3A_310 = vector.broadcast %erf_inv3A_308 : f32 to vector<1000x256xf32>
    %erf_inv3A_311 = vector.broadcast %erf_inv3A_309 : f32 to vector<1000x256xf32>
    %erf_inv3A_312 = arith.select %erf_inv3A_245, %erf_inv3A_310, %erf_inv3A_311 : vector<1000x256xi1>, vector<1000x256xf32>
    %erf_inv3A_313 = arith.mulf %erf_inv3A_307, %erf_inv3A_253 : vector<1000x256xf32>
    %erf_inv3A_314 = arith.addf %erf_inv3A_312, %erf_inv3A_313 : vector<1000x256xf32>
    %erf_inv3A_315 = math.absf %max3A_235 : vector<1000x256xf32>
    %erf_inv3A_316 = arith.constant 1.000000e+00 : f32
    %erf_inv3A_317 = vector.broadcast %erf_inv3A_316 : f32 to vector<1000x256xf32>
    %erf_inv3A_318 = arith.cmpf oeq, %erf_inv3A_315, %erf_inv3A_317 : vector<1000x256xf32>
    %erf_inv3A_319 = arith.constant 0x7F800000 : f32
    %erf_inv3A_320 = vector.broadcast %erf_inv3A_319 : f32 to vector<1000x256xf32>
    %erf_inv3A_321 = arith.mulf %erf_inv3A_320, %max3A_235 : vector<1000x256xf32>
    %erf_inv3A_322 = arith.mulf %erf_inv3A_314, %max3A_235 : vector<1000x256xf32>
    %erf_inv3A_323 = arith.select %erf_inv3A_318, %erf_inv3A_321, %erf_inv3A_322 : vector<1000x256xi1>, vector<1000x256xf32>
    %mul3A_324 = arith.constant 1.41421354 : f32
    %mul3A_325 = vector.broadcast %mul3A_324 : f32 to vector<1000x256xf32>
    %mul3A_326 = arith.mulf %mul3A_325, %erf_inv3A_323 : vector<1000x256xf32>
    %swap3A = arith.constant 0 : index
    %swap3A_327 = arith.constant 0 : index
    %swap3A_328 = vector.load %arg1[%swap3A, %swap3A_327] : memref<1000x256xf32, #tpu.memory_space<vmem>>, vector<1000x256xf32>
    tpu.vector_store %arg1[%swap3A, %swap3A_327], %mul3A_326 {strides = array<i32>} : memref<1000x256xf32, #tpu.memory_space<vmem>>, vector<1000x256xf32>,
    return
  }
  func.func @transform_0(%arg0: i32) -> (i32, i32) {
    %c0_i32 = arith.constant 0 : i32
    %c0_i32_0 = arith.constant 0 : i32
    return %arg0, %c0_i32 : i32, i32
  }
}

module attributes {stable_mosaic.version = 14 : i64} {
  func.func @_k1_body(%arg0: i32, %arg1: memref<1x3xf32, #tpu.memory_space<smem>>, %arg2: memref<1000x256xf32, #tpu.memory_space<vmem>>, %arg3: memref<1000x256xf32, #tpu.memory_space<vmem>>, %arg4: memref<2x1000x16xf32, #tpu.memory_space<vmem>>, %arg5: memref<1x256xf32, #tpu.memory_space<vmem>>, %arg6: memref<1x256xf32, #tpu.memory_space<vmem>>, %arg7: memref<256x256xf32, #tpu.memory_space<vmem>>, %arg8: memref<1x256xf32, #tpu.memory_space<vmem>>, %arg9: memref<256x256xf32, #tpu.memory_space<vmem>>, %arg10: memref<2x1000x128xf32, #tpu.memory_space<vmem>>, %arg11: memref<1000x16xf32, #tpu.memory_space<vmem>>, %arg12: memref<1x256xf32, #tpu.memory_space<vmem>>) attributes {dimension_semantics = [#tpu.dimension_semantics<arbitrary>], iteration_bounds = array<i64: 10>, scalar_prefetch = 0 : i64, scratch_operands = 0 : i64, tpu.core_type = #tpu.core_type<tc>, window_params = [{transform_indices = @transform_0, window_bounds = array<i64: 1, 3>}, {transform_indices = @transform_1, window_bounds = array<i64: 1000, 256>}, {transform_indices = @transform_2, window_bounds = array<i64: 1000, 256>}, {transform_indices = @transform_3, window_bounds = array<i64: 2, 1000, 16>}, {pipeline_mode = #tpu.pipeline_mode<synchronous>, transform_indices = @transform_4, window_bounds = array<i64: 1, 256>}, {pipeline_mode = #tpu.pipeline_mode<synchronous>, transform_indices = @transform_5, window_bounds = array<i64: 1, 256>}, {pipeline_mode = #tpu.pipeline_mode<synchronous>, transform_indices = @transform_6, window_bounds = array<i64: 256, 256>}, {pipeline_mode = #tpu.pipeline_mode<synchronous>, transform_indices = @transform_7, window_bounds = array<i64: 1, 256>}, {pipeline_mode = #tpu.pipeline_mode<synchronous>, transform_indices = @transform_8, window_bounds = array<i64: 256, 256>}, {transform_indices = @transform_9, window_bounds = array<i64: 2, 1000, 128>}, {transform_indices = @transform_10, window_bounds = array<i64: 1000, 16>}, {pipeline_mode = #tpu.pipeline_mode<synchronous>, transform_indices = @transform_11, window_bounds = array<i64: 1, 256>}]} {
    %get3A = arith.constant 0 : index
    %get3A_0 = arith.constant 0 : index
    %get3A_1 = memref.load %arg1[%get3A, %get3A_0] : memref<1x3xf32, #tpu.memory_space<smem>>
    %get3A_2 = arith.constant 0 : index
    %get3A_3 = arith.constant 1 : index
    %get3A_4 = memref.load %arg1[%get3A_2, %get3A_3] : memref<1x3xf32, #tpu.memory_space<smem>>
    %get3A_5 = arith.constant 0 : index
    %get3A_6 = arith.constant 2 : index
    %get3A_7 = memref.load %arg1[%get3A_5, %get3A_6] : memref<1x3xf32, #tpu.memory_space<smem>>
    %get3A_8 = arith.constant 0 : index
    %get3A_9 = arith.constant 0 : index
    %get3A_10 = arith.constant 0 : index
    %get3A_11 = vector.load %arg4[%get3A_8, %get3A_9, %get3A_10] : memref<2x1000x16xf32, #tpu.memory_space<vmem>>, vector<1x1000x1xf32>
    %get3A_12 = vector.shape_cast %get3A_11 : vector<1x1000x1xf32> to vector<1000x1xf32>
    %get3A_13 = arith.constant 1 : index
    %get3A_14 = arith.constant 0 : index
    %get3A_15 = arith.constant 0 : index
    %get3A_16 = vector.load %arg4[%get3A_13, %get3A_14, %get3A_15] : memref<2x1000x16xf32, #tpu.memory_space<vmem>>, vector<1x1000x1xf32>
    %get3A_17 = vector.shape_cast %get3A_16 : vector<1x1000x1xf32> to vector<1000x1xf32>
    %add3A = arith.addf %get3A_12, %get3A_17 : vector<1000x1xf32>
    %rsqrt3A = math.rsqrt %add3A : vector<1000x1xf32>
    %get3A_18 = arith.constant 0 : index
    %get3A_19 = arith.constant 0 : index
    %get3A_20 = vector.load %arg2[%get3A_18, %get3A_19] : memref<1000x256xf32, #tpu.memory_space<vmem>>, vector<1000x256xf32>
    %mul3A = vector.broadcast %get3A_1 : f32 to vector<1000x256xf32>
    %mul3A_21 = arith.mulf %mul3A, %get3A_20 : vector<1000x256xf32>
    %get3A_22 = arith.constant 0 : index
    %get3A_23 = arith.constant 0 : index
    %get3A_24 = vector.load %arg3[%get3A_22, %get3A_23] : memref<1000x256xf32, #tpu.memory_space<vmem>>, vector<1000x256xf32>
    %mul3A_25 = vector.broadcast %get3A_4 : f32 to vector<1000x256xf32>
    %mul3A_26 = arith.mulf %mul3A_25, %get3A_24 : vector<1000x256xf32>
    %add3A_27 = arith.addf %mul3A_21, %mul3A_26 : vector<1000x256xf32>
    %get3A_28 = arith.constant 0 : index
    %get3A_29 = arith.constant 0 : index
    %get3A_30 = vector.load %arg9[%get3A_28, %get3A_29] : memref<256x256xf32, #tpu.memory_space<vmem>>, vector<256x256xf32>
    %dot_general3A = arith.constant dense<0.000000e+00> : vector<1000x256xf32>
    %dot_general3A_31 = tpu.matmul %add3A_27, %get3A_30, %dot_general3A {dimension_numbers = #tpu.dot_dimension_numbers<[1], [0], [0], [1], [0, 0, 1, 1], [], []>, transpose_lhs_hint = false} : vector<1000x256xf32>, vector<256x256xf32>, vector<1000x256xf32> -> vector<1000x256xf32>
    %mul3A_32 = vector.broadcast %rsqrt3A : vector<1000x1xf32> to vector<1000x256xf32>
    %mul3A_33 = arith.mulf %mul3A_32, %dot_general3A_31 : vector<1000x256xf32>
    %slice3A = vector.extract_strided_slice %mul3A_33 {offsets = [0, 0], sizes = [1000, 128], strides = [1, 1]} : vector<1000x256xf32> to vector<1000x128xf32>
    %swap3A = arith.constant 0 : index
    %swap3A_34 = arith.constant 0 : index
    %swap3A_35 = arith.constant 0 : index
    %swap3A_36 = vector.load %arg10[%swap3A, %swap3A_34, %swap3A_35] : memref<2x1000x128xf32, #tpu.memory_space<vmem>>, vector<1x1000x128xf32>
    %swap3A_37 = vector.shape_cast %swap3A_36 : vector<1x1000x128xf32> to vector<1000x128xf32>
    %swap3A_38 = vector.shape_cast %slice3A : vector<1000x128xf32> to vector<1x1000x128xf32>
    tpu.vector_store %arg10[%swap3A, %swap3A_34, %swap3A_35], %swap3A_38 {strides = array<i32>} : memref<2x1000x128xf32, #tpu.memory_space<vmem>>, vector<1x1000x128xf32>,
    %slice3A_39 = vector.extract_strided_slice %mul3A_33 {offsets = [0, 128], sizes = [1000, 128], strides = [1, 1]} : vector<1000x256xf32> to vector<1000x128xf32>
    %swap3A_40 = arith.constant 1 : index
    %swap3A_41 = arith.constant 0 : index
    %swap3A_42 = arith.constant 0 : index
    %swap3A_43 = vector.load %arg10[%swap3A_40, %swap3A_41, %swap3A_42] : memref<2x1000x128xf32, #tpu.memory_space<vmem>>, vector<1x1000x128xf32>
    %swap3A_44 = vector.shape_cast %swap3A_43 : vector<1x1000x128xf32> to vector<1000x128xf32>
    %swap3A_45 = vector.shape_cast %slice3A_39 : vector<1000x128xf32> to vector<1x1000x128xf32>
    tpu.vector_store %arg10[%swap3A_40, %swap3A_41, %swap3A_42], %swap3A_45 {strides = array<i32>} : memref<2x1000x128xf32, #tpu.memory_space<vmem>>, vector<1x1000x128xf32>,
    %broadcast_in_dim3A = vector.shape_cast %rsqrt3A : vector<1000x1xf32> to vector<1000x1xf32>
    %broadcast_in_dim3A_46 = vector.broadcast %broadcast_in_dim3A : vector<1000x1xf32> to vector<1000x16xf32>
    %swap3A_47 = arith.constant 0 : index
    %swap3A_48 = arith.constant 0 : index
    %swap3A_49 = vector.load %arg11[%swap3A_47, %swap3A_48] : memref<1000x16xf32, #tpu.memory_space<vmem>>, vector<1000x16xf32>
    tpu.vector_store %arg11[%swap3A_47, %swap3A_48], %broadcast_in_dim3A_46 {strides = array<i32>} : memref<1000x16xf32, #tpu.memory_space<vmem>>, vector<1000x16xf32>,
    %get3A_50 = arith.constant 0 : index
    %get3A_51 = arith.constant 0 : index
    %get3A_52 = vector.load %arg5[%get3A_50, %get3A_51] : memref<1x256xf32, #tpu.memory_space<vmem>>, vector<1x256xf32>
    %mul3A_53 = vector.broadcast %get3A_7 : f32 to vector<1x256xf32>
    %mul3A_54 = arith.mulf %mul3A_53, %get3A_52 : vector<1x256xf32>
    %get3A_55 = arith.constant 0 : index
    %get3A_56 = arith.constant 0 : index
    %get3A_57 = vector.load %arg6[%get3A_55, %get3A_56] : memref<1x256xf32, #tpu.memory_space<vmem>>, vector<1x256xf32>
    %add3A_58 = arith.addf %mul3A_54, %get3A_57 : vector<1x256xf32>
    %mul3A_59 = arith.constant 5.000000e-01 : f32
    %mul3A_60 = vector.broadcast %mul3A_59 : f32 to vector<1x256xf32>
    %mul3A_61 = arith.mulf %mul3A_60, %add3A_58 : vector<1x256xf32>
    %mul3A_62 = arith.constant 0.707106769 : f32
    %mul3A_63 = vector.broadcast %mul3A_62 : f32 to vector<1x256xf32>
    %mul3A_64 = arith.mulf %add3A_58, %mul3A_63 : vector<1x256xf32>
    %erf3A = math.erf %mul3A_64 : vector<1x256xf32>
    %add3A_65 = arith.constant 1.000000e+00 : f32
    %add3A_66 = vector.broadcast %add3A_65 : f32 to vector<1x256xf32>
    %add3A_67 = arith.addf %add3A_66, %erf3A : vector<1x256xf32>
    %mul3A_68 = arith.mulf %mul3A_61, %add3A_67 : vector<1x256xf32>
    %get3A_69 = arith.constant 0 : index
    %get3A_70 = arith.constant 0 : index
    %get3A_71 = vector.load %arg7[%get3A_69, %get3A_70] : memref<256x256xf32, #tpu.memory_space<vmem>>, vector<256x256xf32>
    %dot_general3A_72 = arith.constant dense<0.000000e+00> : vector<1x256xf32>
    %dot_general3A_73 = tpu.matmul %mul3A_68, %get3A_71, %dot_general3A_72 {dimension_numbers = #tpu.dot_dimension_numbers<[1], [0], [0], [1], [0, 0, 1, 1], [], []>, transpose_lhs_hint = false} : vector<1x256xf32>, vector<256x256xf32>, vector<1x256xf32> -> vector<1x256xf32>
    %get3A_74 = arith.constant 0 : index
    %get3A_75 = arith.constant 0 : index
    %get3A_76 = vector.load %arg8[%get3A_74, %get3A_75] : memref<1x256xf32, #tpu.memory_space<vmem>>, vector<1x256xf32>
    %add3A_77 = arith.addf %dot_general3A_73, %get3A_76 : vector<1x256xf32>
    %swap3A_78 = arith.constant 0 : index
    %swap3A_79 = arith.constant 0 : index
    %swap3A_80 = vector.load %arg12[%swap3A_78, %swap3A_79] : memref<1x256xf32, #tpu.memory_space<vmem>>, vector<1x256xf32>
    tpu.vector_store %arg12[%swap3A_78, %swap3A_79], %add3A_77 {strides = array<i32>} : memref<1x256xf32, #tpu.memory_space<vmem>>, vector<1x256xf32>,
    return
  }
  func.func @transform_0(%arg0: i32) -> (i32, i32) {
    %c0_i32 = arith.constant 0 : i32
    %c0_i32_0 = arith.constant 0 : i32
    %c0_i32_1 = arith.constant 0 : i32
    return %c0_i32, %c0_i32_0 : i32, i32
  }
  func.func @transform_1(%arg0: i32) -> (i32, i32) {
    %c0_i32 = arith.constant 0 : i32
    %c0_i32_0 = arith.constant 0 : i32
    return %arg0, %c0_i32 : i32, i32
  }
  func.func @transform_2(%arg0: i32) -> (i32, i32) {
    %c0_i32 = arith.constant 0 : i32
    %c0_i32_0 = arith.constant 0 : i32
    return %arg0, %c0_i32 : i32, i32
  }
  func.func @transform_3(%arg0: i32) -> (i32, i32, i32) {
    %c0_i32 = arith.constant 0 : i32
    %c0_i32_0 = arith.constant 0 : i32
    %c0_i32_1 = arith.constant 0 : i32
    return %c0_i32, %arg0, %c0_i32_0 : i32, i32, i32
  }
  func.func @transform_4(%arg0: i32) -> (i32, i32) {
    %c0_i32 = arith.constant 0 : i32
    %c0_i32_0 = arith.constant 0 : i32
    %c0_i32_1 = arith.constant 0 : i32
    return %c0_i32, %c0_i32_0 : i32, i32
  }
  func.func @transform_5(%arg0: i32) -> (i32, i32) {
    %c0_i32 = arith.constant 0 : i32
    %c0_i32_0 = arith.constant 0 : i32
    %c0_i32_1 = arith.constant 0 : i32
    return %c0_i32, %c0_i32_0 : i32, i32
  }
  func.func @transform_6(%arg0: i32) -> (i32, i32) {
    %c0_i32 = arith.constant 0 : i32
    %c0_i32_0 = arith.constant 0 : i32
    %c0_i32_1 = arith.constant 0 : i32
    return %c0_i32, %c0_i32_0 : i32, i32
  }
  func.func @transform_7(%arg0: i32) -> (i32, i32) {
    %c0_i32 = arith.constant 0 : i32
    %c0_i32_0 = arith.constant 0 : i32
    %c0_i32_1 = arith.constant 0 : i32
    return %c0_i32, %c0_i32_0 : i32, i32
  }
  func.func @transform_8(%arg0: i32) -> (i32, i32) {
    %c0_i32 = arith.constant 0 : i32
    %c0_i32_0 = arith.constant 0 : i32
    %c0_i32_1 = arith.constant 0 : i32
    return %c0_i32, %c0_i32_0 : i32, i32
  }
  func.func @transform_9(%arg0: i32) -> (i32, i32, i32) {
    %c0_i32 = arith.constant 0 : i32
    %c0_i32_0 = arith.constant 0 : i32
    %c0_i32_1 = arith.constant 0 : i32
    return %c0_i32, %arg0, %c0_i32_0 : i32, i32, i32
  }
  func.func @transform_10(%arg0: i32) -> (i32, i32) {
    %c0_i32 = arith.constant 0 : i32
    %c0_i32_0 = arith.constant 0 : i32
    return %arg0, %c0_i32 : i32, i32
  }
  func.func @transform_11(%arg0: i32) -> (i32, i32) {
    %c0_i32 = arith.constant 0 : i32
    %c0_i32_0 = arith.constant 0 : i32
    %c0_i32_1 = arith.constant 0 : i32
    return %c0_i32, %c0_i32_0 : i32, i32
  }
}

module attributes {stable_mosaic.version = 14 : i64} {
  func.func @_k2_body(%arg0: i32, %arg1: memref<2x1000x128xf32, #tpu.memory_space<vmem>>, %arg2: memref<1000x16xf32, #tpu.memory_space<vmem>>, %arg3: memref<1x256xf32, #tpu.memory_space<vmem>>, %arg4: memref<1x256xf32, #tpu.memory_space<vmem>>, %arg5: memref<256x256xf32, #tpu.memory_space<vmem>>, %arg6: memref<2x1000x128xf32, #tpu.memory_space<vmem>>) attributes {dimension_semantics = [#tpu.dimension_semantics<arbitrary>], iteration_bounds = array<i64: 10>, scalar_prefetch = 0 : i64, scratch_operands = 0 : i64, tpu.core_type = #tpu.core_type<tc>, window_params = [{transform_indices = @transform_0, window_bounds = array<i64: 2, 1000, 128>}, {transform_indices = @transform_1, window_bounds = array<i64: 1000, 16>}, {pipeline_mode = #tpu.pipeline_mode<synchronous>, transform_indices = @transform_2, window_bounds = array<i64: 1, 256>}, {pipeline_mode = #tpu.pipeline_mode<synchronous>, transform_indices = @transform_3, window_bounds = array<i64: 1, 256>}, {pipeline_mode = #tpu.pipeline_mode<synchronous>, transform_indices = @transform_4, window_bounds = array<i64: 256, 256>}, {transform_indices = @transform_5, window_bounds = array<i64: 2, 1000, 128>}]} {
    %get3A = arith.constant 0 : index
    %get3A_0 = arith.constant 0 : index
    %get3A_1 = vector.load %arg2[%get3A, %get3A_0] : memref<1000x16xf32, #tpu.memory_space<vmem>>, vector<1000x1xf32>
    %get3A_2 = arith.constant 0 : index
    %get3A_3 = arith.constant 0 : index
    %get3A_4 = arith.constant 0 : index
    %get3A_5 = vector.load %arg1[%get3A_2, %get3A_3, %get3A_4] : memref<2x1000x128xf32, #tpu.memory_space<vmem>>, vector<1x1000x128xf32>
    %get3A_6 = vector.shape_cast %get3A_5 : vector<1x1000x128xf32> to vector<1000x128xf32>
    %get3A_7 = arith.constant 1 : index
    %get3A_8 = arith.constant 0 : index
    %get3A_9 = arith.constant 0 : index
    %get3A_10 = vector.load %arg1[%get3A_7, %get3A_8, %get3A_9] : memref<2x1000x128xf32, #tpu.memory_space<vmem>>, vector<1x1000x128xf32>
    %get3A_11 = vector.shape_cast %get3A_10 : vector<1x1000x128xf32> to vector<1000x128xf32>
    %concatenate3A = tpu.concatenate %get3A_6, %get3A_11 in 1 : vector<1000x128xf32>, vector<1000x128xf32> -> vector<1000x256xf32>
    %mul3A = vector.broadcast %get3A_1 : vector<1000x1xf32> to vector<1000x256xf32>
    %mul3A_12 = arith.mulf %mul3A, %concatenate3A : vector<1000x256xf32>
    %get3A_13 = arith.constant 0 : index
    %get3A_14 = arith.constant 0 : index
    %get3A_15 = vector.load %arg4[%get3A_13, %get3A_14] : memref<1x256xf32, #tpu.memory_space<vmem>>, vector<1x256xf32>
    %add3A = vector.broadcast %get3A_15 : vector<1x256xf32> to vector<1000x256xf32>
    %add3A_16 = arith.addf %mul3A_12, %add3A : vector<1000x256xf32>
    %get3A_17 = arith.constant 0 : index
    %get3A_18 = arith.constant 0 : index
    %get3A_19 = vector.load %arg3[%get3A_17, %get3A_18] : memref<1x256xf32, #tpu.memory_space<vmem>>, vector<1x256xf32>
    %add3A_20 = vector.broadcast %get3A_19 : vector<1x256xf32> to vector<1000x256xf32>
    %add3A_21 = arith.addf %add3A_16, %add3A_20 : vector<1000x256xf32>
    %gt3A = arith.constant 0.000000e+00 : f32
    %gt3A_22 = vector.broadcast %gt3A : f32 to vector<1000x256xf32>
    %gt3A_23 = arith.cmpf ogt, %add3A_21, %gt3A_22 : vector<1000x256xf32>
    %min3A = arith.constant 0.000000e+00 : f32
    %min3A_24 = vector.broadcast %min3A : f32 to vector<1000x256xf32>
    %min3A_25 = arith.minimumf %add3A_21, %min3A_24 : vector<1000x256xf32>
    %exp3A = math.exp %min3A_25 : vector<1000x256xf32>
    %sub3A = arith.constant 1.000000e+00 : f32
    %sub3A_26 = vector.broadcast %sub3A : f32 to vector<1000x256xf32>
    %sub3A_27 = arith.subf %exp3A, %sub3A_26 : vector<1000x256xf32>
    %select_n3A = arith.select %gt3A_23, %add3A_21, %sub3A_27 : vector<1000x256xi1>, vector<1000x256xf32>
    %get3A_28 = arith.constant 0 : index
    %get3A_29 = arith.constant 0 : index
    %get3A_30 = vector.load %arg5[%get3A_28, %get3A_29] : memref<256x256xf32, #tpu.memory_space<vmem>>, vector<256x256xf32>
    %dot_general3A = arith.constant dense<0.000000e+00> : vector<1000x256xf32>
    %dot_general3A_31 = tpu.matmul %select_n3A, %get3A_30, %dot_general3A {dimension_numbers = #tpu.dot_dimension_numbers<[1], [0], [0], [1], [0, 0, 1, 1], [], []>, transpose_lhs_hint = false} : vector<1000x256xf32>, vector<256x256xf32>, vector<1000x256xf32> -> vector<1000x256xf32>
    %mul3A_32 = vector.broadcast %get3A_1 : vector<1000x1xf32> to vector<1000x256xf32>
    %mul3A_33 = arith.mulf %mul3A_32, %dot_general3A_31 : vector<1000x256xf32>
    %slice3A = vector.extract_strided_slice %mul3A_33 {offsets = [0, 0], sizes = [1000, 128], strides = [1, 1]} : vector<1000x256xf32> to vector<1000x128xf32>
    %swap3A = arith.constant 0 : index
    %swap3A_34 = arith.constant 0 : index
    %swap3A_35 = arith.constant 0 : index
    %swap3A_36 = vector.load %arg6[%swap3A, %swap3A_34, %swap3A_35] : memref<2x1000x128xf32, #tpu.memory_space<vmem>>, vector<1x1000x128xf32>
    %swap3A_37 = vector.shape_cast %swap3A_36 : vector<1x1000x128xf32> to vector<1000x128xf32>
    %swap3A_38 = vector.shape_cast %slice3A : vector<1000x128xf32> to vector<1x1000x128xf32>
    tpu.vector_store %arg6[%swap3A, %swap3A_34, %swap3A_35], %swap3A_38 {strides = array<i32>} : memref<2x1000x128xf32, #tpu.memory_space<vmem>>, vector<1x1000x128xf32>,
    %slice3A_39 = vector.extract_strided_slice %mul3A_33 {offsets = [0, 128], sizes = [1000, 128], strides = [1, 1]} : vector<1000x256xf32> to vector<1000x128xf32>
    %swap3A_40 = arith.constant 1 : index
    %swap3A_41 = arith.constant 0 : index
    %swap3A_42 = arith.constant 0 : index
    %swap3A_43 = vector.load %arg6[%swap3A_40, %swap3A_41, %swap3A_42] : memref<2x1000x128xf32, #tpu.memory_space<vmem>>, vector<1x1000x128xf32>
    %swap3A_44 = vector.shape_cast %swap3A_43 : vector<1x1000x128xf32> to vector<1000x128xf32>
    %swap3A_45 = vector.shape_cast %slice3A_39 : vector<1000x128xf32> to vector<1x1000x128xf32>
    tpu.vector_store %arg6[%swap3A_40, %swap3A_41, %swap3A_42], %swap3A_45 {strides = array<i32>} : memref<2x1000x128xf32, #tpu.memory_space<vmem>>, vector<1x1000x128xf32>,
    return
  }
  func.func @transform_0(%arg0: i32) -> (i32, i32, i32) {
    %c0_i32 = arith.constant 0 : i32
    %c0_i32_0 = arith.constant 0 : i32
    %c0_i32_1 = arith.constant 0 : i32
    return %c0_i32, %arg0, %c0_i32_0 : i32, i32, i32
  }
  func.func @transform_1(%arg0: i32) -> (i32, i32) {
    %c0_i32 = arith.constant 0 : i32
    %c0_i32_0 = arith.constant 0 : i32
    return %arg0, %c0_i32 : i32, i32
  }
  func.func @transform_2(%arg0: i32) -> (i32, i32) {
    %c0_i32 = arith.constant 0 : i32
    %c0_i32_0 = arith.constant 0 : i32
    %c0_i32_1 = arith.constant 0 : i32
    return %c0_i32, %c0_i32_0 : i32, i32
  }
  func.func @transform_3(%arg0: i32) -> (i32, i32) {
    %c0_i32 = arith.constant 0 : i32
    %c0_i32_0 = arith.constant 0 : i32
    %c0_i32_1 = arith.constant 0 : i32
    return %c0_i32, %c0_i32_0 : i32, i32
  }
  func.func @transform_4(%arg0: i32) -> (i32, i32) {
    %c0_i32 = arith.constant 0 : i32
    %c0_i32_0 = arith.constant 0 : i32
    %c0_i32_1 = arith.constant 0 : i32
    return %c0_i32, %c0_i32_0 : i32, i32
  }
  func.func @transform_5(%arg0: i32) -> (i32, i32, i32) {
    %c0_i32 = arith.constant 0 : i32
    %c0_i32_0 = arith.constant 0 : i32
    %c0_i32_1 = arith.constant 0 : i32
    return %c0_i32, %arg0, %c0_i32_0 : i32, i32, i32
  }
}

module attributes {stable_mosaic.version = 14 : i64} {
  func.func @_k3_body(%arg0: i32, %arg1: memref<2x1000x128xf32, #tpu.memory_space<vmem>>, %arg2: memref<1000x16xf32, #tpu.memory_space<vmem>>, %arg3: memref<1x256xf32, #tpu.memory_space<vmem>>, %arg4: memref<1000x256xf32, #tpu.memory_space<vmem>>, %arg5: memref<1x128xf32, #tpu.memory_space<vmem>>) attributes {dimension_semantics = [#tpu.dimension_semantics<arbitrary>], iteration_bounds = array<i64: 10>, scalar_prefetch = 0 : i64, scratch_operands = 0 : i64, tpu.core_type = #tpu.core_type<tc>, window_params = [{transform_indices = @transform_0, window_bounds = array<i64: 2, 1000, 128>}, {transform_indices = @transform_1, window_bounds = array<i64: 1000, 16>}, {pipeline_mode = #tpu.pipeline_mode<synchronous>, transform_indices = @transform_2, window_bounds = array<i64: 1, 256>}, {transform_indices = @transform_3, window_bounds = array<i64: 1000, 256>}, {pipeline_mode = #tpu.pipeline_mode<synchronous>, transform_indices = @transform_4, window_bounds = array<i64: 1, 128>}]} {
    %eq3A = arith.constant 0 : i32
    %eq3A_0 = arith.cmpi eq, %arg0, %eq3A : i32
    %convert_element_type3A = arith.extui %eq3A_0 : i1 to i32
    %cond3A = arith.constant 0 : i32
    %cond3A_1 = arith.cmpi ne, %convert_element_type3A, %cond3A : i32
    scf.if %cond3A_1 {
      %broadcast_in_dim3A_35 = arith.constant 0.000000e+00 : f32
      %broadcast_in_dim3A_36 = vector.broadcast %broadcast_in_dim3A_35 : f32 to vector<1x128xf32>
      %swap3A_37 = arith.constant 0 : index
      %swap3A_38 = arith.constant 0 : index
      %swap3A_39 = vector.load %arg5[%swap3A_37, %swap3A_38] : memref<1x128xf32, #tpu.memory_space<vmem>>, vector<1x128xf32>
      tpu.vector_store %arg5[%swap3A_37, %swap3A_38], %broadcast_in_dim3A_36 {strides = array<i32>} : memref<1x128xf32, #tpu.memory_space<vmem>>, vector<1x128xf32>,
    } else {
    }
    %get3A = arith.constant 0 : index
    %get3A_2 = arith.constant 0 : index
    %get3A_3 = vector.load %arg2[%get3A, %get3A_2] : memref<1000x16xf32, #tpu.memory_space<vmem>>, vector<1000x1xf32>
    %get3A_4 = arith.constant 0 : index
    %get3A_5 = arith.constant 0 : index
    %get3A_6 = arith.constant 0 : index
    %get3A_7 = vector.load %arg1[%get3A_4, %get3A_5, %get3A_6] : memref<2x1000x128xf32, #tpu.memory_space<vmem>>, vector<1x1000x128xf32>
    %get3A_8 = vector.shape_cast %get3A_7 : vector<1x1000x128xf32> to vector<1000x128xf32>
    %get3A_9 = arith.constant 1 : index
    %get3A_10 = arith.constant 0 : index
    %get3A_11 = arith.constant 0 : index
    %get3A_12 = vector.load %arg1[%get3A_9, %get3A_10, %get3A_11] : memref<2x1000x128xf32, #tpu.memory_space<vmem>>, vector<1x1000x128xf32>
    %get3A_13 = vector.shape_cast %get3A_12 : vector<1x1000x128xf32> to vector<1000x128xf32>
    %concatenate3A = tpu.concatenate %get3A_8, %get3A_13 in 1 : vector<1000x128xf32>, vector<1000x128xf32> -> vector<1000x256xf32>
    %mul3A = vector.broadcast %get3A_3 : vector<1000x1xf32> to vector<1000x256xf32>
    %mul3A_14 = arith.mulf %mul3A, %concatenate3A : vector<1000x256xf32>
    %get3A_15 = arith.constant 0 : index
    %get3A_16 = arith.constant 0 : index
    %get3A_17 = vector.load %arg3[%get3A_15, %get3A_16] : memref<1x256xf32, #tpu.memory_space<vmem>>, vector<1x256xf32>
    %add3A = vector.broadcast %get3A_17 : vector<1x256xf32> to vector<1000x256xf32>
    %add3A_18 = arith.addf %mul3A_14, %add3A : vector<1000x256xf32>
    %get3A_19 = arith.constant 0 : index
    %get3A_20 = arith.constant 0 : index
    %get3A_21 = vector.load %arg4[%get3A_19, %get3A_20] : memref<1000x256xf32, #tpu.memory_space<vmem>>, vector<1000x256xf32>
    %sub3A = arith.subf %add3A_18, %get3A_21 : vector<1000x256xf32>
    %get3A_22 = arith.constant 0 : index
    %get3A_23 = arith.constant 0 : index
    %get3A_24 = vector.load %arg5[%get3A_22, %get3A_23] : memref<1x128xf32, #tpu.memory_space<vmem>>, vector<1x128xf32>
    %mul3A_25 = arith.mulf %sub3A, %sub3A : vector<1000x256xf32>
    %reduce_sum3A = vector.shape_cast %mul3A_25 : vector<1000x256xf32> to vector<1x1000x256xf32>
    %reduce_sum3A_26 = arith.constant dense<0.000000e+00> : vector<1xf32>
    %reduce_sum3A_27 = vector.multi_reduction <add>, %reduce_sum3A, %reduce_sum3A_26 [1, 2] : vector<1x1000x256xf32> to vector<1xf32>
    %reduce_sum3A_28 = vector.shape_cast %reduce_sum3A_27 : vector<1xf32> to vector<1x1x1xf32>
    %reduce_sum3A_29 = vector.extract %reduce_sum3A_28[0, 0, 0] : f32 from vector<1x1x1xf32>
    %mul3A_30 = arith.constant 3.906250e-07 : f32
    %mul3A_31 = arith.mulf %reduce_sum3A_29, %mul3A_30 : f32
    %broadcast_in_dim3A = vector.broadcast %mul3A_31 : f32 to vector<1x128xf32>
    %add3A_32 = arith.addf %get3A_24, %broadcast_in_dim3A : vector<1x128xf32>
    %swap3A = arith.constant 0 : index
    %swap3A_33 = arith.constant 0 : index
    %swap3A_34 = vector.load %arg5[%swap3A, %swap3A_33] : memref<1x128xf32, #tpu.memory_space<vmem>>, vector<1x128xf32>
    tpu.vector_store %arg5[%swap3A, %swap3A_33], %add3A_32 {strides = array<i32>} : memref<1x128xf32, #tpu.memory_space<vmem>>, vector<1x128xf32>,
    return
  }
  func.func @transform_0(%arg0: i32) -> (i32, i32, i32) {
    %c0_i32 = arith.constant 0 : i32
    %c0_i32_0 = arith.constant 0 : i32
    %c0_i32_1 = arith.constant 0 : i32
    return %c0_i32, %arg0, %c0_i32_0 : i32, i32, i32
  }
  func.func @transform_1(%arg0: i32) -> (i32, i32) {
    %c0_i32 = arith.constant 0 : i32
    %c0_i32_0 = arith.constant 0 : i32
    return %arg0, %c0_i32 : i32, i32
  }
  func.func @transform_2(%arg0: i32) -> (i32, i32) {
    %c0_i32 = arith.constant 0 : i32
    %c0_i32_0 = arith.constant 0 : i32
    %c0_i32_1 = arith.constant 0 : i32
    return %c0_i32, %c0_i32_0 : i32, i32
  }
  func.func @transform_3(%arg0: i32) -> (i32, i32) {
    %c0_i32 = arith.constant 0 : i32
    %c0_i32_0 = arith.constant 0 : i32
    return %arg0, %c0_i32 : i32, i32
  }
  func.func @transform_4(%arg0: i32) -> (i32, i32) {
    %c0_i32 = arith.constant 0 : i32
    %c0_i32_0 = arith.constant 0 : i32
    %c0_i32_1 = arith.constant 0 : i32
    return %c0_i32, %c0_i32_0 : i32, i32
  }
}

</mosaic_0001>

<sc_bundles>
// kernel: kernel.12.cloned.1.call-start
scs
__scs_entry_jumppad:
0x0: {  	(pc) =	sbr.rel $0x88, $3  }
0x1: {  	(tag) =	ssettag $0x0;
	lr =	simm.s32 $0x1  }
0x2: {  	[smem:$0x3F97] =	sst lr;
	_ =	strace $0xD0000000  }
0x3: {  	_ = 	snop  }
0x4: {  	_ = 	snop  }
0x5: {  	_ = 	snop  }
0x6: {  	_ = 	snop  }
0x7: {  	_ = 	snop  }
__scs_overlays_trampoline_lowered:
0x8: {  	[smem:$0x3FA6] =	sst s0  }
0x9: {  	[smem:$0x3FA7] =	sst s1  }
0xa: {  	[smem:$0x3FA8] =	sst s2  }
0xb: {  	[smem:$0x3FA9] =	sst s3  }
0xc: {  	[smem:$0x3FAA] =	sst s4  }
0xd: {  	[smem:$0x3FAB] =	sst s5  }
0xe: {  	[smem:$0x3FAC] =	sst s6  }
0xf: {  	[smem:$0x3FAD] =	sst s7  }
0x10: {  	[smem:$0x3FAE] =	sst s8  }
0x11: {  	[smem:$0x3FAF] =	sst s9;
	s0 =	simm.s32 @!p0 $0x0  }
0x12: {  	s1 =	sld [smem:$0x3F95];
	s0 =	simm.s32 @p0 $0x1  }
0x13: {  	[smem:$0x3FB0] =	sst s0;
	s0 =	simm.s32 @!p1 $0x0  }
0x14: {  	s2 =	sld [smem:$0x3F94];
	s0 =	simm.s32 @p1 $0x1  }
0x15: {  	[smem:$0x3FB1] =	sst s0;
	s0 =	simm.s32 @!p2 $0x0  }
0x16: {  	s3 =	sld [smem:$0x3FDB];
	s0 =	simm.s32 @p2 $0x1  }
0x17: {  	s4 =	simm.s32 $0x1BF5;
	[smem:$0x3FB3] =	sst s0  }
0x18: {  	s0 =	sld [smem:$0x3F96];
	_ =	swait.ge [sflag:s4], $0x0  }
0x19: {  	s7 =	sld [smem:$0x3F97]  }
0x1a: {  	s8 =	sadd.s32 $0xFFFFE003, lr  }
0x1b: {  	s9 =	sadd.s32 $0xFFFFFEF7, lr;
	s5 =	simm.s32 $0xFFFFFFFF;
	p2 =	slt.u32 s8, $0xFFFFF086  }
0x1c: {  	p1 =	slt.u32 s9, $0xF7A;
	s5 =	simm.s32 @!p2 $0x0  }
0x1d: {  	s5 =	simm.s32 @p1 $0x1;
	p0 =	seq.s32 s7, s2  }
0x1e: {  	s7 =	smul.u32 @!p0 $0xF7A, s2;
	p2 =	seq.s32 @!p0 s5, $0x0  }
0x1f: {  	s9 =	smul.u32 $0xF7A, s1;
	s8 =	simm.s32 @!p0 $0x1BF5;
	p2 =	por !p2, p0  }
0x20: {  	[sflag:s8] =	ssyncset.s32 @!p0 $0xFFFFF086;
	s6 =	sadd.s32 @!p0 s3, s7;
	s7 =	simm.s32 @!p0 $0x108  }
0x21: {  	s3 =	sadd.s32 s3, s9;
	s6 =	sadd.s32 @!p0 $0x88, s6;
	s7 =	simm.s32 @p2 $0x1082  }
0x22: {  	[simem:s7], [sflag:s8] =	dma.local @!p0 [hbm:s6], $0xF7A  }
0x23: {  	s9 =	sor.u32 $0xD0000000, s2;
	s6 =	simm.s32 $0x108;
	_ =	swait.ge @!p0 [sflag:s8], $0x0  }
0x24: {  	s3 =	sadd.s32 $0x88, s3;
	s6 =	simm.s32 @!p1 $0x1082;
	[sflag:s4] =	ssyncset.s32 $0xFFFFF086  }
0x25: {  	[simem:s6], [sflag:s4] =	dma.local [hbm:s3], $0xF7A  }
0x26: {  	[smem:$0x3F97] =	sst s1;
	(tag) =	ssettag s2;
	_ =	strace s9  }
0x27: {  	s1 =	sld [smem:$0x3FA7]  }
0x28: {  	s2 =	sld [smem:$0x3FA8]  }
0x29: {  	s4 =	sld [smem:$0x3FAA]  }
0x2a: {  	p0 =	seq.s32 s5, $0x0;
	s5 =	sld [smem:$0x3FAB]  }
0x2b: {  	s6 =	sld [smem:$0x3FAC]  }
0x2c: {  	s7 =	sld [smem:$0x3FAD]  }
0x2d: {  	s3 =	simm.s32 $0x108;
	s8 =	sld [smem:$0x3FAE]  }
0x2e: {  	s3 =	simm.s32 @!p0 $0x1082;
	s9 =	sld [smem:$0x3FAF]  }
0x2f: {  	lr =	sadd.s32 s0, s3;
	s0 =	sld [smem:$0x3FA6]  }
0x30: {  	s3 =	sld [smem:$0x3FA9]  }
0x31: {  	[smem:$0x3FB2] =	sst s10  }
0x32: {  	s10 =	sld [smem:$0x3FB0];
	_ =	sdelay $0x3  }
0x33: {  	p0 =	seq.s32 s10, $0x1;
	s10 =	sld [smem:$0x3FB2];
	_ =	sdelay $0x3  }
0x34: {  	[smem:$0x3FB2] =	sst s10  }
0x35: {  	s10 =	sld [smem:$0x3FB1];
	_ =	sdelay $0x3  }
0x36: {  	p1 =	seq.s32 s10, $0x1;
	s10 =	sld [smem:$0x3FB2];
	_ =	sdelay $0x3  }
0x37: {  	[smem:$0x3FB2] =	sst s10  }
0x38: {  	s10 =	sld [smem:$0x3FB3]  }
0x39: {  	_ = 	snop;
	(pc) =	sbr.ind lr, $3  }
0x3a: {  	_ = 	snop  }
0x3b: {  	_ = 	snop  }
0x3c: {  	p2 =	seq.s32 s10, $0x1;
	s10 =	sld [smem:$0x3FB2]  }
0x3d: {  	_ =	shalt  }
0x3e: {  	_ =	shalt  }
0x3f: {  	_ =	shalt  }
0x40: {  	_ =	shalt  }
0x41: {  	_ =	shalt  }
0x42: {  	_ =	shalt  }
0x43: {  	_ =	shalt  }
0x44: {  	_ =	shalt  }
0x45: {  	_ =	shalt  }
0x46: {  	_ =	shalt  }
0x47: {  	_ =	shalt  }
0x48: {  	_ =	shalt  }
0x49: {  	_ =	shalt  }
0x4a: {  	_ =	shalt  }
0x4b: {  	_ =	shalt  }
0x4c: {  	_ =	shalt  }
0x4d: {  	_ =	shalt  }
0x4e: {  	_ =	shalt  }
0x4f: {  	_ =	shalt  }
0x50: {  	_ =	shalt  }
0x51: {  	_ =	shalt  }
0x52: {  	_ =	shalt  }
0x53: {  	_ =	shalt  }
0x54: {  	_ =	shalt  }
0x55: {  	_ =	shalt  }
0x56: {  	_ =	shalt  }
0x57: {  	_ =	shalt  }
0x58: {  	_ =	shalt  }
0x59: {  	_ =	shalt  }
0x5a: {  	_ =	shalt  }
0x5b: {  	_ =	shalt  }
0x5c: {  	_ =	shalt  }
0x5d: {  	_ =	shalt  }
0x5e: {  	_ =	shalt  }
0x5f: {  	_ =	shalt  }
0x60: {  	_ =	shalt  }
0x61: {  	_ =	shalt  }
0x62: {  	_ =	shalt  }
0x63: {  	_ =	shalt  }
0x64: {  	_ =	shalt  }
0x65: {  	_ =	shalt  }
0x66: {  	_ =	shalt  }
0x67: {  	_ =	shalt  }
0x68: {  	_ =	shalt  }
0x69: {  	_ =	shalt  }
0x6a: {  	_ =	shalt  }
0x6b: {  	_ =	shalt  }
0x6c: {  	_ =	shalt  }
0x6d: {  	_ =	shalt  }
0x6e: {  	_ =	shalt  }
0x6f: {  	_ =	shalt  }
0x70: {  	_ =	shalt  }
0x71: {  	_ =	shalt  }
0x72: {  	_ =	shalt  }
0x73: {  	_ =	shalt  }
0x74: {  	_ =	shalt  }
0x75: {  	_ =	shalt  }
0x76: {  	_ =	shalt  }
0x77: {  	_ =	shalt  }
0x78: {  	_ =	shalt  }
0x79: {  	_ =	shalt  }
0x7a: {  	_ =	shalt  }
0x7b: {  	_ =	shalt  }
0x7c: {  	_ =	shalt  }
0x7d: {  	_ =	shalt  }
0x7e: {  	_ =	shalt  }
0x7f: {  	_ =	shalt  }
0x80: {  	_ =	shalt  }
0x81: {  	_ =	shalt  }
0x82: {  	_ =	shalt  }
0x83: {  	_ =	shalt  }
0x84: {  	_ =	shalt  }
0x85: {  	_ =	shalt  }
0x86: {  	_ =	shalt  }
0x87: {  	_ =	shalt  }
.Lfunc_end0:
.L_simem_size_0:
called_computation.1_lowered:
.L_overlay_start_0:
0x88: {  	s2 =	sld [smem:$0x3FD9]  }
0x89: {  	s3 =	sld [smem:$0x3FFE];
	_ =	sdelay $0x1  }
0x8a: {  	s1 =	srdreg.scid  }
0x8b: {  	s0 =	sand.u32 $0x1, s1  }
0x8c: {  	s16 =	sshll.u32 s0, $0xA;
	s2 =	sadd.s32 s3, s2  }
0x8d: {  	s2 =	sadd.s32 s2, s16  }
0x8e: {  	[smem:$0x3FBE] =	sst s2  }
0x8f: {  	_ = 	snop  }
0x90: {  	(tm) =	ssettm $0x1  }
0x91: {  	s17 =	sld [smem:$0x3FFB];
	_ =	sdelay $0x3  }
0x92: {  	_ =	strace s17  }
0x93: {  	s2 =	sld [smem:$0x3FFC];
	_ =	sdelay $0x3  }
0x94: {  	_ =	strace s2  }
0x95: {  	s2 =	sld [smem:$0x3FFD];
	_ =	sdelay $0x3  }
0x96: {  	_ =	strace s2  }
0x97: {  	_ =	strace $0x8FFFFFFF  }
0x98: {  	s18 =	sld [smem:$0x3FDB];
	_ =	sdelay $0x1  }
0x99: {  	s19 =	simm.s32 $_scs_section_size  }
0x9a: {  	s4 =	simm.s32 $_size__tile_overlayer_lowered;
	s5 =	simm.s32 $_tile_overlayer_lowered  }
0x9b: {  	s22 =	simm.s32 $0x1BFF;
	s21 =	sshll.u32 s5, $0x1;
	s2 =	sadd.s32 s19, s18  }
0x9c: {  	s6 =	simm.s32 $0x0;
	s20 =	sshll.u32 s4, $0x1;
	s4 =	sadd.s32 s21, s2  }
0x9d: {  	[timem:s6], [sflag:s22] =	dma.local [hbm:s4], s20  }
0x9e: {  	_ =	swait.ge [sflag:s22], s20  }
0x9f: {  	s3 =	ssub.s32 $0x0, s20;
	[sflag:s22] =	ssyncset.done $0x0  }
0xa0: {  	[sflag:s22] =	ssyncadd.s32 s3;
	_ =	sdelay $0x1  }
0xa1: {  	s23 =	simm.s32 $0x1B8B  }
0xa2: {  	_ =	swait.ge [sflag:s23], $0x1  }
0xa3: {  	[sflag:s23] =	ssyncset.done $0x0  }
0xa4: {  	s25 =	simm.s32 $0x1B8E;
	s24 =	sld [smem:$0x3FFE];
	[sflag:s23] =	ssyncadd.s32 $0xFFFFFFFF  }
0xa5: {  	s26 =	simm.s32 $execute0_lowered;
	[smem:$0x3FD2] =	sst s25  }
0xa6: {  	s4 =	sshll.u32 s26, $0x1;
	_ =	strace $0x80000049;
	[dreg:$0x1] =	wrdreg $0xFFFFFFFF  }
0xa7: {  	s28 =	simm.s32 $_size_execute0_lowered;
	s2 =	sadd.s32 s2, s4;
	[dreg:$0x0] =	wrdreg $0x0  }
0xa8: {  	s4 =	sshll.u32 s28, $0x1;
	[dreg:$0x2] =	wrdreg s2  }
0xa9: {  	[dreg:$0x3] =	wrdreg s4  }
0xaa: {  	[dreg:$0x4] =	wrdreg $0xC0  }
0xab: {  	_ =	task [dreg:s6], $0x5FFFF  }
0xac: {  	[dreg:$0x1] =	wrdreg $0xFFFFFFFF  }
0xad: {  	[dreg:$0x0] =	wrdreg $0x60  }
0xae: {  	[dreg:$0x2] =	wrdreg s24  }
0xaf: {  	[dreg:$0x3] =	wrdreg $0x0  }
0xb0: {  	[dreg:$0x4] =	wrdreg $0x9  }
0xb1: {  	_ =	task.clear_ibuf [dreg:s6], $0x5FFFF;
	_ =	strace $0x90000049  }
0xb2: {  	s29 =	simm.s32 $0x9;
	_ =	strace $0x8000004B  }
0xb3: {  	_ =	swait.ge [sflag:s29], $0x1  }
0xb4: {  	[sflag:s29] =	ssyncadd.s32 $0xFFFFFFFF  }
0xb5: {  	_ =	strace $0x9000004B  }
0xb6: {  	_ =	sfence  }
0xb7: {  	s30 =	sld [smem:$0x0];
	_ =	sdelay $0x2  }
0xb8: {  	s31 =	sshll.u32 s1, $0xD;
	s1 =	sshrl.u32 s1, $0x2  }
0xb9: {  	s3 =	sand.u32 $0x4000, s31;
	s1 =	sadd.s32 s1, s30  }
0xba: {  	s0 =	sor.u32 s3, s0;
	s1 =	sshll.u32 s1, $0x11  }
0xbb: {  	s0 =	sor.u32 s1, s0  }
0xbc: {  	s0 =	sadd.s32 $0x8F2B, s0  }
0xbd: {  	[sflag:s0] =	ssyncadd.remote.s32 $0x1  }
0xbe: {  	_ =	sfence.sel $0xFFFF  }
0xbf: {  	[dreg:$0x0] =	wrdreg $0xFFFFFFFF;
	(pc) =	sbr.abs _section_cstart, $3  }
0xc0: {  	[dreg:$0x1] =	wrdreg $0xFFFFFFFF  }
0xc1: {  	_ =	task.clear_ibuf [dreg:s6], $0x2FFFF;
	_ =	strace $0x9FFFFFFF  }
0xc2: {  	(tm) =	ssettm $0x7FFFFFFF  }
0xc3: {  	_ =	shalt  }
tec
execute0_lowered:
.L_overlay_start_1:
0x0: {  	(tag) =	ssettag $0x1  }
0x1: {  	s0 =	rddreg [dreg:$0x0]  }
0x2: {  	s2 =	rddreg [dreg:$0x1];
	s3 =	simm.s32 $0x0  }
0x3: {  	s22 =	simm.s32 $0x13900;
	[smem:$0x7FF] =	sst s3  }
0x4: {  	s23 =	simm.s32 $0x13980;
	_ =	strace $0x8000004A;
	[dreg:$0x5] =	wrdreg s22  }
0x5: {  	s24 =	simm.s32 $0x13A00;
	[dreg:$0x6] =	wrdreg s23  }
0x6: {  	s25 =	simm.s32 $0x14900;
	[dreg:$0x7] =	wrdreg s24  }
0x7: {  	s8 =	simm.s32 $0x14A00;
	[dreg:$0x8] =	wrdreg s25  }
0x8: {  	s9 =	simm.s32 $0x13A80;
	[dreg:$0xa] =	wrdreg s8  }
0x9: {  	s11 =	simm.s32 $0x13B00;
	[dreg:$0xb] =	wrdreg s9  }
0xa: {  	s7 =	stileid.u32;
	s12 =	simm.s32 $0x13B80;
	[dreg:$0xc] =	wrdreg s11  }
0xb: {  	s14 =	simm.s32 $0x13C00;
	s19 =	smul.u32 $0x500, s7;
	[dreg:$0xd] =	wrdreg s12  }
0xc: {  	[dreg:$0xe] =	wrdreg s14  }
0xd: {  	s24 =	simm.s32 $0x13C80;
	[smem:$0x7DF] =	sst s19  }
0xe: {  	s1 =	srdreg.scid;
	s9 =	simm.s32 $0x13E00;
	[dreg:$0x13] =	wrdreg s24  }
0xf: {  	s28 =	simm.s32 $0x13880;
	s12 =	simm.s32 $0x14D00;
	[dreg:$0x16] =	wrdreg s9  }
0x10: {  	s4 =	smul.u32 $0xA00, s7;
	s14 =	simm.s32 $0x14D80;
	[dreg:$0x18] =	wrdreg s12  }
0x11: {  	s1 =	sand.u32 $0x1, s1;
	[dreg:$0x19] =	wrdreg s14;
	s24 =	simm.s32 $0x14000  }
0x12: {  	s26 =	sor.u32 $0x10, s7;
	s9 =	simm.s32 $0x15000;
	[dreg:$0x1e] =	wrdreg s24  }
0x13: {  	s13 =	sor.u32 $0x20, s7;
	s12 =	simm.s32 $0x14100;
	[smem:$0x7EC] =	sst s9  }
0x14: {  	s22 =	smul.u32 $0x500, s26;
	s14 =	simm.s32 $0x14180;
	[smem:$0x7EF] =	sst s12  }
0x15: {  	s5 =	smul.u32 $0x27100, s1;
	s6 =	sadd.s32 s4, s0;
	[smem:$0x7F1] =	sst s14  }
0x16: {  	s1 =	ssub.s32 $0x2, s1;
	s17 =	sadd.s32 $0x10A400, s6;
	[smem:$0x7FD] =	sst s22  }
0x17: {  	s16 =	sshrl.u32 s1, $0x1;
	s18 =	sadd.s32 $0xB2200, s6;
	[dreg:$0x3] =	wrdreg s17  }
0x18: {  	s1 =	ssub.s32 s1, s16;
	s16 =	simm.s32 $0x14A80;
	[dreg:$0x4] =	wrdreg s18  }
0x19: {  	s6 =	smul.u32 $0xA000, s26;
	s26 =	simm.s32 $0x13D00;
	[dreg:$0xf] =	wrdreg s16  }
0x1a: {  	s0 =	sadd.s32 s5, s0;
	s24 =	simm.s32 $0x15200;
	[dreg:$0x14] =	wrdreg s26  }
0x1b: {  	s4 =	sadd.s32 $0x1200, s0;
	s0 =	sadd.s32 $0x4F400, s0;
	[smem:$0x7F8] =	sst s24  }
0x1c: {  	s15 =	smul.u32 $0xA000, s13;
	s20 =	smax.u32 s1, $0x1;
	[smem:$0x7DD] =	sst s0  }
0x1d: {  	s29 =	simm.s32 $0x14880;
	s17 =	simm.s32 $0x14B00;
	[smem:$0x7DE] =	sst s20  }
0x1e: {  	s18 =	sshrl.u32 s15, $0x2;
	s15 =	simm.s32 $0x14E00;
	[dreg:$0x10] =	wrdreg s17  }
0x1f: {  	s30 =	simm.s32 $0x50;
	s5 =	sadd.s32 s19, s4;
	[dreg:$0x1a] =	wrdreg s15  }
0x20: {  	s31 =	simm.s32 $0x18080;
	s19 =	simm.s32 $0x14B80;
	[smem:$0x7E0] =	sst s5  }
0x21: {  	s21 =	smul.u32 $0xA000, s7;
	s20 =	simm.s32 $0x14C00;
	[dreg:$0x11] =	wrdreg s19  }
0x22: {  	s10 =	sshrl.u32 s6, $0x2;
	s6 =	simm.s32 $0x13D80;
	[dreg:$0x12] =	wrdreg s20  }
0x23: {  	s11 =	sor.u32 $0x40, s7;
	s17 =	simm.s32 $0x13E80;
	[dreg:$0x15] =	wrdreg s6  }
0x24: {  	s9 =	simm.s32 $0x4;
	s15 =	simm.s32 $0x14200;
	[dreg:$0x1b] =	wrdreg s17  }
0x25: {  	s12 =	simm.s32 $0x7;
	s5 =	simm.s32 $0x14980;
	[smem:$0x7F2] =	sst s15  }
0x26: {  	s14 =	simm.s32 $0x14380;
	s1 =	sadd.s32 s10, s2;
	[dreg:$0x9] =	wrdreg s5  }
0x27: {  	s24 =	simm.s32 $0x15880;
	s10 =	simm.s32 $0x14C80;
	[smem:$0x7E1] =	sst s1  }
0x28: {  	s0 =	sshrl.u32 s21, $0x2;
	s20 =	simm.s32 $0x13F80;
	[dreg:$0x17] =	wrdreg s10  }
0x29: {  	s21 =	sor.u32 $0x30, s7;
	s6 =	simm.s32 $0x14F80;
	[dreg:$0x1d] =	wrdreg s20  }
0x2a: {  	s23 =	sadd.s32 s0, s2;
	s17 =	simm.s32 $0x15080;
	[smem:$0x7EB] =	sst s6  }
0x2b: {  	s25 =	smul.u32 $0xA000, s21;
	s19 =	sor.u32 $0x50, s7;
	[smem:$0x7F3] =	sst s17  }
0x2c: {  	s1 =	smul.u32 $0x500, s13;
	s5 =	simm.s32 $0x14F00;
	[smem:$0x7FC] =	sst s23  }
0x2d: {  	s0 =	simm.s32 $0x1A880;
	s15 =	simm.s32 $0x14400;
	[smem:$0x7EA] =	sst s5  }
0x2e: {  	s8 =	sshrl.u32 s25, $0x2;
	s25 =	simm.s32 $0x14E80;
	[smem:$0x7E2] =	sst s1  }
0x2f: {  	s13 =	smul.u32 $0xA000, s11;
	s1 =	sadd.s32 s18, s2;
	[dreg:$0x1f] =	wrdreg s25  }
0x30: {  	s6 =	simm.s32 $0x3;
	s18 =	simm.s32 $0x13F00;
	[smem:$0x7E3] =	sst s1  }
0x31: {  	s25 =	simm.s32 $0x14280;
	s1 =	smul.u32 $0x500, s21;
	[dreg:$0x1c] =	wrdreg s18  }
0x32: {  	s17 =	simm.s32 $0x15300;
	s21 =	smul.u32 $0xA000, s19;
	[smem:$0x7F9] =	sst s25  }
0x33: {  	s16 =	sshrl.u32 s13, $0x2;
	s25 =	simm.s32 $0xA;
	[smem:$0x7E4] =	sst s1  }
0x34: {  	s1 =	sadd.s32 s8, s2;
	s26 =	sshrl.u32 s21, $0x2;
	s8 =	sor.u32 $0x60, s7  }
0x35: {  	s21 =	simm.s32 $0x15180;
	[smem:$0x7E5] =	sst s1;
	s1 =	smul.u32 $0x500, s11  }
0x36: {  	s10 =	smul.u32 $0xA000, s8;
	s11 =	simm.s32 $0x14080;
	[smem:$0x7F6] =	sst s21  }
0x37: {  	s21 =	simm.s32 $0x15480;
	[smem:$0x7EE] =	sst s11;
	s11 =	simm.s32 $0x6  }
0x38: {  	[smem:$0x7E6] =	sst s1;
	s1 =	sadd.s32 s16, s2;
	s13 =	sshrl.u32 s10, $0x2  }
0x39: {  	s16 =	sor.u32 $0x70, s7;
	[smem:$0x7E7] =	sst s1;
	s1 =	smul.u32 $0x500, s19  }
0x3a: {  	s7 =	simm.s32 $0x1;
	s18 =	smul.u32 $0xA000, s16;
	s19 =	simm.s32 $0x15100  }
0x3b: {  	s10 =	simm.s32 $0x5;
	s20 =	smul.u32 $0x500, s16;
	[smem:$0x7F5] =	sst s19  }
0x3c: {  	p0 =	sgt.u32 s16, $0x7C;
	s16 =	simm.s32 $0x15280;
	[smem:$0x7E8] =	sst s1  }
0x3d: {  	s19 =	simm.s32 $0x15400;
	s1 =	sadd.s32 s26, s2;
	[smem:$0x7F4] =	sst s20  }
0x3e: {  	s5 =	sshrl.u32 s18, $0x2;
	s26 =	simm.s32 $0x14300;
	[smem:$0x7E9] =	sst s1  }
0x3f: {  	s1 =	smul.u32 $0x500, s8;
	s5 =	sadd.s32 s5, s2;
	[smem:$0x7FA] =	sst s26  }
0x40: {  	s18 =	simm.s32 $0x15380;
	s20 =	simm.s32 $0x14480;
	[smem:$0x7F7] =	sst s5  }
0x41: {  	s26 =	simm.s32 $0x9;
	s5 =	simm.s32 $0x0;
	[smem:$0x7ED] =	sst s1  }
0x42: {  	s8 =	simm.s32 $0x2;
	s1 =	sadd.s32 s13, s2;
	[smem:$0x7FB] =	sst s5  }
0x43: {  	s13 =	simm.s32 $0x8;
	[smem:$0x7F0] =	sst s1;
	s1 =	simm.s32 $0x1D080  }
.LBB2_1:
0x44: {  	s5 =	sld [smem:$0x7E0];
	_ =	sdelay $0x2  }
0x45: {  	[tilespmem:s24], [sflag:$0xA] =	stream.linear.gather [hbm4b:s5+s3], $0x2800, $0x38;
	[tilespmem:$0x1F880] =	vst v63  }
0x46: {  	_ =	swait.ge [sflag:s25], $0x2800  }
0x47: {  	[sflag:s25] =	ssyncset.done $0x0  }
0x48: {  	[sflag:s25] =	ssyncadd.s32 $0xFFFFD800  }
0x49: {  	[spmem:s23] =	stream.linear.scatter [tilespmem:s24], [sflag:$0x9], $0x2800, $0x38;
	[tilespmem:$0x1F880] =	vst v63  }
0x4a: {  	_ =	swait.ge [sflag:s26], $0x2800  }
0x4b: {  	[sflag:s26] =	ssyncset.done $0x0  }
0x4c: {  	s22 =	sadd.s32 s22, s4;
	[sflag:s26] =	ssyncadd.s32 $0xFFFFD800  }
0x4d: {  	[tilespmem:s24], [sflag:$0xA] =	stream.linear.gather [hbm4b:s22+s3], $0x2800, $0x38;
	[tilespmem:$0x1F880] =	vst v63  }
0x4e: {  	_ =	swait.ge [sflag:s25], $0x2800  }
0x4f: {  	s23 =	sld [smem:$0x7E1]  }
0x50: {  	[sflag:s25] =	ssyncset.done $0x0  }
0x51: {  	[sflag:s25] =	ssyncadd.s32 $0xFFFFD800  }
0x52: {  	[spmem:s23] =	stream.linear.scatter [tilespmem:s24], [sflag:$0x9], $0x2800, $0x38;
	[tilespmem:$0x1F880] =	vst v63  }
0x53: {  	_ =	swait.ge [sflag:s26], $0x2800  }
0x54: {  	s22 =	sld [smem:$0x7E2];
	_ =	sdelay $0x1  }
0x55: {  	[sflag:s26] =	ssyncset.done $0x0  }
0x56: {  	[sflag:s26] =	ssyncadd.s32 $0xFFFFD800;
	s5 =	sadd.s32 s22, s4  }
0x57: {  	[tilespmem:s24], [sflag:$0xA] =	stream.linear.gather [hbm4b:s5+s3], $0x2800, $0x38;
	[tilespmem:$0x1F880] =	vst v63  }
0x58: {  	_ =	swait.ge [sflag:s25], $0x2800  }
0x59: {  	s23 =	sld [smem:$0x7E3]  }
0x5a: {  	[sflag:s25] =	ssyncset.done $0x0  }
0x5b: {  	[sflag:s25] =	ssyncadd.s32 $0xFFFFD800  }
0x5c: {  	[spmem:s23] =	stream.linear.scatter [tilespmem:s24], [sflag:$0x9], $0x2800, $0x38;
	[tilespmem:$0x1F880] =	vst v63  }
0x5d: {  	_ =	swait.ge [sflag:s26], $0x2800  }
0x5e: {  	s22 =	sld [smem:$0x7E4];
	_ =	sdelay $0x1  }
0x5f: {  	[sflag:s26] =	ssyncset.done $0x0  }
0x60: {  	[sflag:s26] =	ssyncadd.s32 $0xFFFFD800;
	s5 =	sadd.s32 s22, s4  }
0x61: {  	[tilespmem:s24], [sflag:$0xA] =	stream.linear.gather [hbm4b:s5+s3], $0x2800, $0x38;
	[tilespmem:$0x1F880] =	vst v63  }
0x62: {  	_ =	swait.ge [sflag:s25], $0x2800  }
0x63: {  	s23 =	sld [smem:$0x7E5]  }
0x64: {  	[sflag:s25] =	ssyncset.done $0x0  }
0x65: {  	[sflag:s25] =	ssyncadd.s32 $0xFFFFD800  }
0x66: {  	[spmem:s23] =	stream.linear.scatter [tilespmem:s24], [sflag:$0x9], $0x2800, $0x38;
	[tilespmem:$0x1F880] =	vst v63  }
0x67: {  	_ =	swait.ge [sflag:s26], $0x2800  }
0x68: {  	s22 =	sld [smem:$0x7E6];
	_ =	sdelay $0x1  }
0x69: {  	[sflag:s26] =	ssyncset.done $0x0  }
0x6a: {  	[sflag:s26] =	ssyncadd.s32 $0xFFFFD800;
	s5 =	sadd.s32 s22, s4  }
0x6b: {  	[tilespmem:s24], [sflag:$0xA] =	stream.linear.gather [hbm4b:s5+s3], $0x2800, $0x38;
	[tilespmem:$0x1F880] =	vst v63  }
0x6c: {  	_ =	swait.ge [sflag:s25], $0x2800  }
0x6d: {  	s23 =	sld [smem:$0x7E7]  }
0x6e: {  	[sflag:s25] =	ssyncset.done $0x0  }
0x6f: {  	[sflag:s25] =	ssyncadd.s32 $0xFFFFD800  }
0x70: {  	[spmem:s23] =	stream.linear.scatter [tilespmem:s24], [sflag:$0x9], $0x2800, $0x38;
	[tilespmem:$0x1F880] =	vst v63  }
0x71: {  	_ =	swait.ge [sflag:s26], $0x2800  }
0x72: {  	s22 =	sld [smem:$0x7E8];
	_ =	sdelay $0x1  }
0x73: {  	[sflag:s26] =	ssyncset.done $0x0  }
0x74: {  	[sflag:s26] =	ssyncadd.s32 $0xFFFFD800;
	s5 =	sadd.s32 s22, s4  }
0x75: {  	[tilespmem:s24], [sflag:$0xA] =	stream.linear.gather [hbm4b:s5+s3], $0x2800, $0x38;
	[tilespmem:$0x1F880] =	vst v63  }
0x76: {  	_ =	swait.ge [sflag:s25], $0x2800  }
0x77: {  	s23 =	sld [smem:$0x7E9]  }
0x78: {  	[sflag:s25] =	ssyncset.done $0x0  }
0x79: {  	[sflag:s25] =	ssyncadd.s32 $0xFFFFD800  }
0x7a: {  	[spmem:s23] =	stream.linear.scatter [tilespmem:s24], [sflag:$0x9], $0x2800, $0x38;
	[tilespmem:$0x1F880] =	vst v63  }
0x7b: {  	_ =	swait.ge [sflag:s26], $0x2800  }
0x7c: {  	s22 =	sld [smem:$0x7ED];
	_ =	sdelay $0x1  }
0x7d: {  	[sflag:s26] =	ssyncset.done $0x0  }
0x7e: {  	[sflag:s26] =	ssyncadd.s32 $0xFFFFD800;
	s5 =	sadd.s32 s22, s4  }
0x7f: {  	[tilespmem:s24], [sflag:$0xA] =	stream.linear.gather [hbm4b:s5+s3], $0x2800, $0x38;
	[tilespmem:$0x1F880] =	vst v63  }
0x80: {  	_ =	swait.ge [sflag:s25], $0x2800  }
0x81: {  	s23 =	sld [smem:$0x7F0]  }
0x82: {  	[sflag:s25] =	ssyncset.done $0x0  }
0x83: {  	[sflag:s25] =	ssyncadd.s32 $0xFFFFD800  }
0x84: {  	[spmem:s23] =	stream.linear.scatter [tilespmem:s24], [sflag:$0x9], $0x2800, $0x38;
	[tilespmem:$0x1F880] =	vst v63  }
0x85: {  	_ =	swait.ge [sflag:s26], $0x2800  }
0x86: {  	s5 =	sld [smem:$0x7F4];
	_ =	sdelay $0x1  }
0x87: {  	s22 =	simm.s32 @!p0 $0x0;
	[sflag:s26] =	ssyncset.done $0x0  }
0x88: {  	s23 =	simm.s32 @!p0 $0x15880;
	[sflag:s26] =	ssyncadd.s32 $0xFFFFD800;
	s5 =	sadd.s32 @!p0 s5, s4  }
0x89: {  	[tilespmem:s23], [sflag:$0xA] =	stream.linear.gather @!p0 [hbm4b:s5+s22], $0x2800, $0x38;
	[tilespmem:$0x1F880] =	vst v63  }
0x8a: {  	s5 =	simm.s32 @!p0 $0xA  }
0x8b: {  	_ =	swait.ge @!p0 [sflag:s5], $0x2800  }
0x8c: {  	[sflag:s5] =	ssyncset.done @!p0 $0x0  }
0x8d: {  	[sflag:s5] =	ssyncadd.s32 @!p0 $0xFFFFD800;
	s5 =	sld [smem:$0x7F7];
	_ =	sdelay $0x2  }
0x8e: {  	[spmem:s5] =	stream.linear.scatter @!p0 [tilespmem:s23], [sflag:$0x9], $0x2800, $0x38;
	[tilespmem:$0x1F880] =	vst v63  }
0x8f: {  	s5 =	simm.s32 @!p0 $0x9  }
0x90: {  	_ =	swait.ge @!p0 [sflag:s5], $0x2800  }
0x91: {  	[sflag:s5] =	ssyncset.done @!p0 $0x0  }
0x92: {  	[sflag:s5] =	ssyncadd.s32 @!p0 $0xFFFFD800  }
0x93: {  	[bflag:$0x0] =	sbarrier.arrive $0xFFFF  }
0x94: {  	s25 =	rddreg [dreg:$0x3]  }
0x95: {  	s5 =	sadd.s32 $0x0, s25  }
0x96: {  	[tilespmem:s28], [sflag:$0x9] =	stream.linear.gather [hbm4b:s5+s3], $0xC80, $0x38;
	[tilespmem:$0x1F880] =	vst v63  }
0x97: {  	_ =	swait.ge [sflag:s26], $0xC80  }
0x98: {  	s22 =	rddreg [dreg:$0x4];
	[sflag:s26] =	ssyncset.done $0x0  }
0x99: {  	[sflag:s26] =	ssyncadd.s32 $0xFFFFF380;
	s5 =	sadd.s32 $0x0, s22  }
0x9a: {  	[tilespmem:s29], [sflag:$0x9] =	stream.linear.gather [hbm4b:s5+s3], $0xC80, $0x38;
	[tilespmem:$0x1F880] =	vst v63  }
0x9b: {  	_ =	swait.ge [sflag:s26], $0xC80  }
0x9c: {  	[sflag:s26] =	ssyncset.done $0x0  }
0x9d: {  	[sflag:s26] =	ssyncadd.s32 $0xFFFFF380  }
0x9e: {  	[tilespmem:s24], [sflag:$0x1] =	stream.indirect.gather [hbm4b:s4+s30], $0x80, s28, s30, $0xb8;
	[tilespmem:$0x1F880] =	vst v63  }
0x9f: {  	s23 =	rddreg [dreg:$0x5]  }
0xa0: {  	[tilespmem:s31], [sflag:$0x2] =	stream.indirect.gather [hbm4b:s4+s30], $0x80, s23, s30, $0xb8;
	[tilespmem:$0x1F880] =	vst v63  }
0xa1: {  	s25 =	rddreg [dreg:$0x6]  }
0xa2: {  	[tilespmem:s0], [sflag:$0x3] =	stream.indirect.gather [hbm4b:s4+s30], $0x80, s25, s30, $0xb8;
	[tilespmem:$0x1F880] =	vst v63  }
0xa3: {  	s23 =	rddreg [dreg:$0x7]  }
0xa4: {  	[tilespmem:s1], [sflag:$0x4] =	stream.indirect.gather [hbm4b:s4+s30], $0x80, s23, s30, $0xb8;
	[tilespmem:$0x1F880] =	vst v63  }
0xa5: {  	_ =	swait.ge [sflag:s7], $0x2800  }
0xa6: {  	[sflag:s7] =	ssyncset.done $0x0  }
0xa7: {  	[sflag:s7] =	ssyncadd.s32 $0xFFFFD800  }
0xa8: {  	[spmem:s2] =	stream.indirect.scatter.add.f32 [tilespmem:s24], [sflag:$0x5], $0x80, s29, s30, $0xb8;
	[tilespmem:$0x1F880] =	vst v63  }
0xa9: {  	_ =	swait.ge [sflag:s8], $0x2800  }
0xaa: {  	[sflag:s8] =	ssyncset.done $0x0  }
0xab: {  	s25 =	rddreg [dreg:$0x8];
	[sflag:s8] =	ssyncadd.s32 $0xFFFFD800  }
0xac: {  	[spmem:s2] =	stream.indirect.scatter.add.f32 [tilespmem:s31], [sflag:$0x6], $0x80, s25, s30, $0xb8;
	[tilespmem:$0x1F880] =	vst v63  }
0xad: {  	_ =	swait.ge [sflag:s6], $0x2800  }
0xae: {  	[sflag:s6] =	ssyncset.done $0x0  }
0xaf: {  	s22 =	rddreg [dreg:$0x9];
	[sflag:s6] =	ssyncadd.s32 $0xFFFFD800  }
0xb0: {  	[spmem:s2] =	stream.indirect.scatter.add.f32 [tilespmem:s0], [sflag:$0x7], $0x80, s22, s30, $0xb8;
	[tilespmem:$0x1F880] =	vst v63  }
0xb1: {  	_ =	swait.ge [sflag:s9], $0x2800  }
0xb2: {  	[sflag:s9] =	ssyncset.done $0x0  }
0xb3: {  	s23 =	rddreg [dreg:$0xa];
	[sflag:s9] =	ssyncadd.s32 $0xFFFFD800  }
0xb4: {  	[spmem:s2] =	stream.indirect.scatter.add.f32 [tilespmem:s1], [sflag:$0x8], $0x80, s23, s30, $0xb8;
	[tilespmem:$0x1F880] =	vst v63  }
0xb5: {  	_ =	swait.ge [sflag:s10], $0x2800  }
0xb6: {  	[sflag:s10] =	ssyncset.done $0x0  }
0xb7: {  	s25 =	rddreg [dreg:$0xb];
	[sflag:s10] =	ssyncadd.s32 $0xFFFFD800  }
0xb8: {  	[tilespmem:s24], [sflag:$0x1] =	stream.indirect.gather [hbm4b:s4+s30], $0x80, s25, s30, $0xb8;
	[tilespmem:$0x1F880] =	vst v63  }
0xb9: {  	_ =	swait.ge [sflag:s11], $0x2800  }
0xba: {  	[sflag:s11] =	ssyncset.done $0x0  }
0xbb: {  	s22 =	rddreg [dreg:$0xc];
	[sflag:s11] =	ssyncadd.s32 $0xFFFFD800  }
0xbc: {  	[tilespmem:s31], [sflag:$0x2] =	stream.indirect.gather [hbm4b:s4+s30], $0x80, s22, s30, $0xb8;
	[tilespmem:$0x1F880] =	vst v63  }
0xbd: {  	_ =	swait.ge [sflag:s12], $0x2800  }
0xbe: {  	[sflag:s12] =	ssyncset.done $0x0  }
0xbf: {  	s23 =	rddreg [dreg:$0xd];
	[sflag:s12] =	ssyncadd.s32 $0xFFFFD800  }
0xc0: {  	[tilespmem:s0], [sflag:$0x3] =	stream.indirect.gather [hbm4b:s4+s30], $0x80, s23, s30, $0xb8;
	[tilespmem:$0x1F880] =	vst v63  }
0xc1: {  	_ =	swait.ge [sflag:s13], $0x2800  }
0xc2: {  	[sflag:s13] =	ssyncset.done $0x0  }
0xc3: {  	s25 =	rddreg [dreg:$0xe];
	[sflag:s13] =	ssyncadd.s32 $0xFFFFD800  }
0xc4: {  	[tilespmem:s1], [sflag:$0x4] =	stream.indirect.gather [hbm4b:s4+s30], $0x80, s25, s30, $0xb8;
	[tilespmem:$0x1F880] =	vst v63  }
0xc5: {  	_ =	swait.ge [sflag:s7], $0x2800  }
0xc6: {  	[sflag:s7] =	ssyncset.done $0x0  }
0xc7: {  	s22 =	rddreg [dreg:$0xf];
	[sflag:s7] =	ssyncadd.s32 $0xFFFFD800  }
0xc8: {  	[spmem:s2] =	stream.indirect.scatter.add.f32 [tilespmem:s24], [sflag:$0x5], $0x80, s22, s30, $0xb8;
	[tilespmem:$0x1F880] =	vst v63  }
0xc9: {  	_ =	swait.ge [sflag:s8], $0x2800  }
0xca: {  	[sflag:s8] =	ssyncset.done $0x0  }
0xcb: {  	s23 =	rddreg [dreg:$0x10];
	[sflag:s8] =	ssyncadd.s32 $0xFFFFD800  }
0xcc: {  	[spmem:s2] =	stream.indirect.scatter.add.f32 [tilespmem:s31], [sflag:$0x6], $0x80, s23, s30, $0xb8;
	[tilespmem:$0x1F880] =	vst v63  }
0xcd: {  	_ =	swait.ge [sflag:s6], $0x2800  }
0xce: {  	[sflag:s6] =	ssyncset.done $0x0  }
0xcf: {  	s25 =	rddreg [dreg:$0x11];
	[sflag:s6] =	ssyncadd.s32 $0xFFFFD800  }
0xd0: {  	[spmem:s2] =	stream.indirect.scatter.add.f32 [tilespmem:s0], [sflag:$0x7], $0x80, s25, s30, $0xb8;
	[tilespmem:$0x1F880] =	vst v63  }
0xd1: {  	_ =	swait.ge [sflag:s9], $0x2800  }
0xd2: {  	[sflag:s9] =	ssyncset.done $0x0  }
0xd3: {  	s22 =	rddreg [dreg:$0x12];
	[sflag:s9] =	ssyncadd.s32 $0xFFFFD800  }
0xd4: {  	[spmem:s2] =	stream.indirect.scatter.add.f32 [tilespmem:s1], [sflag:$0x8], $0x80, s22, s30, $0xb8;
	[tilespmem:$0x1F880] =	vst v63  }
0xd5: {  	_ =	swait.ge [sflag:s10], $0x2800  }
0xd6: {  	[sflag:s10] =	ssyncset.done $0x0  }
0xd7: {  	s23 =	rddreg [dreg:$0x13];
	[sflag:s10] =	ssyncadd.s32 $0xFFFFD800  }
0xd8: {  	[tilespmem:s24], [sflag:$0x1] =	stream.indirect.gather [hbm4b:s4+s30], $0x80, s23, s30, $0xb8;
	[tilespmem:$0x1F880] =	vst v63  }
0xd9: {  	_ =	swait.ge [sflag:s11], $0x2800  }
0xda: {  	[sflag:s11] =	ssyncset.done $0x0  }
0xdb: {  	s25 =	rddreg [dreg:$0x14];
	[sflag:s11] =	ssyncadd.s32 $0xFFFFD800  }
0xdc: {  	[tilespmem:s31], [sflag:$0x2] =	stream.indirect.gather [hbm4b:s4+s30], $0x80, s25, s30, $0xb8;
	[tilespmem:$0x1F880] =	vst v63  }
0xdd: {  	_ =	swait.ge [sflag:s12], $0x2800  }
0xde: {  	[sflag:s12] =	ssyncset.done $0x0  }
0xdf: {  	s22 =	rddreg [dreg:$0x15];
	[sflag:s12] =	ssyncadd.s32 $0xFFFFD800  }
0xe0: {  	[tilespmem:s0], [sflag:$0x3] =	stream.indirect.gather [hbm4b:s4+s30], $0x80, s22, s30, $0xb8;
	[tilespmem:$0x1F880] =	vst v63  }
0xe1: {  	_ =	swait.ge [sflag:s13], $0x2800  }
0xe2: {  	[sflag:s13] =	ssyncset.done $0x0  }
0xe3: {  	s23 =	rddreg [dreg:$0x16];
	[sflag:s13] =	ssyncadd.s32 $0xFFFFD800  }
0xe4: {  	[tilespmem:s1], [sflag:$0x4] =	stream.indirect.gather [hbm4b:s4+s30], $0x80, s23, s30, $0xb8;
	[tilespmem:$0x1F880] =	vst v63  }
0xe5: {  	_ =	swait.ge [sflag:s7], $0x2800  }
0xe6: {  	[sflag:s7] =	ssyncset.done $0x0  }
0xe7: {  	s25 =	rddreg [dreg:$0x17];
	[sflag:s7] =	ssyncadd.s32 $0xFFFFD800  }
0xe8: {  	[spmem:s2] =	stream.indirect.scatter.add.f32 [tilespmem:s24], [sflag:$0x5], $0x80, s25, s30, $0xb8;
	[tilespmem:$0x1F880] =	vst v63  }
0xe9: {  	_ =	swait.ge [sflag:s8], $0x2800  }
0xea: {  	[sflag:s8] =	ssyncset.done $0x0  }
0xeb: {  	s22 =	rddreg [dreg:$0x18];
	[sflag:s8] =	ssyncadd.s32 $0xFFFFD800  }
0xec: {  	[spmem:s2] =	stream.indirect.scatter.add.f32 [tilespmem:s31], [sflag:$0x6], $0x80, s22, s30, $0xb8;
	[tilespmem:$0x1F880] =	vst v63  }
0xed: {  	_ =	swait.ge [sflag:s6], $0x2800  }
0xee: {  	[sflag:s6] =	ssyncset.done $0x0  }
0xef: {  	s23 =	rddreg [dreg:$0x19];
	[sflag:s6] =	ssyncadd.s32 $0xFFFFD800  }
0xf0: {  	[spmem:s2] =	stream.indirect.scatter.add.f32 [tilespmem:s0], [sflag:$0x7], $0x80, s23, s30, $0xb8;
	[tilespmem:$0x1F880] =	vst v63  }
0xf1: {  	_ =	swait.ge [sflag:s9], $0x2800  }
0xf2: {  	[sflag:s9] =	ssyncset.done $0x0  }
0xf3: {  	s25 =	rddreg [dreg:$0x1a];
	[sflag:s9] =	ssyncadd.s32 $0xFFFFD800  }
0xf4: {  	[spmem:s2] =	stream.indirect.scatter.add.f32 [tilespmem:s1], [sflag:$0x8], $0x80, s25, s30, $0xb8;
	[tilespmem:$0x1F880] =	vst v63  }
0xf5: {  	_ =	swait.ge [sflag:s10], $0x2800  }
0xf6: {  	[sflag:s10] =	ssyncset.done $0x0  }
0xf7: {  	s22 =	rddreg [dreg:$0x1b];
	[sflag:s10] =	ssyncadd.s32 $0xFFFFD800  }
0xf8: {  	[tilespmem:s24], [sflag:$0x1] =	stream.indirect.gather [hbm4b:s4+s30], $0x80, s22, s30, $0xb8;
	[tilespmem:$0x1F880] =	vst v63  }
0xf9: {  	_ =	swait.ge [sflag:s11], $0x2800  }
0xfa: {  	[sflag:s11] =	ssyncset.done $0x0  }
0xfb: {  	s23 =	rddreg [dreg:$0x1c];
	[sflag:s11] =	ssyncadd.s32 $0xFFFFD800  }
0xfc: {  	[tilespmem:s31], [sflag:$0x2] =	stream.indirect.gather [hbm4b:s4+s30], $0x80, s23, s30, $0xb8;
	[tilespmem:$0x1F880] =	vst v63  }
0xfd: {  	_ =	swait.ge [sflag:s12], $0x2800  }
0xfe: {  	[sflag:s12] =	ssyncset.done $0x0  }
0xff: {  	s25 =	rddreg [dreg:$0x1d];
	[sflag:s12] =	ssyncadd.s32 $0xFFFFD800  }
0x100: {  	[tilespmem:s0], [sflag:$0x3] =	stream.indirect.gather [hbm4b:s4+s30], $0x80, s25, s30, $0xb8;
	[tilespmem:$0x1F880] =	vst v63  }
0x101: {  	_ =	swait.ge [sflag:s13], $0x2800  }
0x102: {  	[sflag:s13] =	ssyncset.done $0x0  }
0x103: {  	s22 =	rddreg [dreg:$0x1e];
	[sflag:s13] =	ssyncadd.s32 $0xFFFFD800  }
0x104: {  	[tilespmem:s1], [sflag:$0x4] =	stream.indirect.gather [hbm4b:s4+s30], $0x80, s22, s30, $0xb8;
	[tilespmem:$0x1F880] =	vst v63  }
0x105: {  	_ =	swait.ge [sflag:s7], $0x2800  }
0x106: {  	[sflag:s7] =	ssyncset.done $0x0  }
0x107: {  	s23 =	rddreg [dreg:$0x1f];
	[sflag:s7] =	ssyncadd.s32 $0xFFFFD800  }
0x108: {  	[spmem:s2] =	stream.indirect.scatter.add.f32 [tilespmem:s24], [sflag:$0x5], $0x80, s23, s30, $0xb8;
	[tilespmem:$0x1F880] =	vst v63  }
0x109: {  	_ =	swait.ge [sflag:s8], $0x2800  }
0x10a: {  	s25 =	sld [smem:$0x7EA]  }
0x10b: {  	[sflag:s8] =	ssyncset.done $0x0  }
0x10c: {  	[sflag:s8] =	ssyncadd.s32 $0xFFFFD800  }
0x10d: {  	[spmem:s2] =	stream.indirect.scatter.add.f32 [tilespmem:s31], [sflag:$0x6], $0x80, s25, s30, $0xb8;
	[tilespmem:$0x1F880] =	vst v63  }
0x10e: {  	_ =	swait.ge [sflag:s6], $0x2800  }
0x10f: {  	s22 =	sld [smem:$0x7EB]  }
0x110: {  	[sflag:s6] =	ssyncset.done $0x0  }
0x111: {  	[sflag:s6] =	ssyncadd.s32 $0xFFFFD800  }
0x112: {  	[spmem:s2] =	stream.indirect.scatter.add.f32 [tilespmem:s0], [sflag:$0x7], $0x80, s22, s30, $0xb8;
	[tilespmem:$0x1F880] =	vst v63  }
0x113: {  	_ =	swait.ge [sflag:s9], $0x2800  }
0x114: {  	s23 =	sld [smem:$0x7EC]  }
0x115: {  	[sflag:s9] =	ssyncset.done $0x0  }
0x116: {  	[sflag:s9] =	ssyncadd.s32 $0xFFFFD800  }
0x117: {  	[spmem:s2] =	stream.indirect.scatter.add.f32 [tilespmem:s1], [sflag:$0x8], $0x80, s23, s30, $0xb8;
	[tilespmem:$0x1F880] =	vst v63  }
0x118: {  	_ =	swait.ge [sflag:s10], $0x2800  }
0x119: {  	s25 =	sld [smem:$0x7EE]  }
0x11a: {  	[sflag:s10] =	ssyncset.done $0x0  }
0x11b: {  	[sflag:s10] =	ssyncadd.s32 $0xFFFFD800  }
0x11c: {  	[tilespmem:s24], [sflag:$0x1] =	stream.indirect.gather [hbm4b:s4+s30], $0x80, s25, s30, $0xb8;
	[tilespmem:$0x1F880] =	vst v63  }
0x11d: {  	_ =	swait.ge [sflag:s11], $0x2800  }
0x11e: {  	s22 =	sld [smem:$0x7EF]  }
0x11f: {  	[sflag:s11] =	ssyncset.done $0x0  }
0x120: {  	[sflag:s11] =	ssyncadd.s32 $0xFFFFD800  }
0x121: {  	[tilespmem:s31], [sflag:$0x2] =	stream.indirect.gather [hbm4b:s4+s30], $0x80, s22, s30, $0xb8;
	[tilespmem:$0x1F880] =	vst v63  }
0x122: {  	_ =	swait.ge [sflag:s12], $0x2800  }
0x123: {  	s23 =	sld [smem:$0x7F1]  }
0x124: {  	[sflag:s12] =	ssyncset.done $0x0  }
0x125: {  	[sflag:s12] =	ssyncadd.s32 $0xFFFFD800  }
0x126: {  	[tilespmem:s0], [sflag:$0x3] =	stream.indirect.gather [hbm4b:s4+s30], $0x80, s23, s30, $0xb8;
	[tilespmem:$0x1F880] =	vst v63  }
0x127: {  	_ =	swait.ge [sflag:s13], $0x2800  }
0x128: {  	s25 =	sld [smem:$0x7F2]  }
0x129: {  	[sflag:s13] =	ssyncset.done $0x0  }
0x12a: {  	[sflag:s13] =	ssyncadd.s32 $0xFFFFD800  }
0x12b: {  	[tilespmem:s1], [sflag:$0x4] =	stream.indirect.gather [hbm4b:s4+s30], $0x80, s25, s30, $0xb8;
	[tilespmem:$0x1F880] =	vst v63  }
0x12c: {  	_ =	swait.ge [sflag:s7], $0x2800  }
0x12d: {  	s22 =	sld [smem:$0x7F3]  }
0x12e: {  	[sflag:s7] =	ssyncset.done $0x0  }
0x12f: {  	[sflag:s7] =	ssyncadd.s32 $0xFFFFD800  }
0x130: {  	[spmem:s2] =	stream.indirect.scatter.add.f32 [tilespmem:s24], [sflag:$0x5], $0x80, s22, s30, $0xb8;
	[tilespmem:$0x1F880] =	vst v63  }
0x131: {  	_ =	swait.ge [sflag:s8], $0x2800  }
0x132: {  	s23 =	sld [smem:$0x7F5]  }
0x133: {  	[sflag:s8] =	ssyncset.done $0x0  }
0x134: {  	[sflag:s8] =	ssyncadd.s32 $0xFFFFD800  }
0x135: {  	[spmem:s2] =	stream.indirect.scatter.add.f32 [tilespmem:s31], [sflag:$0x6], $0x80, s23, s30, $0xb8;
	[tilespmem:$0x1F880] =	vst v63  }
0x136: {  	_ =	swait.ge [sflag:s6], $0x2800  }
0x137: {  	s25 =	sld [smem:$0x7F6]  }
0x138: {  	[sflag:s6] =	ssyncset.done $0x0  }
0x139: {  	[sflag:s6] =	ssyncadd.s32 $0xFFFFD800  }
0x13a: {  	[spmem:s2] =	stream.indirect.scatter.add.f32 [tilespmem:s0], [sflag:$0x7], $0x80, s25, s30, $0xb8;
	[tilespmem:$0x1F880] =	vst v63  }
0x13b: {  	_ =	swait.ge [sflag:s9], $0x2800  }
0x13c: {  	s22 =	sld [smem:$0x7F8]  }
0x13d: {  	[sflag:s9] =	ssyncset.done $0x0  }
0x13e: {  	[sflag:s9] =	ssyncadd.s32 $0xFFFFD800  }
0x13f: {  	[spmem:s2] =	stream.indirect.scatter.add.f32 [tilespmem:s1], [sflag:$0x8], $0x80, s22, s30, $0xb8;
	[tilespmem:$0x1F880] =	vst v63  }
0x140: {  	_ =	swait.ge [sflag:s10], $0x2800  }
0x141: {  	s23 =	sld [smem:$0x7F9]  }
0x142: {  	[sflag:s10] =	ssyncset.done $0x0  }
0x143: {  	[sflag:s10] =	ssyncadd.s32 $0xFFFFD800  }
0x144: {  	[tilespmem:s24], [sflag:$0x1] =	stream.indirect.gather [hbm4b:s4+s30], $0x80, s23, s30, $0xb8;
	[tilespmem:$0x1F880] =	vst v63  }
0x145: {  	_ =	swait.ge [sflag:s11], $0x2800  }
0x146: {  	s25 =	sld [smem:$0x7FA]  }
0x147: {  	[sflag:s11] =	ssyncset.done $0x0  }
0x148: {  	[sflag:s11] =	ssyncadd.s32 $0xFFFFD800  }
0x149: {  	[tilespmem:s31], [sflag:$0x2] =	stream.indirect.gather [hbm4b:s4+s30], $0x80, s25, s30, $0xb8;
	[tilespmem:$0x1F880] =	vst v63  }
0x14a: {  	_ =	swait.ge [sflag:s12], $0x2800  }
0x14b: {  	[sflag:s12] =	ssyncset.done $0x0  }
0x14c: {  	[sflag:s12] =	ssyncadd.s32 $0xFFFFD800  }
0x14d: {  	[tilespmem:s0], [sflag:$0x3] =	stream.indirect.gather [hbm4b:s4+s30], $0x80, s14, s30, $0xb8;
	[tilespmem:$0x1F880] =	vst v63  }
0x14e: {  	_ =	swait.ge [sflag:s13], $0x2800  }
0x14f: {  	[sflag:s13] =	ssyncset.done $0x0  }
0x150: {  	[sflag:s13] =	ssyncadd.s32 $0xFFFFD800  }
0x151: {  	[tilespmem:s1], [sflag:$0x4] =	stream.indirect.gather [hbm4b:s4+s30], $0x80, s15, s30, $0xb8;
	[tilespmem:$0x1F880] =	vst v63  }
0x152: {  	_ =	swait.ge [sflag:s7], $0x2800  }
0x153: {  	[sflag:s7] =	ssyncset.done $0x0  }
0x154: {  	[sflag:s7] =	ssyncadd.s32 $0xFFFFD800  }
0x155: {  	[spmem:s2] =	stream.indirect.scatter.add.f32 [tilespmem:s24], [sflag:$0x5], $0x80, s16, s30, $0xb8;
	[tilespmem:$0x1F880] =	vst v63  }
0x156: {  	_ =	swait.ge [sflag:s8], $0x2800  }
0x157: {  	[sflag:s8] =	ssyncset.done $0x0  }
0x158: {  	[sflag:s8] =	ssyncadd.s32 $0xFFFFD800  }
0x159: {  	[spmem:s2] =	stream.indirect.scatter.add.f32 [tilespmem:s31], [sflag:$0x6], $0x80, s17, s30, $0xb8;
	[tilespmem:$0x1F880] =	vst v63  }
0x15a: {  	_ =	swait.ge [sflag:s6], $0x2800  }
0x15b: {  	[sflag:s6] =	ssyncset.done $0x0  }
0x15c: {  	[sflag:s6] =	ssyncadd.s32 $0xFFFFD800  }
0x15d: {  	[spmem:s2] =	stream.indirect.scatter.add.f32 [tilespmem:s0], [sflag:$0x7], $0x80, s18, s30, $0xb8;
	[tilespmem:$0x1F880] =	vst v63  }
0x15e: {  	_ =	swait.ge [sflag:s9], $0x2800  }
0x15f: {  	[sflag:s9] =	ssyncset.done $0x0  }
0x160: {  	[sflag:s9] =	ssyncadd.s32 $0xFFFFD800  }
0x161: {  	[spmem:s2] =	stream.indirect.scatter.add.f32 [tilespmem:s1], [sflag:$0x8], $0x80, s19, s30, $0xb8;
	[tilespmem:$0x1F880] =	vst v63  }
0x162: {  	_ =	swait.ge [sflag:s10], $0x2800  }
0x163: {  	[sflag:s10] =	ssyncset.done $0x0  }
0x164: {  	[sflag:s10] =	ssyncadd.s32 $0xFFFFD800  }
0x165: {  	[tilespmem:s24], [sflag:$0x1] =	stream.indirect.gather [hbm4b:s4+s30], $0x80, s20, s30, $0xb8;
	[tilespmem:$0x1F880] =	vst v63  }
0x166: {  	_ =	swait.ge [sflag:s7], $0x2800  }
0x167: {  	[sflag:s7] =	ssyncset.done $0x0  }
0x168: {  	[sflag:s7] =	ssyncadd.s32 $0xFFFFD800  }
0x169: {  	[spmem:s2] =	stream.indirect.scatter.add.f32 [tilespmem:s24], [sflag:$0x5], $0x80, s21, s30, $0xb8;
	[tilespmem:$0x1F880] =	vst v63  }
0x16a: {  	_ =	swait.ge [sflag:s10], $0x2800  }
0x16b: {  	[sflag:s10] =	ssyncset.done $0x0  }
0x16c: {  	[sflag:s10] =	ssyncadd.s32 $0xFFFFD800  }
0x16d: {  	_ =	swait.ge [sflag:s11], $0x2800  }
0x16e: {  	[sflag:s11] =	ssyncset.done $0x0  }
0x16f: {  	[sflag:s11] =	ssyncadd.s32 $0xFFFFD800  }
0x170: {  	_ =	swait.ge [sflag:s12], $0x2800  }
0x171: {  	[sflag:s12] =	ssyncset.done $0x0  }
0x172: {  	[sflag:s12] =	ssyncadd.s32 $0xFFFFD800  }
0x173: {  	s22 =	simm.s32 $0x400;
	_ =	swait.ge [sflag:s13], $0x2800  }
0x174: {  	s23 =	simm.s32 $0x200;
	s5 =	rddreg [dreg:$0x3];
	[sflag:s13] =	ssyncset.done $0x0  }
.LBB2_2:
0x175: {  	[sflag:s13] =	ssyncadd.s32 $0xFFFFD800;
	s5 =	sadd.s32 s23, s5  }
0x176: {  	[tilespmem:s28], [sflag:$0x9] =	stream.linear.gather [hbm4b:s5+s3], $0xC80, $0x38;
	[tilespmem:$0x1F880] =	vst v63  }
0x177: {  	_ =	swait.ge [sflag:s26], $0xC80  }
0x178: {  	s5 =	rddreg [dreg:$0x4];
	[sflag:s26] =	ssyncset.done $0x0  }
0x179: {  	[sflag:s26] =	ssyncadd.s32 $0xFFFFF380;
	s5 =	sadd.s32 s23, s5  }
0x17a: {  	[tilespmem:s29], [sflag:$0x9] =	stream.linear.gather [hbm4b:s5+s3], $0xC80, $0x38;
	[tilespmem:$0x1F880] =	vst v63  }
0x17b: {  	_ =	swait.ge [sflag:s26], $0xC80  }
0x17c: {  	[sflag:s26] =	ssyncset.done $0x0  }
0x17d: {  	[sflag:s26] =	ssyncadd.s32 $0xFFFFF380  }
0x17e: {  	[tilespmem:s24], [sflag:$0x1] =	stream.indirect.gather [hbm4b:s4+s30], $0x80, s28, s30, $0xb8;
	[tilespmem:$0x1F880] =	vst v63  }
0x17f: {  	s25 =	smov.u32 s22;
	s5 =	rddreg [dreg:$0x5]  }
0x180: {  	[tilespmem:s31], [sflag:$0x2] =	stream.indirect.gather [hbm4b:s4+s30], $0x80, s5, s30, $0xb8;
	[tilespmem:$0x1F880] =	vst v63  }
0x181: {  	s23 =	smov.u32 s25;
	s25 =	rddreg [dreg:$0x6]  }
0x182: {  	[tilespmem:s0], [sflag:$0x3] =	stream.indirect.gather [hbm4b:s4+s30], $0x80, s25, s30, $0xb8;
	[tilespmem:$0x1F880] =	vst v63  }
0x183: {  	s5 =	rddreg [dreg:$0x7]  }
0x184: {  	[tilespmem:s1], [sflag:$0x4] =	stream.indirect.gather [hbm4b:s4+s30], $0x80, s5, s30, $0xb8;
	[tilespmem:$0x1F880] =	vst v63  }
0x185: {  	_ =	swait.ge [sflag:s7], $0x2800  }
0x186: {  	[sflag:s7] =	ssyncset.done $0x0  }
0x187: {  	[sflag:s7] =	ssyncadd.s32 $0xFFFFD800  }
0x188: {  	[spmem:s2] =	stream.indirect.scatter.add.f32 [tilespmem:s24], [sflag:$0x5], $0x80, s29, s30, $0xb8;
	[tilespmem:$0x1F880] =	vst v63  }
0x189: {  	_ =	swait.ge [sflag:s8], $0x2800  }
0x18a: {  	[sflag:s8] =	ssyncset.done $0x0  }
0x18b: {  	s25 =	rddreg [dreg:$0x8];
	[sflag:s8] =	ssyncadd.s32 $0xFFFFD800  }
0x18c: {  	[spmem:s2] =	stream.indirect.scatter.add.f32 [tilespmem:s31], [sflag:$0x6], $0x80, s25, s30, $0xb8;
	[tilespmem:$0x1F880] =	vst v63  }
0x18d: {  	_ =	swait.ge [sflag:s6], $0x2800  }
0x18e: {  	[sflag:s6] =	ssyncset.done $0x0  }
0x18f: {  	s25 =	rddreg [dreg:$0x9];
	[sflag:s6] =	ssyncadd.s32 $0xFFFFD800  }
0x190: {  	[spmem:s2] =	stream.indirect.scatter.add.f32 [tilespmem:s0], [sflag:$0x7], $0x80, s25, s30, $0xb8;
	[tilespmem:$0x1F880] =	vst v63  }
0x191: {  	_ =	swait.ge [sflag:s9], $0x2800  }
0x192: {  	[sflag:s9] =	ssyncset.done $0x0  }
0x193: {  	s25 =	rddreg [dreg:$0xa];
	[sflag:s9] =	ssyncadd.s32 $0xFFFFD800  }
0x194: {  	[spmem:s2] =	stream.indirect.scatter.add.f32 [tilespmem:s1], [sflag:$0x8], $0x80, s25, s30, $0xb8;
	[tilespmem:$0x1F880] =	vst v63  }
0x195: {  	_ =	swait.ge [sflag:s10], $0x2800  }
0x196: {  	[sflag:s10] =	ssyncset.done $0x0  }
0x197: {  	s25 =	rddreg [dreg:$0xb];
	[sflag:s10] =	ssyncadd.s32 $0xFFFFD800  }
0x198: {  	[tilespmem:s24], [sflag:$0x1] =	stream.indirect.gather [hbm4b:s4+s30], $0x80, s25, s30, $0xb8;
	[tilespmem:$0x1F880] =	vst v63  }
0x199: {  	_ =	swait.ge [sflag:s11], $0x2800  }
0x19a: {  	[sflag:s11] =	ssyncset.done $0x0  }
0x19b: {  	s25 =	rddreg [dreg:$0xc];
	[sflag:s11] =	ssyncadd.s32 $0xFFFFD800  }
0x19c: {  	[tilespmem:s31], [sflag:$0x2] =	stream.indirect.gather [hbm4b:s4+s30], $0x80, s25, s30, $0xb8;
	[tilespmem:$0x1F880] =	vst v63  }
0x19d: {  	_ =	swait.ge [sflag:s12], $0x2800  }
0x19e: {  	[sflag:s12] =	ssyncset.done $0x0  }
0x19f: {  	s25 =	rddreg [dreg:$0xd];
	[sflag:s12] =	ssyncadd.s32 $0xFFFFD800  }
0x1a0: {  	[tilespmem:s0], [sflag:$0x3] =	stream.indirect.gather [hbm4b:s4+s30], $0x80, s25, s30, $0xb8;
	[tilespmem:$0x1F880] =	vst v63  }
0x1a1: {  	_ =	swait.ge [sflag:s13], $0x2800  }
0x1a2: {  	[sflag:s13] =	ssyncset.done $0x0  }
0x1a3: {  	s25 =	rddreg [dreg:$0xe];
	[sflag:s13] =	ssyncadd.s32 $0xFFFFD800  }
0x1a4: {  	[tilespmem:s1], [sflag:$0x4] =	stream.indirect.gather [hbm4b:s4+s30], $0x80, s25, s30, $0xb8;
	[tilespmem:$0x1F880] =	vst v63  }
0x1a5: {  	_ =	swait.ge [sflag:s7], $0x2800  }
0x1a6: {  	[sflag:s7] =	ssyncset.done $0x0  }
0x1a7: {  	s25 =	rddreg [dreg:$0xf];
	[sflag:s7] =	ssyncadd.s32 $0xFFFFD800  }
0x1a8: {  	[spmem:s2] =	stream.indirect.scatter.add.f32 [tilespmem:s24], [sflag:$0x5], $0x80, s25, s30, $0xb8;
	[tilespmem:$0x1F880] =	vst v63  }
0x1a9: {  	_ =	swait.ge [sflag:s8], $0x2800  }
0x1aa: {  	[sflag:s8] =	ssyncset.done $0x0  }
0x1ab: {  	s25 =	rddreg [dreg:$0x10];
	[sflag:s8] =	ssyncadd.s32 $0xFFFFD800  }
0x1ac: {  	[spmem:s2] =	stream.indirect.scatter.add.f32 [tilespmem:s31], [sflag:$0x6], $0x80, s25, s30, $0xb8;
	[tilespmem:$0x1F880] =	vst v63  }
0x1ad: {  	_ =	swait.ge [sflag:s6], $0x2800  }
0x1ae: {  	[sflag:s6] =	ssyncset.done $0x0  }
0x1af: {  	s25 =	rddreg [dreg:$0x11];
	[sflag:s6] =	ssyncadd.s32 $0xFFFFD800  }
0x1b0: {  	[spmem:s2] =	stream.indirect.scatter.add.f32 [tilespmem:s0], [sflag:$0x7], $0x80, s25, s30, $0xb8;
	[tilespmem:$0x1F880] =	vst v63  }
0x1b1: {  	_ =	swait.ge [sflag:s9], $0x2800  }
0x1b2: {  	[sflag:s9] =	ssyncset.done $0x0  }
0x1b3: {  	s25 =	rddreg [dreg:$0x12];
	[sflag:s9] =	ssyncadd.s32 $0xFFFFD800  }
0x1b4: {  	[spmem:s2] =	stream.indirect.scatter.add.f32 [tilespmem:s1], [sflag:$0x8], $0x80, s25, s30, $0xb8;
	[tilespmem:$0x1F880] =	vst v63  }
0x1b5: {  	_ =	swait.ge [sflag:s10], $0x2800  }
0x1b6: {  	[sflag:s10] =	ssyncset.done $0x0  }
0x1b7: {  	s25 =	rddreg [dreg:$0x13];
	[sflag:s10] =	ssyncadd.s32 $0xFFFFD800  }
0x1b8: {  	[tilespmem:s24], [sflag:$0x1] =	stream.indirect.gather [hbm4b:s4+s30], $0x80, s25, s30, $0xb8;
	[tilespmem:$0x1F880] =	vst v63  }
0x1b9: {  	_ =	swait.ge [sflag:s11], $0x2800  }
0x1ba: {  	[sflag:s11] =	ssyncset.done $0x0  }
0x1bb: {  	s25 =	rddreg [dreg:$0x14];
	[sflag:s11] =	ssyncadd.s32 $0xFFFFD800  }
0x1bc: {  	[tilespmem:s31], [sflag:$0x2] =	stream.indirect.gather [hbm4b:s4+s30], $0x80, s25, s30, $0xb8;
	[tilespmem:$0x1F880] =	vst v63  }
0x1bd: {  	_ =	swait.ge [sflag:s12], $0x2800  }
0x1be: {  	[sflag:s12] =	ssyncset.done $0x0  }
0x1bf: {  	s25 =	rddreg [dreg:$0x15];
	[sflag:s12] =	ssyncadd.s32 $0xFFFFD800  }
0x1c0: {  	[tilespmem:s0], [sflag:$0x3] =	stream.indirect.gather [hbm4b:s4+s30], $0x80, s25, s30, $0xb8;
	[tilespmem:$0x1F880] =	vst v63  }
0x1c1: {  	_ =	swait.ge [sflag:s13], $0x2800  }
0x1c2: {  	[sflag:s13] =	ssyncset.done $0x0  }
0x1c3: {  	s25 =	rddreg [dreg:$0x16];
	[sflag:s13] =	ssyncadd.s32 $0xFFFFD800  }
0x1c4: {  	[tilespmem:s1], [sflag:$0x4] =	stream.indirect.gather [hbm4b:s4+s30], $0x80, s25, s30, $0xb8;
	[tilespmem:$0x1F880] =	vst v63  }
0x1c5: {  	_ =	swait.ge [sflag:s7], $0x2800  }
0x1c6: {  	[sflag:s7] =	ssyncset.done $0x0  }
0x1c7: {  	s25 =	rddreg [dreg:$0x17];
	[sflag:s7] =	ssyncadd.s32 $0xFFFFD800  }
0x1c8: {  	[spmem:s2] =	stream.indirect.scatter.add.f32 [tilespmem:s24], [sflag:$0x5], $0x80, s25, s30, $0xb8;
	[tilespmem:$0x1F880] =	vst v63  }
0x1c9: {  	_ =	swait.ge [sflag:s8], $0x2800  }
0x1ca: {  	[sflag:s8] =	ssyncset.done $0x0  }
0x1cb: {  	s25 =	rddreg [dreg:$0x18];
	[sflag:s8] =	ssyncadd.s32 $0xFFFFD800  }
0x1cc: {  	[spmem:s2] =	stream.indirect.scatter.add.f32 [tilespmem:s31], [sflag:$0x6], $0x80, s25, s30, $0xb8;
	[tilespmem:$0x1F880] =	vst v63  }
0x1cd: {  	_ =	swait.ge [sflag:s6], $0x2800  }
0x1ce: {  	[sflag:s6] =	ssyncset.done $0x0  }
0x1cf: {  	s25 =	rddreg [dreg:$0x19];
	[sflag:s6] =	ssyncadd.s32 $0xFFFFD800  }
0x1d0: {  	[spmem:s2] =	stream.indirect.scatter.add.f32 [tilespmem:s0], [sflag:$0x7], $0x80, s25, s30, $0xb8;
	[tilespmem:$0x1F880] =	vst v63  }
0x1d1: {  	_ =	swait.ge [sflag:s9], $0x2800  }
0x1d2: {  	[sflag:s9] =	ssyncset.done $0x0  }
0x1d3: {  	s25 =	rddreg [dreg:$0x1a];
	[sflag:s9] =	ssyncadd.s32 $0xFFFFD800  }
0x1d4: {  	[spmem:s2] =	stream.indirect.scatter.add.f32 [tilespmem:s1], [sflag:$0x8], $0x80, s25, s30, $0xb8;
	[tilespmem:$0x1F880] =	vst v63  }
0x1d5: {  	_ =	swait.ge [sflag:s10], $0x2800  }
0x1d6: {  	[sflag:s10] =	ssyncset.done $0x0  }
0x1d7: {  	s25 =	rddreg [dreg:$0x1b];
	[sflag:s10] =	ssyncadd.s32 $0xFFFFD800  }
0x1d8: {  	[tilespmem:s24], [sflag:$0x1] =	stream.indirect.gather [hbm4b:s4+s30], $0x80, s25, s30, $0xb8;
	[tilespmem:$0x1F880] =	vst v63  }
0x1d9: {  	_ =	swait.ge [sflag:s11], $0x2800  }
0x1da: {  	[sflag:s11] =	ssyncset.done $0x0  }
0x1db: {  	s25 =	rddreg [dreg:$0x1c];
	[sflag:s11] =	ssyncadd.s32 $0xFFFFD800  }
0x1dc: {  	[tilespmem:s31], [sflag:$0x2] =	stream.indirect.gather [hbm4b:s4+s30], $0x80, s25, s30, $0xb8;
	[tilespmem:$0x1F880] =	vst v63  }
0x1dd: {  	_ =	swait.ge [sflag:s12], $0x2800  }
0x1de: {  	[sflag:s12] =	ssyncset.done $0x0  }
0x1df: {  	s25 =	rddreg [dreg:$0x1d];
	[sflag:s12] =	ssyncadd.s32 $0xFFFFD800  }
0x1e0: {  	[tilespmem:s0], [sflag:$0x3] =	stream.indirect.gather [hbm4b:s4+s30], $0x80, s25, s30, $0xb8;
	[tilespmem:$0x1F880] =	vst v63  }
0x1e1: {  	_ =	swait.ge [sflag:s13], $0x2800  }
0x1e2: {  	[sflag:s13] =	ssyncset.done $0x0  }
0x1e3: {  	s25 =	rddreg [dreg:$0x1e];
	[sflag:s13] =	ssyncadd.s32 $0xFFFFD800  }
0x1e4: {  	[tilespmem:s1], [sflag:$0x4] =	stream.indirect.gather [hbm4b:s4+s30], $0x80, s25, s30, $0xb8;
	[tilespmem:$0x1F880] =	vst v63  }
0x1e5: {  	_ =	swait.ge [sflag:s7], $0x2800  }
0x1e6: {  	[sflag:s7] =	ssyncset.done $0x0  }
0x1e7: {  	s25 =	rddreg [dreg:$0x1f];
	[sflag:s7] =	ssyncadd.s32 $0xFFFFD800  }
0x1e8: {  	[spmem:s2] =	stream.indirect.scatter.add.f32 [tilespmem:s24], [sflag:$0x5], $0x80, s25, s30, $0xb8;
	[tilespmem:$0x1F880] =	vst v63  }
0x1e9: {  	_ =	swait.ge [sflag:s8], $0x2800  }
0x1ea: {  	s25 =	sld [smem:$0x7EA]  }
0x1eb: {  	[sflag:s8] =	ssyncset.done $0x0  }
0x1ec: {  	[sflag:s8] =	ssyncadd.s32 $0xFFFFD800  }
0x1ed: {  	[spmem:s2] =	stream.indirect.scatter.add.f32 [tilespmem:s31], [sflag:$0x6], $0x80, s25, s30, $0xb8;
	[tilespmem:$0x1F880] =	vst v63  }
0x1ee: {  	_ =	swait.ge [sflag:s6], $0x2800  }
0x1ef: {  	s25 =	sld [smem:$0x7EB]  }
0x1f0: {  	[sflag:s6] =	ssyncset.done $0x0  }
0x1f1: {  	[sflag:s6] =	ssyncadd.s32 $0xFFFFD800  }
0x1f2: {  	[spmem:s2] =	stream.indirect.scatter.add.f32 [tilespmem:s0], [sflag:$0x7], $0x80, s25, s30, $0xb8;
	[tilespmem:$0x1F880] =	vst v63  }
0x1f3: {  	_ =	swait.ge [sflag:s9], $0x2800  }
0x1f4: {  	s25 =	sld [smem:$0x7EC]  }
0x1f5: {  	[sflag:s9] =	ssyncset.done $0x0  }
0x1f6: {  	[sflag:s9] =	ssyncadd.s32 $0xFFFFD800  }
0x1f7: {  	[spmem:s2] =	stream.indirect.scatter.add.f32 [tilespmem:s1], [sflag:$0x8], $0x80, s25, s30, $0xb8;
	[tilespmem:$0x1F880] =	vst v63  }
0x1f8: {  	_ =	swait.ge [sflag:s10], $0x2800  }
0x1f9: {  	s25 =	sld [smem:$0x7EE]  }
0x1fa: {  	[sflag:s10] =	ssyncset.done $0x0  }
0x1fb: {  	[sflag:s10] =	ssyncadd.s32 $0xFFFFD800  }
0x1fc: {  	[tilespmem:s24], [sflag:$0x1] =	stream.indirect.gather [hbm4b:s4+s30], $0x80, s25, s30, $0xb8;
	[tilespmem:$0x1F880] =	vst v63  }
0x1fd: {  	_ =	swait.ge [sflag:s11], $0x2800  }
0x1fe: {  	s25 =	sld [smem:$0x7EF]  }
0x1ff: {  	[sflag:s11] =	ssyncset.done $0x0  }
0x200: {  	[sflag:s11] =	ssyncadd.s32 $0xFFFFD800  }
0x201: {  	[tilespmem:s31], [sflag:$0x2] =	stream.indirect.gather [hbm4b:s4+s30], $0x80, s25, s30, $0xb8;
	[tilespmem:$0x1F880] =	vst v63  }
0x202: {  	_ =	swait.ge [sflag:s12], $0x2800  }
0x203: {  	s25 =	sld [smem:$0x7F1]  }
0x204: {  	[sflag:s12] =	ssyncset.done $0x0  }
0x205: {  	[sflag:s12] =	ssyncadd.s32 $0xFFFFD800  }
0x206: {  	[tilespmem:s0], [sflag:$0x3] =	stream.indirect.gather [hbm4b:s4+s30], $0x80, s25, s30, $0xb8;
	[tilespmem:$0x1F880] =	vst v63  }
0x207: {  	_ =	swait.ge [sflag:s13], $0x2800  }
0x208: {  	s25 =	sld [smem:$0x7F2]  }
0x209: {  	[sflag:s13] =	ssyncset.done $0x0  }
0x20a: {  	[sflag:s13] =	ssyncadd.s32 $0xFFFFD800  }
0x20b: {  	[tilespmem:s1], [sflag:$0x4] =	stream.indirect.gather [hbm4b:s4+s30], $0x80, s25, s30, $0xb8;
	[tilespmem:$0x1F880] =	vst v63  }
0x20c: {  	_ =	swait.ge [sflag:s7], $0x2800  }
0x20d: {  	s25 =	sld [smem:$0x7F3]  }
0x20e: {  	[sflag:s7] =	ssyncset.done $0x0  }
0x20f: {  	[sflag:s7] =	ssyncadd.s32 $0xFFFFD800  }
0x210: {  	[spmem:s2] =	stream.indirect.scatter.add.f32 [tilespmem:s24], [sflag:$0x5], $0x80, s25, s30, $0xb8;
	[tilespmem:$0x1F880] =	vst v63  }
0x211: {  	_ =	swait.ge [sflag:s8], $0x2800  }
0x212: {  	s25 =	sld [smem:$0x7F5]  }
0x213: {  	[sflag:s8] =	ssyncset.done $0x0  }
0x214: {  	[sflag:s8] =	ssyncadd.s32 $0xFFFFD800  }
0x215: {  	[spmem:s2] =	stream.indirect.scatter.add.f32 [tilespmem:s31], [sflag:$0x6], $0x80, s25, s30, $0xb8;
	[tilespmem:$0x1F880] =	vst v63  }
0x216: {  	_ =	swait.ge [sflag:s6], $0x2800  }
0x217: {  	s25 =	sld [smem:$0x7F6]  }
0x218: {  	[sflag:s6] =	ssyncset.done $0x0  }
0x219: {  	[sflag:s6] =	ssyncadd.s32 $0xFFFFD800  }
0x21a: {  	[spmem:s2] =	stream.indirect.scatter.add.f32 [tilespmem:s0], [sflag:$0x7], $0x80, s25, s30, $0xb8;
	[tilespmem:$0x1F880] =	vst v63  }
0x21b: {  	_ =	swait.ge [sflag:s9], $0x2800  }
0x21c: {  	s25 =	sld [smem:$0x7F8]  }
0x21d: {  	[sflag:s9] =	ssyncset.done $0x0  }
0x21e: {  	[sflag:s9] =	ssyncadd.s32 $0xFFFFD800  }
0x21f: {  	[spmem:s2] =	stream.indirect.scatter.add.f32 [tilespmem:s1], [sflag:$0x8], $0x80, s25, s30, $0xb8;
	[tilespmem:$0x1F880] =	vst v63  }
0x220: {  	_ =	swait.ge [sflag:s10], $0x2800  }
0x221: {  	s25 =	sld [smem:$0x7F9]  }
0x222: {  	[sflag:s10] =	ssyncset.done $0x0  }
0x223: {  	[sflag:s10] =	ssyncadd.s32 $0xFFFFD800  }
0x224: {  	[tilespmem:s24], [sflag:$0x1] =	stream.indirect.gather [hbm4b:s4+s30], $0x80, s25, s30, $0xb8;
	[tilespmem:$0x1F880] =	vst v63  }
0x225: {  	_ =	swait.ge [sflag:s11], $0x2800  }
0x226: {  	s25 =	sld [smem:$0x7FA]  }
0x227: {  	[sflag:s11] =	ssyncset.done $0x0  }
0x228: {  	[sflag:s11] =	ssyncadd.s32 $0xFFFFD800  }
0x229: {  	[tilespmem:s31], [sflag:$0x2] =	stream.indirect.gather [hbm4b:s4+s30], $0x80, s25, s30, $0xb8;
	[tilespmem:$0x1F880] =	vst v63  }
0x22a: {  	_ =	swait.ge [sflag:s12], $0x2800  }
0x22b: {  	[sflag:s12] =	ssyncset.done $0x0  }
0x22c: {  	[sflag:s12] =	ssyncadd.s32 $0xFFFFD800  }
0x22d: {  	[tilespmem:s0], [sflag:$0x3] =	stream.indirect.gather [hbm4b:s4+s30], $0x80, s14, s30, $0xb8;
	[tilespmem:$0x1F880] =	vst v63  }
0x22e: {  	_ =	swait.ge [sflag:s13], $0x2800  }
0x22f: {  	[sflag:s13] =	ssyncset.done $0x0  }
0x230: {  	[sflag:s13] =	ssyncadd.s32 $0xFFFFD800  }
0x231: {  	[tilespmem:s1], [sflag:$0x4] =	stream.indirect.gather [hbm4b:s4+s30], $0x80, s15, s30, $0xb8;
	[tilespmem:$0x1F880] =	vst v63  }
0x232: {  	_ =	swait.ge [sflag:s7], $0x2800  }
0x233: {  	[sflag:s7] =	ssyncset.done $0x0  }
0x234: {  	[sflag:s7] =	ssyncadd.s32 $0xFFFFD800  }
0x235: {  	[spmem:s2] =	stream.indirect.scatter.add.f32 [tilespmem:s24], [sflag:$0x5], $0x80, s16, s30, $0xb8;
	[tilespmem:$0x1F880] =	vst v63  }
0x236: {  	_ =	swait.ge [sflag:s8], $0x2800  }
0x237: {  	[sflag:s8] =	ssyncset.done $0x0  }
0x238: {  	[sflag:s8] =	ssyncadd.s32 $0xFFFFD800  }
0x239: {  	[spmem:s2] =	stream.indirect.scatter.add.f32 [tilespmem:s31], [sflag:$0x6], $0x80, s17, s30, $0xb8;
	[tilespmem:$0x1F880] =	vst v63  }
0x23a: {  	_ =	swait.ge [sflag:s6], $0x2800  }
0x23b: {  	[sflag:s6] =	ssyncset.done $0x0  }
0x23c: {  	[sflag:s6] =	ssyncadd.s32 $0xFFFFD800  }
0x23d: {  	[spmem:s2] =	stream.indirect.scatter.add.f32 [tilespmem:s0], [sflag:$0x7], $0x80, s18, s30, $0xb8;
	[tilespmem:$0x1F880] =	vst v63  }
0x23e: {  	_ =	swait.ge [sflag:s9], $0x2800  }
0x23f: {  	[sflag:s9] =	ssyncset.done $0x0  }
0x240: {  	[sflag:s9] =	ssyncadd.s32 $0xFFFFD800  }
0x241: {  	[spmem:s2] =	stream.indirect.scatter.add.f32 [tilespmem:s1], [sflag:$0x8], $0x80, s19, s30, $0xb8;
	[tilespmem:$0x1F880] =	vst v63  }
0x242: {  	_ =	swait.ge [sflag:s10], $0x2800  }
0x243: {  	[sflag:s10] =	ssyncset.done $0x0  }
0x244: {  	[sflag:s10] =	ssyncadd.s32 $0xFFFFD800  }
0x245: {  	[tilespmem:s24], [sflag:$0x1] =	stream.indirect.gather [hbm4b:s4+s30], $0x80, s20, s30, $0xb8;
	[tilespmem:$0x1F880] =	vst v63  }
0x246: {  	_ =	swait.ge [sflag:s7], $0x2800  }
0x247: {  	[sflag:s7] =	ssyncset.done $0x0  }
0x248: {  	[sflag:s7] =	ssyncadd.s32 $0xFFFFD800  }
0x249: {  	[spmem:s2] =	stream.indirect.scatter.add.f32 [tilespmem:s24], [sflag:$0x5], $0x80, s21, s30, $0xb8;
	[tilespmem:$0x1F880] =	vst v63  }
0x24a: {  	_ =	swait.ge [sflag:s10], $0x2800  }
0x24b: {  	[sflag:s10] =	ssyncset.done $0x0  }
0x24c: {  	[sflag:s10] =	ssyncadd.s32 $0xFFFFD800  }
0x24d: {  	_ =	swait.ge [sflag:s11], $0x2800  }
0x24e: {  	[sflag:s11] =	ssyncset.done $0x0  }
0x24f: {  	p1 =	sne.s32 s22, $0x800;
	[sflag:s11] =	ssyncadd.s32 $0xFFFFD800  }
.Ltmp0:
0x250: {  	_ =	swait.ge [sflag:s12], $0x2800;
	(pc) =	sbr.rel @p1 .LBB2_2-.Ltmp0, $4  }
0x251: {  	[sflag:s12] =	ssyncset.done $0x0  }
0x252: {  	[sflag:s12] =	ssyncadd.s32 $0xFFFFD800  }
0x253: {  	_ =	swait.ge [sflag:s13], $0x2800  }
0x254: {  	s22 =	sadd.s32 $0x200, s22;
	s5 =	rddreg [dreg:$0x3];
	[sflag:s13] =	ssyncset.done $0x0  }
0x255: {  	[sflag:s13] =	ssyncadd.s32 $0xFFFFD800;
	s5 =	sadd.s32 s23, s5  }
0x256: {  	[tilespmem:s28], [sflag:$0x9] =	stream.linear.gather [hbm4b:s5+s3], $0xC80, $0x38;
	[tilespmem:$0x1F880] =	vst v63  }
0x257: {  	_ =	swait.ge [sflag:s26], $0xC80  }
0x258: {  	s22 =	rddreg [dreg:$0x4];
	[sflag:s26] =	ssyncset.done $0x0  }
0x259: {  	[sflag:s26] =	ssyncadd.s32 $0xFFFFF380;
	s5 =	sadd.s32 s23, s22  }
0x25a: {  	[tilespmem:s29], [sflag:$0x9] =	stream.linear.gather [hbm4b:s5+s3], $0xC80, $0x38;
	[tilespmem:$0x1F880] =	vst v63  }
0x25b: {  	_ =	swait.ge [sflag:s26], $0xC80  }
0x25c: {  	[sflag:s26] =	ssyncset.done $0x0  }
0x25d: {  	[sflag:s26] =	ssyncadd.s32 $0xFFFFF380  }
0x25e: {  	[tilespmem:s24], [sflag:$0x1] =	stream.indirect.gather [hbm4b:s4+s30], $0x80, s28, s30, $0xb8;
	[tilespmem:$0x1F880] =	vst v63  }
0x25f: {  	s23 =	rddreg [dreg:$0x5]  }
0x260: {  	[tilespmem:s31], [sflag:$0x2] =	stream.indirect.gather [hbm4b:s4+s30], $0x80, s23, s30, $0xb8;
	[tilespmem:$0x1F880] =	vst v63  }
0x261: {  	s22 =	rddreg [dreg:$0x6]  }
0x262: {  	[tilespmem:s0], [sflag:$0x3] =	stream.indirect.gather [hbm4b:s4+s30], $0x80, s22, s30, $0xb8;
	[tilespmem:$0x1F880] =	vst v63  }
0x263: {  	s25 =	rddreg [dreg:$0x7]  }
0x264: {  	[tilespmem:s1], [sflag:$0x4] =	stream.indirect.gather [hbm4b:s4+s30], $0x80, s25, s30, $0xb8;
	[tilespmem:$0x1F880] =	vst v63  }
0x265: {  	_ =	swait.ge [sflag:s7], $0x2800  }
0x266: {  	[sflag:s7] =	ssyncset.done $0x0  }
0x267: {  	[sflag:s7] =	ssyncadd.s32 $0xFFFFD800  }
0x268: {  	[spmem:s2] =	stream.indirect.scatter.add.f32 [tilespmem:s24], [sflag:$0x5], $0x80, s29, s30, $0xb8;
	[tilespmem:$0x1F880] =	vst v63  }
0x269: {  	_ =	swait.ge [sflag:s8], $0x2800  }
0x26a: {  	[sflag:s8] =	ssyncset.done $0x0  }
0x26b: {  	s23 =	rddreg [dreg:$0x8];
	[sflag:s8] =	ssyncadd.s32 $0xFFFFD800  }
0x26c: {  	[spmem:s2] =	stream.indirect.scatter.add.f32 [tilespmem:s31], [sflag:$0x6], $0x80, s23, s30, $0xb8;
	[tilespmem:$0x1F880] =	vst v63  }
0x26d: {  	_ =	swait.ge [sflag:s6], $0x2800  }
0x26e: {  	[sflag:s6] =	ssyncset.done $0x0  }
0x26f: {  	s25 =	rddreg [dreg:$0x9];
	[sflag:s6] =	ssyncadd.s32 $0xFFFFD800  }
0x270: {  	[spmem:s2] =	stream.indirect.scatter.add.f32 [tilespmem:s0], [sflag:$0x7], $0x80, s25, s30, $0xb8;
	[tilespmem:$0x1F880] =	vst v63  }
0x271: {  	_ =	swait.ge [sflag:s9], $0x2800  }
0x272: {  	[sflag:s9] =	ssyncset.done $0x0  }
0x273: {  	s22 =	rddreg [dreg:$0xa];
	[sflag:s9] =	ssyncadd.s32 $0xFFFFD800  }
0x274: {  	[spmem:s2] =	stream.indirect.scatter.add.f32 [tilespmem:s1], [sflag:$0x8], $0x80, s22, s30, $0xb8;
	[tilespmem:$0x1F880] =	vst v63  }
0x275: {  	_ =	swait.ge [sflag:s10], $0x2800  }
0x276: {  	[sflag:s10] =	ssyncset.done $0x0  }
0x277: {  	s23 =	rddreg [dreg:$0xb];
	[sflag:s10] =	ssyncadd.s32 $0xFFFFD800  }
0x278: {  	[tilespmem:s24], [sflag:$0x1] =	stream.indirect.gather [hbm4b:s4+s30], $0x80, s23, s30, $0xb8;
	[tilespmem:$0x1F880] =	vst v63  }
0x279: {  	_ =	swait.ge [sflag:s11], $0x2800  }
0x27a: {  	[sflag:s11] =	ssyncset.done $0x0  }
0x27b: {  	s25 =	rddreg [dreg:$0xc];
	[sflag:s11] =	ssyncadd.s32 $0xFFFFD800  }
0x27c: {  	[tilespmem:s31], [sflag:$0x2] =	stream.indirect.gather [hbm4b:s4+s30], $0x80, s25, s30, $0xb8;
	[tilespmem:$0x1F880] =	vst v63  }
0x27d: {  	_ =	swait.ge [sflag:s12], $0x2800  }
0x27e: {  	[sflag:s12] =	ssyncset.done $0x0  }
0x27f: {  	s22 =	rddreg [dreg:$0xd];
	[sflag:s12] =	ssyncadd.s32 $0xFFFFD800  }
0x280: {  	[tilespmem:s0], [sflag:$0x3] =	stream.indirect.gather [hbm4b:s4+s30], $0x80, s22, s30, $0xb8;
	[tilespmem:$0x1F880] =	vst v63  }
0x281: {  	_ =	swait.ge [sflag:s13], $0x2800  }
0x282: {  	[sflag:s13] =	ssyncset.done $0x0  }
0x283: {  	s23 =	rddreg [dreg:$0xe];
	[sflag:s13] =	ssyncadd.s32 $0xFFFFD800  }
0x284: {  	[tilespmem:s1], [sflag:$0x4] =	stream.indirect.gather [hbm4b:s4+s30], $0x80, s23, s30, $0xb8;
	[tilespmem:$0x1F880] =	vst v63  }
0x285: {  	_ =	swait.ge [sflag:s7], $0x2800  }
0x286: {  	[sflag:s7] =	ssyncset.done $0x0  }
0x287: {  	s25 =	rddreg [dreg:$0xf];
	[sflag:s7] =	ssyncadd.s32 $0xFFFFD800  }
0x288: {  	[spmem:s2] =	stream.indirect.scatter.add.f32 [tilespmem:s24], [sflag:$0x5], $0x80, s25, s30, $0xb8;
	[tilespmem:$0x1F880] =	vst v63  }
0x289: {  	_ =	swait.ge [sflag:s8], $0x2800  }
0x28a: {  	[sflag:s8] =	ssyncset.done $0x0  }
0x28b: {  	s22 =	rddreg [dreg:$0x10];
	[sflag:s8] =	ssyncadd.s32 $0xFFFFD800  }
0x28c: {  	[spmem:s2] =	stream.indirect.scatter.add.f32 [tilespmem:s31], [sflag:$0x6], $0x80, s22, s30, $0xb8;
	[tilespmem:$0x1F880] =	vst v63  }
0x28d: {  	_ =	swait.ge [sflag:s6], $0x2800  }
0x28e: {  	[sflag:s6] =	ssyncset.done $0x0  }
0x28f: {  	s23 =	rddreg [dreg:$0x11];
	[sflag:s6] =	ssyncadd.s32 $0xFFFFD800  }
0x290: {  	[spmem:s2] =	stream.indirect.scatter.add.f32 [tilespmem:s0], [sflag:$0x7], $0x80, s23, s30, $0xb8;
	[tilespmem:$0x1F880] =	vst v63  }
0x291: {  	_ =	swait.ge [sflag:s9], $0x2800  }
0x292: {  	[sflag:s9] =	ssyncset.done $0x0  }
0x293: {  	s25 =	rddreg [dreg:$0x12];
	[sflag:s9] =	ssyncadd.s32 $0xFFFFD800  }
0x294: {  	[spmem:s2] =	stream.indirect.scatter.add.f32 [tilespmem:s1], [sflag:$0x8], $0x80, s25, s30, $0xb8;
	[tilespmem:$0x1F880] =	vst v63  }
0x295: {  	_ =	swait.ge [sflag:s10], $0x2800  }
0x296: {  	[sflag:s10] =	ssyncset.done $0x0  }
0x297: {  	s22 =	rddreg [dreg:$0x13];
	[sflag:s10] =	ssyncadd.s32 $0xFFFFD800  }
0x298: {  	[tilespmem:s24], [sflag:$0x1] =	stream.indirect.gather [hbm4b:s4+s30], $0x80, s22, s30, $0xb8;
	[tilespmem:$0x1F880] =	vst v63  }
0x299: {  	_ =	swait.ge [sflag:s11], $0x2800  }
0x29a: {  	[sflag:s11] =	ssyncset.done $0x0  }
0x29b: {  	s23 =	rddreg [dreg:$0x14];
	[sflag:s11] =	ssyncadd.s32 $0xFFFFD800  }
0x29c: {  	[tilespmem:s31], [sflag:$0x2] =	stream.indirect.gather [hbm4b:s4+s30], $0x80, s23, s30, $0xb8;
	[tilespmem:$0x1F880] =	vst v63  }
0x29d: {  	_ =	swait.ge [sflag:s12], $0x2800  }
0x29e: {  	[sflag:s12] =	ssyncset.done $0x0  }
0x29f: {  	s25 =	rddreg [dreg:$0x15];
	[sflag:s12] =	ssyncadd.s32 $0xFFFFD800  }
0x2a0: {  	[tilespmem:s0], [sflag:$0x3] =	stream.indirect.gather [hbm4b:s4+s30], $0x80, s25, s30, $0xb8;
	[tilespmem:$0x1F880] =	vst v63  }
0x2a1: {  	_ =	swait.ge [sflag:s13], $0x2800  }
0x2a2: {  	[sflag:s13] =	ssyncset.done $0x0  }
0x2a3: {  	s22 =	rddreg [dreg:$0x16];
	[sflag:s13] =	ssyncadd.s32 $0xFFFFD800  }
0x2a4: {  	[tilespmem:s1], [sflag:$0x4] =	stream.indirect.gather [hbm4b:s4+s30], $0x80, s22, s30, $0xb8;
	[tilespmem:$0x1F880] =	vst v63  }
0x2a5: {  	_ =	swait.ge [sflag:s7], $0x2800  }
0x2a6: {  	[sflag:s7] =	ssyncset.done $0x0  }
0x2a7: {  	s23 =	rddreg [dreg:$0x17];
	[sflag:s7] =	ssyncadd.s32 $0xFFFFD800  }
0x2a8: {  	[spmem:s2] =	stream.indirect.scatter.add.f32 [tilespmem:s24], [sflag:$0x5], $0x80, s23, s30, $0xb8;
	[tilespmem:$0x1F880] =	vst v63  }
0x2a9: {  	_ =	swait.ge [sflag:s8], $0x2800  }
0x2aa: {  	[sflag:s8] =	ssyncset.done $0x0  }
0x2ab: {  	s25 =	rddreg [dreg:$0x18];
	[sflag:s8] =	ssyncadd.s32 $0xFFFFD800  }
0x2ac: {  	[spmem:s2] =	stream.indirect.scatter.add.f32 [tilespmem:s31], [sflag:$0x6], $0x80, s25, s30, $0xb8;
	[tilespmem:$0x1F880] =	vst v63  }
0x2ad: {  	_ =	swait.ge [sflag:s6], $0x2800  }
0x2ae: {  	[sflag:s6] =	ssyncset.done $0x0  }
0x2af: {  	s22 =	rddreg [dreg:$0x19];
	[sflag:s6] =	ssyncadd.s32 $0xFFFFD800  }
0x2b0: {  	[spmem:s2] =	stream.indirect.scatter.add.f32 [tilespmem:s0], [sflag:$0x7], $0x80, s22, s30, $0xb8;
	[tilespmem:$0x1F880] =	vst v63  }
0x2b1: {  	_ =	swait.ge [sflag:s9], $0x2800  }
0x2b2: {  	[sflag:s9] =	ssyncset.done $0x0  }
0x2b3: {  	s23 =	rddreg [dreg:$0x1a];
	[sflag:s9] =	ssyncadd.s32 $0xFFFFD800  }
0x2b4: {  	[spmem:s2] =	stream.indirect.scatter.add.f32 [tilespmem:s1], [sflag:$0x8], $0x80, s23, s30, $0xb8;
	[tilespmem:$0x1F880] =	vst v63  }
0x2b5: {  	_ =	swait.ge [sflag:s10], $0x2800  }
0x2b6: {  	[sflag:s10] =	ssyncset.done $0x0  }
0x2b7: {  	s25 =	rddreg [dreg:$0x1b];
	[sflag:s10] =	ssyncadd.s32 $0xFFFFD800  }
0x2b8: {  	[tilespmem:s24], [sflag:$0x1] =	stream.indirect.gather [hbm4b:s4+s30], $0x80, s25, s30, $0xb8;
	[tilespmem:$0x1F880] =	vst v63  }
0x2b9: {  	_ =	swait.ge [sflag:s11], $0x2800  }
0x2ba: {  	[sflag:s11] =	ssyncset.done $0x0  }
0x2bb: {  	s22 =	rddreg [dreg:$0x1c];
	[sflag:s11] =	ssyncadd.s32 $0xFFFFD800  }
0x2bc: {  	[tilespmem:s31], [sflag:$0x2] =	stream.indirect.gather [hbm4b:s4+s30], $0x80, s22, s30, $0xb8;
	[tilespmem:$0x1F880] =	vst v63  }
0x2bd: {  	_ =	swait.ge [sflag:s12], $0x2800  }
0x2be: {  	[sflag:s12] =	ssyncset.done $0x0  }
0x2bf: {  	s23 =	rddreg [dreg:$0x1d];
	[sflag:s12] =	ssyncadd.s32 $0xFFFFD800  }
0x2c0: {  	[tilespmem:s0], [sflag:$0x3] =	stream.indirect.gather [hbm4b:s4+s30], $0x80, s23, s30, $0xb8;
	[tilespmem:$0x1F880] =	vst v63  }
0x2c1: {  	_ =	swait.ge [sflag:s13], $0x2800  }
0x2c2: {  	[sflag:s13] =	ssyncset.done $0x0  }
0x2c3: {  	s25 =	rddreg [dreg:$0x1e];
	[sflag:s13] =	ssyncadd.s32 $0xFFFFD800  }
0x2c4: {  	[tilespmem:s1], [sflag:$0x4] =	stream.indirect.gather [hbm4b:s4+s30], $0x80, s25, s30, $0xb8;
	[tilespmem:$0x1F880] =	vst v63  }
0x2c5: {  	_ =	swait.ge [sflag:s7], $0x2800  }
0x2c6: {  	[sflag:s7] =	ssyncset.done $0x0  }
0x2c7: {  	s22 =	rddreg [dreg:$0x1f];
	[sflag:s7] =	ssyncadd.s32 $0xFFFFD800  }
0x2c8: {  	[spmem:s2] =	stream.indirect.scatter.add.f32 [tilespmem:s24], [sflag:$0x5], $0x80, s22, s30, $0xb8;
	[tilespmem:$0x1F880] =	vst v63  }
0x2c9: {  	_ =	swait.ge [sflag:s8], $0x2800  }
0x2ca: {  	s23 =	sld [smem:$0x7EA]  }
0x2cb: {  	[sflag:s8] =	ssyncset.done $0x0  }
0x2cc: {  	[sflag:s8] =	ssyncadd.s32 $0xFFFFD800  }
0x2cd: {  	[spmem:s2] =	stream.indirect.scatter.add.f32 [tilespmem:s31], [sflag:$0x6], $0x80, s23, s30, $0xb8;
	[tilespmem:$0x1F880] =	vst v63  }
0x2ce: {  	_ =	swait.ge [sflag:s6], $0x2800  }
0x2cf: {  	s25 =	sld [smem:$0x7EB]  }
0x2d0: {  	[sflag:s6] =	ssyncset.done $0x0  }
0x2d1: {  	[sflag:s6] =	ssyncadd.s32 $0xFFFFD800  }
0x2d2: {  	[spmem:s2] =	stream.indirect.scatter.add.f32 [tilespmem:s0], [sflag:$0x7], $0x80, s25, s30, $0xb8;
	[tilespmem:$0x1F880] =	vst v63  }
0x2d3: {  	_ =	swait.ge [sflag:s9], $0x2800  }
0x2d4: {  	s22 =	sld [smem:$0x7EC]  }
0x2d5: {  	[sflag:s9] =	ssyncset.done $0x0  }
0x2d6: {  	[sflag:s9] =	ssyncadd.s32 $0xFFFFD800  }
0x2d7: {  	[spmem:s2] =	stream.indirect.scatter.add.f32 [tilespmem:s1], [sflag:$0x8], $0x80, s22, s30, $0xb8;
	[tilespmem:$0x1F880] =	vst v63  }
0x2d8: {  	_ =	swait.ge [sflag:s10], $0x2800  }
0x2d9: {  	s23 =	sld [smem:$0x7EE]  }
0x2da: {  	[sflag:s10] =	ssyncset.done $0x0  }
0x2db: {  	[sflag:s10] =	ssyncadd.s32 $0xFFFFD800  }
0x2dc: {  	[tilespmem:s24], [sflag:$0x1] =	stream.indirect.gather [hbm4b:s4+s30], $0x80, s23, s30, $0xb8;
	[tilespmem:$0x1F880] =	vst v63  }
0x2dd: {  	_ =	swait.ge [sflag:s11], $0x2800  }
0x2de: {  	s25 =	sld [smem:$0x7EF]  }
0x2df: {  	[sflag:s11] =	ssyncset.done $0x0  }
0x2e0: {  	[sflag:s11] =	ssyncadd.s32 $0xFFFFD800  }
0x2e1: {  	[tilespmem:s31], [sflag:$0x2] =	stream.indirect.gather [hbm4b:s4+s30], $0x80, s25, s30, $0xb8;
	[tilespmem:$0x1F880] =	vst v63  }
0x2e2: {  	_ =	swait.ge [sflag:s12], $0x2800  }
0x2e3: {  	s22 =	sld [smem:$0x7F1]  }
0x2e4: {  	[sflag:s12] =	ssyncset.done $0x0  }
0x2e5: {  	[sflag:s12] =	ssyncadd.s32 $0xFFFFD800  }
0x2e6: {  	[tilespmem:s0], [sflag:$0x3] =	stream.indirect.gather [hbm4b:s4+s30], $0x80, s22, s30, $0xb8;
	[tilespmem:$0x1F880] =	vst v63  }
0x2e7: {  	_ =	swait.ge [sflag:s13], $0x2800  }
0x2e8: {  	s23 =	sld [smem:$0x7F2]  }
0x2e9: {  	[sflag:s13] =	ssyncset.done $0x0  }
0x2ea: {  	[sflag:s13] =	ssyncadd.s32 $0xFFFFD800  }
0x2eb: {  	[tilespmem:s1], [sflag:$0x4] =	stream.indirect.gather [hbm4b:s4+s30], $0x80, s23, s30, $0xb8;
	[tilespmem:$0x1F880] =	vst v63  }
0x2ec: {  	_ =	swait.ge [sflag:s7], $0x2800  }
0x2ed: {  	s25 =	sld [smem:$0x7F3]  }
0x2ee: {  	[sflag:s7] =	ssyncset.done $0x0  }
0x2ef: {  	[sflag:s7] =	ssyncadd.s32 $0xFFFFD800  }
0x2f0: {  	[spmem:s2] =	stream.indirect.scatter.add.f32 [tilespmem:s24], [sflag:$0x5], $0x80, s25, s30, $0xb8;
	[tilespmem:$0x1F880] =	vst v63  }
0x2f1: {  	_ =	swait.ge [sflag:s8], $0x2800  }
0x2f2: {  	s22 =	sld [smem:$0x7F5]  }
0x2f3: {  	[sflag:s8] =	ssyncset.done $0x0  }
0x2f4: {  	[sflag:s8] =	ssyncadd.s32 $0xFFFFD800  }
0x2f5: {  	[spmem:s2] =	stream.indirect.scatter.add.f32 [tilespmem:s31], [sflag:$0x6], $0x80, s22, s30, $0xb8;
	[tilespmem:$0x1F880] =	vst v63  }
0x2f6: {  	_ =	swait.ge [sflag:s6], $0x2800  }
0x2f7: {  	s23 =	sld [smem:$0x7F6]  }
0x2f8: {  	[sflag:s6] =	ssyncset.done $0x0  }
0x2f9: {  	[sflag:s6] =	ssyncadd.s32 $0xFFFFD800  }
0x2fa: {  	[spmem:s2] =	stream.indirect.scatter.add.f32 [tilespmem:s0], [sflag:$0x7], $0x80, s23, s30, $0xb8;
	[tilespmem:$0x1F880] =	vst v63  }
0x2fb: {  	_ =	swait.ge [sflag:s9], $0x2800  }
0x2fc: {  	s25 =	sld [smem:$0x7F8]  }
0x2fd: {  	[sflag:s9] =	ssyncset.done $0x0  }
0x2fe: {  	[sflag:s9] =	ssyncadd.s32 $0xFFFFD800  }
0x2ff: {  	[spmem:s2] =	stream.indirect.scatter.add.f32 [tilespmem:s1], [sflag:$0x8], $0x80, s25, s30, $0xb8;
	[tilespmem:$0x1F880] =	vst v63  }
0x300: {  	_ =	swait.ge [sflag:s10], $0x2800  }
0x301: {  	s22 =	sld [smem:$0x7F9]  }
0x302: {  	[sflag:s10] =	ssyncset.done $0x0  }
0x303: {  	[sflag:s10] =	ssyncadd.s32 $0xFFFFD800  }
0x304: {  	[tilespmem:s24], [sflag:$0x1] =	stream.indirect.gather [hbm4b:s4+s30], $0x80, s22, s30, $0xb8;
	[tilespmem:$0x1F880] =	vst v63  }
0x305: {  	_ =	swait.ge [sflag:s11], $0x2800  }
0x306: {  	s23 =	sld [smem:$0x7FA]  }
0x307: {  	[sflag:s11] =	ssyncset.done $0x0  }
0x308: {  	[sflag:s11] =	ssyncadd.s32 $0xFFFFD800  }
0x309: {  	[tilespmem:s31], [sflag:$0x2] =	stream.indirect.gather [hbm4b:s4+s30], $0x80, s23, s30, $0xb8;
	[tilespmem:$0x1F880] =	vst v63  }
0x30a: {  	_ =	swait.ge [sflag:s12], $0x2800  }
0x30b: {  	[sflag:s12] =	ssyncset.done $0x0  }
0x30c: {  	[sflag:s12] =	ssyncadd.s32 $0xFFFFD800  }
0x30d: {  	[tilespmem:s0], [sflag:$0x3] =	stream.indirect.gather [hbm4b:s4+s30], $0x80, s14, s30, $0xb8;
	[tilespmem:$0x1F880] =	vst v63  }
0x30e: {  	_ =	swait.ge [sflag:s13], $0x2800  }
0x30f: {  	[sflag:s13] =	ssyncset.done $0x0  }
0x310: {  	[sflag:s13] =	ssyncadd.s32 $0xFFFFD800  }
0x311: {  	[tilespmem:s1], [sflag:$0x4] =	stream.indirect.gather [hbm4b:s4+s30], $0x80, s15, s30, $0xb8;
	[tilespmem:$0x1F880] =	vst v63  }
0x312: {  	_ =	swait.ge [sflag:s7], $0x2800  }
0x313: {  	[sflag:s7] =	ssyncset.done $0x0  }
0x314: {  	[sflag:s7] =	ssyncadd.s32 $0xFFFFD800  }
0x315: {  	[spmem:s2] =	stream.indirect.scatter.add.f32 [tilespmem:s24], [sflag:$0x5], $0x80, s16, s30, $0xb8;
	[tilespmem:$0x1F880] =	vst v63  }
0x316: {  	_ =	swait.ge [sflag:s8], $0x2800  }
0x317: {  	[sflag:s8] =	ssyncset.done $0x0  }
0x318: {  	[sflag:s8] =	ssyncadd.s32 $0xFFFFD800  }
0x319: {  	[spmem:s2] =	stream.indirect.scatter.add.f32 [tilespmem:s31], [sflag:$0x6], $0x80, s17, s30, $0xb8;
	[tilespmem:$0x1F880] =	vst v63  }
0x31a: {  	_ =	swait.ge [sflag:s6], $0x2800  }
0x31b: {  	[sflag:s6] =	ssyncset.done $0x0  }
0x31c: {  	[sflag:s6] =	ssyncadd.s32 $0xFFFFD800  }
0x31d: {  	[spmem:s2] =	stream.indirect.scatter.add.f32 [tilespmem:s0], [sflag:$0x7], $0x80, s18, s30, $0xb8;
	[tilespmem:$0x1F880] =	vst v63  }
0x31e: {  	_ =	swait.ge [sflag:s9], $0x2800  }
0x31f: {  	[sflag:s9] =	ssyncset.done $0x0  }
0x320: {  	[sflag:s9] =	ssyncadd.s32 $0xFFFFD800  }
0x321: {  	[spmem:s2] =	stream.indirect.scatter.add.f32 [tilespmem:s1], [sflag:$0x8], $0x80, s19, s30, $0xb8;
	[tilespmem:$0x1F880] =	vst v63  }
0x322: {  	_ =	swait.ge [sflag:s10], $0x2800  }
0x323: {  	[sflag:s10] =	ssyncset.done $0x0  }
0x324: {  	[sflag:s10] =	ssyncadd.s32 $0xFFFFD800  }
0x325: {  	[tilespmem:s24], [sflag:$0x1] =	stream.indirect.gather [hbm4b:s4+s30], $0x80, s20, s30, $0xb8;
	[tilespmem:$0x1F880] =	vst v63  }
0x326: {  	_ =	swait.ge [sflag:s7], $0x2800  }
0x327: {  	[sflag:s7] =	ssyncset.done $0x0  }
0x328: {  	[sflag:s7] =	ssyncadd.s32 $0xFFFFD800  }
0x329: {  	[spmem:s2] =	stream.indirect.scatter.add.f32 [tilespmem:s24], [sflag:$0x5], $0x80, s21, s30, $0xb8;
	[tilespmem:$0x1F880] =	vst v63  }
0x32a: {  	_ =	swait.ge [sflag:s10], $0x2800  }
0x32b: {  	[sflag:s10] =	ssyncset.done $0x0  }
0x32c: {  	[sflag:s10] =	ssyncadd.s32 $0xFFFFD800  }
0x32d: {  	_ =	swait.ge [sflag:s11], $0x2800  }
0x32e: {  	[sflag:s11] =	ssyncset.done $0x0  }
0x32f: {  	[sflag:s11] =	ssyncadd.s32 $0xFFFFD800  }
0x330: {  	_ =	swait.ge [sflag:s12], $0x2800  }
0x331: {  	[sflag:s12] =	ssyncset.done $0x0  }
0x332: {  	[sflag:s12] =	ssyncadd.s32 $0xFFFFD800  }
0x333: {  	_ =	swait.ge [sflag:s13], $0x2800  }
0x334: {  	[sflag:s13] =	ssyncset.done $0x0  }
0x335: {  	[sflag:s13] =	ssyncadd.s32 $0xFFFFD800  }
0x336: {  	[bflag:$0x0] =	sbarrier.arrive $0xFFFF  }
0x337: {  	s25 =	sld [smem:$0x7FC];
	_ =	sdelay $0x2  }
0x338: {  	[tilespmem:s24], [sflag:$0xA] =	stream.linear.gather [spmem:s25], $0x2800, $0x38;
	[tilespmem:$0x1F880] =	vst v63  }
0x339: {  	s25 =	simm.s32 $0xA  }
0x33a: {  	_ =	swait.ge [sflag:s25], $0x2800  }
0x33b: {  	s23 =	sld [smem:$0x7DD]  }
0x33c: {  	s22 =	sld [smem:$0x7DF];
	_ =	sdelay $0x1  }
0x33d: {  	[sflag:s25] =	ssyncset.done $0x0  }
0x33e: {  	[sflag:s25] =	ssyncadd.s32 $0xFFFFD800;
	s5 =	sadd.s32 s22, s23  }
0x33f: {  	[hbm4b:s5+s3] =	stream.linear.scatter [tilespmem:s24], [sflag:$0x9], $0x2800, $0x38;
	[tilespmem:$0x1F880] =	vst v63  }
0x340: {  	_ =	swait.ge [sflag:s26], $0x2800  }
0x341: {  	s22 =	sld [smem:$0x7E1]  }
0x342: {  	[sflag:s26] =	ssyncset.done $0x0  }
0x343: {  	[sflag:s26] =	ssyncadd.s32 $0xFFFFD800  }
0x344: {  	[tilespmem:s24], [sflag:$0xA] =	stream.linear.gather [spmem:s22], $0x2800, $0x38;
	[tilespmem:$0x1F880] =	vst v63  }
0x345: {  	_ =	swait.ge [sflag:s25], $0x2800  }
0x346: {  	s22 =	sld [smem:$0x7FD];
	_ =	sdelay $0x1  }
0x347: {  	[sflag:s25] =	ssyncset.done $0x0  }
0x348: {  	[sflag:s25] =	ssyncadd.s32 $0xFFFFD800;
	s5 =	sadd.s32 s22, s23  }
0x349: {  	[hbm4b:s5+s3] =	stream.linear.scatter [tilespmem:s24], [sflag:$0x9], $0x2800, $0x38;
	[tilespmem:$0x1F880] =	vst v63  }
0x34a: {  	_ =	swait.ge [sflag:s26], $0x2800  }
0x34b: {  	s22 =	sld [smem:$0x7E3]  }
0x34c: {  	[sflag:s26] =	ssyncset.done $0x0  }
0x34d: {  	[sflag:s26] =	ssyncadd.s32 $0xFFFFD800  }
0x34e: {  	[tilespmem:s24], [sflag:$0xA] =	stream.linear.gather [spmem:s22], $0x2800, $0x38;
	[tilespmem:$0x1F880] =	vst v63  }
0x34f: {  	_ =	swait.ge [sflag:s25], $0x2800  }
0x350: {  	s22 =	sld [smem:$0x7E2];
	_ =	sdelay $0x1  }
0x351: {  	[sflag:s25] =	ssyncset.done $0x0  }
0x352: {  	[sflag:s25] =	ssyncadd.s32 $0xFFFFD800;
	s5 =	sadd.s32 s22, s23  }
0x353: {  	[hbm4b:s5+s3] =	stream.linear.scatter [tilespmem:s24], [sflag:$0x9], $0x2800, $0x38;
	[tilespmem:$0x1F880] =	vst v63  }
0x354: {  	_ =	swait.ge [sflag:s26], $0x2800  }
0x355: {  	s22 =	sld [smem:$0x7E5]  }
0x356: {  	[sflag:s26] =	ssyncset.done $0x0  }
0x357: {  	[sflag:s26] =	ssyncadd.s32 $0xFFFFD800  }
0x358: {  	[tilespmem:s24], [sflag:$0xA] =	stream.linear.gather [spmem:s22], $0x2800, $0x38;
	[tilespmem:$0x1F880] =	vst v63  }
0x359: {  	_ =	swait.ge [sflag:s25], $0x2800  }
0x35a: {  	s22 =	sld [smem:$0x7E4];
	_ =	sdelay $0x1  }
0x35b: {  	[sflag:s25] =	ssyncset.done $0x0  }
0x35c: {  	[sflag:s25] =	ssyncadd.s32 $0xFFFFD800;
	s5 =	sadd.s32 s22, s23  }
0x35d: {  	[hbm4b:s5+s3] =	stream.linear.scatter [tilespmem:s24], [sflag:$0x9], $0x2800, $0x38;
	[tilespmem:$0x1F880] =	vst v63  }
0x35e: {  	_ =	swait.ge [sflag:s26], $0x2800  }
0x35f: {  	s22 =	sld [smem:$0x7E7]  }
0x360: {  	[sflag:s26] =	ssyncset.done $0x0  }
0x361: {  	[sflag:s26] =	ssyncadd.s32 $0xFFFFD800  }
0x362: {  	[tilespmem:s24], [sflag:$0xA] =	stream.linear.gather [spmem:s22], $0x2800, $0x38;
	[tilespmem:$0x1F880] =	vst v63  }
0x363: {  	_ =	swait.ge [sflag:s25], $0x2800  }
0x364: {  	s22 =	sld [smem:$0x7E6];
	_ =	sdelay $0x1  }
0x365: {  	[sflag:s25] =	ssyncset.done $0x0  }
0x366: {  	[sflag:s25] =	ssyncadd.s32 $0xFFFFD800;
	s5 =	sadd.s32 s22, s23  }
0x367: {  	[hbm4b:s5+s3] =	stream.linear.scatter [tilespmem:s24], [sflag:$0x9], $0x2800, $0x38;
	[tilespmem:$0x1F880] =	vst v63  }
0x368: {  	_ =	swait.ge [sflag:s26], $0x2800  }
0x369: {  	s22 =	sld [smem:$0x7E9]  }
0x36a: {  	[sflag:s26] =	ssyncset.done $0x0  }
0x36b: {  	[sflag:s26] =	ssyncadd.s32 $0xFFFFD800  }
0x36c: {  	[tilespmem:s24], [sflag:$0xA] =	stream.linear.gather [spmem:s22], $0x2800, $0x38;
	[tilespmem:$0x1F880] =	vst v63  }
0x36d: {  	_ =	swait.ge [sflag:s25], $0x2800  }
0x36e: {  	s22 =	sld [smem:$0x7E8];
	_ =	sdelay $0x1  }
0x36f: {  	[sflag:s25] =	ssyncset.done $0x0  }
0x370: {  	[sflag:s25] =	ssyncadd.s32 $0xFFFFD800;
	s5 =	sadd.s32 s22, s23  }
0x371: {  	[hbm4b:s5+s3] =	stream.linear.scatter [tilespmem:s24], [sflag:$0x9], $0x2800, $0x38;
	[tilespmem:$0x1F880] =	vst v63  }
0x372: {  	_ =	swait.ge [sflag:s26], $0x2800  }
0x373: {  	s22 =	sld [smem:$0x7F0]  }
0x374: {  	[sflag:s26] =	ssyncset.done $0x0  }
0x375: {  	[sflag:s26] =	ssyncadd.s32 $0xFFFFD800  }
0x376: {  	[tilespmem:s24], [sflag:$0xA] =	stream.linear.gather [spmem:s22], $0x2800, $0x38;
	[tilespmem:$0x1F880] =	vst v63  }
0x377: {  	_ =	swait.ge [sflag:s25], $0x2800  }
0x378: {  	s22 =	sld [smem:$0x7ED];
	_ =	sdelay $0x1  }
0x379: {  	[sflag:s25] =	ssyncset.done $0x0  }
0x37a: {  	[sflag:s25] =	ssyncadd.s32 $0xFFFFD800;
	s5 =	sadd.s32 s22, s23  }
0x37b: {  	[hbm4b:s5+s3] =	stream.linear.scatter [tilespmem:s24], [sflag:$0x9], $0x2800, $0x38;
	[tilespmem:$0x1F880] =	vst v63  }
0x37c: {  	_ =	swait.ge [sflag:s26], $0x2800  }
0x37d: {  	s22 =	sld [smem:$0x7F7]  }
0x37e: {  	[sflag:s26] =	ssyncset.done $0x0  }
0x37f: {  	s5 =	simm.s32 @!p0 $0x15880;
	[sflag:s26] =	ssyncadd.s32 $0xFFFFD800  }
0x380: {  	[tilespmem:s5], [sflag:$0xA] =	stream.linear.gather @!p0 [spmem:s22], $0x2800, $0x38;
	[tilespmem:$0x1F880] =	vst v63  }
0x381: {  	s22 =	simm.s32 @!p0 $0xA  }
0x382: {  	_ =	swait.ge @!p0 [sflag:s22], $0x2800  }
0x383: {  	[sflag:s22] =	ssyncset.done @!p0 $0x0  }
0x384: {  	[sflag:s22] =	ssyncadd.s32 @!p0 $0xFFFFD800;
	s22 =	sld [smem:$0x7F4];
	_ =	sdelay $0x2  }
0x385: {  	s22 =	sadd.s32 @!p0 s22, s23;
	s23 =	simm.s32 @!p0 $0x0  }
0x386: {  	[hbm4b:s22+s23] =	stream.linear.scatter @!p0 [tilespmem:s5], [sflag:$0x9], $0x2800, $0x38;
	[tilespmem:$0x1F880] =	vst v63  }
0x387: {  	s5 =	simm.s32 @!p0 $0x9  }
0x388: {  	_ =	swait.ge @!p0 [sflag:s5], $0x2800  }
0x389: {  	s22 =	sld [smem:$0x7FB];
	_ =	sdelay $0x2  }
0x38a: {  	s23 =	sadd.s32 $0x1, s22;
	s22 =	sld [smem:$0x7DE];
	_ =	sdelay $0x2  }
0x38b: {  	p1 =	sne.s32 s23, s22  }
.Ltmp1:
0x38c: {  	_ = 	snop;
	(pc) =	sbr.rel @p1 .LBB2_1-.Ltmp1, $4  }
0x38d: {  	_ = 	snop  }
0x38e: {  	[smem:$0x7FB] =	sst s23  }
0x38f: {  	[sflag:s5] =	ssyncset.done @!p0 $0x0;
	s23 =	sld [smem:$0x7FC]  }
0x390: {  	[sflag:s5] =	ssyncadd.s32 @!p0 $0xFFFFD800;
	s22 =	sld [smem:$0x7FD]  }
0x391: {  	_ =	sfence.sel $0x180000  }
0x392: {  	[bflag:$0x0] =	sbarrier.arrive $0xFFFF  }
0x393: {  	_ =	strace $0x9000004A  }
0x394: {  	s0 =	stileid.u32;
	[bflag:$0x2] =	sbarrier.arrive $0xFFFF  }
0x395: {  	p0 =	sne.s32 s0, $0x0;
	s0 =	rddreg [dreg:$0x2]  }
0x396: {  	s0 =	sadd.s32 @!p0 $0x100000, s0  }
0x397: {  	[sflag:s0] =	ssyncadd.tile.s32 @!p0 $0x1;
	_ =	shalt  }
.Lfunc_end2:
_tile_overlayer_lowered:
.L_overlay_start_2:
0x398: {  	(tag) =	ssettag $0x2  }
0x399: {  	s0 =	rddreg [dreg:$0x0];
	s2 =	stileid.u32  }
0x39a: {  	s1 =	rddreg [dreg:$0x1];
	p0 =	sne.s32 s2, $0x0  }
0x39b: {  	s3 =	rddreg [dreg:$0x2];
	[bflag:$0x3] =	sbarrier.arrive $0xFFFF;
	s2 =	simm.s32 @!p0 $0x1C09  }
0x39c: {  	[timem:s3], [sflag:s2] =	dma.local @!p0 [hbm:s0], s1  }
0x39d: {  	s0 =	simm.s32 @!p0 $0x9  }
0x39e: {  	_ =	swait.ge @!p0 [sflag:s0], s1  }
0x39f: {  	s1 =	ssub.s32 @!p0 $0x0, s1;
	[sflag:s0] =	ssyncset.done @!p0 $0x0  }
0x3a0: {  	[sflag:s0] =	ssyncadd.s32 @!p0 s1  }
0x3a1: {  	[bflag:$0x3] =	sbarrier.arrive $0xFFFF  }
0x3a2: {  	_ =	shalt  }

// kernel: kernel.15.cloned.1.call-start
scs
__scs_entry_jumppad:
0x0: {  	(pc) =	sbr.rel $0x88, $3  }
0x1: {  	(tag) =	ssettag $0x0;
	lr =	simm.s32 $0x1  }
0x2: {  	[smem:$0x3F97] =	sst lr;
	_ =	strace $0xD0000000  }
0x3: {  	_ = 	snop  }
0x4: {  	_ = 	snop  }
0x5: {  	_ = 	snop  }
0x6: {  	_ = 	snop  }
0x7: {  	_ = 	snop  }
__scs_overlays_trampoline_lowered:
0x8: {  	[smem:$0x3FA6] =	sst s0  }
0x9: {  	[smem:$0x3FA7] =	sst s1  }
0xa: {  	[smem:$0x3FA8] =	sst s2  }
0xb: {  	[smem:$0x3FA9] =	sst s3  }
0xc: {  	[smem:$0x3FAA] =	sst s4  }
0xd: {  	[smem:$0x3FAB] =	sst s5  }
0xe: {  	[smem:$0x3FAC] =	sst s6  }
0xf: {  	[smem:$0x3FAD] =	sst s7  }
0x10: {  	[smem:$0x3FAE] =	sst s8  }
0x11: {  	[smem:$0x3FAF] =	sst s9;
	s0 =	simm.s32 @!p0 $0x0  }
0x12: {  	s1 =	sld [smem:$0x3F95];
	s0 =	simm.s32 @p0 $0x1  }
0x13: {  	[smem:$0x3FB0] =	sst s0;
	s0 =	simm.s32 @!p1 $0x0  }
0x14: {  	s2 =	sld [smem:$0x3F94];
	s0 =	simm.s32 @p1 $0x1  }
0x15: {  	[smem:$0x3FB1] =	sst s0;
	s0 =	simm.s32 @!p2 $0x0  }
0x16: {  	s3 =	sld [smem:$0x3FDB];
	s0 =	simm.s32 @p2 $0x1  }
0x17: {  	s4 =	simm.s32 $0x1BF5;
	[smem:$0x3FB3] =	sst s0  }
0x18: {  	s0 =	sld [smem:$0x3F96];
	_ =	swait.ge [sflag:s4], $0x0  }
0x19: {  	s7 =	sld [smem:$0x3F97]  }
0x1a: {  	s8 =	sadd.s32 $0xFFFFE003, lr  }
0x1b: {  	s9 =	sadd.s32 $0xFFFFFEF7, lr;
	s5 =	simm.s32 $0xFFFFFFFF;
	p2 =	slt.u32 s8, $0xFFFFF086  }
0x1c: {  	p1 =	slt.u32 s9, $0xF7A;
	s5 =	simm.s32 @!p2 $0x0  }
0x1d: {  	s5 =	simm.s32 @p1 $0x1;
	p0 =	seq.s32 s7, s2  }
0x1e: {  	s7 =	smul.u32 @!p0 $0xF7A, s2;
	p2 =	seq.s32 @!p0 s5, $0x0  }
0x1f: {  	s9 =	smul.u32 $0xF7A, s1;
	s8 =	simm.s32 @!p0 $0x1BF5;
	p2 =	por !p2, p0  }
0x20: {  	[sflag:s8] =	ssyncset.s32 @!p0 $0xFFFFF086;
	s6 =	sadd.s32 @!p0 s3, s7;
	s7 =	simm.s32 @!p0 $0x108  }
0x21: {  	s3 =	sadd.s32 s3, s9;
	s6 =	sadd.s32 @!p0 $0x88, s6;
	s7 =	simm.s32 @p2 $0x1082  }
0x22: {  	[simem:s7], [sflag:s8] =	dma.local @!p0 [hbm:s6], $0xF7A  }
0x23: {  	s9 =	sor.u32 $0xD0000000, s2;
	s6 =	simm.s32 $0x108;
	_ =	swait.ge @!p0 [sflag:s8], $0x0  }
0x24: {  	s3 =	sadd.s32 $0x88, s3;
	s6 =	simm.s32 @!p1 $0x1082;
	[sflag:s4] =	ssyncset.s32 $0xFFFFF086  }
0x25: {  	[simem:s6], [sflag:s4] =	dma.local [hbm:s3], $0xF7A  }
0x26: {  	[smem:$0x3F97] =	sst s1;
	(tag) =	ssettag s2;
	_ =	strace s9  }
0x27: {  	s1 =	sld [smem:$0x3FA7]  }
0x28: {  	s2 =	sld [smem:$0x3FA8]  }
0x29: {  	s4 =	sld [smem:$0x3FAA]  }
0x2a: {  	p0 =	seq.s32 s5, $0x0;
	s5 =	sld [smem:$0x3FAB]  }
0x2b: {  	s6 =	sld [smem:$0x3FAC]  }
0x2c: {  	s7 =	sld [smem:$0x3FAD]  }
0x2d: {  	s3 =	simm.s32 $0x108;
	s8 =	sld [smem:$0x3FAE]  }
0x2e: {  	s3 =	simm.s32 @!p0 $0x1082;
	s9 =	sld [smem:$0x3FAF]  }
0x2f: {  	lr =	sadd.s32 s0, s3;
	s0 =	sld [smem:$0x3FA6]  }
0x30: {  	s3 =	sld [smem:$0x3FA9]  }
0x31: {  	[smem:$0x3FB2] =	sst s10  }
0x32: {  	s10 =	sld [smem:$0x3FB0];
	_ =	sdelay $0x3  }
0x33: {  	p0 =	seq.s32 s10, $0x1;
	s10 =	sld [smem:$0x3FB2];
	_ =	sdelay $0x3  }
0x34: {  	[smem:$0x3FB2] =	sst s10  }
0x35: {  	s10 =	sld [smem:$0x3FB1];
	_ =	sdelay $0x3  }
0x36: {  	p1 =	seq.s32 s10, $0x1;
	s10 =	sld [smem:$0x3FB2];
	_ =	sdelay $0x3  }
0x37: {  	[smem:$0x3FB2] =	sst s10  }
0x38: {  	s10 =	sld [smem:$0x3FB3]  }
0x39: {  	_ = 	snop;
	(pc) =	sbr.ind lr, $3  }
0x3a: {  	_ = 	snop  }
0x3b: {  	_ = 	snop  }
0x3c: {  	p2 =	seq.s32 s10, $0x1;
	s10 =	sld [smem:$0x3FB2]  }
0x3d: {  	_ =	shalt  }
0x3e: {  	_ =	shalt  }
0x3f: {  	_ =	shalt  }
0x40: {  	_ =	shalt  }
0x41: {  	_ =	shalt  }
0x42: {  	_ =	shalt  }
0x43: {  	_ =	shalt  }
0x44: {  	_ =	shalt  }
0x45: {  	_ =	shalt  }
0x46: {  	_ =	shalt  }
0x47: {  	_ =	shalt  }
0x48: {  	_ =	shalt  }
0x49: {  	_ =	shalt  }
0x4a: {  	_ =	shalt  }
0x4b: {  	_ =	shalt  }
0x4c: {  	_ =	shalt  }
0x4d: {  	_ =	shalt  }
0x4e: {  	_ =	shalt  }
0x4f: {  	_ =	shalt  }
0x50: {  	_ =	shalt  }
0x51: {  	_ =	shalt  }
0x52: {  	_ =	shalt  }
0x53: {  	_ =	shalt  }
0x54: {  	_ =	shalt  }
0x55: {  	_ =	shalt  }
0x56: {  	_ =	shalt  }
0x57: {  	_ =	shalt  }
0x58: {  	_ =	shalt  }
0x59: {  	_ =	shalt  }
0x5a: {  	_ =	shalt  }
0x5b: {  	_ =	shalt  }
0x5c: {  	_ =	shalt  }
0x5d: {  	_ =	shalt  }
0x5e: {  	_ =	shalt  }
0x5f: {  	_ =	shalt  }
0x60: {  	_ =	shalt  }
0x61: {  	_ =	shalt  }
0x62: {  	_ =	shalt  }
0x63: {  	_ =	shalt  }
0x64: {  	_ =	shalt  }
0x65: {  	_ =	shalt  }
0x66: {  	_ =	shalt  }
0x67: {  	_ =	shalt  }
0x68: {  	_ =	shalt  }
0x69: {  	_ =	shalt  }
0x6a: {  	_ =	shalt  }
0x6b: {  	_ =	shalt  }
0x6c: {  	_ =	shalt  }
0x6d: {  	_ =	shalt  }
0x6e: {  	_ =	shalt  }
0x6f: {  	_ =	shalt  }
0x70: {  	_ =	shalt  }
0x71: {  	_ =	shalt  }
0x72: {  	_ =	shalt  }
0x73: {  	_ =	shalt  }
0x74: {  	_ =	shalt  }
0x75: {  	_ =	shalt  }
0x76: {  	_ =	shalt  }
0x77: {  	_ =	shalt  }
0x78: {  	_ =	shalt  }
0x79: {  	_ =	shalt  }
0x7a: {  	_ =	shalt  }
0x7b: {  	_ =	shalt  }
0x7c: {  	_ =	shalt  }
0x7d: {  	_ =	shalt  }
0x7e: {  	_ =	shalt  }
0x7f: {  	_ =	shalt  }
0x80: {  	_ =	shalt  }
0x81: {  	_ =	shalt  }
0x82: {  	_ =	shalt  }
0x83: {  	_ =	shalt  }
0x84: {  	_ =	shalt  }
0x85: {  	_ =	shalt  }
0x86: {  	_ =	shalt  }
0x87: {  	_ =	shalt  }
.Lfunc_end0:
.L_simem_size_0:
called_computation.2_lowered:
.L_overlay_start_0:
0x88: {  	s2 =	sld [smem:$0x3FD9]  }
0x89: {  	s3 =	sld [smem:$0x3FFE];
	_ =	sdelay $0x1  }
0x8a: {  	s1 =	srdreg.scid  }
0x8b: {  	s0 =	sand.u32 $0x1, s1  }
0x8c: {  	s16 =	sshll.u32 s0, $0xA;
	s2 =	sadd.s32 s3, s2  }
0x8d: {  	s2 =	sadd.s32 s2, s16  }
0x8e: {  	[smem:$0x3FBE] =	sst s2  }
0x8f: {  	_ = 	snop  }
0x90: {  	(tm) =	ssettm $0x1  }
0x91: {  	s17 =	sld [smem:$0x3FFB];
	_ =	sdelay $0x3  }
0x92: {  	_ =	strace s17  }
0x93: {  	s2 =	sld [smem:$0x3FFC];
	_ =	sdelay $0x3  }
0x94: {  	_ =	strace s2  }
0x95: {  	s2 =	sld [smem:$0x3FFD];
	_ =	sdelay $0x3  }
0x96: {  	_ =	strace s2  }
0x97: {  	_ =	strace $0x8FFFFFFF  }
0x98: {  	s18 =	sld [smem:$0x3FDB];
	_ =	sdelay $0x1  }
0x99: {  	s19 =	simm.s32 $_scs_section_size  }
0x9a: {  	s4 =	simm.s32 $_size__tile_overlayer_lowered;
	s5 =	simm.s32 $_tile_overlayer_lowered  }
0x9b: {  	s22 =	simm.s32 $0x1BFF;
	s21 =	sshll.u32 s5, $0x1;
	s2 =	sadd.s32 s19, s18  }
0x9c: {  	s6 =	simm.s32 $0x0;
	s20 =	sshll.u32 s4, $0x1;
	s4 =	sadd.s32 s21, s2  }
0x9d: {  	[timem:s6], [sflag:s22] =	dma.local [hbm:s4], s20  }
0x9e: {  	_ =	swait.ge [sflag:s22], s20  }
0x9f: {  	s3 =	ssub.s32 $0x0, s20;
	[sflag:s22] =	ssyncset.done $0x0  }
0xa0: {  	[sflag:s22] =	ssyncadd.s32 s3;
	_ =	sdelay $0x1  }
0xa1: {  	s23 =	simm.s32 $0x1B8B  }
0xa2: {  	_ =	swait.ge [sflag:s23], $0x1  }
0xa3: {  	[sflag:s23] =	ssyncset.done $0x0  }
0xa4: {  	s25 =	simm.s32 $0x1B8E;
	s24 =	sld [smem:$0x3FFE];
	[sflag:s23] =	ssyncadd.s32 $0xFFFFFFFF  }
0xa5: {  	s26 =	simm.s32 $execute0_lowered;
	[smem:$0x3FD2] =	sst s25  }
0xa6: {  	s4 =	sshll.u32 s26, $0x1;
	_ =	strace $0x8000004C;
	[dreg:$0x1] =	wrdreg $0xFFFFFFFF  }
0xa7: {  	s28 =	simm.s32 $_size_execute0_lowered;
	s2 =	sadd.s32 s2, s4;
	[dreg:$0x0] =	wrdreg $0x0  }
0xa8: {  	s4 =	sshll.u32 s28, $0x1;
	[dreg:$0x2] =	wrdreg s2  }
0xa9: {  	[dreg:$0x3] =	wrdreg s4  }
0xaa: {  	[dreg:$0x4] =	wrdreg $0xC0  }
0xab: {  	_ =	task [dreg:s6], $0x5FFFF  }
0xac: {  	[dreg:$0x1] =	wrdreg $0xFFFFFFFF  }
0xad: {  	[dreg:$0x0] =	wrdreg $0x60  }
0xae: {  	[dreg:$0x2] =	wrdreg s24  }
0xaf: {  	[dreg:$0x3] =	wrdreg $0x0  }
0xb0: {  	[dreg:$0x4] =	wrdreg $0x9  }
0xb1: {  	_ =	task.clear_ibuf [dreg:s6], $0x5FFFF;
	_ =	strace $0x9000004C  }
0xb2: {  	s29 =	simm.s32 $0x9;
	_ =	strace $0x8000004E  }
0xb3: {  	_ =	swait.ge [sflag:s29], $0x1  }
0xb4: {  	[sflag:s29] =	ssyncadd.s32 $0xFFFFFFFF  }
0xb5: {  	_ =	strace $0x9000004E  }
0xb6: {  	_ =	sfence  }
0xb7: {  	s30 =	sld [smem:$0x0];
	_ =	sdelay $0x2  }
0xb8: {  	s31 =	sshll.u32 s1, $0xD;
	s1 =	sshrl.u32 s1, $0x2  }
0xb9: {  	s3 =	sand.u32 $0x4000, s31;
	s1 =	sadd.s32 s1, s30  }
0xba: {  	s0 =	sor.u32 s3, s0;
	s1 =	sshll.u32 s1, $0x11  }
0xbb: {  	s0 =	sor.u32 s1, s0  }
0xbc: {  	s0 =	sadd.s32 $0x8F2B, s0  }
0xbd: {  	[sflag:s0] =	ssyncadd.remote.s32 $0x1  }
0xbe: {  	_ =	sfence.sel $0xFFFF  }
0xbf: {  	[dreg:$0x0] =	wrdreg $0xFFFFFFFF;
	(pc) =	sbr.abs _section_cstart, $3  }
0xc0: {  	[dreg:$0x1] =	wrdreg $0xFFFFFFFF  }
0xc1: {  	_ =	task.clear_ibuf [dreg:s6], $0x2FFFF;
	_ =	strace $0x9FFFFFFF  }
0xc2: {  	(tm) =	ssettm $0x7FFFFFFF  }
0xc3: {  	_ =	shalt  }
tec
execute0_lowered:
.L_overlay_start_1:
0x0: {  	(tag) =	ssettag $0x1  }
0x1: {  	s0 =	rddreg [dreg:$0x0]  }
0x2: {  	s2 =	rddreg [dreg:$0x1];
	s3 =	simm.s32 $0x0  }
0x3: {  	s22 =	simm.s32 $0x13900;
	[smem:$0x7FF] =	sst s3  }
0x4: {  	s23 =	simm.s32 $0x13980;
	_ =	strace $0x8000004D;
	[dreg:$0x5] =	wrdreg s22  }
0x5: {  	s24 =	simm.s32 $0x13A00;
	[dreg:$0x6] =	wrdreg s23  }
0x6: {  	s25 =	simm.s32 $0x14900;
	[dreg:$0x7] =	wrdreg s24  }
0x7: {  	s8 =	simm.s32 $0x14A00;
	[dreg:$0x8] =	wrdreg s25  }
0x8: {  	s9 =	simm.s32 $0x13A80;
	[dreg:$0xa] =	wrdreg s8  }
0x9: {  	s11 =	simm.s32 $0x13B00;
	[dreg:$0xb] =	wrdreg s9  }
0xa: {  	s7 =	stileid.u32;
	s12 =	simm.s32 $0x13B80;
	[dreg:$0xc] =	wrdreg s11  }
0xb: {  	s14 =	simm.s32 $0x13C00;
	s19 =	smul.u32 $0x500, s7;
	[dreg:$0xd] =	wrdreg s12  }
0xc: {  	[dreg:$0xe] =	wrdreg s14  }
0xd: {  	s24 =	simm.s32 $0x13C80;
	[smem:$0x7DF] =	sst s19  }
0xe: {  	s1 =	srdreg.scid;
	s9 =	simm.s32 $0x13E00;
	[dreg:$0x13] =	wrdreg s24  }
0xf: {  	s28 =	simm.s32 $0x13880;
	s12 =	simm.s32 $0x14D00;
	[dreg:$0x16] =	wrdreg s9  }
0x10: {  	s4 =	smul.u32 $0xA00, s7;
	s14 =	simm.s32 $0x14D80;
	[dreg:$0x18] =	wrdreg s12  }
0x11: {  	s1 =	sand.u32 $0x1, s1;
	[dreg:$0x19] =	wrdreg s14;
	s24 =	simm.s32 $0x14000  }
0x12: {  	s26 =	sor.u32 $0x10, s7;
	s9 =	simm.s32 $0x15000;
	[dreg:$0x1e] =	wrdreg s24  }
0x13: {  	s13 =	sor.u32 $0x20, s7;
	s12 =	simm.s32 $0x14100;
	[smem:$0x7EC] =	sst s9  }
0x14: {  	s22 =	smul.u32 $0x500, s26;
	s14 =	simm.s32 $0x14180;
	[smem:$0x7EF] =	sst s12  }
0x15: {  	s5 =	smul.u32 $0x27100, s1;
	s6 =	sadd.s32 s4, s0;
	[smem:$0x7F1] =	sst s14  }
0x16: {  	s1 =	ssub.s32 $0x2, s1;
	s17 =	sadd.s32 $0x10A400, s6;
	[smem:$0x7FD] =	sst s22  }
0x17: {  	s16 =	sshrl.u32 s1, $0x1;
	s18 =	sadd.s32 $0xB2200, s6;
	[dreg:$0x3] =	wrdreg s17  }
0x18: {  	s1 =	ssub.s32 s1, s16;
	s16 =	simm.s32 $0x14A80;
	[dreg:$0x4] =	wrdreg s18  }
0x19: {  	s6 =	smul.u32 $0xA000, s26;
	s26 =	simm.s32 $0x13D00;
	[dreg:$0xf] =	wrdreg s16  }
0x1a: {  	s0 =	sadd.s32 s5, s0;
	s24 =	simm.s32 $0x15200;
	[dreg:$0x14] =	wrdreg s26  }
0x1b: {  	s4 =	sadd.s32 $0x1200, s0;
	s0 =	sadd.s32 $0x4F400, s0;
	[smem:$0x7F8] =	sst s24  }
0x1c: {  	s15 =	smul.u32 $0xA000, s13;
	s20 =	smax.u32 s1, $0x1;
	[smem:$0x7DD] =	sst s0  }
0x1d: {  	s29 =	simm.s32 $0x14880;
	s17 =	simm.s32 $0x14B00;
	[smem:$0x7DE] =	sst s20  }
0x1e: {  	s18 =	sshrl.u32 s15, $0x2;
	s15 =	simm.s32 $0x14E00;
	[dreg:$0x10] =	wrdreg s17  }
0x1f: {  	s30 =	simm.s32 $0x50;
	s5 =	sadd.s32 s19, s4;
	[dreg:$0x1a] =	wrdreg s15  }
0x20: {  	s31 =	simm.s32 $0x18080;
	s19 =	simm.s32 $0x14B80;
	[smem:$0x7E0] =	sst s5  }
0x21: {  	s21 =	smul.u32 $0xA000, s7;
	s20 =	simm.s32 $0x14C00;
	[dreg:$0x11] =	wrdreg s19  }
0x22: {  	s10 =	sshrl.u32 s6, $0x2;
	s6 =	simm.s32 $0x13D80;
	[dreg:$0x12] =	wrdreg s20  }
0x23: {  	s11 =	sor.u32 $0x40, s7;
	s17 =	simm.s32 $0x13E80;
	[dreg:$0x15] =	wrdreg s6  }
0x24: {  	s9 =	simm.s32 $0x4;
	s15 =	simm.s32 $0x14200;
	[dreg:$0x1b] =	wrdreg s17  }
0x25: {  	s12 =	simm.s32 $0x7;
	s5 =	simm.s32 $0x14980;
	[smem:$0x7F2] =	sst s15  }
0x26: {  	s14 =	simm.s32 $0x14380;
	s1 =	sadd.s32 s10, s2;
	[dreg:$0x9] =	wrdreg s5  }
0x27: {  	s24 =	simm.s32 $0x15880;
	s10 =	simm.s32 $0x14C80;
	[smem:$0x7E1] =	sst s1  }
0x28: {  	s0 =	sshrl.u32 s21, $0x2;
	s20 =	simm.s32 $0x13F80;
	[dreg:$0x17] =	wrdreg s10  }
0x29: {  	s21 =	sor.u32 $0x30, s7;
	s6 =	simm.s32 $0x14F80;
	[dreg:$0x1d] =	wrdreg s20  }
0x2a: {  	s23 =	sadd.s32 s0, s2;
	s17 =	simm.s32 $0x15080;
	[smem:$0x7EB] =	sst s6  }
0x2b: {  	s25 =	smul.u32 $0xA000, s21;
	s19 =	sor.u32 $0x50, s7;
	[smem:$0x7F3] =	sst s17  }
0x2c: {  	s1 =	smul.u32 $0x500, s13;
	s5 =	simm.s32 $0x14F00;
	[smem:$0x7FC] =	sst s23  }
0x2d: {  	s0 =	simm.s32 $0x1A880;
	s15 =	simm.s32 $0x14400;
	[smem:$0x7EA] =	sst s5  }
0x2e: {  	s8 =	sshrl.u32 s25, $0x2;
	s25 =	simm.s32 $0x14E80;
	[smem:$0x7E2] =	sst s1  }
0x2f: {  	s13 =	smul.u32 $0xA000, s11;
	s1 =	sadd.s32 s18, s2;
	[dreg:$0x1f] =	wrdreg s25  }
0x30: {  	s6 =	simm.s32 $0x3;
	s18 =	simm.s32 $0x13F00;
	[smem:$0x7E3] =	sst s1  }
0x31: {  	s25 =	simm.s32 $0x14280;
	s1 =	smul.u32 $0x500, s21;
	[dreg:$0x1c] =	wrdreg s18  }
0x32: {  	s17 =	simm.s32 $0x15300;
	s21 =	smul.u32 $0xA000, s19;
	[smem:$0x7F9] =	sst s25  }
0x33: {  	s16 =	sshrl.u32 s13, $0x2;
	s25 =	simm.s32 $0xA;
	[smem:$0x7E4] =	sst s1  }
0x34: {  	s1 =	sadd.s32 s8, s2;
	s26 =	sshrl.u32 s21, $0x2;
	s8 =	sor.u32 $0x60, s7  }
0x35: {  	s21 =	simm.s32 $0x15180;
	[smem:$0x7E5] =	sst s1;
	s1 =	smul.u32 $0x500, s11  }
0x36: {  	s10 =	smul.u32 $0xA000, s8;
	s11 =	simm.s32 $0x14080;
	[smem:$0x7F6] =	sst s21  }
0x37: {  	s21 =	simm.s32 $0x15480;
	[smem:$0x7EE] =	sst s11;
	s11 =	simm.s32 $0x6  }
0x38: {  	[smem:$0x7E6] =	sst s1;
	s1 =	sadd.s32 s16, s2;
	s13 =	sshrl.u32 s10, $0x2  }
0x39: {  	s16 =	sor.u32 $0x70, s7;
	[smem:$0x7E7] =	sst s1;
	s1 =	smul.u32 $0x500, s19  }
0x3a: {  	s7 =	simm.s32 $0x1;
	s18 =	smul.u32 $0xA000, s16;
	s19 =	simm.s32 $0x15100  }
0x3b: {  	s10 =	simm.s32 $0x5;
	s20 =	smul.u32 $0x500, s16;
	[smem:$0x7F5] =	sst s19  }
0x3c: {  	p0 =	sgt.u32 s16, $0x7C;
	s16 =	simm.s32 $0x15280;
	[smem:$0x7E8] =	sst s1  }
0x3d: {  	s19 =	simm.s32 $0x15400;
	s1 =	sadd.s32 s26, s2;
	[smem:$0x7F4] =	sst s20  }
0x3e: {  	s5 =	sshrl.u32 s18, $0x2;
	s26 =	simm.s32 $0x14300;
	[smem:$0x7E9] =	sst s1  }
0x3f: {  	s1 =	smul.u32 $0x500, s8;
	s5 =	sadd.s32 s5, s2;
	[smem:$0x7FA] =	sst s26  }
0x40: {  	s18 =	simm.s32 $0x15380;
	s20 =	simm.s32 $0x14480;
	[smem:$0x7F7] =	sst s5  }
0x41: {  	s26 =	simm.s32 $0x9;
	s5 =	simm.s32 $0x0;
	[smem:$0x7ED] =	sst s1  }
0x42: {  	s8 =	simm.s32 $0x2;
	s1 =	sadd.s32 s13, s2;
	[smem:$0x7FB] =	sst s5  }
0x43: {  	s13 =	simm.s32 $0x8;
	[smem:$0x7F0] =	sst s1;
	s1 =	simm.s32 $0x1D080  }
.LBB2_1:
0x44: {  	s5 =	sld [smem:$0x7E0];
	_ =	sdelay $0x2  }
0x45: {  	[tilespmem:s24], [sflag:$0xA] =	stream.linear.gather [hbm4b:s5+s3], $0x2800, $0x38;
	[tilespmem:$0x1F880] =	vst v63  }
0x46: {  	_ =	swait.ge [sflag:s25], $0x2800  }
0x47: {  	[sflag:s25] =	ssyncset.done $0x0  }
0x48: {  	[sflag:s25] =	ssyncadd.s32 $0xFFFFD800  }
0x49: {  	[spmem:s23] =	stream.linear.scatter [tilespmem:s24], [sflag:$0x9], $0x2800, $0x38;
	[tilespmem:$0x1F880] =	vst v63  }
0x4a: {  	_ =	swait.ge [sflag:s26], $0x2800  }
0x4b: {  	[sflag:s26] =	ssyncset.done $0x0  }
0x4c: {  	s22 =	sadd.s32 s22, s4;
	[sflag:s26] =	ssyncadd.s32 $0xFFFFD800  }
0x4d: {  	[tilespmem:s24], [sflag:$0xA] =	stream.linear.gather [hbm4b:s22+s3], $0x2800, $0x38;
	[tilespmem:$0x1F880] =	vst v63  }
0x4e: {  	_ =	swait.ge [sflag:s25], $0x2800  }
0x4f: {  	s23 =	sld [smem:$0x7E1]  }
0x50: {  	[sflag:s25] =	ssyncset.done $0x0  }
0x51: {  	[sflag:s25] =	ssyncadd.s32 $0xFFFFD800  }
0x52: {  	[spmem:s23] =	stream.linear.scatter [tilespmem:s24], [sflag:$0x9], $0x2800, $0x38;
	[tilespmem:$0x1F880] =	vst v63  }
0x53: {  	_ =	swait.ge [sflag:s26], $0x2800  }
0x54: {  	s22 =	sld [smem:$0x7E2];
	_ =	sdelay $0x1  }
0x55: {  	[sflag:s26] =	ssyncset.done $0x0  }
0x56: {  	[sflag:s26] =	ssyncadd.s32 $0xFFFFD800;
	s5 =	sadd.s32 s22, s4  }
0x57: {  	[tilespmem:s24], [sflag:$0xA] =	stream.linear.gather [hbm4b:s5+s3], $0x2800, $0x38;
	[tilespmem:$0x1F880] =	vst v63  }
0x58: {  	_ =	swait.ge [sflag:s25], $0x2800  }
0x59: {  	s23 =	sld [smem:$0x7E3]  }
0x5a: {  	[sflag:s25] =	ssyncset.done $0x0  }
0x5b: {  	[sflag:s25] =	ssyncadd.s32 $0xFFFFD800  }
0x5c: {  	[spmem:s23] =	stream.linear.scatter [tilespmem:s24], [sflag:$0x9], $0x2800, $0x38;
	[tilespmem:$0x1F880] =	vst v63  }
0x5d: {  	_ =	swait.ge [sflag:s26], $0x2800  }
0x5e: {  	s22 =	sld [smem:$0x7E4];
	_ =	sdelay $0x1  }
0x5f: {  	[sflag:s26] =	ssyncset.done $0x0  }
0x60: {  	[sflag:s26] =	ssyncadd.s32 $0xFFFFD800;
	s5 =	sadd.s32 s22, s4  }
0x61: {  	[tilespmem:s24], [sflag:$0xA] =	stream.linear.gather [hbm4b:s5+s3], $0x2800, $0x38;
	[tilespmem:$0x1F880] =	vst v63  }
0x62: {  	_ =	swait.ge [sflag:s25], $0x2800  }
0x63: {  	s23 =	sld [smem:$0x7E5]  }
0x64: {  	[sflag:s25] =	ssyncset.done $0x0  }
0x65: {  	[sflag:s25] =	ssyncadd.s32 $0xFFFFD800  }
0x66: {  	[spmem:s23] =	stream.linear.scatter [tilespmem:s24], [sflag:$0x9], $0x2800, $0x38;
	[tilespmem:$0x1F880] =	vst v63  }
0x67: {  	_ =	swait.ge [sflag:s26], $0x2800  }
0x68: {  	s22 =	sld [smem:$0x7E6];
	_ =	sdelay $0x1  }
0x69: {  	[sflag:s26] =	ssyncset.done $0x0  }
0x6a: {  	[sflag:s26] =	ssyncadd.s32 $0xFFFFD800;
	s5 =	sadd.s32 s22, s4  }
0x6b: {  	[tilespmem:s24], [sflag:$0xA] =	stream.linear.gather [hbm4b:s5+s3], $0x2800, $0x38;
	[tilespmem:$0x1F880] =	vst v63  }
0x6c: {  	_ =	swait.ge [sflag:s25], $0x2800  }
0x6d: {  	s23 =	sld [smem:$0x7E7]  }
0x6e: {  	[sflag:s25] =	ssyncset.done $0x0  }
0x6f: {  	[sflag:s25] =	ssyncadd.s32 $0xFFFFD800  }
0x70: {  	[spmem:s23] =	stream.linear.scatter [tilespmem:s24], [sflag:$0x9], $0x2800, $0x38;
	[tilespmem:$0x1F880] =	vst v63  }
0x71: {  	_ =	swait.ge [sflag:s26], $0x2800  }
0x72: {  	s22 =	sld [smem:$0x7E8];
	_ =	sdelay $0x1  }
0x73: {  	[sflag:s26] =	ssyncset.done $0x0  }
0x74: {  	[sflag:s26] =	ssyncadd.s32 $0xFFFFD800;
	s5 =	sadd.s32 s22, s4  }
0x75: {  	[tilespmem:s24], [sflag:$0xA] =	stream.linear.gather [hbm4b:s5+s3], $0x2800, $0x38;
	[tilespmem:$0x1F880] =	vst v63  }
0x76: {  	_ =	swait.ge [sflag:s25], $0x2800  }
0x77: {  	s23 =	sld [smem:$0x7E9]  }
0x78: {  	[sflag:s25] =	ssyncset.done $0x0  }
0x79: {  	[sflag:s25] =	ssyncadd.s32 $0xFFFFD800  }
0x7a: {  	[spmem:s23] =	stream.linear.scatter [tilespmem:s24], [sflag:$0x9], $0x2800, $0x38;
	[tilespmem:$0x1F880] =	vst v63  }
0x7b: {  	_ =	swait.ge [sflag:s26], $0x2800  }
0x7c: {  	s22 =	sld [smem:$0x7ED];
	_ =	sdelay $0x1  }
0x7d: {  	[sflag:s26] =	ssyncset.done $0x0  }
0x7e: {  	[sflag:s26] =	ssyncadd.s32 $0xFFFFD800;
	s5 =	sadd.s32 s22, s4  }
0x7f: {  	[tilespmem:s24], [sflag:$0xA] =	stream.linear.gather [hbm4b:s5+s3], $0x2800, $0x38;
	[tilespmem:$0x1F880] =	vst v63  }
0x80: {  	_ =	swait.ge [sflag:s25], $0x2800  }
0x81: {  	s23 =	sld [smem:$0x7F0]  }
0x82: {  	[sflag:s25] =	ssyncset.done $0x0  }
0x83: {  	[sflag:s25] =	ssyncadd.s32 $0xFFFFD800  }
0x84: {  	[spmem:s23] =	stream.linear.scatter [tilespmem:s24], [sflag:$0x9], $0x2800, $0x38;
	[tilespmem:$0x1F880] =	vst v63  }
0x85: {  	_ =	swait.ge [sflag:s26], $0x2800  }
0x86: {  	s5 =	sld [smem:$0x7F4];
	_ =	sdelay $0x1  }
0x87: {  	s22 =	simm.s32 @!p0 $0x0;
	[sflag:s26] =	ssyncset.done $0x0  }
0x88: {  	s23 =	simm.s32 @!p0 $0x15880;
	[sflag:s26] =	ssyncadd.s32 $0xFFFFD800;
	s5 =	sadd.s32 @!p0 s5, s4  }
0x89: {  	[tilespmem:s23], [sflag:$0xA] =	stream.linear.gather @!p0 [hbm4b:s5+s22], $0x2800, $0x38;
	[tilespmem:$0x1F880] =	vst v63  }
0x8a: {  	s5 =	simm.s32 @!p0 $0xA  }
0x8b: {  	_ =	swait.ge @!p0 [sflag:s5], $0x2800  }
0x8c: {  	[sflag:s5] =	ssyncset.done @!p0 $0x0  }
0x8d: {  	[sflag:s5] =	ssyncadd.s32 @!p0 $0xFFFFD800;
	s5 =	sld [smem:$0x7F7];
	_ =	sdelay $0x2  }
0x8e: {  	[spmem:s5] =	stream.linear.scatter @!p0 [tilespmem:s23], [sflag:$0x9], $0x2800, $0x38;
	[tilespmem:$0x1F880] =	vst v63  }
0x8f: {  	s5 =	simm.s32 @!p0 $0x9  }
0x90: {  	_ =	swait.ge @!p0 [sflag:s5], $0x2800  }
0x91: {  	[sflag:s5] =	ssyncset.done @!p0 $0x0  }
0x92: {  	[sflag:s5] =	ssyncadd.s32 @!p0 $0xFFFFD800  }
0x93: {  	[bflag:$0x0] =	sbarrier.arrive $0xFFFF  }
0x94: {  	s25 =	rddreg [dreg:$0x3]  }
0x95: {  	s5 =	sadd.s32 $0x0, s25  }
0x96: {  	[tilespmem:s28], [sflag:$0x9] =	stream.linear.gather [hbm4b:s5+s3], $0xC80, $0x38;
	[tilespmem:$0x1F880] =	vst v63  }
0x97: {  	_ =	swait.ge [sflag:s26], $0xC80  }
0x98: {  	s22 =	rddreg [dreg:$0x4];
	[sflag:s26] =	ssyncset.done $0x0  }
0x99: {  	[sflag:s26] =	ssyncadd.s32 $0xFFFFF380;
	s5 =	sadd.s32 $0x0, s22  }
0x9a: {  	[tilespmem:s29], [sflag:$0x9] =	stream.linear.gather [hbm4b:s5+s3], $0xC80, $0x38;
	[tilespmem:$0x1F880] =	vst v63  }
0x9b: {  	_ =	swait.ge [sflag:s26], $0xC80  }
0x9c: {  	[sflag:s26] =	ssyncset.done $0x0  }
0x9d: {  	[sflag:s26] =	ssyncadd.s32 $0xFFFFF380  }
0x9e: {  	[tilespmem:s24], [sflag:$0x1] =	stream.indirect.gather [hbm4b:s4+s30], $0x80, s28, s30, $0xb8;
	[tilespmem:$0x1F880] =	vst v63  }
0x9f: {  	s23 =	rddreg [dreg:$0x5]  }
0xa0: {  	[tilespmem:s31], [sflag:$0x2] =	stream.indirect.gather [hbm4b:s4+s30], $0x80, s23, s30, $0xb8;
	[tilespmem:$0x1F880] =	vst v63  }
0xa1: {  	s25 =	rddreg [dreg:$0x6]  }
0xa2: {  	[tilespmem:s0], [sflag:$0x3] =	stream.indirect.gather [hbm4b:s4+s30], $0x80, s25, s30, $0xb8;
	[tilespmem:$0x1F880] =	vst v63  }
0xa3: {  	s23 =	rddreg [dreg:$0x7]  }
0xa4: {  	[tilespmem:s1], [sflag:$0x4] =	stream.indirect.gather [hbm4b:s4+s30], $0x80, s23, s30, $0xb8;
	[tilespmem:$0x1F880] =	vst v63  }
0xa5: {  	_ =	swait.ge [sflag:s7], $0x2800  }
0xa6: {  	[sflag:s7] =	ssyncset.done $0x0  }
0xa7: {  	[sflag:s7] =	ssyncadd.s32 $0xFFFFD800  }
0xa8: {  	[spmem:s2] =	stream.indirect.scatter.add.f32 [tilespmem:s24], [sflag:$0x5], $0x80, s29, s30, $0xb8;
	[tilespmem:$0x1F880] =	vst v63  }
0xa9: {  	_ =	swait.ge [sflag:s8], $0x2800  }
0xaa: {  	[sflag:s8] =	ssyncset.done $0x0  }
0xab: {  	s25 =	rddreg [dreg:$0x8];
	[sflag:s8] =	ssyncadd.s32 $0xFFFFD800  }
0xac: {  	[spmem:s2] =	stream.indirect.scatter.add.f32 [tilespmem:s31], [sflag:$0x6], $0x80, s25, s30, $0xb8;
	[tilespmem:$0x1F880] =	vst v63  }
0xad: {  	_ =	swait.ge [sflag:s6], $0x2800  }
0xae: {  	[sflag:s6] =	ssyncset.done $0x0  }
0xaf: {  	s22 =	rddreg [dreg:$0x9];
	[sflag:s6] =	ssyncadd.s32 $0xFFFFD800  }
0xb0: {  	[spmem:s2] =	stream.indirect.scatter.add.f32 [tilespmem:s0], [sflag:$0x7], $0x80, s22, s30, $0xb8;
	[tilespmem:$0x1F880] =	vst v63  }
0xb1: {  	_ =	swait.ge [sflag:s9], $0x2800  }
0xb2: {  	[sflag:s9] =	ssyncset.done $0x0  }
0xb3: {  	s23 =	rddreg [dreg:$0xa];
	[sflag:s9] =	ssyncadd.s32 $0xFFFFD800  }
0xb4: {  	[spmem:s2] =	stream.indirect.scatter.add.f32 [tilespmem:s1], [sflag:$0x8], $0x80, s23, s30, $0xb8;
	[tilespmem:$0x1F880] =	vst v63  }
0xb5: {  	_ =	swait.ge [sflag:s10], $0x2800  }
0xb6: {  	[sflag:s10] =	ssyncset.done $0x0  }
0xb7: {  	s25 =	rddreg [dreg:$0xb];
	[sflag:s10] =	ssyncadd.s32 $0xFFFFD800  }
0xb8: {  	[tilespmem:s24], [sflag:$0x1] =	stream.indirect.gather [hbm4b:s4+s30], $0x80, s25, s30, $0xb8;
	[tilespmem:$0x1F880] =	vst v63  }
0xb9: {  	_ =	swait.ge [sflag:s11], $0x2800  }
0xba: {  	[sflag:s11] =	ssyncset.done $0x0  }
0xbb: {  	s22 =	rddreg [dreg:$0xc];
	[sflag:s11] =	ssyncadd.s32 $0xFFFFD800  }
0xbc: {  	[tilespmem:s31], [sflag:$0x2] =	stream.indirect.gather [hbm4b:s4+s30], $0x80, s22, s30, $0xb8;
	[tilespmem:$0x1F880] =	vst v63  }
0xbd: {  	_ =	swait.ge [sflag:s12], $0x2800  }
0xbe: {  	[sflag:s12] =	ssyncset.done $0x0  }
0xbf: {  	s23 =	rddreg [dreg:$0xd];
	[sflag:s12] =	ssyncadd.s32 $0xFFFFD800  }
0xc0: {  	[tilespmem:s0], [sflag:$0x3] =	stream.indirect.gather [hbm4b:s4+s30], $0x80, s23, s30, $0xb8;
	[tilespmem:$0x1F880] =	vst v63  }
0xc1: {  	_ =	swait.ge [sflag:s13], $0x2800  }
0xc2: {  	[sflag:s13] =	ssyncset.done $0x0  }
0xc3: {  	s25 =	rddreg [dreg:$0xe];
	[sflag:s13] =	ssyncadd.s32 $0xFFFFD800  }
0xc4: {  	[tilespmem:s1], [sflag:$0x4] =	stream.indirect.gather [hbm4b:s4+s30], $0x80, s25, s30, $0xb8;
	[tilespmem:$0x1F880] =	vst v63  }
0xc5: {  	_ =	swait.ge [sflag:s7], $0x2800  }
0xc6: {  	[sflag:s7] =	ssyncset.done $0x0  }
0xc7: {  	s22 =	rddreg [dreg:$0xf];
	[sflag:s7] =	ssyncadd.s32 $0xFFFFD800  }
0xc8: {  	[spmem:s2] =	stream.indirect.scatter.add.f32 [tilespmem:s24], [sflag:$0x5], $0x80, s22, s30, $0xb8;
	[tilespmem:$0x1F880] =	vst v63  }
0xc9: {  	_ =	swait.ge [sflag:s8], $0x2800  }
0xca: {  	[sflag:s8] =	ssyncset.done $0x0  }
0xcb: {  	s23 =	rddreg [dreg:$0x10];
	[sflag:s8] =	ssyncadd.s32 $0xFFFFD800  }
0xcc: {  	[spmem:s2] =	stream.indirect.scatter.add.f32 [tilespmem:s31], [sflag:$0x6], $0x80, s23, s30, $0xb8;
	[tilespmem:$0x1F880] =	vst v63  }
0xcd: {  	_ =	swait.ge [sflag:s6], $0x2800  }
0xce: {  	[sflag:s6] =	ssyncset.done $0x0  }
0xcf: {  	s25 =	rddreg [dreg:$0x11];
	[sflag:s6] =	ssyncadd.s32 $0xFFFFD800  }
0xd0: {  	[spmem:s2] =	stream.indirect.scatter.add.f32 [tilespmem:s0], [sflag:$0x7], $0x80, s25, s30, $0xb8;
	[tilespmem:$0x1F880] =	vst v63  }
0xd1: {  	_ =	swait.ge [sflag:s9], $0x2800  }
0xd2: {  	[sflag:s9] =	ssyncset.done $0x0  }
0xd3: {  	s22 =	rddreg [dreg:$0x12];
	[sflag:s9] =	ssyncadd.s32 $0xFFFFD800  }
0xd4: {  	[spmem:s2] =	stream.indirect.scatter.add.f32 [tilespmem:s1], [sflag:$0x8], $0x80, s22, s30, $0xb8;
	[tilespmem:$0x1F880] =	vst v63  }
0xd5: {  	_ =	swait.ge [sflag:s10], $0x2800  }
0xd6: {  	[sflag:s10] =	ssyncset.done $0x0  }
0xd7: {  	s23 =	rddreg [dreg:$0x13];
	[sflag:s10] =	ssyncadd.s32 $0xFFFFD800  }
0xd8: {  	[tilespmem:s24], [sflag:$0x1] =	stream.indirect.gather [hbm4b:s4+s30], $0x80, s23, s30, $0xb8;
	[tilespmem:$0x1F880] =	vst v63  }
0xd9: {  	_ =	swait.ge [sflag:s11], $0x2800  }
0xda: {  	[sflag:s11] =	ssyncset.done $0x0  }
0xdb: {  	s25 =	rddreg [dreg:$0x14];
	[sflag:s11] =	ssyncadd.s32 $0xFFFFD800  }
0xdc: {  	[tilespmem:s31], [sflag:$0x2] =	stream.indirect.gather [hbm4b:s4+s30], $0x80, s25, s30, $0xb8;
	[tilespmem:$0x1F880] =	vst v63  }
0xdd: {  	_ =	swait.ge [sflag:s12], $0x2800  }
0xde: {  	[sflag:s12] =	ssyncset.done $0x0  }
0xdf: {  	s22 =	rddreg [dreg:$0x15];
	[sflag:s12] =	ssyncadd.s32 $0xFFFFD800  }
0xe0: {  	[tilespmem:s0], [sflag:$0x3] =	stream.indirect.gather [hbm4b:s4+s30], $0x80, s22, s30, $0xb8;
	[tilespmem:$0x1F880] =	vst v63  }
0xe1: {  	_ =	swait.ge [sflag:s13], $0x2800  }
0xe2: {  	[sflag:s13] =	ssyncset.done $0x0  }
0xe3: {  	s23 =	rddreg [dreg:$0x16];
	[sflag:s13] =	ssyncadd.s32 $0xFFFFD800  }
0xe4: {  	[tilespmem:s1], [sflag:$0x4] =	stream.indirect.gather [hbm4b:s4+s30], $0x80, s23, s30, $0xb8;
	[tilespmem:$0x1F880] =	vst v63  }
0xe5: {  	_ =	swait.ge [sflag:s7], $0x2800  }
0xe6: {  	[sflag:s7] =	ssyncset.done $0x0  }
0xe7: {  	s25 =	rddreg [dreg:$0x17];
	[sflag:s7] =	ssyncadd.s32 $0xFFFFD800  }
0xe8: {  	[spmem:s2] =	stream.indirect.scatter.add.f32 [tilespmem:s24], [sflag:$0x5], $0x80, s25, s30, $0xb8;
	[tilespmem:$0x1F880] =	vst v63  }
0xe9: {  	_ =	swait.ge [sflag:s8], $0x2800  }
0xea: {  	[sflag:s8] =	ssyncset.done $0x0  }
0xeb: {  	s22 =	rddreg [dreg:$0x18];
	[sflag:s8] =	ssyncadd.s32 $0xFFFFD800  }
0xec: {  	[spmem:s2] =	stream.indirect.scatter.add.f32 [tilespmem:s31], [sflag:$0x6], $0x80, s22, s30, $0xb8;
	[tilespmem:$0x1F880] =	vst v63  }
0xed: {  	_ =	swait.ge [sflag:s6], $0x2800  }
0xee: {  	[sflag:s6] =	ssyncset.done $0x0  }
0xef: {  	s23 =	rddreg [dreg:$0x19];
	[sflag:s6] =	ssyncadd.s32 $0xFFFFD800  }
0xf0: {  	[spmem:s2] =	stream.indirect.scatter.add.f32 [tilespmem:s0], [sflag:$0x7], $0x80, s23, s30, $0xb8;
	[tilespmem:$0x1F880] =	vst v63  }
0xf1: {  	_ =	swait.ge [sflag:s9], $0x2800  }
0xf2: {  	[sflag:s9] =	ssyncset.done $0x0  }
0xf3: {  	s25 =	rddreg [dreg:$0x1a];
	[sflag:s9] =	ssyncadd.s32 $0xFFFFD800  }
0xf4: {  	[spmem:s2] =	stream.indirect.scatter.add.f32 [tilespmem:s1], [sflag:$0x8], $0x80, s25, s30, $0xb8;
	[tilespmem:$0x1F880] =	vst v63  }
0xf5: {  	_ =	swait.ge [sflag:s10], $0x2800  }
0xf6: {  	[sflag:s10] =	ssyncset.done $0x0  }
0xf7: {  	s22 =	rddreg [dreg:$0x1b];
	[sflag:s10] =	ssyncadd.s32 $0xFFFFD800  }
0xf8: {  	[tilespmem:s24], [sflag:$0x1] =	stream.indirect.gather [hbm4b:s4+s30], $0x80, s22, s30, $0xb8;
	[tilespmem:$0x1F880] =	vst v63  }
0xf9: {  	_ =	swait.ge [sflag:s11], $0x2800  }
0xfa: {  	[sflag:s11] =	ssyncset.done $0x0  }
0xfb: {  	s23 =	rddreg [dreg:$0x1c];
	[sflag:s11] =	ssyncadd.s32 $0xFFFFD800  }
0xfc: {  	[tilespmem:s31], [sflag:$0x2] =	stream.indirect.gather [hbm4b:s4+s30], $0x80, s23, s30, $0xb8;
	[tilespmem:$0x1F880] =	vst v63  }
0xfd: {  	_ =	swait.ge [sflag:s12], $0x2800  }
0xfe: {  	[sflag:s12] =	ssyncset.done $0x0  }
0xff: {  	s25 =	rddreg [dreg:$0x1d];
	[sflag:s12] =	ssyncadd.s32 $0xFFFFD800  }
0x100: {  	[tilespmem:s0], [sflag:$0x3] =	stream.indirect.gather [hbm4b:s4+s30], $0x80, s25, s30, $0xb8;
	[tilespmem:$0x1F880] =	vst v63  }
0x101: {  	_ =	swait.ge [sflag:s13], $0x2800  }
0x102: {  	[sflag:s13] =	ssyncset.done $0x0  }
0x103: {  	s22 =	rddreg [dreg:$0x1e];
	[sflag:s13] =	ssyncadd.s32 $0xFFFFD800  }
0x104: {  	[tilespmem:s1], [sflag:$0x4] =	stream.indirect.gather [hbm4b:s4+s30], $0x80, s22, s30, $0xb8;
	[tilespmem:$0x1F880] =	vst v63  }
0x105: {  	_ =	swait.ge [sflag:s7], $0x2800  }
0x106: {  	[sflag:s7] =	ssyncset.done $0x0  }
0x107: {  	s23 =	rddreg [dreg:$0x1f];
	[sflag:s7] =	ssyncadd.s32 $0xFFFFD800  }
0x108: {  	[spmem:s2] =	stream.indirect.scatter.add.f32 [tilespmem:s24], [sflag:$0x5], $0x80, s23, s30, $0xb8;
	[tilespmem:$0x1F880] =	vst v63  }
0x109: {  	_ =	swait.ge [sflag:s8], $0x2800  }
0x10a: {  	s25 =	sld [smem:$0x7EA]  }
0x10b: {  	[sflag:s8] =	ssyncset.done $0x0  }
0x10c: {  	[sflag:s8] =	ssyncadd.s32 $0xFFFFD800  }
0x10d: {  	[spmem:s2] =	stream.indirect.scatter.add.f32 [tilespmem:s31], [sflag:$0x6], $0x80, s25, s30, $0xb8;
	[tilespmem:$0x1F880] =	vst v63  }
0x10e: {  	_ =	swait.ge [sflag:s6], $0x2800  }
0x10f: {  	s22 =	sld [smem:$0x7EB]  }
0x110: {  	[sflag:s6] =	ssyncset.done $0x0  }
0x111: {  	[sflag:s6] =	ssyncadd.s32 $0xFFFFD800  }
0x112: {  	[spmem:s2] =	stream.indirect.scatter.add.f32 [tilespmem:s0], [sflag:$0x7], $0x80, s22, s30, $0xb8;
	[tilespmem:$0x1F880] =	vst v63  }
0x113: {  	_ =	swait.ge [sflag:s9], $0x2800  }
0x114: {  	s23 =	sld [smem:$0x7EC]  }
0x115: {  	[sflag:s9] =	ssyncset.done $0x0  }
0x116: {  	[sflag:s9] =	ssyncadd.s32 $0xFFFFD800  }
0x117: {  	[spmem:s2] =	stream.indirect.scatter.add.f32 [tilespmem:s1], [sflag:$0x8], $0x80, s23, s30, $0xb8;
	[tilespmem:$0x1F880] =	vst v63  }
0x118: {  	_ =	swait.ge [sflag:s10], $0x2800  }
0x119: {  	s25 =	sld [smem:$0x7EE]  }
0x11a: {  	[sflag:s10] =	ssyncset.done $0x0  }
0x11b: {  	[sflag:s10] =	ssyncadd.s32 $0xFFFFD800  }
0x11c: {  	[tilespmem:s24], [sflag:$0x1] =	stream.indirect.gather [hbm4b:s4+s30], $0x80, s25, s30, $0xb8;
	[tilespmem:$0x1F880] =	vst v63  }
0x11d: {  	_ =	swait.ge [sflag:s11], $0x2800  }
0x11e: {  	s22 =	sld [smem:$0x7EF]  }
0x11f: {  	[sflag:s11] =	ssyncset.done $0x0  }
0x120: {  	[sflag:s11] =	ssyncadd.s32 $0xFFFFD800  }
0x121: {  	[tilespmem:s31], [sflag:$0x2] =	stream.indirect.gather [hbm4b:s4+s30], $0x80, s22, s30, $0xb8;
	[tilespmem:$0x1F880] =	vst v63  }
0x122: {  	_ =	swait.ge [sflag:s12], $0x2800  }
0x123: {  	s23 =	sld [smem:$0x7F1]  }
0x124: {  	[sflag:s12] =	ssyncset.done $0x0  }
0x125: {  	[sflag:s12] =	ssyncadd.s32 $0xFFFFD800  }
0x126: {  	[tilespmem:s0], [sflag:$0x3] =	stream.indirect.gather [hbm4b:s4+s30], $0x80, s23, s30, $0xb8;
	[tilespmem:$0x1F880] =	vst v63  }
0x127: {  	_ =	swait.ge [sflag:s13], $0x2800  }
0x128: {  	s25 =	sld [smem:$0x7F2]  }
0x129: {  	[sflag:s13] =	ssyncset.done $0x0  }
0x12a: {  	[sflag:s13] =	ssyncadd.s32 $0xFFFFD800  }
0x12b: {  	[tilespmem:s1], [sflag:$0x4] =	stream.indirect.gather [hbm4b:s4+s30], $0x80, s25, s30, $0xb8;
	[tilespmem:$0x1F880] =	vst v63  }
0x12c: {  	_ =	swait.ge [sflag:s7], $0x2800  }
0x12d: {  	s22 =	sld [smem:$0x7F3]  }
0x12e: {  	[sflag:s7] =	ssyncset.done $0x0  }
0x12f: {  	[sflag:s7] =	ssyncadd.s32 $0xFFFFD800  }
0x130: {  	[spmem:s2] =	stream.indirect.scatter.add.f32 [tilespmem:s24], [sflag:$0x5], $0x80, s22, s30, $0xb8;
	[tilespmem:$0x1F880] =	vst v63  }
0x131: {  	_ =	swait.ge [sflag:s8], $0x2800  }
0x132: {  	s23 =	sld [smem:$0x7F5]  }
0x133: {  	[sflag:s8] =	ssyncset.done $0x0  }
0x134: {  	[sflag:s8] =	ssyncadd.s32 $0xFFFFD800  }
0x135: {  	[spmem:s2] =	stream.indirect.scatter.add.f32 [tilespmem:s31], [sflag:$0x6], $0x80, s23, s30, $0xb8;
	[tilespmem:$0x1F880] =	vst v63  }
0x136: {  	_ =	swait.ge [sflag:s6], $0x2800  }
0x137: {  	s25 =	sld [smem:$0x7F6]  }
0x138: {  	[sflag:s6] =	ssyncset.done $0x0  }
0x139: {  	[sflag:s6] =	ssyncadd.s32 $0xFFFFD800  }
0x13a: {  	[spmem:s2] =	stream.indirect.scatter.add.f32 [tilespmem:s0], [sflag:$0x7], $0x80, s25, s30, $0xb8;
	[tilespmem:$0x1F880] =	vst v63  }
0x13b: {  	_ =	swait.ge [sflag:s9], $0x2800  }
0x13c: {  	s22 =	sld [smem:$0x7F8]  }
0x13d: {  	[sflag:s9] =	ssyncset.done $0x0  }
0x13e: {  	[sflag:s9] =	ssyncadd.s32 $0xFFFFD800  }
0x13f: {  	[spmem:s2] =	stream.indirect.scatter.add.f32 [tilespmem:s1], [sflag:$0x8], $0x80, s22, s30, $0xb8;
	[tilespmem:$0x1F880] =	vst v63  }
0x140: {  	_ =	swait.ge [sflag:s10], $0x2800  }
0x141: {  	s23 =	sld [smem:$0x7F9]  }
0x142: {  	[sflag:s10] =	ssyncset.done $0x0  }
0x143: {  	[sflag:s10] =	ssyncadd.s32 $0xFFFFD800  }
0x144: {  	[tilespmem:s24], [sflag:$0x1] =	stream.indirect.gather [hbm4b:s4+s30], $0x80, s23, s30, $0xb8;
	[tilespmem:$0x1F880] =	vst v63  }
0x145: {  	_ =	swait.ge [sflag:s11], $0x2800  }
0x146: {  	s25 =	sld [smem:$0x7FA]  }
0x147: {  	[sflag:s11] =	ssyncset.done $0x0  }
0x148: {  	[sflag:s11] =	ssyncadd.s32 $0xFFFFD800  }
0x149: {  	[tilespmem:s31], [sflag:$0x2] =	stream.indirect.gather [hbm4b:s4+s30], $0x80, s25, s30, $0xb8;
	[tilespmem:$0x1F880] =	vst v63  }
0x14a: {  	_ =	swait.ge [sflag:s12], $0x2800  }
0x14b: {  	[sflag:s12] =	ssyncset.done $0x0  }
0x14c: {  	[sflag:s12] =	ssyncadd.s32 $0xFFFFD800  }
0x14d: {  	[tilespmem:s0], [sflag:$0x3] =	stream.indirect.gather [hbm4b:s4+s30], $0x80, s14, s30, $0xb8;
	[tilespmem:$0x1F880] =	vst v63  }
0x14e: {  	_ =	swait.ge [sflag:s13], $0x2800  }
0x14f: {  	[sflag:s13] =	ssyncset.done $0x0  }
0x150: {  	[sflag:s13] =	ssyncadd.s32 $0xFFFFD800  }
0x151: {  	[tilespmem:s1], [sflag:$0x4] =	stream.indirect.gather [hbm4b:s4+s30], $0x80, s15, s30, $0xb8;
	[tilespmem:$0x1F880] =	vst v63  }
0x152: {  	_ =	swait.ge [sflag:s7], $0x2800  }
0x153: {  	[sflag:s7] =	ssyncset.done $0x0  }
0x154: {  	[sflag:s7] =	ssyncadd.s32 $0xFFFFD800  }
0x155: {  	[spmem:s2] =	stream.indirect.scatter.add.f32 [tilespmem:s24], [sflag:$0x5], $0x80, s16, s30, $0xb8;
	[tilespmem:$0x1F880] =	vst v63  }
0x156: {  	_ =	swait.ge [sflag:s8], $0x2800  }
0x157: {  	[sflag:s8] =	ssyncset.done $0x0  }
0x158: {  	[sflag:s8] =	ssyncadd.s32 $0xFFFFD800  }
0x159: {  	[spmem:s2] =	stream.indirect.scatter.add.f32 [tilespmem:s31], [sflag:$0x6], $0x80, s17, s30, $0xb8;
	[tilespmem:$0x1F880] =	vst v63  }
0x15a: {  	_ =	swait.ge [sflag:s6], $0x2800  }
0x15b: {  	[sflag:s6] =	ssyncset.done $0x0  }
0x15c: {  	[sflag:s6] =	ssyncadd.s32 $0xFFFFD800  }
0x15d: {  	[spmem:s2] =	stream.indirect.scatter.add.f32 [tilespmem:s0], [sflag:$0x7], $0x80, s18, s30, $0xb8;
	[tilespmem:$0x1F880] =	vst v63  }
0x15e: {  	_ =	swait.ge [sflag:s9], $0x2800  }
0x15f: {  	[sflag:s9] =	ssyncset.done $0x0  }
0x160: {  	[sflag:s9] =	ssyncadd.s32 $0xFFFFD800  }
0x161: {  	[spmem:s2] =	stream.indirect.scatter.add.f32 [tilespmem:s1], [sflag:$0x8], $0x80, s19, s30, $0xb8;
	[tilespmem:$0x1F880] =	vst v63  }
0x162: {  	_ =	swait.ge [sflag:s10], $0x2800  }
0x163: {  	[sflag:s10] =	ssyncset.done $0x0  }
0x164: {  	[sflag:s10] =	ssyncadd.s32 $0xFFFFD800  }
0x165: {  	[tilespmem:s24], [sflag:$0x1] =	stream.indirect.gather [hbm4b:s4+s30], $0x80, s20, s30, $0xb8;
	[tilespmem:$0x1F880] =	vst v63  }
0x166: {  	_ =	swait.ge [sflag:s7], $0x2800  }
0x167: {  	[sflag:s7] =	ssyncset.done $0x0  }
0x168: {  	[sflag:s7] =	ssyncadd.s32 $0xFFFFD800  }
0x169: {  	[spmem:s2] =	stream.indirect.scatter.add.f32 [tilespmem:s24], [sflag:$0x5], $0x80, s21, s30, $0xb8;
	[tilespmem:$0x1F880] =	vst v63  }
0x16a: {  	_ =	swait.ge [sflag:s10], $0x2800  }
0x16b: {  	[sflag:s10] =	ssyncset.done $0x0  }
0x16c: {  	[sflag:s10] =	ssyncadd.s32 $0xFFFFD800  }
0x16d: {  	_ =	swait.ge [sflag:s11], $0x2800  }
0x16e: {  	[sflag:s11] =	ssyncset.done $0x0  }
0x16f: {  	[sflag:s11] =	ssyncadd.s32 $0xFFFFD800  }
0x170: {  	_ =	swait.ge [sflag:s12], $0x2800  }
0x171: {  	[sflag:s12] =	ssyncset.done $0x0  }
0x172: {  	[sflag:s12] =	ssyncadd.s32 $0xFFFFD800  }
0x173: {  	s22 =	simm.s32 $0x400;
	_ =	swait.ge [sflag:s13], $0x2800  }
0x174: {  	s23 =	simm.s32 $0x200;
	s5 =	rddreg [dreg:$0x3];
	[sflag:s13] =	ssyncset.done $0x0  }
.LBB2_2:
0x175: {  	[sflag:s13] =	ssyncadd.s32 $0xFFFFD800;
	s5 =	sadd.s32 s23, s5  }
0x176: {  	[tilespmem:s28], [sflag:$0x9] =	stream.linear.gather [hbm4b:s5+s3], $0xC80, $0x38;
	[tilespmem:$0x1F880] =	vst v63  }
0x177: {  	_ =	swait.ge [sflag:s26], $0xC80  }
0x178: {  	s5 =	rddreg [dreg:$0x4];
	[sflag:s26] =	ssyncset.done $0x0  }
0x179: {  	[sflag:s26] =	ssyncadd.s32 $0xFFFFF380;
	s5 =	sadd.s32 s23, s5  }
0x17a: {  	[tilespmem:s29], [sflag:$0x9] =	stream.linear.gather [hbm4b:s5+s3], $0xC80, $0x38;
	[tilespmem:$0x1F880] =	vst v63  }
0x17b: {  	_ =	swait.ge [sflag:s26], $0xC80  }
0x17c: {  	[sflag:s26] =	ssyncset.done $0x0  }
0x17d: {  	[sflag:s26] =	ssyncadd.s32 $0xFFFFF380  }
0x17e: {  	[tilespmem:s24], [sflag:$0x1] =	stream.indirect.gather [hbm4b:s4+s30], $0x80, s28, s30, $0xb8;
	[tilespmem:$0x1F880] =	vst v63  }
0x17f: {  	s25 =	smov.u32 s22;
	s5 =	rddreg [dreg:$0x5]  }
0x180: {  	[tilespmem:s31], [sflag:$0x2] =	stream.indirect.gather [hbm4b:s4+s30], $0x80, s5, s30, $0xb8;
	[tilespmem:$0x1F880] =	vst v63  }
0x181: {  	s23 =	smov.u32 s25;
	s25 =	rddreg [dreg:$0x6]  }
0x182: {  	[tilespmem:s0], [sflag:$0x3] =	stream.indirect.gather [hbm4b:s4+s30], $0x80, s25, s30, $0xb8;
	[tilespmem:$0x1F880] =	vst v63  }
0x183: {  	s5 =	rddreg [dreg:$0x7]  }
0x184: {  	[tilespmem:s1], [sflag:$0x4] =	stream.indirect.gather [hbm4b:s4+s30], $0x80, s5, s30, $0xb8;
	[tilespmem:$0x1F880] =	vst v63  }
0x185: {  	_ =	swait.ge [sflag:s7], $0x2800  }
0x186: {  	[sflag:s7] =	ssyncset.done $0x0  }
0x187: {  	[sflag:s7] =	ssyncadd.s32 $0xFFFFD800  }
0x188: {  	[spmem:s2] =	stream.indirect.scatter.add.f32 [tilespmem:s24], [sflag:$0x5], $0x80, s29, s30, $0xb8;
	[tilespmem:$0x1F880] =	vst v63  }
0x189: {  	_ =	swait.ge [sflag:s8], $0x2800  }
0x18a: {  	[sflag:s8] =	ssyncset.done $0x0  }
0x18b: {  	s25 =	rddreg [dreg:$0x8];
	[sflag:s8] =	ssyncadd.s32 $0xFFFFD800  }
0x18c: {  	[spmem:s2] =	stream.indirect.scatter.add.f32 [tilespmem:s31], [sflag:$0x6], $0x80, s25, s30, $0xb8;
	[tilespmem:$0x1F880] =	vst v63  }
0x18d: {  	_ =	swait.ge [sflag:s6], $0x2800  }
0x18e: {  	[sflag:s6] =	ssyncset.done $0x0  }
0x18f: {  	s25 =	rddreg [dreg:$0x9];
	[sflag:s6] =	ssyncadd.s32 $0xFFFFD800  }
0x190: {  	[spmem:s2] =	stream.indirect.scatter.add.f32 [tilespmem:s0], [sflag:$0x7], $0x80, s25, s30, $0xb8;
	[tilespmem:$0x1F880] =	vst v63  }
0x191: {  	_ =	swait.ge [sflag:s9], $0x2800  }
0x192: {  	[sflag:s9] =	ssyncset.done $0x0  }
0x193: {  	s25 =	rddreg [dreg:$0xa];
	[sflag:s9] =	ssyncadd.s32 $0xFFFFD800  }
0x194: {  	[spmem:s2] =	stream.indirect.scatter.add.f32 [tilespmem:s1], [sflag:$0x8], $0x80, s25, s30, $0xb8;
	[tilespmem:$0x1F880] =	vst v63  }
0x195: {  	_ =	swait.ge [sflag:s10], $0x2800  }
0x196: {  	[sflag:s10] =	ssyncset.done $0x0  }
0x197: {  	s25 =	rddreg [dreg:$0xb];
	[sflag:s10] =	ssyncadd.s32 $0xFFFFD800  }
0x198: {  	[tilespmem:s24], [sflag:$0x1] =	stream.indirect.gather [hbm4b:s4+s30], $0x80, s25, s30, $0xb8;
	[tilespmem:$0x1F880] =	vst v63  }
0x199: {  	_ =	swait.ge [sflag:s11], $0x2800  }
0x19a: {  	[sflag:s11] =	ssyncset.done $0x0  }
0x19b: {  	s25 =	rddreg [dreg:$0xc];
	[sflag:s11] =	ssyncadd.s32 $0xFFFFD800  }
0x19c: {  	[tilespmem:s31], [sflag:$0x2] =	stream.indirect.gather [hbm4b:s4+s30], $0x80, s25, s30, $0xb8;
	[tilespmem:$0x1F880] =	vst v63  }
0x19d: {  	_ =	swait.ge [sflag:s12], $0x2800  }
0x19e: {  	[sflag:s12] =	ssyncset.done $0x0  }
0x19f: {  	s25 =	rddreg [dreg:$0xd];
	[sflag:s12] =	ssyncadd.s32 $0xFFFFD800  }
0x1a0: {  	[tilespmem:s0], [sflag:$0x3] =	stream.indirect.gather [hbm4b:s4+s30], $0x80, s25, s30, $0xb8;
	[tilespmem:$0x1F880] =	vst v63  }
0x1a1: {  	_ =	swait.ge [sflag:s13], $0x2800  }
0x1a2: {  	[sflag:s13] =	ssyncset.done $0x0  }
0x1a3: {  	s25 =	rddreg [dreg:$0xe];
	[sflag:s13] =	ssyncadd.s32 $0xFFFFD800  }
0x1a4: {  	[tilespmem:s1], [sflag:$0x4] =	stream.indirect.gather [hbm4b:s4+s30], $0x80, s25, s30, $0xb8;
	[tilespmem:$0x1F880] =	vst v63  }
0x1a5: {  	_ =	swait.ge [sflag:s7], $0x2800  }
0x1a6: {  	[sflag:s7] =	ssyncset.done $0x0  }
0x1a7: {  	s25 =	rddreg [dreg:$0xf];
	[sflag:s7] =	ssyncadd.s32 $0xFFFFD800  }
0x1a8: {  	[spmem:s2] =	stream.indirect.scatter.add.f32 [tilespmem:s24], [sflag:$0x5], $0x80, s25, s30, $0xb8;
	[tilespmem:$0x1F880] =	vst v63  }
0x1a9: {  	_ =	swait.ge [sflag:s8], $0x2800  }
0x1aa: {  	[sflag:s8] =	ssyncset.done $0x0  }
0x1ab: {  	s25 =	rddreg [dreg:$0x10];
	[sflag:s8] =	ssyncadd.s32 $0xFFFFD800  }
0x1ac: {  	[spmem:s2] =	stream.indirect.scatter.add.f32 [tilespmem:s31], [sflag:$0x6], $0x80, s25, s30, $0xb8;
	[tilespmem:$0x1F880] =	vst v63  }
0x1ad: {  	_ =	swait.ge [sflag:s6], $0x2800  }
0x1ae: {  	[sflag:s6] =	ssyncset.done $0x0  }
0x1af: {  	s25 =	rddreg [dreg:$0x11];
	[sflag:s6] =	ssyncadd.s32 $0xFFFFD800  }
0x1b0: {  	[spmem:s2] =	stream.indirect.scatter.add.f32 [tilespmem:s0], [sflag:$0x7], $0x80, s25, s30, $0xb8;
	[tilespmem:$0x1F880] =	vst v63  }
0x1b1: {  	_ =	swait.ge [sflag:s9], $0x2800  }
0x1b2: {  	[sflag:s9] =	ssyncset.done $0x0  }
0x1b3: {  	s25 =	rddreg [dreg:$0x12];
	[sflag:s9] =	ssyncadd.s32 $0xFFFFD800  }
0x1b4: {  	[spmem:s2] =	stream.indirect.scatter.add.f32 [tilespmem:s1], [sflag:$0x8], $0x80, s25, s30, $0xb8;
	[tilespmem:$0x1F880] =	vst v63  }
0x1b5: {  	_ =	swait.ge [sflag:s10], $0x2800  }
0x1b6: {  	[sflag:s10] =	ssyncset.done $0x0  }
0x1b7: {  	s25 =	rddreg [dreg:$0x13];
	[sflag:s10] =	ssyncadd.s32 $0xFFFFD800  }
0x1b8: {  	[tilespmem:s24], [sflag:$0x1] =	stream.indirect.gather [hbm4b:s4+s30], $0x80, s25, s30, $0xb8;
	[tilespmem:$0x1F880] =	vst v63  }
0x1b9: {  	_ =	swait.ge [sflag:s11], $0x2800  }
0x1ba: {  	[sflag:s11] =	ssyncset.done $0x0  }
0x1bb: {  	s25 =	rddreg [dreg:$0x14];
	[sflag:s11] =	ssyncadd.s32 $0xFFFFD800  }
0x1bc: {  	[tilespmem:s31], [sflag:$0x2] =	stream.indirect.gather [hbm4b:s4+s30], $0x80, s25, s30, $0xb8;
	[tilespmem:$0x1F880] =	vst v63  }
0x1bd: {  	_ =	swait.ge [sflag:s12], $0x2800  }
0x1be: {  	[sflag:s12] =	ssyncset.done $0x0  }
0x1bf: {  	s25 =	rddreg [dreg:$0x15];
	[sflag:s12] =	ssyncadd.s32 $0xFFFFD800  }
0x1c0: {  	[tilespmem:s0], [sflag:$0x3] =	stream.indirect.gather [hbm4b:s4+s30], $0x80, s25, s30, $0xb8;
	[tilespmem:$0x1F880] =	vst v63  }
0x1c1: {  	_ =	swait.ge [sflag:s13], $0x2800  }
0x1c2: {  	[sflag:s13] =	ssyncset.done $0x0  }
0x1c3: {  	s25 =	rddreg [dreg:$0x16];
	[sflag:s13] =	ssyncadd.s32 $0xFFFFD800  }
0x1c4: {  	[tilespmem:s1], [sflag:$0x4] =	stream.indirect.gather [hbm4b:s4+s30], $0x80, s25, s30, $0xb8;
	[tilespmem:$0x1F880] =	vst v63  }
0x1c5: {  	_ =	swait.ge [sflag:s7], $0x2800  }
0x1c6: {  	[sflag:s7] =	ssyncset.done $0x0  }
0x1c7: {  	s25 =	rddreg [dreg:$0x17];
	[sflag:s7] =	ssyncadd.s32 $0xFFFFD800  }
0x1c8: {  	[spmem:s2] =	stream.indirect.scatter.add.f32 [tilespmem:s24], [sflag:$0x5], $0x80, s25, s30, $0xb8;
	[tilespmem:$0x1F880] =	vst v63  }
0x1c9: {  	_ =	swait.ge [sflag:s8], $0x2800  }
0x1ca: {  	[sflag:s8] =	ssyncset.done $0x0  }
0x1cb: {  	s25 =	rddreg [dreg:$0x18];
	[sflag:s8] =	ssyncadd.s32 $0xFFFFD800  }
0x1cc: {  	[spmem:s2] =	stream.indirect.scatter.add.f32 [tilespmem:s31], [sflag:$0x6], $0x80, s25, s30, $0xb8;
	[tilespmem:$0x1F880] =	vst v63  }
0x1cd: {  	_ =	swait.ge [sflag:s6], $0x2800  }
0x1ce: {  	[sflag:s6] =	ssyncset.done $0x0  }
0x1cf: {  	s25 =	rddreg [dreg:$0x19];
	[sflag:s6] =	ssyncadd.s32 $0xFFFFD800  }
0x1d0: {  	[spmem:s2] =	stream.indirect.scatter.add.f32 [tilespmem:s0], [sflag:$0x7], $0x80, s25, s30, $0xb8;
	[tilespmem:$0x1F880] =	vst v63  }
0x1d1: {  	_ =	swait.ge [sflag:s9], $0x2800  }
0x1d2: {  	[sflag:s9] =	ssyncset.done $0x0  }
0x1d3: {  	s25 =	rddreg [dreg:$0x1a];
	[sflag:s9] =	ssyncadd.s32 $0xFFFFD800  }
0x1d4: {  	[spmem:s2] =	stream.indirect.scatter.add.f32 [tilespmem:s1], [sflag:$0x8], $0x80, s25, s30, $0xb8;
	[tilespmem:$0x1F880] =	vst v63  }
0x1d5: {  	_ =	swait.ge [sflag:s10], $0x2800  }
0x1d6: {  	[sflag:s10] =	ssyncset.done $0x0  }
0x1d7: {  	s25 =	rddreg [dreg:$0x1b];
	[sflag:s10] =	ssyncadd.s32 $0xFFFFD800  }
0x1d8: {  	[tilespmem:s24], [sflag:$0x1] =	stream.indirect.gather [hbm4b:s4+s30], $0x80, s25, s30, $0xb8;
	[tilespmem:$0x1F880] =	vst v63  }
0x1d9: {  	_ =	swait.ge [sflag:s11], $0x2800  }
0x1da: {  	[sflag:s11] =	ssyncset.done $0x0  }
0x1db: {  	s25 =	rddreg [dreg:$0x1c];
	[sflag:s11] =	ssyncadd.s32 $0xFFFFD800  }
0x1dc: {  	[tilespmem:s31], [sflag:$0x2] =	stream.indirect.gather [hbm4b:s4+s30], $0x80, s25, s30, $0xb8;
	[tilespmem:$0x1F880] =	vst v63  }
0x1dd: {  	_ =	swait.ge [sflag:s12], $0x2800  }
0x1de: {  	[sflag:s12] =	ssyncset.done $0x0  }
0x1df: {  	s25 =	rddreg [dreg:$0x1d];
	[sflag:s12] =	ssyncadd.s32 $0xFFFFD800  }
0x1e0: {  	[tilespmem:s0], [sflag:$0x3] =	stream.indirect.gather [hbm4b:s4+s30], $0x80, s25, s30, $0xb8;
	[tilespmem:$0x1F880] =	vst v63  }
0x1e1: {  	_ =	swait.ge [sflag:s13], $0x2800  }
0x1e2: {  	[sflag:s13] =	ssyncset.done $0x0  }
0x1e3: {  	s25 =	rddreg [dreg:$0x1e];
	[sflag:s13] =	ssyncadd.s32 $0xFFFFD800  }
0x1e4: {  	[tilespmem:s1], [sflag:$0x4] =	stream.indirect.gather [hbm4b:s4+s30], $0x80, s25, s30, $0xb8;
	[tilespmem:$0x1F880] =	vst v63  }
0x1e5: {  	_ =	swait.ge [sflag:s7], $0x2800  }
0x1e6: {  	[sflag:s7] =	ssyncset.done $0x0  }
0x1e7: {  	s25 =	rddreg [dreg:$0x1f];
	[sflag:s7] =	ssyncadd.s32 $0xFFFFD800  }
0x1e8: {  	[spmem:s2] =	stream.indirect.scatter.add.f32 [tilespmem:s24], [sflag:$0x5], $0x80, s25, s30, $0xb8;
	[tilespmem:$0x1F880] =	vst v63  }
0x1e9: {  	_ =	swait.ge [sflag:s8], $0x2800  }
0x1ea: {  	s25 =	sld [smem:$0x7EA]  }
0x1eb: {  	[sflag:s8] =	ssyncset.done $0x0  }
0x1ec: {  	[sflag:s8] =	ssyncadd.s32 $0xFFFFD800  }
0x1ed: {  	[spmem:s2] =	stream.indirect.scatter.add.f32 [tilespmem:s31], [sflag:$0x6], $0x80, s25, s30, $0xb8;
	[tilespmem:$0x1F880] =	vst v63  }
0x1ee: {  	_ =	swait.ge [sflag:s6], $0x2800  }
0x1ef: {  	s25 =	sld [smem:$0x7EB]  }
0x1f0: {  	[sflag:s6] =	ssyncset.done $0x0  }
0x1f1: {  	[sflag:s6] =	ssyncadd.s32 $0xFFFFD800  }
0x1f2: {  	[spmem:s2] =	stream.indirect.scatter.add.f32 [tilespmem:s0], [sflag:$0x7], $0x80, s25, s30, $0xb8;
	[tilespmem:$0x1F880] =	vst v63  }
0x1f3: {  	_ =	swait.ge [sflag:s9], $0x2800  }
0x1f4: {  	s25 =	sld [smem:$0x7EC]  }
0x1f5: {  	[sflag:s9] =	ssyncset.done $0x0  }
0x1f6: {  	[sflag:s9] =	ssyncadd.s32 $0xFFFFD800  }
0x1f7: {  	[spmem:s2] =	stream.indirect.scatter.add.f32 [tilespmem:s1], [sflag:$0x8], $0x80, s25, s30, $0xb8;
	[tilespmem:$0x1F880] =	vst v63  }
0x1f8: {  	_ =	swait.ge [sflag:s10], $0x2800  }
0x1f9: {  	s25 =	sld [smem:$0x7EE]  }
0x1fa: {  	[sflag:s10] =	ssyncset.done $0x0  }
0x1fb: {  	[sflag:s10] =	ssyncadd.s32 $0xFFFFD800  }
0x1fc: {  	[tilespmem:s24], [sflag:$0x1] =	stream.indirect.gather [hbm4b:s4+s30], $0x80, s25, s30, $0xb8;
	[tilespmem:$0x1F880] =	vst v63  }
0x1fd: {  	_ =	swait.ge [sflag:s11], $0x2800  }
0x1fe: {  	s25 =	sld [smem:$0x7EF]  }
0x1ff: {  	[sflag:s11] =	ssyncset.done $0x0  }
0x200: {  	[sflag:s11] =	ssyncadd.s32 $0xFFFFD800  }
0x201: {  	[tilespmem:s31], [sflag:$0x2] =	stream.indirect.gather [hbm4b:s4+s30], $0x80, s25, s30, $0xb8;
	[tilespmem:$0x1F880] =	vst v63  }
0x202: {  	_ =	swait.ge [sflag:s12], $0x2800  }
0x203: {  	s25 =	sld [smem:$0x7F1]  }
0x204: {  	[sflag:s12] =	ssyncset.done $0x0  }
0x205: {  	[sflag:s12] =	ssyncadd.s32 $0xFFFFD800  }
0x206: {  	[tilespmem:s0], [sflag:$0x3] =	stream.indirect.gather [hbm4b:s4+s30], $0x80, s25, s30, $0xb8;
	[tilespmem:$0x1F880] =	vst v63  }
0x207: {  	_ =	swait.ge [sflag:s13], $0x2800  }
0x208: {  	s25 =	sld [smem:$0x7F2]  }
0x209: {  	[sflag:s13] =	ssyncset.done $0x0  }
0x20a: {  	[sflag:s13] =	ssyncadd.s32 $0xFFFFD800  }
0x20b: {  	[tilespmem:s1], [sflag:$0x4] =	stream.indirect.gather [hbm4b:s4+s30], $0x80, s25, s30, $0xb8;
	[tilespmem:$0x1F880] =	vst v63  }
0x20c: {  	_ =	swait.ge [sflag:s7], $0x2800  }
0x20d: {  	s25 =	sld [smem:$0x7F3]  }
0x20e: {  	[sflag:s7] =	ssyncset.done $0x0  }
0x20f: {  	[sflag:s7] =	ssyncadd.s32 $0xFFFFD800  }
0x210: {  	[spmem:s2] =	stream.indirect.scatter.add.f32 [tilespmem:s24], [sflag:$0x5], $0x80, s25, s30, $0xb8;
	[tilespmem:$0x1F880] =	vst v63  }
0x211: {  	_ =	swait.ge [sflag:s8], $0x2800  }
0x212: {  	s25 =	sld [smem:$0x7F5]  }
0x213: {  	[sflag:s8] =	ssyncset.done $0x0  }
0x214: {  	[sflag:s8] =	ssyncadd.s32 $0xFFFFD800  }
0x215: {  	[spmem:s2] =	stream.indirect.scatter.add.f32 [tilespmem:s31], [sflag:$0x6], $0x80, s25, s30, $0xb8;
	[tilespmem:$0x1F880] =	vst v63  }
0x216: {  	_ =	swait.ge [sflag:s6], $0x2800  }
0x217: {  	s25 =	sld [smem:$0x7F6]  }
0x218: {  	[sflag:s6] =	ssyncset.done $0x0  }
0x219: {  	[sflag:s6] =	ssyncadd.s32 $0xFFFFD800  }
0x21a: {  	[spmem:s2] =	stream.indirect.scatter.add.f32 [tilespmem:s0], [sflag:$0x7], $0x80, s25, s30, $0xb8;
	[tilespmem:$0x1F880] =	vst v63  }
0x21b: {  	_ =	swait.ge [sflag:s9], $0x2800  }
0x21c: {  	s25 =	sld [smem:$0x7F8]  }
0x21d: {  	[sflag:s9] =	ssyncset.done $0x0  }
0x21e: {  	[sflag:s9] =	ssyncadd.s32 $0xFFFFD800  }
0x21f: {  	[spmem:s2] =	stream.indirect.scatter.add.f32 [tilespmem:s1], [sflag:$0x8], $0x80, s25, s30, $0xb8;
	[tilespmem:$0x1F880] =	vst v63  }
0x220: {  	_ =	swait.ge [sflag:s10], $0x2800  }
0x221: {  	s25 =	sld [smem:$0x7F9]  }
0x222: {  	[sflag:s10] =	ssyncset.done $0x0  }
0x223: {  	[sflag:s10] =	ssyncadd.s32 $0xFFFFD800  }
0x224: {  	[tilespmem:s24], [sflag:$0x1] =	stream.indirect.gather [hbm4b:s4+s30], $0x80, s25, s30, $0xb8;
	[tilespmem:$0x1F880] =	vst v63  }
0x225: {  	_ =	swait.ge [sflag:s11], $0x2800  }
0x226: {  	s25 =	sld [smem:$0x7FA]  }
0x227: {  	[sflag:s11] =	ssyncset.done $0x0  }
0x228: {  	[sflag:s11] =	ssyncadd.s32 $0xFFFFD800  }
0x229: {  	[tilespmem:s31], [sflag:$0x2] =	stream.indirect.gather [hbm4b:s4+s30], $0x80, s25, s30, $0xb8;
	[tilespmem:$0x1F880] =	vst v63  }
0x22a: {  	_ =	swait.ge [sflag:s12], $0x2800  }
0x22b: {  	[sflag:s12] =	ssyncset.done $0x0  }
0x22c: {  	[sflag:s12] =	ssyncadd.s32 $0xFFFFD800  }
0x22d: {  	[tilespmem:s0], [sflag:$0x3] =	stream.indirect.gather [hbm4b:s4+s30], $0x80, s14, s30, $0xb8;
	[tilespmem:$0x1F880] =	vst v63  }
0x22e: {  	_ =	swait.ge [sflag:s13], $0x2800  }
0x22f: {  	[sflag:s13] =	ssyncset.done $0x0  }
0x230: {  	[sflag:s13] =	ssyncadd.s32 $0xFFFFD800  }
0x231: {  	[tilespmem:s1], [sflag:$0x4] =	stream.indirect.gather [hbm4b:s4+s30], $0x80, s15, s30, $0xb8;
	[tilespmem:$0x1F880] =	vst v63  }
0x232: {  	_ =	swait.ge [sflag:s7], $0x2800  }
0x233: {  	[sflag:s7] =	ssyncset.done $0x0  }
0x234: {  	[sflag:s7] =	ssyncadd.s32 $0xFFFFD800  }
0x235: {  	[spmem:s2] =	stream.indirect.scatter.add.f32 [tilespmem:s24], [sflag:$0x5], $0x80, s16, s30, $0xb8;
	[tilespmem:$0x1F880] =	vst v63  }
0x236: {  	_ =	swait.ge [sflag:s8], $0x2800  }
0x237: {  	[sflag:s8] =	ssyncset.done $0x0  }
0x238: {  	[sflag:s8] =	ssyncadd.s32 $0xFFFFD800  }
0x239: {  	[spmem:s2] =	stream.indirect.scatter.add.f32 [tilespmem:s31], [sflag:$0x6], $0x80, s17, s30, $0xb8;
	[tilespmem:$0x1F880] =	vst v63  }
0x23a: {  	_ =	swait.ge [sflag:s6], $0x2800  }
0x23b: {  	[sflag:s6] =	ssyncset.done $0x0  }
0x23c: {  	[sflag:s6] =	ssyncadd.s32 $0xFFFFD800  }
0x23d: {  	[spmem:s2] =	stream.indirect.scatter.add.f32 [tilespmem:s0], [sflag:$0x7], $0x80, s18, s30, $0xb8;
	[tilespmem:$0x1F880] =	vst v63  }
0x23e: {  	_ =	swait.ge [sflag:s9], $0x2800  }
0x23f: {  	[sflag:s9] =	ssyncset.done $0x0  }
0x240: {  	[sflag:s9] =	ssyncadd.s32 $0xFFFFD800  }
0x241: {  	[spmem:s2] =	stream.indirect.scatter.add.f32 [tilespmem:s1], [sflag:$0x8], $0x80, s19, s30, $0xb8;
	[tilespmem:$0x1F880] =	vst v63  }
0x242: {  	_ =	swait.ge [sflag:s10], $0x2800  }
0x243: {  	[sflag:s10] =	ssyncset.done $0x0  }
0x244: {  	[sflag:s10] =	ssyncadd.s32 $0xFFFFD800  }
0x245: {  	[tilespmem:s24], [sflag:$0x1] =	stream.indirect.gather [hbm4b:s4+s30], $0x80, s20, s30, $0xb8;
	[tilespmem:$0x1F880] =	vst v63  }
0x246: {  	_ =	swait.ge [sflag:s7], $0x2800  }
0x247: {  	[sflag:s7] =	ssyncset.done $0x0  }
0x248: {  	[sflag:s7] =	ssyncadd.s32 $0xFFFFD800  }
0x249: {  	[spmem:s2] =	stream.indirect.scatter.add.f32 [tilespmem:s24], [sflag:$0x5], $0x80, s21, s30, $0xb8;
	[tilespmem:$0x1F880] =	vst v63  }
0x24a: {  	_ =	swait.ge [sflag:s10], $0x2800  }
0x24b: {  	[sflag:s10] =	ssyncset.done $0x0  }
0x24c: {  	[sflag:s10] =	ssyncadd.s32 $0xFFFFD800  }
0x24d: {  	_ =	swait.ge [sflag:s11], $0x2800  }
0x24e: {  	[sflag:s11] =	ssyncset.done $0x0  }
0x24f: {  	p1 =	sne.s32 s22, $0x800;
	[sflag:s11] =	ssyncadd.s32 $0xFFFFD800  }
.Ltmp0:
0x250: {  	_ =	swait.ge [sflag:s12], $0x2800;
	(pc) =	sbr.rel @p1 .LBB2_2-.Ltmp0, $4  }
0x251: {  	[sflag:s12] =	ssyncset.done $0x0  }
0x252: {  	[sflag:s12] =	ssyncadd.s32 $0xFFFFD800  }
0x253: {  	_ =	swait.ge [sflag:s13], $0x2800  }
0x254: {  	s22 =	sadd.s32 $0x200, s22;
	s5 =	rddreg [dreg:$0x3];
	[sflag:s13] =	ssyncset.done $0x0  }
0x255: {  	[sflag:s13] =	ssyncadd.s32 $0xFFFFD800;
	s5 =	sadd.s32 s23, s5  }
0x256: {  	[tilespmem:s28], [sflag:$0x9] =	stream.linear.gather [hbm4b:s5+s3], $0xC80, $0x38;
	[tilespmem:$0x1F880] =	vst v63  }
0x257: {  	_ =	swait.ge [sflag:s26], $0xC80  }
0x258: {  	s22 =	rddreg [dreg:$0x4];
	[sflag:s26] =	ssyncset.done $0x0  }
0x259: {  	[sflag:s26] =	ssyncadd.s32 $0xFFFFF380;
	s5 =	sadd.s32 s23, s22  }
0x25a: {  	[tilespmem:s29], [sflag:$0x9] =	stream.linear.gather [hbm4b:s5+s3], $0xC80, $0x38;
	[tilespmem:$0x1F880] =	vst v63  }
0x25b: {  	_ =	swait.ge [sflag:s26], $0xC80  }
0x25c: {  	[sflag:s26] =	ssyncset.done $0x0  }
0x25d: {  	[sflag:s26] =	ssyncadd.s32 $0xFFFFF380  }
0x25e: {  	[tilespmem:s24], [sflag:$0x1] =	stream.indirect.gather [hbm4b:s4+s30], $0x80, s28, s30, $0xb8;
	[tilespmem:$0x1F880] =	vst v63  }
0x25f: {  	s23 =	rddreg [dreg:$0x5]  }
0x260: {  	[tilespmem:s31], [sflag:$0x2] =	stream.indirect.gather [hbm4b:s4+s30], $0x80, s23, s30, $0xb8;
	[tilespmem:$0x1F880] =	vst v63  }
0x261: {  	s22 =	rddreg [dreg:$0x6]  }
0x262: {  	[tilespmem:s0], [sflag:$0x3] =	stream.indirect.gather [hbm4b:s4+s30], $0x80, s22, s30, $0xb8;
	[tilespmem:$0x1F880] =	vst v63  }
0x263: {  	s25 =	rddreg [dreg:$0x7]  }
0x264: {  	[tilespmem:s1], [sflag:$0x4] =	stream.indirect.gather [hbm4b:s4+s30], $0x80, s25, s30, $0xb8;
	[tilespmem:$0x1F880] =	vst v63  }
0x265: {  	_ =	swait.ge [sflag:s7], $0x2800  }
0x266: {  	[sflag:s7] =	ssyncset.done $0x0  }
0x267: {  	[sflag:s7] =	ssyncadd.s32 $0xFFFFD800  }
0x268: {  	[spmem:s2] =	stream.indirect.scatter.add.f32 [tilespmem:s24], [sflag:$0x5], $0x80, s29, s30, $0xb8;
	[tilespmem:$0x1F880] =	vst v63  }
0x269: {  	_ =	swait.ge [sflag:s8], $0x2800  }
0x26a: {  	[sflag:s8] =	ssyncset.done $0x0  }
0x26b: {  	s23 =	rddreg [dreg:$0x8];
	[sflag:s8] =	ssyncadd.s32 $0xFFFFD800  }
0x26c: {  	[spmem:s2] =	stream.indirect.scatter.add.f32 [tilespmem:s31], [sflag:$0x6], $0x80, s23, s30, $0xb8;
	[tilespmem:$0x1F880] =	vst v63  }
0x26d: {  	_ =	swait.ge [sflag:s6], $0x2800  }
0x26e: {  	[sflag:s6] =	ssyncset.done $0x0  }
0x26f: {  	s25 =	rddreg [dreg:$0x9];
	[sflag:s6] =	ssyncadd.s32 $0xFFFFD800  }
0x270: {  	[spmem:s2] =	stream.indirect.scatter.add.f32 [tilespmem:s0], [sflag:$0x7], $0x80, s25, s30, $0xb8;
	[tilespmem:$0x1F880] =	vst v63  }
0x271: {  	_ =	swait.ge [sflag:s9], $0x2800  }
0x272: {  	[sflag:s9] =	ssyncset.done $0x0  }
0x273: {  	s22 =	rddreg [dreg:$0xa];
	[sflag:s9] =	ssyncadd.s32 $0xFFFFD800  }
0x274: {  	[spmem:s2] =	stream.indirect.scatter.add.f32 [tilespmem:s1], [sflag:$0x8], $0x80, s22, s30, $0xb8;
	[tilespmem:$0x1F880] =	vst v63  }
0x275: {  	_ =	swait.ge [sflag:s10], $0x2800  }
0x276: {  	[sflag:s10] =	ssyncset.done $0x0  }
0x277: {  	s23 =	rddreg [dreg:$0xb];
	[sflag:s10] =	ssyncadd.s32 $0xFFFFD800  }
0x278: {  	[tilespmem:s24], [sflag:$0x1] =	stream.indirect.gather [hbm4b:s4+s30], $0x80, s23, s30, $0xb8;
	[tilespmem:$0x1F880] =	vst v63  }
0x279: {  	_ =	swait.ge [sflag:s11], $0x2800  }
0x27a: {  	[sflag:s11] =	ssyncset.done $0x0  }
0x27b: {  	s25 =	rddreg [dreg:$0xc];
	[sflag:s11] =	ssyncadd.s32 $0xFFFFD800  }
0x27c: {  	[tilespmem:s31], [sflag:$0x2] =	stream.indirect.gather [hbm4b:s4+s30], $0x80, s25, s30, $0xb8;
	[tilespmem:$0x1F880] =	vst v63  }
0x27d: {  	_ =	swait.ge [sflag:s12], $0x2800  }
0x27e: {  	[sflag:s12] =	ssyncset.done $0x0  }
0x27f: {  	s22 =	rddreg [dreg:$0xd];
	[sflag:s12] =	ssyncadd.s32 $0xFFFFD800  }
0x280: {  	[tilespmem:s0], [sflag:$0x3] =	stream.indirect.gather [hbm4b:s4+s30], $0x80, s22, s30, $0xb8;
	[tilespmem:$0x1F880] =	vst v63  }
0x281: {  	_ =	swait.ge [sflag:s13], $0x2800  }
0x282: {  	[sflag:s13] =	ssyncset.done $0x0  }
0x283: {  	s23 =	rddreg [dreg:$0xe];
	[sflag:s13] =	ssyncadd.s32 $0xFFFFD800  }
0x284: {  	[tilespmem:s1], [sflag:$0x4] =	stream.indirect.gather [hbm4b:s4+s30], $0x80, s23, s30, $0xb8;
	[tilespmem:$0x1F880] =	vst v63  }
0x285: {  	_ =	swait.ge [sflag:s7], $0x2800  }
0x286: {  	[sflag:s7] =	ssyncset.done $0x0  }
0x287: {  	s25 =	rddreg [dreg:$0xf];
	[sflag:s7] =	ssyncadd.s32 $0xFFFFD800  }
0x288: {  	[spmem:s2] =	stream.indirect.scatter.add.f32 [tilespmem:s24], [sflag:$0x5], $0x80, s25, s30, $0xb8;
	[tilespmem:$0x1F880] =	vst v63  }
0x289: {  	_ =	swait.ge [sflag:s8], $0x2800  }
0x28a: {  	[sflag:s8] =	ssyncset.done $0x0  }
0x28b: {  	s22 =	rddreg [dreg:$0x10];
	[sflag:s8] =	ssyncadd.s32 $0xFFFFD800  }
0x28c: {  	[spmem:s2] =	stream.indirect.scatter.add.f32 [tilespmem:s31], [sflag:$0x6], $0x80, s22, s30, $0xb8;
	[tilespmem:$0x1F880] =	vst v63  }
0x28d: {  	_ =	swait.ge [sflag:s6], $0x2800  }
0x28e: {  	[sflag:s6] =	ssyncset.done $0x0  }
0x28f: {  	s23 =	rddreg [dreg:$0x11];
	[sflag:s6] =	ssyncadd.s32 $0xFFFFD800  }
0x290: {  	[spmem:s2] =	stream.indirect.scatter.add.f32 [tilespmem:s0], [sflag:$0x7], $0x80, s23, s30, $0xb8;
	[tilespmem:$0x1F880] =	vst v63  }
0x291: {  	_ =	swait.ge [sflag:s9], $0x2800  }
0x292: {  	[sflag:s9] =	ssyncset.done $0x0  }
0x293: {  	s25 =	rddreg [dreg:$0x12];
	[sflag:s9] =	ssyncadd.s32 $0xFFFFD800  }
0x294: {  	[spmem:s2] =	stream.indirect.scatter.add.f32 [tilespmem:s1], [sflag:$0x8], $0x80, s25, s30, $0xb8;
	[tilespmem:$0x1F880] =	vst v63  }
0x295: {  	_ =	swait.ge [sflag:s10], $0x2800  }
0x296: {  	[sflag:s10] =	ssyncset.done $0x0  }
0x297: {  	s22 =	rddreg [dreg:$0x13];
	[sflag:s10] =	ssyncadd.s32 $0xFFFFD800  }
0x298: {  	[tilespmem:s24], [sflag:$0x1] =	stream.indirect.gather [hbm4b:s4+s30], $0x80, s22, s30, $0xb8;
	[tilespmem:$0x1F880] =	vst v63  }
0x299: {  	_ =	swait.ge [sflag:s11], $0x2800  }
0x29a: {  	[sflag:s11] =	ssyncset.done $0x0  }
0x29b: {  	s23 =	rddreg [dreg:$0x14];
	[sflag:s11] =	ssyncadd.s32 $0xFFFFD800  }
0x29c: {  	[tilespmem:s31], [sflag:$0x2] =	stream.indirect.gather [hbm4b:s4+s30], $0x80, s23, s30, $0xb8;
	[tilespmem:$0x1F880] =	vst v63  }
0x29d: {  	_ =	swait.ge [sflag:s12], $0x2800  }
0x29e: {  	[sflag:s12] =	ssyncset.done $0x0  }
0x29f: {  	s25 =	rddreg [dreg:$0x15];
	[sflag:s12] =	ssyncadd.s32 $0xFFFFD800  }
0x2a0: {  	[tilespmem:s0], [sflag:$0x3] =	stream.indirect.gather [hbm4b:s4+s30], $0x80, s25, s30, $0xb8;
	[tilespmem:$0x1F880] =	vst v63  }
0x2a1: {  	_ =	swait.ge [sflag:s13], $0x2800  }
0x2a2: {  	[sflag:s13] =	ssyncset.done $0x0  }
0x2a3: {  	s22 =	rddreg [dreg:$0x16];
	[sflag:s13] =	ssyncadd.s32 $0xFFFFD800  }
0x2a4: {  	[tilespmem:s1], [sflag:$0x4] =	stream.indirect.gather [hbm4b:s4+s30], $0x80, s22, s30, $0xb8;
	[tilespmem:$0x1F880] =	vst v63  }
0x2a5: {  	_ =	swait.ge [sflag:s7], $0x2800  }
0x2a6: {  	[sflag:s7] =	ssyncset.done $0x0  }
0x2a7: {  	s23 =	rddreg [dreg:$0x17];
	[sflag:s7] =	ssyncadd.s32 $0xFFFFD800  }
0x2a8: {  	[spmem:s2] =	stream.indirect.scatter.add.f32 [tilespmem:s24], [sflag:$0x5], $0x80, s23, s30, $0xb8;
	[tilespmem:$0x1F880] =	vst v63  }
0x2a9: {  	_ =	swait.ge [sflag:s8], $0x2800  }
0x2aa: {  	[sflag:s8] =	ssyncset.done $0x0  }
0x2ab: {  	s25 =	rddreg [dreg:$0x18];
	[sflag:s8] =	ssyncadd.s32 $0xFFFFD800  }
0x2ac: {  	[spmem:s2] =	stream.indirect.scatter.add.f32 [tilespmem:s31], [sflag:$0x6], $0x80, s25, s30, $0xb8;
	[tilespmem:$0x1F880] =	vst v63  }
0x2ad: {  	_ =	swait.ge [sflag:s6], $0x2800  }
0x2ae: {  	[sflag:s6] =	ssyncset.done $0x0  }
0x2af: {  	s22 =	rddreg [dreg:$0x19];
	[sflag:s6] =	ssyncadd.s32 $0xFFFFD800  }
0x2b0: {  	[spmem:s2] =	stream.indirect.scatter.add.f32 [tilespmem:s0], [sflag:$0x7], $0x80, s22, s30, $0xb8;
	[tilespmem:$0x1F880] =	vst v63  }
0x2b1: {  	_ =	swait.ge [sflag:s9], $0x2800  }
0x2b2: {  	[sflag:s9] =	ssyncset.done $0x0  }
0x2b3: {  	s23 =	rddreg [dreg:$0x1a];
	[sflag:s9] =	ssyncadd.s32 $0xFFFFD800  }
0x2b4: {  	[spmem:s2] =	stream.indirect.scatter.add.f32 [tilespmem:s1], [sflag:$0x8], $0x80, s23, s30, $0xb8;
	[tilespmem:$0x1F880] =	vst v63  }
0x2b5: {  	_ =	swait.ge [sflag:s10], $0x2800  }
0x2b6: {  	[sflag:s10] =	ssyncset.done $0x0  }
0x2b7: {  	s25 =	rddreg [dreg:$0x1b];
	[sflag:s10] =	ssyncadd.s32 $0xFFFFD800  }
0x2b8: {  	[tilespmem:s24], [sflag:$0x1] =	stream.indirect.gather [hbm4b:s4+s30], $0x80, s25, s30, $0xb8;
	[tilespmem:$0x1F880] =	vst v63  }
0x2b9: {  	_ =	swait.ge [sflag:s11], $0x2800  }
0x2ba: {  	[sflag:s11] =	ssyncset.done $0x0  }
0x2bb: {  	s22 =	rddreg [dreg:$0x1c];
	[sflag:s11] =	ssyncadd.s32 $0xFFFFD800  }
0x2bc: {  	[tilespmem:s31], [sflag:$0x2] =	stream.indirect.gather [hbm4b:s4+s30], $0x80, s22, s30, $0xb8;
	[tilespmem:$0x1F880] =	vst v63  }
0x2bd: {  	_ =	swait.ge [sflag:s12], $0x2800  }
0x2be: {  	[sflag:s12] =	ssyncset.done $0x0  }
0x2bf: {  	s23 =	rddreg [dreg:$0x1d];
	[sflag:s12] =	ssyncadd.s32 $0xFFFFD800  }
0x2c0: {  	[tilespmem:s0], [sflag:$0x3] =	stream.indirect.gather [hbm4b:s4+s30], $0x80, s23, s30, $0xb8;
	[tilespmem:$0x1F880] =	vst v63  }
0x2c1: {  	_ =	swait.ge [sflag:s13], $0x2800  }
0x2c2: {  	[sflag:s13] =	ssyncset.done $0x0  }
0x2c3: {  	s25 =	rddreg [dreg:$0x1e];
	[sflag:s13] =	ssyncadd.s32 $0xFFFFD800  }
0x2c4: {  	[tilespmem:s1], [sflag:$0x4] =	stream.indirect.gather [hbm4b:s4+s30], $0x80, s25, s30, $0xb8;
	[tilespmem:$0x1F880] =	vst v63  }
0x2c5: {  	_ =	swait.ge [sflag:s7], $0x2800  }
0x2c6: {  	[sflag:s7] =	ssyncset.done $0x0  }
0x2c7: {  	s22 =	rddreg [dreg:$0x1f];
	[sflag:s7] =	ssyncadd.s32 $0xFFFFD800  }
0x2c8: {  	[spmem:s2] =	stream.indirect.scatter.add.f32 [tilespmem:s24], [sflag:$0x5], $0x80, s22, s30, $0xb8;
	[tilespmem:$0x1F880] =	vst v63  }
0x2c9: {  	_ =	swait.ge [sflag:s8], $0x2800  }
0x2ca: {  	s23 =	sld [smem:$0x7EA]  }
0x2cb: {  	[sflag:s8] =	ssyncset.done $0x0  }
0x2cc: {  	[sflag:s8] =	ssyncadd.s32 $0xFFFFD800  }
0x2cd: {  	[spmem:s2] =	stream.indirect.scatter.add.f32 [tilespmem:s31], [sflag:$0x6], $0x80, s23, s30, $0xb8;
	[tilespmem:$0x1F880] =	vst v63  }
0x2ce: {  	_ =	swait.ge [sflag:s6], $0x2800  }
0x2cf: {  	s25 =	sld [smem:$0x7EB]  }
0x2d0: {  	[sflag:s6] =	ssyncset.done $0x0  }
0x2d1: {  	[sflag:s6] =	ssyncadd.s32 $0xFFFFD800  }
0x2d2: {  	[spmem:s2] =	stream.indirect.scatter.add.f32 [tilespmem:s0], [sflag:$0x7], $0x80, s25, s30, $0xb8;
	[tilespmem:$0x1F880] =	vst v63  }
0x2d3: {  	_ =	swait.ge [sflag:s9], $0x2800  }
0x2d4: {  	s22 =	sld [smem:$0x7EC]  }
0x2d5: {  	[sflag:s9] =	ssyncset.done $0x0  }
0x2d6: {  	[sflag:s9] =	ssyncadd.s32 $0xFFFFD800  }
0x2d7: {  	[spmem:s2] =	stream.indirect.scatter.add.f32 [tilespmem:s1], [sflag:$0x8], $0x80, s22, s30, $0xb8;
	[tilespmem:$0x1F880] =	vst v63  }
0x2d8: {  	_ =	swait.ge [sflag:s10], $0x2800  }
0x2d9: {  	s23 =	sld [smem:$0x7EE]  }
0x2da: {  	[sflag:s10] =	ssyncset.done $0x0  }
0x2db: {  	[sflag:s10] =	ssyncadd.s32 $0xFFFFD800  }
0x2dc: {  	[tilespmem:s24], [sflag:$0x1] =	stream.indirect.gather [hbm4b:s4+s30], $0x80, s23, s30, $0xb8;
	[tilespmem:$0x1F880] =	vst v63  }
0x2dd: {  	_ =	swait.ge [sflag:s11], $0x2800  }
0x2de: {  	s25 =	sld [smem:$0x7EF]  }
0x2df: {  	[sflag:s11] =	ssyncset.done $0x0  }
0x2e0: {  	[sflag:s11] =	ssyncadd.s32 $0xFFFFD800  }
0x2e1: {  	[tilespmem:s31], [sflag:$0x2] =	stream.indirect.gather [hbm4b:s4+s30], $0x80, s25, s30, $0xb8;
	[tilespmem:$0x1F880] =	vst v63  }
0x2e2: {  	_ =	swait.ge [sflag:s12], $0x2800  }
0x2e3: {  	s22 =	sld [smem:$0x7F1]  }
0x2e4: {  	[sflag:s12] =	ssyncset.done $0x0  }
0x2e5: {  	[sflag:s12] =	ssyncadd.s32 $0xFFFFD800  }
0x2e6: {  	[tilespmem:s0], [sflag:$0x3] =	stream.indirect.gather [hbm4b:s4+s30], $0x80, s22, s30, $0xb8;
	[tilespmem:$0x1F880] =	vst v63  }
0x2e7: {  	_ =	swait.ge [sflag:s13], $0x2800  }
0x2e8: {  	s23 =	sld [smem:$0x7F2]  }
0x2e9: {  	[sflag:s13] =	ssyncset.done $0x0  }
0x2ea: {  	[sflag:s13] =	ssyncadd.s32 $0xFFFFD800  }
0x2eb: {  	[tilespmem:s1], [sflag:$0x4] =	stream.indirect.gather [hbm4b:s4+s30], $0x80, s23, s30, $0xb8;
	[tilespmem:$0x1F880] =	vst v63  }
0x2ec: {  	_ =	swait.ge [sflag:s7], $0x2800  }
0x2ed: {  	s25 =	sld [smem:$0x7F3]  }
0x2ee: {  	[sflag:s7] =	ssyncset.done $0x0  }
0x2ef: {  	[sflag:s7] =	ssyncadd.s32 $0xFFFFD800  }
0x2f0: {  	[spmem:s2] =	stream.indirect.scatter.add.f32 [tilespmem:s24], [sflag:$0x5], $0x80, s25, s30, $0xb8;
	[tilespmem:$0x1F880] =	vst v63  }
0x2f1: {  	_ =	swait.ge [sflag:s8], $0x2800  }
0x2f2: {  	s22 =	sld [smem:$0x7F5]  }
0x2f3: {  	[sflag:s8] =	ssyncset.done $0x0  }
0x2f4: {  	[sflag:s8] =	ssyncadd.s32 $0xFFFFD800  }
0x2f5: {  	[spmem:s2] =	stream.indirect.scatter.add.f32 [tilespmem:s31], [sflag:$0x6], $0x80, s22, s30, $0xb8;
	[tilespmem:$0x1F880] =	vst v63  }
0x2f6: {  	_ =	swait.ge [sflag:s6], $0x2800  }
0x2f7: {  	s23 =	sld [smem:$0x7F6]  }
0x2f8: {  	[sflag:s6] =	ssyncset.done $0x0  }
0x2f9: {  	[sflag:s6] =	ssyncadd.s32 $0xFFFFD800  }
0x2fa: {  	[spmem:s2] =	stream.indirect.scatter.add.f32 [tilespmem:s0], [sflag:$0x7], $0x80, s23, s30, $0xb8;
	[tilespmem:$0x1F880] =	vst v63  }
0x2fb: {  	_ =	swait.ge [sflag:s9], $0x2800  }
0x2fc: {  	s25 =	sld [smem:$0x7F8]  }
0x2fd: {  	[sflag:s9] =	ssyncset.done $0x0  }
0x2fe: {  	[sflag:s9] =	ssyncadd.s32 $0xFFFFD800  }
0x2ff: {  	[spmem:s2] =	stream.indirect.scatter.add.f32 [tilespmem:s1], [sflag:$0x8], $0x80, s25, s30, $0xb8;
	[tilespmem:$0x1F880] =	vst v63  }
0x300: {  	_ =	swait.ge [sflag:s10], $0x2800  }
0x301: {  	s22 =	sld [smem:$0x7F9]  }
0x302: {  	[sflag:s10] =	ssyncset.done $0x0  }
0x303: {  	[sflag:s10] =	ssyncadd.s32 $0xFFFFD800  }
0x304: {  	[tilespmem:s24], [sflag:$0x1] =	stream.indirect.gather [hbm4b:s4+s30], $0x80, s22, s30, $0xb8;
	[tilespmem:$0x1F880] =	vst v63  }
0x305: {  	_ =	swait.ge [sflag:s11], $0x2800  }
0x306: {  	s23 =	sld [smem:$0x7FA]  }
0x307: {  	[sflag:s11] =	ssyncset.done $0x0  }
0x308: {  	[sflag:s11] =	ssyncadd.s32 $0xFFFFD800  }
0x309: {  	[tilespmem:s31], [sflag:$0x2] =	stream.indirect.gather [hbm4b:s4+s30], $0x80, s23, s30, $0xb8;
	[tilespmem:$0x1F880] =	vst v63  }
0x30a: {  	_ =	swait.ge [sflag:s12], $0x2800  }
0x30b: {  	[sflag:s12] =	ssyncset.done $0x0  }
0x30c: {  	[sflag:s12] =	ssyncadd.s32 $0xFFFFD800  }
0x30d: {  	[tilespmem:s0], [sflag:$0x3] =	stream.indirect.gather [hbm4b:s4+s30], $0x80, s14, s30, $0xb8;
	[tilespmem:$0x1F880] =	vst v63  }
0x30e: {  	_ =	swait.ge [sflag:s13], $0x2800  }
0x30f: {  	[sflag:s13] =	ssyncset.done $0x0  }
0x310: {  	[sflag:s13] =	ssyncadd.s32 $0xFFFFD800  }
0x311: {  	[tilespmem:s1], [sflag:$0x4] =	stream.indirect.gather [hbm4b:s4+s30], $0x80, s15, s30, $0xb8;
	[tilespmem:$0x1F880] =	vst v63  }
0x312: {  	_ =	swait.ge [sflag:s7], $0x2800  }
0x313: {  	[sflag:s7] =	ssyncset.done $0x0  }
0x314: {  	[sflag:s7] =	ssyncadd.s32 $0xFFFFD800  }
0x315: {  	[spmem:s2] =	stream.indirect.scatter.add.f32 [tilespmem:s24], [sflag:$0x5], $0x80, s16, s30, $0xb8;
	[tilespmem:$0x1F880] =	vst v63  }
0x316: {  	_ =	swait.ge [sflag:s8], $0x2800  }
0x317: {  	[sflag:s8] =	ssyncset.done $0x0  }
0x318: {  	[sflag:s8] =	ssyncadd.s32 $0xFFFFD800  }
0x319: {  	[spmem:s2] =	stream.indirect.scatter.add.f32 [tilespmem:s31], [sflag:$0x6], $0x80, s17, s30, $0xb8;
	[tilespmem:$0x1F880] =	vst v63  }
0x31a: {  	_ =	swait.ge [sflag:s6], $0x2800  }
0x31b: {  	[sflag:s6] =	ssyncset.done $0x0  }
0x31c: {  	[sflag:s6] =	ssyncadd.s32 $0xFFFFD800  }
0x31d: {  	[spmem:s2] =	stream.indirect.scatter.add.f32 [tilespmem:s0], [sflag:$0x7], $0x80, s18, s30, $0xb8;
	[tilespmem:$0x1F880] =	vst v63  }
0x31e: {  	_ =	swait.ge [sflag:s9], $0x2800  }
0x31f: {  	[sflag:s9] =	ssyncset.done $0x0  }
0x320: {  	[sflag:s9] =	ssyncadd.s32 $0xFFFFD800  }
0x321: {  	[spmem:s2] =	stream.indirect.scatter.add.f32 [tilespmem:s1], [sflag:$0x8], $0x80, s19, s30, $0xb8;
	[tilespmem:$0x1F880] =	vst v63  }
0x322: {  	_ =	swait.ge [sflag:s10], $0x2800  }
0x323: {  	[sflag:s10] =	ssyncset.done $0x0  }
0x324: {  	[sflag:s10] =	ssyncadd.s32 $0xFFFFD800  }
0x325: {  	[tilespmem:s24], [sflag:$0x1] =	stream.indirect.gather [hbm4b:s4+s30], $0x80, s20, s30, $0xb8;
	[tilespmem:$0x1F880] =	vst v63  }
0x326: {  	_ =	swait.ge [sflag:s7], $0x2800  }
0x327: {  	[sflag:s7] =	ssyncset.done $0x0  }
0x328: {  	[sflag:s7] =	ssyncadd.s32 $0xFFFFD800  }
0x329: {  	[spmem:s2] =	stream.indirect.scatter.add.f32 [tilespmem:s24], [sflag:$0x5], $0x80, s21, s30, $0xb8;
	[tilespmem:$0x1F880] =	vst v63  }
0x32a: {  	_ =	swait.ge [sflag:s10], $0x2800  }
0x32b: {  	[sflag:s10] =	ssyncset.done $0x0  }
0x32c: {  	[sflag:s10] =	ssyncadd.s32 $0xFFFFD800  }
0x32d: {  	_ =	swait.ge [sflag:s11], $0x2800  }
0x32e: {  	[sflag:s11] =	ssyncset.done $0x0  }
0x32f: {  	[sflag:s11] =	ssyncadd.s32 $0xFFFFD800  }
0x330: {  	_ =	swait.ge [sflag:s12], $0x2800  }
0x331: {  	[sflag:s12] =	ssyncset.done $0x0  }
0x332: {  	[sflag:s12] =	ssyncadd.s32 $0xFFFFD800  }
0x333: {  	_ =	swait.ge [sflag:s13], $0x2800  }
0x334: {  	[sflag:s13] =	ssyncset.done $0x0  }
0x335: {  	[sflag:s13] =	ssyncadd.s32 $0xFFFFD800  }
0x336: {  	[bflag:$0x0] =	sbarrier.arrive $0xFFFF  }
0x337: {  	s25 =	sld [smem:$0x7FC];
	_ =	sdelay $0x2  }
0x338: {  	[tilespmem:s24], [sflag:$0xA] =	stream.linear.gather [spmem:s25], $0x2800, $0x38;
	[tilespmem:$0x1F880] =	vst v63  }
0x339: {  	s25 =	simm.s32 $0xA  }
0x33a: {  	_ =	swait.ge [sflag:s25], $0x2800  }
0x33b: {  	s23 =	sld [smem:$0x7DD]  }
0x33c: {  	s22 =	sld [smem:$0x7DF];
	_ =	sdelay $0x1  }
0x33d: {  	[sflag:s25] =	ssyncset.done $0x0  }
0x33e: {  	[sflag:s25] =	ssyncadd.s32 $0xFFFFD800;
	s5 =	sadd.s32 s22, s23  }
0x33f: {  	[hbm4b:s5+s3] =	stream.linear.scatter [tilespmem:s24], [sflag:$0x9], $0x2800, $0x38;
	[tilespmem:$0x1F880] =	vst v63  }
0x340: {  	_ =	swait.ge [sflag:s26], $0x2800  }
0x341: {  	s22 =	sld [smem:$0x7E1]  }
0x342: {  	[sflag:s26] =	ssyncset.done $0x0  }
0x343: {  	[sflag:s26] =	ssyncadd.s32 $0xFFFFD800  }
0x344: {  	[tilespmem:s24], [sflag:$0xA] =	stream.linear.gather [spmem:s22], $0x2800, $0x38;
	[tilespmem:$0x1F880] =	vst v63  }
0x345: {  	_ =	swait.ge [sflag:s25], $0x2800  }
0x346: {  	s22 =	sld [smem:$0x7FD];
	_ =	sdelay $0x1  }
0x347: {  	[sflag:s25] =	ssyncset.done $0x0  }
0x348: {  	[sflag:s25] =	ssyncadd.s32 $0xFFFFD800;
	s5 =	sadd.s32 s22, s23  }
0x349: {  	[hbm4b:s5+s3] =	stream.linear.scatter [tilespmem:s24], [sflag:$0x9], $0x2800, $0x38;
	[tilespmem:$0x1F880] =	vst v63  }
0x34a: {  	_ =	swait.ge [sflag:s26], $0x2800  }
0x34b: {  	s22 =	sld [smem:$0x7E3]  }
0x34c: {  	[sflag:s26] =	ssyncset.done $0x0  }
0x34d: {  	[sflag:s26] =	ssyncadd.s32 $0xFFFFD800  }
0x34e: {  	[tilespmem:s24], [sflag:$0xA] =	stream.linear.gather [spmem:s22], $0x2800, $0x38;
	[tilespmem:$0x1F880] =	vst v63  }
0x34f: {  	_ =	swait.ge [sflag:s25], $0x2800  }
0x350: {  	s22 =	sld [smem:$0x7E2];
	_ =	sdelay $0x1  }
0x351: {  	[sflag:s25] =	ssyncset.done $0x0  }
0x352: {  	[sflag:s25] =	ssyncadd.s32 $0xFFFFD800;
	s5 =	sadd.s32 s22, s23  }
0x353: {  	[hbm4b:s5+s3] =	stream.linear.scatter [tilespmem:s24], [sflag:$0x9], $0x2800, $0x38;
	[tilespmem:$0x1F880] =	vst v63  }
0x354: {  	_ =	swait.ge [sflag:s26], $0x2800  }
0x355: {  	s22 =	sld [smem:$0x7E5]  }
0x356: {  	[sflag:s26] =	ssyncset.done $0x0  }
0x357: {  	[sflag:s26] =	ssyncadd.s32 $0xFFFFD800  }
0x358: {  	[tilespmem:s24], [sflag:$0xA] =	stream.linear.gather [spmem:s22], $0x2800, $0x38;
	[tilespmem:$0x1F880] =	vst v63  }
0x359: {  	_ =	swait.ge [sflag:s25], $0x2800  }
0x35a: {  	s22 =	sld [smem:$0x7E4];
	_ =	sdelay $0x1  }
0x35b: {  	[sflag:s25] =	ssyncset.done $0x0  }
0x35c: {  	[sflag:s25] =	ssyncadd.s32 $0xFFFFD800;
	s5 =	sadd.s32 s22, s23  }
0x35d: {  	[hbm4b:s5+s3] =	stream.linear.scatter [tilespmem:s24], [sflag:$0x9], $0x2800, $0x38;
	[tilespmem:$0x1F880] =	vst v63  }
0x35e: {  	_ =	swait.ge [sflag:s26], $0x2800  }
0x35f: {  	s22 =	sld [smem:$0x7E7]  }
0x360: {  	[sflag:s26] =	ssyncset.done $0x0  }
0x361: {  	[sflag:s26] =	ssyncadd.s32 $0xFFFFD800  }
0x362: {  	[tilespmem:s24], [sflag:$0xA] =	stream.linear.gather [spmem:s22], $0x2800, $0x38;
	[tilespmem:$0x1F880] =	vst v63  }
0x363: {  	_ =	swait.ge [sflag:s25], $0x2800  }
0x364: {  	s22 =	sld [smem:$0x7E6];
	_ =	sdelay $0x1  }
0x365: {  	[sflag:s25] =	ssyncset.done $0x0  }
0x366: {  	[sflag:s25] =	ssyncadd.s32 $0xFFFFD800;
	s5 =	sadd.s32 s22, s23  }
0x367: {  	[hbm4b:s5+s3] =	stream.linear.scatter [tilespmem:s24], [sflag:$0x9], $0x2800, $0x38;
	[tilespmem:$0x1F880] =	vst v63  }
0x368: {  	_ =	swait.ge [sflag:s26], $0x2800  }
0x369: {  	s22 =	sld [smem:$0x7E9]  }
0x36a: {  	[sflag:s26] =	ssyncset.done $0x0  }
0x36b: {  	[sflag:s26] =	ssyncadd.s32 $0xFFFFD800  }
0x36c: {  	[tilespmem:s24], [sflag:$0xA] =	stream.linear.gather [spmem:s22], $0x2800, $0x38;
	[tilespmem:$0x1F880] =	vst v63  }
0x36d: {  	_ =	swait.ge [sflag:s25], $0x2800  }
0x36e: {  	s22 =	sld [smem:$0x7E8];
	_ =	sdelay $0x1  }
0x36f: {  	[sflag:s25] =	ssyncset.done $0x0  }
0x370: {  	[sflag:s25] =	ssyncadd.s32 $0xFFFFD800;
	s5 =	sadd.s32 s22, s23  }
0x371: {  	[hbm4b:s5+s3] =	stream.linear.scatter [tilespmem:s24], [sflag:$0x9], $0x2800, $0x38;
	[tilespmem:$0x1F880] =	vst v63  }
0x372: {  	_ =	swait.ge [sflag:s26], $0x2800  }
0x373: {  	s22 =	sld [smem:$0x7F0]  }
0x374: {  	[sflag:s26] =	ssyncset.done $0x0  }
0x375: {  	[sflag:s26] =	ssyncadd.s32 $0xFFFFD800  }
0x376: {  	[tilespmem:s24], [sflag:$0xA] =	stream.linear.gather [spmem:s22], $0x2800, $0x38;
	[tilespmem:$0x1F880] =	vst v63  }
0x377: {  	_ =	swait.ge [sflag:s25], $0x2800  }
0x378: {  	s22 =	sld [smem:$0x7ED];
	_ =	sdelay $0x1  }
0x379: {  	[sflag:s25] =	ssyncset.done $0x0  }
0x37a: {  	[sflag:s25] =	ssyncadd.s32 $0xFFFFD800;
	s5 =	sadd.s32 s22, s23  }
0x37b: {  	[hbm4b:s5+s3] =	stream.linear.scatter [tilespmem:s24], [sflag:$0x9], $0x2800, $0x38;
	[tilespmem:$0x1F880] =	vst v63  }
0x37c: {  	_ =	swait.ge [sflag:s26], $0x2800  }
0x37d: {  	s22 =	sld [smem:$0x7F7]  }
0x37e: {  	[sflag:s26] =	ssyncset.done $0x0  }
0x37f: {  	s5 =	simm.s32 @!p0 $0x15880;
	[sflag:s26] =	ssyncadd.s32 $0xFFFFD800  }
0x380: {  	[tilespmem:s5], [sflag:$0xA] =	stream.linear.gather @!p0 [spmem:s22], $0x2800, $0x38;
	[tilespmem:$0x1F880] =	vst v63  }
0x381: {  	s22 =	simm.s32 @!p0 $0xA  }
0x382: {  	_ =	swait.ge @!p0 [sflag:s22], $0x2800  }
0x383: {  	[sflag:s22] =	ssyncset.done @!p0 $0x0  }
0x384: {  	[sflag:s22] =	ssyncadd.s32 @!p0 $0xFFFFD800;
	s22 =	sld [smem:$0x7F4];
	_ =	sdelay $0x2  }
0x385: {  	s22 =	sadd.s32 @!p0 s22, s23;
	s23 =	simm.s32 @!p0 $0x0  }
0x386: {  	[hbm4b:s22+s23] =	stream.linear.scatter @!p0 [tilespmem:s5], [sflag:$0x9], $0x2800, $0x38;
	[tilespmem:$0x1F880] =	vst v63  }
0x387: {  	s5 =	simm.s32 @!p0 $0x9  }
0x388: {  	_ =	swait.ge @!p0 [sflag:s5], $0x2800  }
0x389: {  	s22 =	sld [smem:$0x7FB];
	_ =	sdelay $0x2  }
0x38a: {  	s23 =	sadd.s32 $0x1, s22;
	s22 =	sld [smem:$0x7DE];
	_ =	sdelay $0x2  }
0x38b: {  	p1 =	sne.s32 s23, s22  }
.Ltmp1:
0x38c: {  	_ = 	snop;
	(pc) =	sbr.rel @p1 .LBB2_1-.Ltmp1, $4  }
0x38d: {  	_ = 	snop  }
0x38e: {  	[smem:$0x7FB] =	sst s23  }
0x38f: {  	[sflag:s5] =	ssyncset.done @!p0 $0x0;
	s23 =	sld [smem:$0x7FC]  }
0x390: {  	[sflag:s5] =	ssyncadd.s32 @!p0 $0xFFFFD800;
	s22 =	sld [smem:$0x7FD]  }
0x391: {  	_ =	sfence.sel $0x180000  }
0x392: {  	[bflag:$0x0] =	sbarrier.arrive $0xFFFF  }
0x393: {  	_ =	strace $0x9000004D  }
0x394: {  	s0 =	stileid.u32;
	[bflag:$0x2] =	sbarrier.arrive $0xFFFF  }
0x395: {  	p0 =	sne.s32 s0, $0x0;
	s0 =	rddreg [dreg:$0x2]  }
0x396: {  	s0 =	sadd.s32 @!p0 $0x100000, s0  }
0x397: {  	[sflag:s0] =	ssyncadd.tile.s32 @!p0 $0x1;
	_ =	shalt  }
.Lfunc_end2:
_tile_overlayer_lowered:
.L_overlay_start_2:
0x398: {  	(tag) =	ssettag $0x2  }
0x399: {  	s0 =	rddreg [dreg:$0x0];
	s2 =	stileid.u32  }
0x39a: {  	s1 =	rddreg [dreg:$0x1];
	p0 =	sne.s32 s2, $0x0  }
0x39b: {  	s3 =	rddreg [dreg:$0x2];
	[bflag:$0x3] =	sbarrier.arrive $0xFFFF;
	s2 =	simm.s32 @!p0 $0x1C09  }
0x39c: {  	[timem:s3], [sflag:s2] =	dma.local @!p0 [hbm:s0], s1  }
0x39d: {  	s0 =	simm.s32 @!p0 $0x9  }
0x39e: {  	_ =	swait.ge @!p0 [sflag:s0], s1  }
0x39f: {  	s1 =	ssub.s32 @!p0 $0x0, s1;
	[sflag:s0] =	ssyncset.done @!p0 $0x0  }
0x3a0: {  	[sflag:s0] =	ssyncadd.s32 @!p0 s1  }
0x3a1: {  	[bflag:$0x3] =	sbarrier.arrive $0xFFFF  }
0x3a2: {  	_ =	shalt  }

// kernel: kernel.9.cloned.1.call-start
scs
__scs_entry_jumppad:
0x0: {  	(pc) =	sbr.rel $0x88, $3  }
0x1: {  	(tag) =	ssettag $0x0;
	lr =	simm.s32 $0x1  }
0x2: {  	[smem:$0x3F97] =	sst lr;
	_ =	strace $0xD0000000  }
0x3: {  	_ = 	snop  }
0x4: {  	_ = 	snop  }
0x5: {  	_ = 	snop  }
0x6: {  	_ = 	snop  }
0x7: {  	_ = 	snop  }
__scs_overlays_trampoline_lowered:
0x8: {  	[smem:$0x3FA6] =	sst s0  }
0x9: {  	[smem:$0x3FA7] =	sst s1  }
0xa: {  	[smem:$0x3FA8] =	sst s2  }
0xb: {  	[smem:$0x3FA9] =	sst s3  }
0xc: {  	[smem:$0x3FAA] =	sst s4  }
0xd: {  	[smem:$0x3FAB] =	sst s5  }
0xe: {  	[smem:$0x3FAC] =	sst s6  }
0xf: {  	[smem:$0x3FAD] =	sst s7  }
0x10: {  	[smem:$0x3FAE] =	sst s8  }
0x11: {  	[smem:$0x3FAF] =	sst s9;
	s0 =	simm.s32 @!p0 $0x0  }
0x12: {  	s1 =	sld [smem:$0x3F95];
	s0 =	simm.s32 @p0 $0x1  }
0x13: {  	[smem:$0x3FB0] =	sst s0;
	s0 =	simm.s32 @!p1 $0x0  }
0x14: {  	s2 =	sld [smem:$0x3F94];
	s0 =	simm.s32 @p1 $0x1  }
0x15: {  	[smem:$0x3FB1] =	sst s0;
	s0 =	simm.s32 @!p2 $0x0  }
0x16: {  	s3 =	sld [smem:$0x3FDB];
	s0 =	simm.s32 @p2 $0x1  }
0x17: {  	s4 =	simm.s32 $0x1BF5;
	[smem:$0x3FB3] =	sst s0  }
0x18: {  	s0 =	sld [smem:$0x3F96];
	_ =	swait.ge [sflag:s4], $0x0  }
0x19: {  	s7 =	sld [smem:$0x3F97]  }
0x1a: {  	s8 =	sadd.s32 $0xFFFFE003, lr  }
0x1b: {  	s9 =	sadd.s32 $0xFFFFFEF7, lr;
	s5 =	simm.s32 $0xFFFFFFFF;
	p2 =	slt.u32 s8, $0xFFFFF086  }
0x1c: {  	p1 =	slt.u32 s9, $0xF7A;
	s5 =	simm.s32 @!p2 $0x0  }
0x1d: {  	s5 =	simm.s32 @p1 $0x1;
	p0 =	seq.s32 s7, s2  }
0x1e: {  	s7 =	smul.u32 @!p0 $0xF7A, s2;
	p2 =	seq.s32 @!p0 s5, $0x0  }
0x1f: {  	s9 =	smul.u32 $0xF7A, s1;
	s8 =	simm.s32 @!p0 $0x1BF5;
	p2 =	por !p2, p0  }
0x20: {  	[sflag:s8] =	ssyncset.s32 @!p0 $0xFFFFF086;
	s6 =	sadd.s32 @!p0 s3, s7;
	s7 =	simm.s32 @!p0 $0x108  }
0x21: {  	s3 =	sadd.s32 s3, s9;
	s6 =	sadd.s32 @!p0 $0x88, s6;
	s7 =	simm.s32 @p2 $0x1082  }
0x22: {  	[simem:s7], [sflag:s8] =	dma.local @!p0 [hbm:s6], $0xF7A  }
0x23: {  	s9 =	sor.u32 $0xD0000000, s2;
	s6 =	simm.s32 $0x108;
	_ =	swait.ge @!p0 [sflag:s8], $0x0  }
0x24: {  	s3 =	sadd.s32 $0x88, s3;
	s6 =	simm.s32 @!p1 $0x1082;
	[sflag:s4] =	ssyncset.s32 $0xFFFFF086  }
0x25: {  	[simem:s6], [sflag:s4] =	dma.local [hbm:s3], $0xF7A  }
0x26: {  	[smem:$0x3F97] =	sst s1;
	(tag) =	ssettag s2;
	_ =	strace s9  }
0x27: {  	s1 =	sld [smem:$0x3FA7]  }
0x28: {  	s2 =	sld [smem:$0x3FA8]  }
0x29: {  	s4 =	sld [smem:$0x3FAA]  }
0x2a: {  	p0 =	seq.s32 s5, $0x0;
	s5 =	sld [smem:$0x3FAB]  }
0x2b: {  	s6 =	sld [smem:$0x3FAC]  }
0x2c: {  	s7 =	sld [smem:$0x3FAD]  }
0x2d: {  	s3 =	simm.s32 $0x108;
	s8 =	sld [smem:$0x3FAE]  }
0x2e: {  	s3 =	simm.s32 @!p0 $0x1082;
	s9 =	sld [smem:$0x3FAF]  }
0x2f: {  	lr =	sadd.s32 s0, s3;
	s0 =	sld [smem:$0x3FA6]  }
0x30: {  	s3 =	sld [smem:$0x3FA9]  }
0x31: {  	[smem:$0x3FB2] =	sst s10  }
0x32: {  	s10 =	sld [smem:$0x3FB0];
	_ =	sdelay $0x3  }
0x33: {  	p0 =	seq.s32 s10, $0x1;
	s10 =	sld [smem:$0x3FB2];
	_ =	sdelay $0x3  }
0x34: {  	[smem:$0x3FB2] =	sst s10  }
0x35: {  	s10 =	sld [smem:$0x3FB1];
	_ =	sdelay $0x3  }
0x36: {  	p1 =	seq.s32 s10, $0x1;
	s10 =	sld [smem:$0x3FB2];
	_ =	sdelay $0x3  }
0x37: {  	[smem:$0x3FB2] =	sst s10  }
0x38: {  	s10 =	sld [smem:$0x3FB3]  }
0x39: {  	_ = 	snop;
	(pc) =	sbr.ind lr, $3  }
0x3a: {  	_ = 	snop  }
0x3b: {  	_ = 	snop  }
0x3c: {  	p2 =	seq.s32 s10, $0x1;
	s10 =	sld [smem:$0x3FB2]  }
0x3d: {  	_ =	shalt  }
0x3e: {  	_ =	shalt  }
0x3f: {  	_ =	shalt  }
0x40: {  	_ =	shalt  }
0x41: {  	_ =	shalt  }
0x42: {  	_ =	shalt  }
0x43: {  	_ =	shalt  }
0x44: {  	_ =	shalt  }
0x45: {  	_ =	shalt  }
0x46: {  	_ =	shalt  }
0x47: {  	_ =	shalt  }
0x48: {  	_ =	shalt  }
0x49: {  	_ =	shalt  }
0x4a: {  	_ =	shalt  }
0x4b: {  	_ =	shalt  }
0x4c: {  	_ =	shalt  }
0x4d: {  	_ =	shalt  }
0x4e: {  	_ =	shalt  }
0x4f: {  	_ =	shalt  }
0x50: {  	_ =	shalt  }
0x51: {  	_ =	shalt  }
0x52: {  	_ =	shalt  }
0x53: {  	_ =	shalt  }
0x54: {  	_ =	shalt  }
0x55: {  	_ =	shalt  }
0x56: {  	_ =	shalt  }
0x57: {  	_ =	shalt  }
0x58: {  	_ =	shalt  }
0x59: {  	_ =	shalt  }
0x5a: {  	_ =	shalt  }
0x5b: {  	_ =	shalt  }
0x5c: {  	_ =	shalt  }
0x5d: {  	_ =	shalt  }
0x5e: {  	_ =	shalt  }
0x5f: {  	_ =	shalt  }
0x60: {  	_ =	shalt  }
0x61: {  	_ =	shalt  }
0x62: {  	_ =	shalt  }
0x63: {  	_ =	shalt  }
0x64: {  	_ =	shalt  }
0x65: {  	_ =	shalt  }
0x66: {  	_ =	shalt  }
0x67: {  	_ =	shalt  }
0x68: {  	_ =	shalt  }
0x69: {  	_ =	shalt  }
0x6a: {  	_ =	shalt  }
0x6b: {  	_ =	shalt  }
0x6c: {  	_ =	shalt  }
0x6d: {  	_ =	shalt  }
0x6e: {  	_ =	shalt  }
0x6f: {  	_ =	shalt  }
0x70: {  	_ =	shalt  }
0x71: {  	_ =	shalt  }
0x72: {  	_ =	shalt  }
0x73: {  	_ =	shalt  }
0x74: {  	_ =	shalt  }
0x75: {  	_ =	shalt  }
0x76: {  	_ =	shalt  }
0x77: {  	_ =	shalt  }
0x78: {  	_ =	shalt  }
0x79: {  	_ =	shalt  }
0x7a: {  	_ =	shalt  }
0x7b: {  	_ =	shalt  }
0x7c: {  	_ =	shalt  }
0x7d: {  	_ =	shalt  }
0x7e: {  	_ =	shalt  }
0x7f: {  	_ =	shalt  }
0x80: {  	_ =	shalt  }
0x81: {  	_ =	shalt  }
0x82: {  	_ =	shalt  }
0x83: {  	_ =	shalt  }
0x84: {  	_ =	shalt  }
0x85: {  	_ =	shalt  }
0x86: {  	_ =	shalt  }
0x87: {  	_ =	shalt  }
.Lfunc_end0:
.L_simem_size_0:
called_computation_lowered:
.L_overlay_start_0:
0x88: {  	s2 =	sld [smem:$0x3FD9]  }
0x89: {  	s3 =	sld [smem:$0x3FFE];
	_ =	sdelay $0x1  }
0x8a: {  	s1 =	srdreg.scid  }
0x8b: {  	s0 =	sand.u32 $0x1, s1  }
0x8c: {  	s16 =	sshll.u32 s0, $0xA;
	s2 =	sadd.s32 s3, s2  }
0x8d: {  	s2 =	sadd.s32 s2, s16  }
0x8e: {  	[smem:$0x3FBE] =	sst s2  }
0x8f: {  	_ = 	snop  }
0x90: {  	(tm) =	ssettm $0x1  }
0x91: {  	s17 =	sld [smem:$0x3FFB];
	_ =	sdelay $0x3  }
0x92: {  	_ =	strace s17  }
0x93: {  	s2 =	sld [smem:$0x3FFC];
	_ =	sdelay $0x3  }
0x94: {  	_ =	strace s2  }
0x95: {  	s2 =	sld [smem:$0x3FFD];
	_ =	sdelay $0x3  }
0x96: {  	_ =	strace s2  }
0x97: {  	_ =	strace $0x8FFFFFFF  }
0x98: {  	s18 =	sld [smem:$0x3FDB];
	_ =	sdelay $0x1  }
0x99: {  	s19 =	simm.s32 $_scs_section_size  }
0x9a: {  	s4 =	simm.s32 $_size__tile_overlayer_lowered;
	s5 =	simm.s32 $_tile_overlayer_lowered  }
0x9b: {  	s22 =	simm.s32 $0x1BFF;
	s21 =	sshll.u32 s5, $0x1;
	s2 =	sadd.s32 s19, s18  }
0x9c: {  	s6 =	simm.s32 $0x0;
	s20 =	sshll.u32 s4, $0x1;
	s4 =	sadd.s32 s21, s2  }
0x9d: {  	[timem:s6], [sflag:s22] =	dma.local [hbm:s4], s20  }
0x9e: {  	_ =	swait.ge [sflag:s22], s20  }
0x9f: {  	s3 =	ssub.s32 $0x0, s20;
	[sflag:s22] =	ssyncset.done $0x0  }
0xa0: {  	[sflag:s22] =	ssyncadd.s32 s3;
	_ =	sdelay $0x1  }
0xa1: {  	s23 =	simm.s32 $0x1B8B  }
0xa2: {  	_ =	swait.ge [sflag:s23], $0x1  }
0xa3: {  	[sflag:s23] =	ssyncset.done $0x0  }
0xa4: {  	s25 =	simm.s32 $0x1B8E;
	s24 =	sld [smem:$0x3FFE];
	[sflag:s23] =	ssyncadd.s32 $0xFFFFFFFF  }
0xa5: {  	s26 =	simm.s32 $execute0_lowered;
	[smem:$0x3FD2] =	sst s25  }
0xa6: {  	s4 =	sshll.u32 s26, $0x1;
	_ =	strace $0x80000046;
	[dreg:$0x1] =	wrdreg $0xFFFFFFFF  }
0xa7: {  	s28 =	simm.s32 $_size_execute0_lowered;
	s2 =	sadd.s32 s2, s4;
	[dreg:$0x0] =	wrdreg $0x0  }
0xa8: {  	s4 =	sshll.u32 s28, $0x1;
	[dreg:$0x2] =	wrdreg s2  }
0xa9: {  	[dreg:$0x3] =	wrdreg s4  }
0xaa: {  	[dreg:$0x4] =	wrdreg $0xC0  }
0xab: {  	_ =	task [dreg:s6], $0x5FFFF  }
0xac: {  	[dreg:$0x1] =	wrdreg $0xFFFFFFFF  }
0xad: {  	[dreg:$0x0] =	wrdreg $0x60  }
0xae: {  	[dreg:$0x2] =	wrdreg s24  }
0xaf: {  	[dreg:$0x3] =	wrdreg $0x0  }
0xb0: {  	[dreg:$0x4] =	wrdreg $0x9  }
0xb1: {  	_ =	task.clear_ibuf [dreg:s6], $0x5FFFF;
	_ =	strace $0x90000046  }
0xb2: {  	s29 =	simm.s32 $0x9;
	_ =	strace $0x80000048  }
0xb3: {  	_ =	swait.ge [sflag:s29], $0x1  }
0xb4: {  	[sflag:s29] =	ssyncadd.s32 $0xFFFFFFFF  }
0xb5: {  	_ =	strace $0x90000048  }
0xb6: {  	_ =	sfence  }
0xb7: {  	s30 =	sld [smem:$0x0];
	_ =	sdelay $0x2  }
0xb8: {  	s31 =	sshll.u32 s1, $0xD;
	s1 =	sshrl.u32 s1, $0x2  }
0xb9: {  	s3 =	sand.u32 $0x4000, s31;
	s1 =	sadd.s32 s1, s30  }
0xba: {  	s0 =	sor.u32 s3, s0;
	s1 =	sshll.u32 s1, $0x11  }
0xbb: {  	s0 =	sor.u32 s1, s0  }
0xbc: {  	s0 =	sadd.s32 $0x8F2B, s0  }
0xbd: {  	[sflag:s0] =	ssyncadd.remote.s32 $0x1  }
0xbe: {  	_ =	sfence.sel $0xFFFF  }
0xbf: {  	[dreg:$0x0] =	wrdreg $0xFFFFFFFF;
	(pc) =	sbr.abs _section_cstart, $3  }
0xc0: {  	[dreg:$0x1] =	wrdreg $0xFFFFFFFF  }
0xc1: {  	_ =	task.clear_ibuf [dreg:s6], $0x2FFFF;
	_ =	strace $0x9FFFFFFF  }
0xc2: {  	(tm) =	ssettm $0x7FFFFFFF  }
0xc3: {  	_ =	shalt  }
tec
execute0_lowered:
.L_overlay_start_1:
0x0: {  	(tag) =	ssettag $0x1  }
0x1: {  	s3 =	rddreg [dreg:$0x0]  }
0x2: {  	s0 =	srdreg.scid;
	s2 =	rddreg [dreg:$0x1]  }
0x3: {  	s1 =	stileid.u32;
	s21 =	simm.s32 $0x0;
	s10 =	simm.s32 $0x3710  }
0x4: {  	s11 =	simm.s32 $0x2;
	s24 =	simm.s32 $0x2790;
	s12 =	simm.s32 $0x2710  }
0x5: {  	s25 =	simm.s32 $0x2810;
	s13 =	simm.s32 $0x28;
	s26 =	simm.s32 $0x2890  }
0x6: {  	s9 =	simm.s32 $0x1;
	s28 =	simm.s32 $0x2E10;
	s29 =	simm.s32 $0x2E90  }
0x7: {  	s30 =	simm.s32 $0x2F10;
	s31 =	simm.s32 $0x2F90;
	s8 =	simm.s32 $0x3190  }
0x8: {  	s0 =	sand.u32 $0x1, s0;
	[smem:$0x7FF] =	sst s21;
	s6 =	sadd.s32 $0x15200, s3  }
0x9: {  	s7 =	smul.u32 $0x5000, s1;
	_ =	strace $0x80000047;
	[dreg:$0x7] =	wrdreg s6  }
0xa: {  	s22 =	smul.u32 $0x280, s1;
	s4 =	sshll.u32 s0, $0x4;
	[dreg:$0x4] =	wrdreg s24  }
0xb: {  	s5 =	smul.u32 $0x27100, s0;
	s0 =	ssub.s32 $0x2, s0;
	[dreg:$0x5] =	wrdreg s25  }
0xc: {  	[dreg:$0x6] =	wrdreg s26;
	s24 =	simm.s32 $0x2C90;
	s25 =	simm.s32 $0x2D10  }
0xd: {  	s26 =	simm.s32 $0x2D90;
	s4 =	sor.u32 s1, s4;
	s19 =	sshrl.u32 s0, $0x1  }
0xe: {  	s20 =	sshrl.u32 s7, $0x2;
	[dreg:$0x9] =	wrdreg s22;
	s7 =	simm.s32 $0x3110  }
0xf: {  	s4 =	smul.u32 $0xA00, s4;
	s0 =	ssub.s32 s0, s19;
	s23 =	sadd.s32 s20, s2  }
0x10: {  	s0 =	smax.u32 s0, $0x1;
	[dreg:$0xa] =	wrdreg s23;
	s23 =	simm.s32 $0x2C10  }
0x11: {  	s4 =	sadd.s32 s4, s3;
	s3 =	sadd.s32 s5, s3;
	[dreg:$0x8] =	wrdreg s0  }
0x12: {  	s0 =	simm.s32 $0x0;
	s5 =	sadd.s32 $0x15600, s3;
	s4 =	sadd.s32 $0x1200, s4  }
0x13: {  	s6 =	sadd.s32 $0x63800, s3;
	[dreg:$0x3] =	wrdreg s4;
	s4 =	simm.s32 $0x3090  }
.LBB2_1:
0x14: {  	s3 =	rddreg [dreg:$0x7];
	s20 =	sadd.s32 $0x0, s1  }
0x15: {  	[tilespmem:s10], [sflag:$0x2] =	stream.linear.gather [hbm4b:s3+s21], $0x1400, $0x38;
	[tilespmem:$0x5F10] =	vst v63  }
0x16: {  	[dreg:$0xb] =	wrdreg s0;
	p1 =	sgt.u32 s20, $0xF9  }
0x17: {  	_ =	swait.ge [sflag:s11], $0x1400;
	s3 =	sadd.s32 @!p1 s22, s5  }
0x18: {  	p0 =	por p1, p1;
	s14 =	simm.s32 @!p1 $0x0;
	[sflag:s11] =	ssyncset.done $0x0  }
0x19: {  	s15 =	simm.s32 @!p0 $0x4B10;
	s16 =	simm.s32 @!p0 $0x3;
	[sflag:s11] =	ssyncadd.s32 $0xFFFFEC00  }
0x1a: {  	[tilespmem:s15], [sflag:$0x3] =	stream.linear.gather @!p0 [hbm4b:s3+s14], $0x1400, $0x38;
	[tilespmem:$0x5F10] =	vst v63  }
0x1b: {  	s21 =	sadd.s32 $0x10, s1;
	_ =	swait.ge @!p0 [sflag:s16], $0x1400  }
0x1c: {  	p1 =	sgt.u32 s21, $0xF9;
	s14 =	simm.s32 $0x20;
	[sflag:s16] =	ssyncset.done @!p0 $0x0  }
0x1d: {  	s3 =	rddreg [dreg:$0xa];
	[sflag:s16] =	ssyncadd.s32 @!p0 $0xFFFFEC00;
	s16 =	simm.s32 @!p0 $0x2  }
0x1e: {  	[spmem:s3] =	stream.linear.scatter @!p0 [tilespmem:s15], [sflag:$0x2], $0x1400, $0x38;
	[tilespmem:$0x5F10] =	vst v63  }
0x1f: {  	s3 =	sadd.s32 $0x14000, s3;
	s15 =	sadd.s32 $0x2800, s22;
	_ =	swait.ge @!p0 [sflag:s16], $0x1400  }
.LBB2_2:
0x20: {  	s17 =	sadd.s32 @!p1 s15, s5;
	s18 =	simm.s32 @!p1 $0x0;
	[sflag:s16] =	ssyncset.done @!p0 $0x0  }
0x21: {  	s19 =	smov.u32 s14;
	p2 =	por p0, p0;
	p0 =	por p1, p1  }
0x22: {  	s20 =	smov.u32 s3;
	s14 =	sadd.s32 $0x10, s14;
	s21 =	simm.s32 @!p0 $0x4B10  }
0x23: {  	s22 =	simm.s32 @!p0 $0x3;
	[sflag:s16] =	ssyncadd.s32 @!p2 $0xFFFFEC00;
	p2 =	sne.s32 s14, $0x100  }
0x24: {  	[tilespmem:s21], [sflag:$0x3] =	stream.linear.gather @!p0 [hbm4b:s17+s18], $0x1400, $0x38;
	[tilespmem:$0x5F10] =	vst v63  }
.Ltmp0:
0x25: {  	_ =	swait.ge @!p0 [sflag:s22], $0x1400;
	(pc) =	sbr.rel @p2 .LBB2_2-.Ltmp0, $4  }
0x26: {  	s3 =	sadd.s32 $0x14000, s3;
	[sflag:s22] =	ssyncset.done @!p0 $0x0  }
0x27: {  	s16 =	simm.s32 @!p0 $0x2;
	s17 =	sadd.s32 s19, s1;
	[sflag:s22] =	ssyncadd.s32 @!p0 $0xFFFFEC00  }
0x28: {  	[spmem:s20] =	stream.linear.scatter @!p0 [tilespmem:s21], [sflag:$0x2], $0x1400, $0x38;
	[tilespmem:$0x5F10] =	vst v63  }
0x29: {  	s15 =	sadd.s32 $0x2800, s15;
	p1 =	sgt.u32 s17, $0xF9;
	_ =	swait.ge @!p0 [sflag:s16], $0x1400  }
0x2a: {  	s14 =	sadd.s32 @!p1 s15, s5  }
0x2b: {  	[sflag:s16] =	ssyncset.done @!p0 $0x0;
	p0 =	por p0, p0;
	p2 =	por p1, p1  }
0x2c: {  	s15 =	simm.s32 @!p1 $0x0;
	[sflag:s16] =	ssyncadd.s32 @!p0 $0xFFFFEC00;
	s16 =	simm.s32 @!p2 $0x4B10  }
0x2d: {  	[tilespmem:s16], [sflag:$0x3] =	stream.linear.gather @!p2 [hbm4b:s14+s15], $0x1400, $0x38;
	[tilespmem:$0x5F10] =	vst v63  }
0x2e: {  	s14 =	simm.s32 @!p2 $0x3  }
0x2f: {  	_ =	swait.ge @!p2 [sflag:s14], $0x1400  }
0x30: {  	[sflag:s14] =	ssyncset.done @!p2 $0x0  }
0x31: {  	[sflag:s14] =	ssyncadd.s32 @!p2 $0xFFFFEC00;
	s14 =	simm.s32 @!p2 $0x2  }
0x32: {  	[spmem:s3] =	stream.linear.scatter @!p2 [tilespmem:s16], [sflag:$0x2], $0x1400, $0x38;
	[tilespmem:$0x5F10] =	vst v63  }
0x33: {  	_ =	swait.ge @!p2 [sflag:s14], $0x1400  }
0x34: {  	p0 =	por p2, p2;
	[sflag:s14] =	ssyncset.done @!p2 $0x0  }
0x35: {  	[sflag:s14] =	ssyncadd.s32 @!p0 $0xFFFFEC00  }
0x36: {  	[bflag:$0x0] =	sbarrier.arrive $0xFFFF  }
0x37: {  	s18 =	rddreg [dreg:$0x3]  }
0x38: {  	s21 =	simm.s32 $0x0;
	s3 =	sadd.s32 $0x0, s18  }
0x39: {  	[tilespmem:s12], [sflag:$0x2] =	stream.linear.gather [hbm4b:s3+s21], $0xC80, $0x38;
	[tilespmem:$0x5F10] =	vst v63  }
0x3a: {  	_ =	swait.ge [sflag:s11], $0xC80  }
0x3b: {  	[sflag:s11] =	ssyncset.done $0x0  }
0x3c: {  	[sflag:s11] =	ssyncadd.s32 $0xFFFFF380  }
0x3d: {  	[spmem:s2] =	stream.indirect.scatter.add.f32 [tilespmem:s10], [sflag:$0x1], $0x10, s12, s13, $0xb8;
	[tilespmem:$0x5F10] =	vst v63  }
0x3e: {  	s19 =	rddreg [dreg:$0x4]  }
0x3f: {  	[spmem:s2] =	stream.indirect.scatter.add.f32 [tilespmem:s10], [sflag:$0x1], $0x10, s19, s13, $0xb8;
	[tilespmem:$0x5F10] =	vst v63  }
0x40: {  	s20 =	rddreg [dreg:$0x5]  }
0x41: {  	[spmem:s2] =	stream.indirect.scatter.add.f32 [tilespmem:s10], [sflag:$0x1], $0x10, s20, s13, $0xb8;
	[tilespmem:$0x5F10] =	vst v63  }
0x42: {  	s22 =	rddreg [dreg:$0x6]  }
0x43: {  	[spmem:s2] =	stream.indirect.scatter.add.f32 [tilespmem:s10], [sflag:$0x1], $0x10, s22, s13, $0xb8;
	[tilespmem:$0x5F10] =	vst v63  }
0x44: {  	s17 =	simm.s32 $0x2910  }
0x45: {  	[spmem:s2] =	stream.indirect.scatter.add.f32 [tilespmem:s10], [sflag:$0x1], $0x10, s17, s13, $0xb8;
	[tilespmem:$0x5F10] =	vst v63  }
0x46: {  	s18 =	simm.s32 $0x2990  }
0x47: {  	[spmem:s2] =	stream.indirect.scatter.add.f32 [tilespmem:s10], [sflag:$0x1], $0x10, s18, s13, $0xb8;
	[tilespmem:$0x5F10] =	vst v63  }
0x48: {  	s19 =	simm.s32 $0x2A10  }
0x49: {  	[spmem:s2] =	stream.indirect.scatter.add.f32 [tilespmem:s10], [sflag:$0x1], $0x10, s19, s13, $0xb8;
	[tilespmem:$0x5F10] =	vst v63  }
0x4a: {  	s20 =	simm.s32 $0x2A90  }
0x4b: {  	[spmem:s2] =	stream.indirect.scatter.add.f32 [tilespmem:s10], [sflag:$0x1], $0x10, s20, s13, $0xb8;
	[tilespmem:$0x5F10] =	vst v63  }
0x4c: {  	s22 =	simm.s32 $0x2B10  }
0x4d: {  	[spmem:s2] =	stream.indirect.scatter.add.f32 [tilespmem:s10], [sflag:$0x1], $0x10, s22, s13, $0xb8;
	[tilespmem:$0x5F10] =	vst v63  }
0x4e: {  	s0 =	simm.s32 $0x2B90  }
0x4f: {  	[spmem:s2] =	stream.indirect.scatter.add.f32 [tilespmem:s10], [sflag:$0x1], $0x10, s0, s13, $0xb8;
	[tilespmem:$0x5F10] =	vst v63  }
0x50: {  	_ = 	snop  }
0x51: {  	[spmem:s2] =	stream.indirect.scatter.add.f32 [tilespmem:s10], [sflag:$0x1], $0x10, s23, s13, $0xb8;
	[tilespmem:$0x5F10] =	vst v63  }
0x52: {  	_ = 	snop  }
0x53: {  	[spmem:s2] =	stream.indirect.scatter.add.f32 [tilespmem:s10], [sflag:$0x1], $0x10, s24, s13, $0xb8;
	[tilespmem:$0x5F10] =	vst v63  }
0x54: {  	_ = 	snop  }
0x55: {  	[spmem:s2] =	stream.indirect.scatter.add.f32 [tilespmem:s10], [sflag:$0x1], $0x10, s25, s13, $0xb8;
	[tilespmem:$0x5F10] =	vst v63  }
0x56: {  	_ = 	snop  }
0x57: {  	[spmem:s2] =	stream.indirect.scatter.add.f32 [tilespmem:s10], [sflag:$0x1], $0x10, s26, s13, $0xb8;
	[tilespmem:$0x5F10] =	vst v63  }
0x58: {  	_ = 	snop  }
0x59: {  	[spmem:s2] =	stream.indirect.scatter.add.f32 [tilespmem:s10], [sflag:$0x1], $0x10, s28, s13, $0xb8;
	[tilespmem:$0x5F10] =	vst v63  }
0x5a: {  	_ = 	snop  }
0x5b: {  	[spmem:s2] =	stream.indirect.scatter.add.f32 [tilespmem:s10], [sflag:$0x1], $0x10, s29, s13, $0xb8;
	[tilespmem:$0x5F10] =	vst v63  }
0x5c: {  	_ = 	snop  }
0x5d: {  	[spmem:s2] =	stream.indirect.scatter.add.f32 [tilespmem:s10], [sflag:$0x1], $0x10, s30, s13, $0xb8;
	[tilespmem:$0x5F10] =	vst v63  }
0x5e: {  	_ = 	snop  }
0x5f: {  	[spmem:s2] =	stream.indirect.scatter.add.f32 [tilespmem:s10], [sflag:$0x1], $0x10, s31, s13, $0xb8;
	[tilespmem:$0x5F10] =	vst v63  }
0x60: {  	s0 =	simm.s32 $0x3010  }
0x61: {  	[spmem:s2] =	stream.indirect.scatter.add.f32 [tilespmem:s10], [sflag:$0x1], $0x10, s0, s13, $0xb8;
	[tilespmem:$0x5F10] =	vst v63  }
0x62: {  	_ = 	snop  }
0x63: {  	[spmem:s2] =	stream.indirect.scatter.add.f32 [tilespmem:s10], [sflag:$0x1], $0x10, s4, s13, $0xb8;
	[tilespmem:$0x5F10] =	vst v63  }
0x64: {  	_ = 	snop  }
0x65: {  	[spmem:s2] =	stream.indirect.scatter.add.f32 [tilespmem:s10], [sflag:$0x1], $0x10, s7, s13, $0xb8;
	[tilespmem:$0x5F10] =	vst v63  }
0x66: {  	_ = 	snop  }
0x67: {  	[spmem:s2] =	stream.indirect.scatter.add.f32 [tilespmem:s10], [sflag:$0x1], $0x10, s8, s13, $0xb8;
	[tilespmem:$0x5F10] =	vst v63  }
0x68: {  	s14 =	simm.s32 $0x3210  }
0x69: {  	[spmem:s2] =	stream.indirect.scatter.add.f32 [tilespmem:s10], [sflag:$0x1], $0x10, s14, s13, $0xb8;
	[tilespmem:$0x5F10] =	vst v63  }
0x6a: {  	s15 =	simm.s32 $0x3290  }
0x6b: {  	[spmem:s2] =	stream.indirect.scatter.add.f32 [tilespmem:s10], [sflag:$0x1], $0x10, s15, s13, $0xb8;
	[tilespmem:$0x5F10] =	vst v63  }
0x6c: {  	s16 =	simm.s32 $0x3310  }
0x6d: {  	[spmem:s2] =	stream.indirect.scatter.add.f32 [tilespmem:s10], [sflag:$0x1], $0x10, s16, s13, $0xb8;
	[tilespmem:$0x5F10] =	vst v63  }
0x6e: {  	_ =	swait.ge [sflag:s9], $0x280  }
0x6f: {  	[sflag:s9] =	ssyncset.done $0x0  }
0x70: {  	[sflag:s9] =	ssyncadd.s32 $0xFFFFFD80  }
0x71: {  	_ =	swait.ge [sflag:s9], $0x280  }
0x72: {  	[sflag:s9] =	ssyncset.done $0x0  }
0x73: {  	[sflag:s9] =	ssyncadd.s32 $0xFFFFFD80  }
0x74: {  	_ =	swait.ge [sflag:s9], $0x280  }
0x75: {  	[sflag:s9] =	ssyncset.done $0x0  }
0x76: {  	[sflag:s9] =	ssyncadd.s32 $0xFFFFFD80  }
0x77: {  	_ =	swait.ge [sflag:s9], $0x280  }
0x78: {  	[sflag:s9] =	ssyncset.done $0x0  }
0x79: {  	[sflag:s9] =	ssyncadd.s32 $0xFFFFFD80  }
0x7a: {  	_ =	swait.ge [sflag:s9], $0x280  }
0x7b: {  	[sflag:s9] =	ssyncset.done $0x0  }
0x7c: {  	[sflag:s9] =	ssyncadd.s32 $0xFFFFFD80  }
0x7d: {  	_ =	swait.ge [sflag:s9], $0x280  }
0x7e: {  	[sflag:s9] =	ssyncset.done $0x0  }
0x7f: {  	[sflag:s9] =	ssyncadd.s32 $0xFFFFFD80  }
0x80: {  	_ =	swait.ge [sflag:s9], $0x280  }
0x81: {  	[sflag:s9] =	ssyncset.done $0x0  }
0x82: {  	[sflag:s9] =	ssyncadd.s32 $0xFFFFFD80  }
0x83: {  	_ =	swait.ge [sflag:s9], $0x280  }
0x84: {  	[sflag:s9] =	ssyncset.done $0x0  }
0x85: {  	[sflag:s9] =	ssyncadd.s32 $0xFFFFFD80  }
0x86: {  	_ =	swait.ge [sflag:s9], $0x280  }
0x87: {  	[sflag:s9] =	ssyncset.done $0x0  }
0x88: {  	[sflag:s9] =	ssyncadd.s32 $0xFFFFFD80  }
0x89: {  	_ =	swait.ge [sflag:s9], $0x280  }
0x8a: {  	[sflag:s9] =	ssyncset.done $0x0  }
0x8b: {  	[sflag:s9] =	ssyncadd.s32 $0xFFFFFD80  }
0x8c: {  	_ =	swait.ge [sflag:s9], $0x280  }
0x8d: {  	[sflag:s9] =	ssyncset.done $0x0  }
0x8e: {  	[sflag:s9] =	ssyncadd.s32 $0xFFFFFD80  }
0x8f: {  	_ =	swait.ge [sflag:s9], $0x280  }
0x90: {  	[sflag:s9] =	ssyncset.done $0x0  }
0x91: {  	[sflag:s9] =	ssyncadd.s32 $0xFFFFFD80  }
0x92: {  	_ =	swait.ge [sflag:s9], $0x280  }
0x93: {  	[sflag:s9] =	ssyncset.done $0x0  }
0x94: {  	[sflag:s9] =	ssyncadd.s32 $0xFFFFFD80  }
0x95: {  	_ =	swait.ge [sflag:s9], $0x280  }
0x96: {  	[sflag:s9] =	ssyncset.done $0x0  }
0x97: {  	[sflag:s9] =	ssyncadd.s32 $0xFFFFFD80  }
0x98: {  	_ =	swait.ge [sflag:s9], $0x280  }
0x99: {  	[sflag:s9] =	ssyncset.done $0x0  }
0x9a: {  	[sflag:s9] =	ssyncadd.s32 $0xFFFFFD80  }
0x9b: {  	_ =	swait.ge [sflag:s9], $0x280  }
0x9c: {  	[sflag:s9] =	ssyncset.done $0x0  }
0x9d: {  	[sflag:s9] =	ssyncadd.s32 $0xFFFFFD80  }
0x9e: {  	_ =	swait.ge [sflag:s9], $0x280  }
0x9f: {  	[sflag:s9] =	ssyncset.done $0x0  }
0xa0: {  	[sflag:s9] =	ssyncadd.s32 $0xFFFFFD80  }
0xa1: {  	_ =	swait.ge [sflag:s9], $0x280  }
0xa2: {  	[sflag:s9] =	ssyncset.done $0x0  }
0xa3: {  	[sflag:s9] =	ssyncadd.s32 $0xFFFFFD80  }
0xa4: {  	_ =	swait.ge [sflag:s9], $0x280  }
0xa5: {  	[sflag:s9] =	ssyncset.done $0x0  }
0xa6: {  	[sflag:s9] =	ssyncadd.s32 $0xFFFFFD80  }
0xa7: {  	_ =	swait.ge [sflag:s9], $0x280  }
0xa8: {  	[sflag:s9] =	ssyncset.done $0x0  }
0xa9: {  	[sflag:s9] =	ssyncadd.s32 $0xFFFFFD80  }
0xaa: {  	_ =	swait.ge [sflag:s9], $0x280  }
0xab: {  	[sflag:s9] =	ssyncset.done $0x0  }
0xac: {  	[sflag:s9] =	ssyncadd.s32 $0xFFFFFD80  }
0xad: {  	_ =	swait.ge [sflag:s9], $0x280  }
0xae: {  	[sflag:s9] =	ssyncset.done $0x0  }
0xaf: {  	[sflag:s9] =	ssyncadd.s32 $0xFFFFFD80  }
0xb0: {  	_ =	swait.ge [sflag:s9], $0x280  }
0xb1: {  	[sflag:s9] =	ssyncset.done $0x0  }
0xb2: {  	[sflag:s9] =	ssyncadd.s32 $0xFFFFFD80  }
0xb3: {  	_ =	swait.ge [sflag:s9], $0x280  }
0xb4: {  	[sflag:s9] =	ssyncset.done $0x0  }
0xb5: {  	[sflag:s9] =	ssyncadd.s32 $0xFFFFFD80  }
0xb6: {  	s3 =	simm.s32 $0x200;
	_ =	swait.ge [sflag:s9], $0x280  }
0xb7: {  	s14 =	simm.s32 $0x400;
	s15 =	rddreg [dreg:$0x3];
	[sflag:s9] =	ssyncset.done $0x0  }
.LBB2_4:
0xb8: {  	[sflag:s9] =	ssyncadd.s32 $0xFFFFFD80;
	s15 =	sadd.s32 s3, s15  }
0xb9: {  	[tilespmem:s12], [sflag:$0x2] =	stream.linear.gather [hbm4b:s15+s21], $0xC80, $0x38;
	[tilespmem:$0x5F10] =	vst v63  }
0xba: {  	_ =	swait.ge [sflag:s11], $0xC80  }
0xbb: {  	[sflag:s11] =	ssyncset.done $0x0  }
0xbc: {  	[sflag:s11] =	ssyncadd.s32 $0xFFFFF380  }
0xbd: {  	[spmem:s2] =	stream.indirect.scatter.add.f32 [tilespmem:s10], [sflag:$0x1], $0x10, s12, s13, $0xb8;
	[tilespmem:$0x5F10] =	vst v63  }
0xbe: {  	s16 =	smov.u32 s14;
	s15 =	rddreg [dreg:$0x4]  }
0xbf: {  	[spmem:s2] =	stream.indirect.scatter.add.f32 [tilespmem:s10], [sflag:$0x1], $0x10, s15, s13, $0xb8;
	[tilespmem:$0x5F10] =	vst v63  }
0xc0: {  	s3 =	smov.u32 s16;
	s16 =	rddreg [dreg:$0x5]  }
0xc1: {  	[spmem:s2] =	stream.indirect.scatter.add.f32 [tilespmem:s10], [sflag:$0x1], $0x10, s16, s13, $0xb8;
	[tilespmem:$0x5F10] =	vst v63  }
0xc2: {  	s15 =	rddreg [dreg:$0x6]  }
0xc3: {  	[spmem:s2] =	stream.indirect.scatter.add.f32 [tilespmem:s10], [sflag:$0x1], $0x10, s15, s13, $0xb8;
	[tilespmem:$0x5F10] =	vst v63  }
0xc4: {  	_ = 	snop  }
0xc5: {  	[spmem:s2] =	stream.indirect.scatter.add.f32 [tilespmem:s10], [sflag:$0x1], $0x10, s17, s13, $0xb8;
	[tilespmem:$0x5F10] =	vst v63  }
0xc6: {  	_ = 	snop  }
0xc7: {  	[spmem:s2] =	stream.indirect.scatter.add.f32 [tilespmem:s10], [sflag:$0x1], $0x10, s18, s13, $0xb8;
	[tilespmem:$0x5F10] =	vst v63  }
0xc8: {  	_ = 	snop  }
0xc9: {  	[spmem:s2] =	stream.indirect.scatter.add.f32 [tilespmem:s10], [sflag:$0x1], $0x10, s19, s13, $0xb8;
	[tilespmem:$0x5F10] =	vst v63  }
0xca: {  	_ = 	snop  }
0xcb: {  	[spmem:s2] =	stream.indirect.scatter.add.f32 [tilespmem:s10], [sflag:$0x1], $0x10, s20, s13, $0xb8;
	[tilespmem:$0x5F10] =	vst v63  }
0xcc: {  	_ = 	snop  }
0xcd: {  	[spmem:s2] =	stream.indirect.scatter.add.f32 [tilespmem:s10], [sflag:$0x1], $0x10, s22, s13, $0xb8;
	[tilespmem:$0x5F10] =	vst v63  }
0xce: {  	s16 =	simm.s32 $0x2B90  }
0xcf: {  	[spmem:s2] =	stream.indirect.scatter.add.f32 [tilespmem:s10], [sflag:$0x1], $0x10, s16, s13, $0xb8;
	[tilespmem:$0x5F10] =	vst v63  }
0xd0: {  	_ = 	snop  }
0xd1: {  	[spmem:s2] =	stream.indirect.scatter.add.f32 [tilespmem:s10], [sflag:$0x1], $0x10, s23, s13, $0xb8;
	[tilespmem:$0x5F10] =	vst v63  }
0xd2: {  	_ = 	snop  }
0xd3: {  	[spmem:s2] =	stream.indirect.scatter.add.f32 [tilespmem:s10], [sflag:$0x1], $0x10, s24, s13, $0xb8;
	[tilespmem:$0x5F10] =	vst v63  }
0xd4: {  	_ = 	snop  }
0xd5: {  	[spmem:s2] =	stream.indirect.scatter.add.f32 [tilespmem:s10], [sflag:$0x1], $0x10, s25, s13, $0xb8;
	[tilespmem:$0x5F10] =	vst v63  }
0xd6: {  	_ = 	snop  }
0xd7: {  	[spmem:s2] =	stream.indirect.scatter.add.f32 [tilespmem:s10], [sflag:$0x1], $0x10, s26, s13, $0xb8;
	[tilespmem:$0x5F10] =	vst v63  }
0xd8: {  	_ = 	snop  }
0xd9: {  	[spmem:s2] =	stream.indirect.scatter.add.f32 [tilespmem:s10], [sflag:$0x1], $0x10, s28, s13, $0xb8;
	[tilespmem:$0x5F10] =	vst v63  }
0xda: {  	_ = 	snop  }
0xdb: {  	[spmem:s2] =	stream.indirect.scatter.add.f32 [tilespmem:s10], [sflag:$0x1], $0x10, s29, s13, $0xb8;
	[tilespmem:$0x5F10] =	vst v63  }
0xdc: {  	_ = 	snop  }
0xdd: {  	[spmem:s2] =	stream.indirect.scatter.add.f32 [tilespmem:s10], [sflag:$0x1], $0x10, s30, s13, $0xb8;
	[tilespmem:$0x5F10] =	vst v63  }
0xde: {  	_ = 	snop  }
0xdf: {  	[spmem:s2] =	stream.indirect.scatter.add.f32 [tilespmem:s10], [sflag:$0x1], $0x10, s31, s13, $0xb8;
	[tilespmem:$0x5F10] =	vst v63  }
0xe0: {  	_ = 	snop  }
0xe1: {  	[spmem:s2] =	stream.indirect.scatter.add.f32 [tilespmem:s10], [sflag:$0x1], $0x10, s0, s13, $0xb8;
	[tilespmem:$0x5F10] =	vst v63  }
0xe2: {  	_ = 	snop  }
0xe3: {  	[spmem:s2] =	stream.indirect.scatter.add.f32 [tilespmem:s10], [sflag:$0x1], $0x10, s4, s13, $0xb8;
	[tilespmem:$0x5F10] =	vst v63  }
0xe4: {  	_ = 	snop  }
0xe5: {  	[spmem:s2] =	stream.indirect.scatter.add.f32 [tilespmem:s10], [sflag:$0x1], $0x10, s7, s13, $0xb8;
	[tilespmem:$0x5F10] =	vst v63  }
0xe6: {  	_ = 	snop  }
0xe7: {  	[spmem:s2] =	stream.indirect.scatter.add.f32 [tilespmem:s10], [sflag:$0x1], $0x10, s8, s13, $0xb8;
	[tilespmem:$0x5F10] =	vst v63  }
0xe8: {  	s15 =	simm.s32 $0x3210  }
0xe9: {  	[spmem:s2] =	stream.indirect.scatter.add.f32 [tilespmem:s10], [sflag:$0x1], $0x10, s15, s13, $0xb8;
	[tilespmem:$0x5F10] =	vst v63  }
0xea: {  	s15 =	simm.s32 $0x3290  }
0xeb: {  	[spmem:s2] =	stream.indirect.scatter.add.f32 [tilespmem:s10], [sflag:$0x1], $0x10, s15, s13, $0xb8;
	[tilespmem:$0x5F10] =	vst v63  }
0xec: {  	s15 =	simm.s32 $0x3310  }
0xed: {  	[spmem:s2] =	stream.indirect.scatter.add.f32 [tilespmem:s10], [sflag:$0x1], $0x10, s15, s13, $0xb8;
	[tilespmem:$0x5F10] =	vst v63  }
0xee: {  	_ =	swait.ge [sflag:s9], $0x280  }
0xef: {  	[sflag:s9] =	ssyncset.done $0x0  }
0xf0: {  	[sflag:s9] =	ssyncadd.s32 $0xFFFFFD80  }
0xf1: {  	_ =	swait.ge [sflag:s9], $0x280  }
0xf2: {  	[sflag:s9] =	ssyncset.done $0x0  }
0xf3: {  	[sflag:s9] =	ssyncadd.s32 $0xFFFFFD80  }
0xf4: {  	_ =	swait.ge [sflag:s9], $0x280  }
0xf5: {  	[sflag:s9] =	ssyncset.done $0x0  }
0xf6: {  	[sflag:s9] =	ssyncadd.s32 $0xFFFFFD80  }
0xf7: {  	_ =	swait.ge [sflag:s9], $0x280  }
0xf8: {  	[sflag:s9] =	ssyncset.done $0x0  }
0xf9: {  	[sflag:s9] =	ssyncadd.s32 $0xFFFFFD80  }
0xfa: {  	_ =	swait.ge [sflag:s9], $0x280  }
0xfb: {  	[sflag:s9] =	ssyncset.done $0x0  }
0xfc: {  	[sflag:s9] =	ssyncadd.s32 $0xFFFFFD80  }
0xfd: {  	_ =	swait.ge [sflag:s9], $0x280  }
0xfe: {  	[sflag:s9] =	ssyncset.done $0x0  }
0xff: {  	[sflag:s9] =	ssyncadd.s32 $0xFFFFFD80  }
0x100: {  	_ =	swait.ge [sflag:s9], $0x280  }
0x101: {  	[sflag:s9] =	ssyncset.done $0x0  }
0x102: {  	[sflag:s9] =	ssyncadd.s32 $0xFFFFFD80  }
0x103: {  	_ =	swait.ge [sflag:s9], $0x280  }
0x104: {  	[sflag:s9] =	ssyncset.done $0x0  }
0x105: {  	[sflag:s9] =	ssyncadd.s32 $0xFFFFFD80  }
0x106: {  	_ =	swait.ge [sflag:s9], $0x280  }
0x107: {  	[sflag:s9] =	ssyncset.done $0x0  }
0x108: {  	[sflag:s9] =	ssyncadd.s32 $0xFFFFFD80  }
0x109: {  	_ =	swait.ge [sflag:s9], $0x280  }
0x10a: {  	[sflag:s9] =	ssyncset.done $0x0  }
0x10b: {  	[sflag:s9] =	ssyncadd.s32 $0xFFFFFD80  }
0x10c: {  	_ =	swait.ge [sflag:s9], $0x280  }
0x10d: {  	[sflag:s9] =	ssyncset.done $0x0  }
0x10e: {  	[sflag:s9] =	ssyncadd.s32 $0xFFFFFD80  }
0x10f: {  	_ =	swait.ge [sflag:s9], $0x280  }
0x110: {  	[sflag:s9] =	ssyncset.done $0x0  }
0x111: {  	[sflag:s9] =	ssyncadd.s32 $0xFFFFFD80  }
0x112: {  	_ =	swait.ge [sflag:s9], $0x280  }
0x113: {  	[sflag:s9] =	ssyncset.done $0x0  }
0x114: {  	[sflag:s9] =	ssyncadd.s32 $0xFFFFFD80  }
0x115: {  	_ =	swait.ge [sflag:s9], $0x280  }
0x116: {  	[sflag:s9] =	ssyncset.done $0x0  }
0x117: {  	[sflag:s9] =	ssyncadd.s32 $0xFFFFFD80  }
0x118: {  	_ =	swait.ge [sflag:s9], $0x280  }
0x119: {  	[sflag:s9] =	ssyncset.done $0x0  }
0x11a: {  	[sflag:s9] =	ssyncadd.s32 $0xFFFFFD80  }
0x11b: {  	_ =	swait.ge [sflag:s9], $0x280  }
0x11c: {  	[sflag:s9] =	ssyncset.done $0x0  }
0x11d: {  	[sflag:s9] =	ssyncadd.s32 $0xFFFFFD80  }
0x11e: {  	_ =	swait.ge [sflag:s9], $0x280  }
0x11f: {  	[sflag:s9] =	ssyncset.done $0x0  }
0x120: {  	[sflag:s9] =	ssyncadd.s32 $0xFFFFFD80  }
0x121: {  	_ =	swait.ge [sflag:s9], $0x280  }
0x122: {  	[sflag:s9] =	ssyncset.done $0x0  }
0x123: {  	[sflag:s9] =	ssyncadd.s32 $0xFFFFFD80  }
0x124: {  	_ =	swait.ge [sflag:s9], $0x280  }
0x125: {  	[sflag:s9] =	ssyncset.done $0x0  }
0x126: {  	[sflag:s9] =	ssyncadd.s32 $0xFFFFFD80  }
0x127: {  	_ =	swait.ge [sflag:s9], $0x280  }
0x128: {  	[sflag:s9] =	ssyncset.done $0x0  }
0x129: {  	[sflag:s9] =	ssyncadd.s32 $0xFFFFFD80  }
0x12a: {  	_ =	swait.ge [sflag:s9], $0x280  }
0x12b: {  	[sflag:s9] =	ssyncset.done $0x0  }
0x12c: {  	[sflag:s9] =	ssyncadd.s32 $0xFFFFFD80  }
0x12d: {  	_ =	swait.ge [sflag:s9], $0x280  }
0x12e: {  	[sflag:s9] =	ssyncset.done $0x0  }
0x12f: {  	[sflag:s9] =	ssyncadd.s32 $0xFFFFFD80  }
0x130: {  	_ =	swait.ge [sflag:s9], $0x280  }
0x131: {  	[sflag:s9] =	ssyncset.done $0x0  }
0x132: {  	p0 =	sne.s32 s14, $0x800;
	[sflag:s9] =	ssyncadd.s32 $0xFFFFFD80  }
.Ltmp1:
0x133: {  	_ =	swait.ge [sflag:s9], $0x280;
	(pc) =	sbr.rel @p0 .LBB2_4-.Ltmp1, $4  }
0x134: {  	[sflag:s9] =	ssyncset.done $0x0  }
0x135: {  	[sflag:s9] =	ssyncadd.s32 $0xFFFFFD80  }
0x136: {  	_ =	swait.ge [sflag:s9], $0x280  }
0x137: {  	s14 =	sadd.s32 $0x200, s14;
	s15 =	rddreg [dreg:$0x3];
	[sflag:s9] =	ssyncset.done $0x0  }
0x138: {  	[sflag:s9] =	ssyncadd.s32 $0xFFFFFD80;
	s3 =	sadd.s32 s3, s15  }
0x139: {  	[tilespmem:s12], [sflag:$0x2] =	stream.linear.gather [hbm4b:s3+s21], $0xC80, $0x38;
	[tilespmem:$0x5F10] =	vst v63  }
0x13a: {  	_ =	swait.ge [sflag:s11], $0xC80  }
0x13b: {  	[sflag:s11] =	ssyncset.done $0x0  }
0x13c: {  	[sflag:s11] =	ssyncadd.s32 $0xFFFFF380  }
0x13d: {  	[spmem:s2] =	stream.indirect.scatter.add.f32 [tilespmem:s10], [sflag:$0x1], $0x10, s12, s13, $0xb8;
	[tilespmem:$0x5F10] =	vst v63  }
0x13e: {  	s15 =	rddreg [dreg:$0x4]  }
0x13f: {  	[spmem:s2] =	stream.indirect.scatter.add.f32 [tilespmem:s10], [sflag:$0x1], $0x10, s15, s13, $0xb8;
	[tilespmem:$0x5F10] =	vst v63  }
0x140: {  	s14 =	rddreg [dreg:$0x5]  }
0x141: {  	[spmem:s2] =	stream.indirect.scatter.add.f32 [tilespmem:s10], [sflag:$0x1], $0x10, s14, s13, $0xb8;
	[tilespmem:$0x5F10] =	vst v63  }
0x142: {  	s15 =	rddreg [dreg:$0x6]  }
0x143: {  	[spmem:s2] =	stream.indirect.scatter.add.f32 [tilespmem:s10], [sflag:$0x1], $0x10, s15, s13, $0xb8;
	[tilespmem:$0x5F10] =	vst v63  }
0x144: {  	_ = 	snop  }
0x145: {  	[spmem:s2] =	stream.indirect.scatter.add.f32 [tilespmem:s10], [sflag:$0x1], $0x10, s17, s13, $0xb8;
	[tilespmem:$0x5F10] =	vst v63  }
0x146: {  	_ = 	snop  }
0x147: {  	[spmem:s2] =	stream.indirect.scatter.add.f32 [tilespmem:s10], [sflag:$0x1], $0x10, s18, s13, $0xb8;
	[tilespmem:$0x5F10] =	vst v63  }
0x148: {  	_ = 	snop  }
0x149: {  	[spmem:s2] =	stream.indirect.scatter.add.f32 [tilespmem:s10], [sflag:$0x1], $0x10, s19, s13, $0xb8;
	[tilespmem:$0x5F10] =	vst v63  }
0x14a: {  	_ = 	snop  }
0x14b: {  	[spmem:s2] =	stream.indirect.scatter.add.f32 [tilespmem:s10], [sflag:$0x1], $0x10, s20, s13, $0xb8;
	[tilespmem:$0x5F10] =	vst v63  }
0x14c: {  	_ = 	snop  }
0x14d: {  	[spmem:s2] =	stream.indirect.scatter.add.f32 [tilespmem:s10], [sflag:$0x1], $0x10, s22, s13, $0xb8;
	[tilespmem:$0x5F10] =	vst v63  }
0x14e: {  	_ = 	snop  }
0x14f: {  	[spmem:s2] =	stream.indirect.scatter.add.f32 [tilespmem:s10], [sflag:$0x1], $0x10, s16, s13, $0xb8;
	[tilespmem:$0x5F10] =	vst v63  }
0x150: {  	_ = 	snop  }
0x151: {  	[spmem:s2] =	stream.indirect.scatter.add.f32 [tilespmem:s10], [sflag:$0x1], $0x10, s23, s13, $0xb8;
	[tilespmem:$0x5F10] =	vst v63  }
0x152: {  	_ = 	snop  }
0x153: {  	[spmem:s2] =	stream.indirect.scatter.add.f32 [tilespmem:s10], [sflag:$0x1], $0x10, s24, s13, $0xb8;
	[tilespmem:$0x5F10] =	vst v63  }
0x154: {  	_ = 	snop  }
0x155: {  	[spmem:s2] =	stream.indirect.scatter.add.f32 [tilespmem:s10], [sflag:$0x1], $0x10, s25, s13, $0xb8;
	[tilespmem:$0x5F10] =	vst v63  }
0x156: {  	_ = 	snop  }
0x157: {  	[spmem:s2] =	stream.indirect.scatter.add.f32 [tilespmem:s10], [sflag:$0x1], $0x10, s26, s13, $0xb8;
	[tilespmem:$0x5F10] =	vst v63  }
0x158: {  	_ = 	snop  }
0x159: {  	[spmem:s2] =	stream.indirect.scatter.add.f32 [tilespmem:s10], [sflag:$0x1], $0x10, s28, s13, $0xb8;
	[tilespmem:$0x5F10] =	vst v63  }
0x15a: {  	_ = 	snop  }
0x15b: {  	[spmem:s2] =	stream.indirect.scatter.add.f32 [tilespmem:s10], [sflag:$0x1], $0x10, s29, s13, $0xb8;
	[tilespmem:$0x5F10] =	vst v63  }
0x15c: {  	_ = 	snop  }
0x15d: {  	[spmem:s2] =	stream.indirect.scatter.add.f32 [tilespmem:s10], [sflag:$0x1], $0x10, s30, s13, $0xb8;
	[tilespmem:$0x5F10] =	vst v63  }
0x15e: {  	_ = 	snop  }
0x15f: {  	[spmem:s2] =	stream.indirect.scatter.add.f32 [tilespmem:s10], [sflag:$0x1], $0x10, s31, s13, $0xb8;
	[tilespmem:$0x5F10] =	vst v63  }
0x160: {  	_ = 	snop  }
0x161: {  	[spmem:s2] =	stream.indirect.scatter.add.f32 [tilespmem:s10], [sflag:$0x1], $0x10, s0, s13, $0xb8;
	[tilespmem:$0x5F10] =	vst v63  }
0x162: {  	_ = 	snop  }
0x163: {  	[spmem:s2] =	stream.indirect.scatter.add.f32 [tilespmem:s10], [sflag:$0x1], $0x10, s4, s13, $0xb8;
	[tilespmem:$0x5F10] =	vst v63  }
0x164: {  	_ = 	snop  }
0x165: {  	[spmem:s2] =	stream.indirect.scatter.add.f32 [tilespmem:s10], [sflag:$0x1], $0x10, s7, s13, $0xb8;
	[tilespmem:$0x5F10] =	vst v63  }
0x166: {  	_ = 	snop  }
0x167: {  	[spmem:s2] =	stream.indirect.scatter.add.f32 [tilespmem:s10], [sflag:$0x1], $0x10, s8, s13, $0xb8;
	[tilespmem:$0x5F10] =	vst v63  }
0x168: {  	s16 =	simm.s32 $0x3210  }
0x169: {  	[spmem:s2] =	stream.indirect.scatter.add.f32 [tilespmem:s10], [sflag:$0x1], $0x10, s16, s13, $0xb8;
	[tilespmem:$0x5F10] =	vst v63  }
0x16a: {  	s17 =	simm.s32 $0x3290  }
0x16b: {  	[spmem:s2] =	stream.indirect.scatter.add.f32 [tilespmem:s10], [sflag:$0x1], $0x10, s17, s13, $0xb8;
	[tilespmem:$0x5F10] =	vst v63  }
0x16c: {  	s18 =	simm.s32 $0x3310  }
0x16d: {  	[spmem:s2] =	stream.indirect.scatter.add.f32 [tilespmem:s10], [sflag:$0x1], $0x10, s18, s13, $0xb8;
	[tilespmem:$0x5F10] =	vst v63  }
0x16e: {  	_ =	swait.ge [sflag:s9], $0x280  }
0x16f: {  	[sflag:s9] =	ssyncset.done $0x0  }
0x170: {  	[sflag:s9] =	ssyncadd.s32 $0xFFFFFD80  }
0x171: {  	_ =	swait.ge [sflag:s9], $0x280  }
0x172: {  	[sflag:s9] =	ssyncset.done $0x0  }
0x173: {  	[sflag:s9] =	ssyncadd.s32 $0xFFFFFD80  }
0x174: {  	_ =	swait.ge [sflag:s9], $0x280  }
0x175: {  	[sflag:s9] =	ssyncset.done $0x0  }
0x176: {  	[sflag:s9] =	ssyncadd.s32 $0xFFFFFD80  }
0x177: {  	_ =	swait.ge [sflag:s9], $0x280  }
0x178: {  	[sflag:s9] =	ssyncset.done $0x0  }
0x179: {  	[sflag:s9] =	ssyncadd.s32 $0xFFFFFD80  }
0x17a: {  	_ =	swait.ge [sflag:s9], $0x280  }
0x17b: {  	[sflag:s9] =	ssyncset.done $0x0  }
0x17c: {  	[sflag:s9] =	ssyncadd.s32 $0xFFFFFD80  }
0x17d: {  	_ =	swait.ge [sflag:s9], $0x280  }
0x17e: {  	[sflag:s9] =	ssyncset.done $0x0  }
0x17f: {  	[sflag:s9] =	ssyncadd.s32 $0xFFFFFD80  }
0x180: {  	_ =	swait.ge [sflag:s9], $0x280  }
0x181: {  	[sflag:s9] =	ssyncset.done $0x0  }
0x182: {  	[sflag:s9] =	ssyncadd.s32 $0xFFFFFD80  }
0x183: {  	_ =	swait.ge [sflag:s9], $0x280  }
0x184: {  	[sflag:s9] =	ssyncset.done $0x0  }
0x185: {  	[sflag:s9] =	ssyncadd.s32 $0xFFFFFD80  }
0x186: {  	_ =	swait.ge [sflag:s9], $0x280  }
0x187: {  	[sflag:s9] =	ssyncset.done $0x0  }
0x188: {  	[sflag:s9] =	ssyncadd.s32 $0xFFFFFD80  }
0x189: {  	_ =	swait.ge [sflag:s9], $0x280  }
0x18a: {  	[sflag:s9] =	ssyncset.done $0x0  }
0x18b: {  	[sflag:s9] =	ssyncadd.s32 $0xFFFFFD80  }
0x18c: {  	_ =	swait.ge [sflag:s9], $0x280  }
0x18d: {  	[sflag:s9] =	ssyncset.done $0x0  }
0x18e: {  	[sflag:s9] =	ssyncadd.s32 $0xFFFFFD80  }
0x18f: {  	_ =	swait.ge [sflag:s9], $0x280  }
0x190: {  	[sflag:s9] =	ssyncset.done $0x0  }
0x191: {  	[sflag:s9] =	ssyncadd.s32 $0xFFFFFD80  }
0x192: {  	_ =	swait.ge [sflag:s9], $0x280  }
0x193: {  	[sflag:s9] =	ssyncset.done $0x0  }
0x194: {  	[sflag:s9] =	ssyncadd.s32 $0xFFFFFD80  }
0x195: {  	_ =	swait.ge [sflag:s9], $0x280  }
0x196: {  	[sflag:s9] =	ssyncset.done $0x0  }
0x197: {  	[sflag:s9] =	ssyncadd.s32 $0xFFFFFD80  }
0x198: {  	_ =	swait.ge [sflag:s9], $0x280  }
0x199: {  	[sflag:s9] =	ssyncset.done $0x0  }
0x19a: {  	[sflag:s9] =	ssyncadd.s32 $0xFFFFFD80  }
0x19b: {  	_ =	swait.ge [sflag:s9], $0x280  }
0x19c: {  	[sflag:s9] =	ssyncset.done $0x0  }
0x19d: {  	[sflag:s9] =	ssyncadd.s32 $0xFFFFFD80  }
0x19e: {  	_ =	swait.ge [sflag:s9], $0x280  }
0x19f: {  	[sflag:s9] =	ssyncset.done $0x0  }
0x1a0: {  	[sflag:s9] =	ssyncadd.s32 $0xFFFFFD80  }
0x1a1: {  	_ =	swait.ge [sflag:s9], $0x280  }
0x1a2: {  	[sflag:s9] =	ssyncset.done $0x0  }
0x1a3: {  	[sflag:s9] =	ssyncadd.s32 $0xFFFFFD80  }
0x1a4: {  	_ =	swait.ge [sflag:s9], $0x280  }
0x1a5: {  	[sflag:s9] =	ssyncset.done $0x0  }
0x1a6: {  	[sflag:s9] =	ssyncadd.s32 $0xFFFFFD80  }
0x1a7: {  	_ =	swait.ge [sflag:s9], $0x280  }
0x1a8: {  	[sflag:s9] =	ssyncset.done $0x0  }
0x1a9: {  	[sflag:s9] =	ssyncadd.s32 $0xFFFFFD80  }
0x1aa: {  	_ =	swait.ge [sflag:s9], $0x280  }
0x1ab: {  	[sflag:s9] =	ssyncset.done $0x0  }
0x1ac: {  	[sflag:s9] =	ssyncadd.s32 $0xFFFFFD80  }
0x1ad: {  	_ =	swait.ge [sflag:s9], $0x280  }
0x1ae: {  	[sflag:s9] =	ssyncset.done $0x0  }
0x1af: {  	[sflag:s9] =	ssyncadd.s32 $0xFFFFFD80  }
0x1b0: {  	_ =	swait.ge [sflag:s9], $0x280  }
0x1b1: {  	[sflag:s9] =	ssyncset.done $0x0  }
0x1b2: {  	[sflag:s9] =	ssyncadd.s32 $0xFFFFFD80  }
0x1b3: {  	_ =	swait.ge [sflag:s9], $0x280  }
0x1b4: {  	[sflag:s9] =	ssyncset.done $0x0  }
0x1b5: {  	[sflag:s9] =	ssyncadd.s32 $0xFFFFFD80  }
0x1b6: {  	_ =	swait.ge [sflag:s9], $0x280  }
0x1b7: {  	s19 =	sadd.s32 $0x0, s1;
	[sflag:s9] =	ssyncset.done $0x0  }
0x1b8: {  	p0 =	sgt.u32 s19, $0xF9;
	[sflag:s9] =	ssyncadd.s32 $0xFFFFFD80  }
0x1b9: {  	s3 =	simm.s32 @!p0 $0x4B10;
	[bflag:$0x0] =	sbarrier.arrive $0xFFFF  }
0x1ba: {  	s14 =	simm.s32 @!p0 $0x3;
	p0 =	por p0, p0;
	s17 =	rddreg [dreg:$0xa]  }
0x1bb: {  	[tilespmem:s3], [sflag:$0x3] =	stream.linear.gather @!p0 [spmem:s17], $0x1400, $0x38;
	[tilespmem:$0x5F10] =	vst v63  }
0x1bc: {  	s20 =	sadd.s32 $0x10, s1;
	_ =	swait.ge @!p0 [sflag:s14], $0x1400  }
0x1bd: {  	s15 =	simm.s32 @!p0 $0x0;
	[sflag:s14] =	ssyncset.done @!p0 $0x0;
	s22 =	rddreg [dreg:$0x9]  }
0x1be: {  	s16 =	simm.s32 @!p0 $0x2;
	[sflag:s14] =	ssyncadd.s32 @!p0 $0xFFFFEC00;
	s14 =	sadd.s32 @!p0 s22, s6  }
0x1bf: {  	[hbm4b:s14+s15] =	stream.linear.scatter @!p0 [tilespmem:s3], [sflag:$0x2], $0x1400, $0x38;
	[tilespmem:$0x5F10] =	vst v63  }
0x1c0: {  	p1 =	sgt.u32 s20, $0xF9;
	s14 =	simm.s32 $0x20;
	_ =	swait.ge @!p0 [sflag:s16], $0x1400  }
0x1c1: {  	s3 =	sadd.s32 $0x2800, s22;
	s15 =	sadd.s32 $0x14000, s17;
	[sflag:s16] =	ssyncset.done @!p0 $0x0  }
.LBB2_6:
0x1c2: {  	s17 =	simm.s32 @!p1 $0x4B10  }
0x1c3: {  	s18 =	simm.s32 @!p1 $0x3;
	[sflag:s16] =	ssyncadd.s32 @!p0 $0xFFFFEC00;
	s19 =	smov.u32 s14  }
0x1c4: {  	s20 =	smov.u32 s3;
	p0 =	por p1, p1;
	s14 =	sadd.s32 $0x10, s14  }
0x1c5: {  	[tilespmem:s17], [sflag:$0x3] =	stream.linear.gather @!p0 [spmem:s15], $0x1400, $0x38;
	[tilespmem:$0x5F10] =	vst v63  }
0x1c6: {  	s3 =	sadd.s32 $0x2800, s3;
	p2 =	sne.s32 s14, $0x100;
	_ =	swait.ge @!p0 [sflag:s18], $0x1400  }
.Ltmp2:
0x1c7: {  	s16 =	simm.s32 @!p0 $0x2;
	[sflag:s18] =	ssyncset.done @!p0 $0x0;
	(pc) =	sbr.rel @p2 .LBB2_6-.Ltmp2, $4  }
0x1c8: {  	[sflag:s18] =	ssyncadd.s32 @!p0 $0xFFFFEC00;
	s18 =	sadd.s32 @!p0 s20, s6;
	s20 =	simm.s32 @!p0 $0x0  }
0x1c9: {  	[hbm4b:s18+s20] =	stream.linear.scatter @!p0 [tilespmem:s17], [sflag:$0x2], $0x1400, $0x38;
	[tilespmem:$0x5F10] =	vst v63  }
0x1ca: {  	s17 =	sadd.s32 s19, s1;
	_ =	swait.ge @!p0 [sflag:s16], $0x1400  }
0x1cb: {  	s15 =	sadd.s32 $0x14000, s15;
	p1 =	sgt.u32 s17, $0xF9;
	[sflag:s16] =	ssyncset.done @!p0 $0x0  }
0x1cc: {  	s14 =	simm.s32 @!p1 $0x4B10  }
0x1cd: {  	s17 =	simm.s32 @!p1 $0x3;
	[sflag:s16] =	ssyncadd.s32 @!p0 $0xFFFFEC00;
	p0 =	por p1, p1  }
0x1ce: {  	[tilespmem:s14], [sflag:$0x3] =	stream.linear.gather @!p0 [spmem:s15], $0x1400, $0x38;
	[tilespmem:$0x5F10] =	vst v63  }
0x1cf: {  	_ =	swait.ge @!p0 [sflag:s17], $0x1400  }
0x1d0: {  	s15 =	simm.s32 @!p0 $0x2;
	[sflag:s17] =	ssyncset.done @!p0 $0x0  }
0x1d1: {  	s3 =	sadd.s32 @!p0 s3, s6;
	s16 =	simm.s32 @!p0 $0x0;
	[sflag:s17] =	ssyncadd.s32 @!p0 $0xFFFFEC00  }
0x1d2: {  	[hbm4b:s3+s16] =	stream.linear.scatter @!p0 [tilespmem:s14], [sflag:$0x2], $0x1400, $0x38;
	[tilespmem:$0x5F10] =	vst v63  }
0x1d3: {  	_ =	swait.ge @!p0 [sflag:s15], $0x1400  }
0x1d4: {  	s0 =	rddreg [dreg:$0xb]  }
0x1d5: {  	s20 =	rddreg [dreg:$0x8];
	s0 =	sadd.s32 $0x1, s0  }
0x1d6: {  	p1 =	sne.s32 s0, s20  }
.Ltmp3:
0x1d7: {  	_ = 	snop;
	(pc) =	sbr.rel @p1 .LBB2_1-.Ltmp3, $3  }
0x1d8: {  	_ =	sdelay $0x1  }
0x1d9: {  	[sflag:s15] =	ssyncset.done @!p0 $0x0  }
0x1da: {  	[sflag:s15] =	ssyncadd.s32 @!p0 $0xFFFFEC00  }
0x1db: {  	_ =	sfence.sel $0x180000  }
0x1dc: {  	[bflag:$0x0] =	sbarrier.arrive $0xFFFF  }
0x1dd: {  	_ =	strace $0x90000047  }
0x1de: {  	[bflag:$0x2] =	sbarrier.arrive $0xFFFF  }
0x1df: {  	p0 =	sne.s32 s1, $0x0;
	s0 =	rddreg [dreg:$0x2]  }
0x1e0: {  	s0 =	sadd.s32 @!p0 $0x100000, s0  }
0x1e1: {  	[sflag:s0] =	ssyncadd.tile.s32 @!p0 $0x1;
	_ =	shalt  }
.Lfunc_end2:
_tile_overlayer_lowered:
.L_overlay_start_2:
0x1e2: {  	(tag) =	ssettag $0x2  }
0x1e3: {  	s0 =	rddreg [dreg:$0x0];
	s2 =	stileid.u32  }
0x1e4: {  	s1 =	rddreg [dreg:$0x1];
	p0 =	sne.s32 s2, $0x0  }
0x1e5: {  	s3 =	rddreg [dreg:$0x2];
	[bflag:$0x3] =	sbarrier.arrive $0xFFFF;
	s2 =	simm.s32 @!p0 $0x1C02  }
0x1e6: {  	[timem:s3], [sflag:s2] =	dma.local @!p0 [hbm:s0], s1  }
0x1e7: {  	s0 =	simm.s32 @!p0 $0x2  }
0x1e8: {  	_ =	swait.ge @!p0 [sflag:s0], s1  }
0x1e9: {  	s1 =	ssub.s32 @!p0 $0x0, s1;
	[sflag:s0] =	ssyncset.done @!p0 $0x0  }
0x1ea: {  	[sflag:s0] =	ssyncadd.s32 @!p0 s1  }
0x1eb: {  	[bflag:$0x3] =	sbarrier.arrive $0xFFFF  }
0x1ec: {  	_ =	shalt  }

</sc_bundles>
